<compile_context>
chip_gen: v7x
topology: tpu7x:2x2x1
jax: 0.10.2.dev20260603
libtpu: 0.0.44.dev20260713+nightly
codegen_flags: <defaults>
</compile_context>

<pallas_src>
import functools

import jax
import jax.numpy as jnp
from jax import lax
from jax.experimental import pallas as pl
from jax.experimental.pallas import tpu as pltpu
from jax.experimental.pallas import tpu_sc as plsc

L = 16
NW = 32
BR = 4


def _make_sc_kernel(n_batch, seq, n_deg, d_model):
  ch = BR * seq
  assert n_batch % (NW * BR) == 0
  br_per_w = n_batch // NW
  n_per_w = br_per_w * seq
  n_chunks = br_per_w // BR
  assert n_chunks % 2 == 0 and n_chunks >= 4
  assert ch >= n_deg
  assert ch % L == 0
  mesh = plsc.VectorSubcoreMesh(core_axis_name="c", subcore_axis_name="s")

  @functools.partial(
      pl.kernel,
      out_type=jax.ShapeDtypeStruct((n_batch, seq, 2 * d_model), jnp.float32),
      mesh=mesh,
      scratch_types=[
          pltpu.VMEM((ch,), jnp.int32),
          pltpu.VMEM((ch,), jnp.int32),
          pltpu.VMEM((ch,), jnp.int32),
          pltpu.VMEM((ch,), jnp.int32),
          pltpu.VMEM((ch, d_model), jnp.float32),
          pltpu.VMEM((ch, d_model), jnp.float32),
          pltpu.VMEM((d_model,), jnp.float32),
          pltpu.VMEM_SHARED((2 * n_deg, d_model), jnp.float32),
          pltpu.SemaphoreType.DMA,
          pltpu.SemaphoreType.DMA,
          pltpu.SemaphoreType.DMA,
          pltpu.SemaphoreType.DMA,
          pltpu.SemaphoreType.DMA,
          pltpu.SemaphoreType.DMA,
          pltpu.SemaphoreType.DMA,
      ],
      compiler_params=pltpu.CompilerParams(use_tc_tiling_on_sc=False),
  )
  def body(nidx_hbm, didx_hbm, node_hbm, deg_hbm, out_hbm,
           nidx0, nidx1, didx0, didx1, rows0, rows1, nt0_v, dt_sp,
           isem0, isem1, gsem0, gsem1, asem, osem0, osem1):
    c = lax.axis_index("c")
    s = lax.axis_index("s")
    wid = s * 2 + c
    base_w = wid * n_per_w
    brow_w = wid * br_per_w
    nidx = [nidx0, nidx1]
    didx = [didx0, didx1]
    rows = [rows0, rows1]
    isem = [isem0, isem1]
    gsem = [gsem0, gsem1]
    osem = [osem0, osem1]

    @pl.when(s == 0)
    def _stage():
      pltpu.sync_copy(deg_hbm, rows0.at[pl.ds(0, n_deg)])
      pltpu.sync_copy(node_hbm.at[0], nt0_v)
      for i in range(d_model // L):
        rows0[0, pl.ds(i * L, L)] = jnp.zeros((L,), jnp.float32)
      pltpu.sync_copy(rows0.at[pl.ds(0, n_deg)], dt_sp.at[pl.ds(0, n_deg)])

      def sub_row(r, carry):
        for i in range(d_model // L):
          sl = pl.ds(i * L, L)
          rows0[r, sl] = rows0[r, sl] - nt0_v[sl]
        return carry
      lax.fori_loop(0, n_deg, sub_row, 0)
      pltpu.sync_copy(rows0.at[pl.ds(0, n_deg)], dt_sp.at[pl.ds(n_deg, n_deg)])
    plsc.subcore_barrier()

    def issue_idx(g, b):
      base = base_w + g * ch
      pltpu.async_copy(nidx_hbm.at[pl.ds(base, ch)], nidx[b], isem[b])
      pltpu.async_copy(didx_hbm.at[pl.ds(base, ch)], didx[b], isem[b])

    def wait_idx(g, b):
      base = base_w + g * ch
      pltpu.make_async_copy(nidx_hbm.at[pl.ds(base, ch)], nidx[b],
                            isem[b]).wait()
      pltpu.make_async_copy(didx_hbm.at[pl.ds(base, ch)], didx[b],
                            isem[b]).wait()

    def remap(b):
      for grp in range(ch // L):
        sl = pl.ds(grp * L, L)
        d = didx[b][sl]
        didx[b][sl] = jnp.where(nidx[b][sl] == 0, d + n_deg, d)

    def write_out(g, b):
      for j in range(BR):
        pltpu.async_copy(rows[b].at[pl.ds(j * seq, seq)],
                         out_hbm.at[brow_w + g * BR + j, slice(None),
                                    pl.ds(0, d_model)], osem[b])

    def wait_out(g, b):
      for j in range(BR):
        pltpu.make_async_copy(rows[b].at[pl.ds(j * seq, seq)],
                              out_hbm.at[brow_w + g * BR + j, slice(None),
                                         pl.ds(0, d_model)],
                              osem[b]).wait()

    def step(g, b, wait_out_prev2, idx_guarded):
      b1 = 1 - b
      acp = pltpu.async_copy(dt_sp.at[didx[b1]], rows[b1], asem, add=True)
      wait_idx(g, b)
      if wait_out_prev2:
        wait_out(g - 2, b)
      gcp = pltpu.async_copy(node_hbm.at[nidx[b]], rows[b], gsem[b])
      remap(b)
      acp.wait()
      write_out(g - 1, b1)
      if idx_guarded:
        @pl.when(g + 1 < n_chunks)
        def _pf():
          issue_idx(g + 1, b1)
      else:
        issue_idx(g + 1, b1)
      gcp.wait()

    issue_idx(0, 0)
    issue_idx(1, 1)
    wait_idx(0, 0)
    remap(0)
    pltpu.async_copy(node_hbm.at[nidx[0]], rows[0], gsem[0]).wait()
    step(1, 1, wait_out_prev2=False, idx_guarded=False)

    def loop_body(t, carry):
      step(2 * t + 2, 0, wait_out_prev2=True, idx_guarded=False)
      step(2 * t + 3, 1, wait_out_prev2=True, idx_guarded=True)
      return carry
    lax.fori_loop(0, n_chunks // 2 - 1, loop_body, 0)

    last = n_chunks - 1
    lb = last % 2
    acp = pltpu.async_copy(dt_sp.at[didx[lb]], rows[lb], asem, add=True)
    acp.wait()
    write_out(last, lb)
    wait_out(last - 1, 1 - lb)
    wait_out(last, lb)

  return body


def kernel(item_seq, item_degree, node_table, degree_table):
  b, sq = item_seq.shape
  n_deg, d_model = degree_table.shape
  n_total = b * sq
  nidx = item_seq.reshape(n_total).astype(jnp.int32)
  didx = item_degree.reshape(n_total).astype(jnp.int32)
  res = _make_sc_kernel(b, sq, n_deg, d_model)(
      nidx, didx, node_table, degree_table)
  return res[:, :, :d_model]

# --- scband reference (transcript-rebuilt; emitter-appended) ---
"""Pipeline reference for scband-item-node-encoder-18047452578329 (READ-ONLY COPY).

The authoritative reference and input builder live on the scoring server;
editing this copy changes nothing except your own understanding.
"""

import jax, jax.numpy as jnp
import numpy as np

NUM_NODES = 1000000
MAX_DEGREE = 512
D_MODEL = 64
BATCH = 16384
SEQ = 200


def setup_inputs(seed: int = 0) -> dict:
    key = jax.random.key(seed)
    k1, k2, k3, k4 = jax.random.split(key, 4)
    item_seq = jax.random.randint(k1, (BATCH, SEQ), 0, NUM_NODES, dtype=jnp.int64) if jax.config.jax_enable_x64 else jax.random.randint(k1, (BATCH, SEQ), 0, NUM_NODES).astype(jnp.int32)
    item_degree = jax.random.randint(k2, (BATCH, SEQ), 0, MAX_DEGREE).astype(item_seq.dtype)
    node_table = jax.random.normal(k3, (NUM_NODES, D_MODEL), dtype=jnp.float32)
    degree_table = jax.random.normal(k4, (MAX_DEGREE, D_MODEL), dtype=jnp.float32)
    return {
        "item_seq": item_seq,
        "item_degree": item_degree,
        "node_table": node_table,
        "degree_table": degree_table,
    }


def reference(item_seq, item_degree, node_table, degree_table):
    # nn.Embedding with padding_idx=0: row 0 of each table acts as a zero vector.
    nt = node_table.at[0].set(0.0)
    dt = degree_table.at[0].set(0.0)
    item_embedding = jnp.take(nt, item_seq, axis=0)
    degree_embedding = jnp.take(dt, item_degree, axis=0)
    return item_embedding + degree_embedding

if __name__ == "__main__":
    import jax
    _d = setup_inputs()
    print(jax.jit(kernel)(*tuple(_d.values())))

</pallas_src>

<mosaic_0001>
#map = affine_map<(d0, d1) -> (0)>
#map1 = affine_map<(d0, d1) -> (0, 0)>
#map2 = affine_map<(d0, d1) -> (0, 0, 0)>
module attributes {stable_mosaic.version = 14 : i64} {
  func.func @body(%arg0: i32, %arg1: i32, %arg2: memref<3276800xi32, #tpu.memory_space<hbm>>, %arg3: memref<3276800xi32, #tpu.memory_space<hbm>>, %arg4: memref<1000000x64xf32, #tpu.memory_space<hbm>>, %arg5: memref<512x64xf32, #tpu.memory_space<hbm>>, %arg6: memref<16384x200x128xf32, #tpu.memory_space<hbm>>, %arg7: memref<800xi32, #tpu.memory_space<vmem>>, %arg8: memref<800xi32, #tpu.memory_space<vmem>>, %arg9: memref<800xi32, #tpu.memory_space<vmem>>, %arg10: memref<800xi32, #tpu.memory_space<vmem>>, %arg11: memref<800x64xf32, #tpu.memory_space<vmem>>, %arg12: memref<800x64xf32, #tpu.memory_space<vmem>>, %arg13: memref<64xf32, #tpu.memory_space<vmem>>, %arg14: memref<1024x64xf32, #tpu.memory_space<vmem_shared>>, %arg15: memref<!tpu.dma_semaphore, #tpu.memory_space<semaphore_mem>>, %arg16: memref<!tpu.dma_semaphore, #tpu.memory_space<semaphore_mem>>, %arg17: memref<!tpu.dma_semaphore, #tpu.memory_space<semaphore_mem>>, %arg18: memref<!tpu.dma_semaphore, #tpu.memory_space<semaphore_mem>>, %arg19: memref<!tpu.dma_semaphore, #tpu.memory_space<semaphore_mem>>, %arg20: memref<!tpu.dma_semaphore, #tpu.memory_space<semaphore_mem>>, %arg21: memref<!tpu.dma_semaphore, #tpu.memory_space<semaphore_mem>>) attributes {dimension_semantics = [#tpu.dimension_semantics<core_parallel>, #tpu.dimension_semantics<subcore_parallel>], iteration_bounds = array<i64: 2, 16>, scalar_prefetch = 0 : i64, scratch_operands = 15 : i64, tpu.core_type = #tpu.core_type<sc_vector_subcore>, window_params = [{transform_indices = #map}, {transform_indices = #map}, {transform_indices = #map1}, {transform_indices = #map1}, {transform_indices = #map2}]} {
    %mul3A = arith.constant 2 : i32
    %mul3A_0 = arith.muli %arg1, %mul3A : i32
    %add3A = arith.addi %mul3A_0, %arg0 : i32
    %mul3A_1 = arith.constant 102400 : i32
    %mul3A_2 = arith.muli %add3A, %mul3A_1 : i32
    %mul3A_3 = arith.constant 512 : i32
    %mul3A_4 = arith.muli %add3A, %mul3A_3 : i32
    %eq3A = arith.constant 0 : i32
    %eq3A_5 = arith.cmpi eq, %arg1, %eq3A : i32
    %convert_element_type3A = arith.extui %eq3A_5 : i1 to i32
    %cond3A = arith.constant 0 : i32
    %cond3A_6 = arith.cmpi ne, %convert_element_type3A, %cond3A : i32
    scf.if %cond3A_6 {
      "tpu.region"() ({
        %run_scoped3A_2086 = tpu.sem_alloc : memref<!tpu.dma_semaphore, #tpu.memory_space<semaphore_mem>>
        %dma_start3A_2087 = arith.constant 0 : i32
        %dma_start3A_2088 = arith.constant 0 : i32
        %dma_start3A_2089 = tpu.memref_slice %arg11[%dma_start3A_2087, %dma_start3A_2088] : memref<800x64xf32, #tpu.memory_space<vmem>> -> memref<512x64xf32, #tpu.memory_space<vmem>>
        %dma_start3A_2090 = arith.constant 0 : i32
        %dma_start3A_2091 = arith.constant 0 : i32
        %dma_start3A_2092 = tpu.memref_slice %arg11[%dma_start3A_2090, %dma_start3A_2091] : memref<800x64xf32, #tpu.memory_space<vmem>> -> memref<512x64xf32, #tpu.memory_space<vmem>>
        tpu.enqueue_dma source(%arg5 : memref<512x64xf32, #tpu.memory_space<hbm>>) target(%dma_start3A_2092 : memref<512x64xf32, #tpu.memory_space<vmem>>) target_semaphore(%run_scoped3A_2086 : memref<!tpu.dma_semaphore, #tpu.memory_space<semaphore_mem>>)
        %dma_wait3A_2093 = arith.constant 0 : i32
        %dma_wait3A_2094 = arith.constant 0 : i32
        %dma_wait3A_2095 = tpu.memref_slice %arg11[%dma_wait3A_2093, %dma_wait3A_2094] : memref<800x64xf32, #tpu.memory_space<vmem>> -> memref<512x64xf32, #tpu.memory_space<vmem>>
        %dma_wait3A_2096 = arith.constant 0 : i32
        %dma_wait3A_2097 = arith.constant 0 : i32
        %dma_wait3A_2098 = tpu.memref_slice %arg11[%dma_wait3A_2096, %dma_wait3A_2097] : memref<800x64xf32, #tpu.memory_space<vmem>> -> memref<512x64xf32, #tpu.memory_space<vmem>>
        tpu.wait_dma2 semaphore(%run_scoped3A_2086 : memref<!tpu.dma_semaphore, #tpu.memory_space<semaphore_mem>>) src(%arg5 : memref<512x64xf32, #tpu.memory_space<hbm>>) dst(%dma_wait3A_2098 : memref<512x64xf32, #tpu.memory_space<vmem>>)
        tpu.yield
      }) : () -> ()
      %run_scoped3A = arith.constant 0 : i32
      "tpu.region"() ({
        %run_scoped3A_2086 = tpu.sem_alloc : memref<!tpu.dma_semaphore, #tpu.memory_space<semaphore_mem>>
        %dma_start3A_2087 = arith.constant 0 : i32
        %dma_start3A_2088 = tpu.memref_slice %arg4[%run_scoped3A, %dma_start3A_2087] : memref<1000000x64xf32, #tpu.memory_space<hbm>> -> memref<1x64xf32, #tpu.memory_space<hbm>>
        %dma_start3A_2089 = tpu.memref_squeeze %dma_start3A_2088 : memref<1x64xf32, #tpu.memory_space<hbm>> -> memref<64xf32, #tpu.memory_space<hbm>>
        %dma_start3A_2090 = arith.constant 0 : i32
        %dma_start3A_2091 = tpu.memref_slice %arg4[%run_scoped3A, %dma_start3A_2090] : memref<1000000x64xf32, #tpu.memory_space<hbm>> -> memref<1x64xf32, #tpu.memory_space<hbm>>
        %dma_start3A_2092 = tpu.memref_squeeze %dma_start3A_2091 : memref<1x64xf32, #tpu.memory_space<hbm>> -> memref<64xf32, #tpu.memory_space<hbm>>
        tpu.enqueue_dma source(%dma_start3A_2092 : memref<64xf32, #tpu.memory_space<hbm>>) target(%arg13 : memref<64xf32, #tpu.memory_space<vmem>>) target_semaphore(%run_scoped3A_2086 : memref<!tpu.dma_semaphore, #tpu.memory_space<semaphore_mem>>)
        %dma_wait3A_2093 = arith.constant 0 : i32
        %dma_wait3A_2094 = tpu.memref_slice %arg4[%run_scoped3A, %dma_wait3A_2093] : memref<1000000x64xf32, #tpu.memory_space<hbm>> -> memref<1x64xf32, #tpu.memory_space<hbm>>
        %dma_wait3A_2095 = tpu.memref_squeeze %dma_wait3A_2094 : memref<1x64xf32, #tpu.memory_space<hbm>> -> memref<64xf32, #tpu.memory_space<hbm>>
        %dma_wait3A_2096 = arith.constant 0 : i32
        %dma_wait3A_2097 = tpu.memref_slice %arg4[%run_scoped3A, %dma_wait3A_2096] : memref<1000000x64xf32, #tpu.memory_space<hbm>> -> memref<1x64xf32, #tpu.memory_space<hbm>>
        %dma_wait3A_2098 = tpu.memref_squeeze %dma_wait3A_2097 : memref<1x64xf32, #tpu.memory_space<hbm>> -> memref<64xf32, #tpu.memory_space<hbm>>
        tpu.wait_dma2 semaphore(%run_scoped3A_2086 : memref<!tpu.dma_semaphore, #tpu.memory_space<semaphore_mem>>) src(%dma_wait3A_2098 : memref<64xf32, #tpu.memory_space<hbm>>) dst(%arg13 : memref<64xf32, #tpu.memory_space<vmem>>)
        tpu.yield
      }) : () -> ()
      %broadcast_in_dim3A = arith.constant 0.000000e+00 : f32
      %broadcast_in_dim3A_2049 = vector.broadcast %broadcast_in_dim3A : f32 to vector<16xf32>
      %swap3A_2050 = arith.constant 0 : i32
      %swap3A_2051 = arith.index_cast %swap3A_2050 : i32 to index
      %swap3A_2052 = arith.constant 0 : index
      %swap3A_2053 = tpu.vector_load %arg11[%swap3A_2051, %swap3A_2052] {strides = array<i32>} : memref<800x64xf32, #tpu.memory_space<vmem>>, vector<1x16xf32>,
      %swap3A_2054 = vector.shape_cast %swap3A_2053 : vector<1x16xf32> to vector<16xf32>
      %swap3A_2055 = vector.shape_cast %broadcast_in_dim3A_2049 : vector<16xf32> to vector<1x16xf32>
      tpu.vector_store %arg11[%swap3A_2051, %swap3A_2052], %swap3A_2055 {strides = array<i32>} : memref<800x64xf32, #tpu.memory_space<vmem>>, vector<1x16xf32>,
      %broadcast_in_dim3A_2056 = arith.constant 0.000000e+00 : f32
      %broadcast_in_dim3A_2057 = vector.broadcast %broadcast_in_dim3A_2056 : f32 to vector<16xf32>
      %swap3A_2058 = arith.constant 0 : i32
      %swap3A_2059 = arith.index_cast %swap3A_2058 : i32 to index
      %swap3A_2060 = arith.constant 16 : index
      %swap3A_2061 = tpu.vector_load %arg11[%swap3A_2059, %swap3A_2060] {strides = array<i32>} : memref<800x64xf32, #tpu.memory_space<vmem>>, vector<1x16xf32>,
      %swap3A_2062 = vector.shape_cast %swap3A_2061 : vector<1x16xf32> to vector<16xf32>
      %swap3A_2063 = vector.shape_cast %broadcast_in_dim3A_2057 : vector<16xf32> to vector<1x16xf32>
      tpu.vector_store %arg11[%swap3A_2059, %swap3A_2060], %swap3A_2063 {strides = array<i32>} : memref<800x64xf32, #tpu.memory_space<vmem>>, vector<1x16xf32>,
      %broadcast_in_dim3A_2064 = arith.constant 0.000000e+00 : f32
      %broadcast_in_dim3A_2065 = vector.broadcast %broadcast_in_dim3A_2064 : f32 to vector<16xf32>
      %swap3A_2066 = arith.constant 0 : i32
      %swap3A_2067 = arith.index_cast %swap3A_2066 : i32 to index
      %swap3A_2068 = arith.constant 32 : index
      %swap3A_2069 = tpu.vector_load %arg11[%swap3A_2067, %swap3A_2068] {strides = array<i32>} : memref<800x64xf32, #tpu.memory_space<vmem>>, vector<1x16xf32>,
      %swap3A_2070 = vector.shape_cast %swap3A_2069 : vector<1x16xf32> to vector<16xf32>
      %swap3A_2071 = vector.shape_cast %broadcast_in_dim3A_2065 : vector<16xf32> to vector<1x16xf32>
      tpu.vector_store %arg11[%swap3A_2067, %swap3A_2068], %swap3A_2071 {strides = array<i32>} : memref<800x64xf32, #tpu.memory_space<vmem>>, vector<1x16xf32>,
      %broadcast_in_dim3A_2072 = arith.constant 0.000000e+00 : f32
      %broadcast_in_dim3A_2073 = vector.broadcast %broadcast_in_dim3A_2072 : f32 to vector<16xf32>
      %swap3A_2074 = arith.constant 0 : i32
      %swap3A_2075 = arith.index_cast %swap3A_2074 : i32 to index
      %swap3A_2076 = arith.constant 48 : index
      %swap3A_2077 = tpu.vector_load %arg11[%swap3A_2075, %swap3A_2076] {strides = array<i32>} : memref<800x64xf32, #tpu.memory_space<vmem>>, vector<1x16xf32>,
      %swap3A_2078 = vector.shape_cast %swap3A_2077 : vector<1x16xf32> to vector<16xf32>
      %swap3A_2079 = vector.shape_cast %broadcast_in_dim3A_2073 : vector<16xf32> to vector<1x16xf32>
      tpu.vector_store %arg11[%swap3A_2075, %swap3A_2076], %swap3A_2079 {strides = array<i32>} : memref<800x64xf32, #tpu.memory_space<vmem>>, vector<1x16xf32>,
      "tpu.region"() ({
        %run_scoped3A_2086 = tpu.sem_alloc : memref<!tpu.dma_semaphore, #tpu.memory_space<semaphore_mem>>
        %dma_start3A_2087 = arith.constant 0 : i32
        %dma_start3A_2088 = arith.constant 0 : i32
        %dma_start3A_2089 = tpu.memref_slice %arg11[%dma_start3A_2087, %dma_start3A_2088] : memref<800x64xf32, #tpu.memory_space<vmem>> -> memref<512x64xf32, #tpu.memory_space<vmem>>
        %dma_start3A_2090 = arith.constant 0 : i32
        %dma_start3A_2091 = arith.constant 0 : i32
        %dma_start3A_2092 = tpu.memref_slice %arg14[%dma_start3A_2090, %dma_start3A_2091] : memref<1024x64xf32, #tpu.memory_space<vmem_shared>> -> memref<512x64xf32, #tpu.memory_space<vmem_shared>>
        %dma_start3A_2093 = arith.constant 0 : i32
        %dma_start3A_2094 = arith.constant 0 : i32
        %dma_start3A_2095 = tpu.memref_slice %arg14[%dma_start3A_2093, %dma_start3A_2094] : memref<1024x64xf32, #tpu.memory_space<vmem_shared>> -> memref<512x64xf32, #tpu.memory_space<vmem_shared>>
        %dma_start3A_2096 = arith.constant 0 : i32
        %dma_start3A_2097 = arith.constant 0 : i32
        %dma_start3A_2098 = tpu.memref_slice %arg11[%dma_start3A_2096, %dma_start3A_2097] : memref<800x64xf32, #tpu.memory_space<vmem>> -> memref<512x64xf32, #tpu.memory_space<vmem>>
        tpu.enqueue_dma source(%dma_start3A_2098 : memref<512x64xf32, #tpu.memory_space<vmem>>) target(%dma_start3A_2095 : memref<512x64xf32, #tpu.memory_space<vmem_shared>>) target_semaphore(%run_scoped3A_2086 : memref<!tpu.dma_semaphore, #tpu.memory_space<semaphore_mem>>)
        %dma_wait3A_2099 = arith.constant 0 : i32
        %dma_wait3A_2100 = arith.constant 0 : i32
        %dma_wait3A_2101 = tpu.memref_slice %arg11[%dma_wait3A_2099, %dma_wait3A_2100] : memref<800x64xf32, #tpu.memory_space<vmem>> -> memref<512x64xf32, #tpu.memory_space<vmem>>
        %dma_wait3A_2102 = arith.constant 0 : i32
        %dma_wait3A_2103 = arith.constant 0 : i32
        %dma_wait3A_2104 = tpu.memref_slice %arg14[%dma_wait3A_2102, %dma_wait3A_2103] : memref<1024x64xf32, #tpu.memory_space<vmem_shared>> -> memref<512x64xf32, #tpu.memory_space<vmem_shared>>
        %dma_wait3A_2105 = arith.constant 0 : i32
        %dma_wait3A_2106 = arith.constant 0 : i32
        %dma_wait3A_2107 = tpu.memref_slice %arg14[%dma_wait3A_2105, %dma_wait3A_2106] : memref<1024x64xf32, #tpu.memory_space<vmem_shared>> -> memref<512x64xf32, #tpu.memory_space<vmem_shared>>
        %dma_wait3A_2108 = arith.constant 0 : i32
        %dma_wait3A_2109 = arith.constant 0 : i32
        %dma_wait3A_2110 = tpu.memref_slice %arg11[%dma_wait3A_2108, %dma_wait3A_2109] : memref<800x64xf32, #tpu.memory_space<vmem>> -> memref<512x64xf32, #tpu.memory_space<vmem>>
        tpu.wait_dma2 semaphore(%run_scoped3A_2086 : memref<!tpu.dma_semaphore, #tpu.memory_space<semaphore_mem>>) src(%dma_wait3A_2110 : memref<512x64xf32, #tpu.memory_space<vmem>>) dst(%dma_wait3A_2107 : memref<512x64xf32, #tpu.memory_space<vmem_shared>>)
        tpu.yield
      }) : () -> ()
      %scan3A_2080 = arith.constant 0 : i32
      %scan3A_2081 = arith.constant 0 : i32
      %scan3A_2082 = arith.constant 512 : i32
      %scan3A_2083 = arith.addi %scan3A_2081, %scan3A_2082 : i32
      %scan3A_2084 = arith.constant 1 : i32
      scf.for %scan3A_2086 = %scan3A_2081 to %scan3A_2083 step %scan3A_2084  : i32 {
        %get3A_2087 = arith.index_cast %scan3A_2086 : i32 to index
        %get3A_2088 = arith.constant 0 : index
        %get3A_2089 = tpu.vector_load %arg11[%get3A_2087, %get3A_2088] {strides = array<i32>} : memref<800x64xf32, #tpu.memory_space<vmem>>, vector<1x16xf32>,
        %get3A_2090 = vector.shape_cast %get3A_2089 : vector<1x16xf32> to vector<16xf32>
        %get3A_2091 = arith.constant 0 : index
        %get3A_2092 = tpu.vector_load %arg13[%get3A_2091] {strides = array<i32>} : memref<64xf32, #tpu.memory_space<vmem>>, vector<16xf32>,
        %get3A_2093 = vector.shape_cast %get3A_2092 : vector<16xf32> to vector<16xf32>
        %sub3A = arith.subf %get3A_2090, %get3A_2093 : vector<16xf32>
        %swap3A_2094 = arith.index_cast %scan3A_2086 : i32 to index
        %swap3A_2095 = arith.constant 0 : index
        %swap3A_2096 = tpu.vector_load %arg11[%swap3A_2094, %swap3A_2095] {strides = array<i32>} : memref<800x64xf32, #tpu.memory_space<vmem>>, vector<1x16xf32>,
        %swap3A_2097 = vector.shape_cast %swap3A_2096 : vector<1x16xf32> to vector<16xf32>
        %swap3A_2098 = vector.shape_cast %sub3A : vector<16xf32> to vector<1x16xf32>
        tpu.vector_store %arg11[%swap3A_2094, %swap3A_2095], %swap3A_2098 {strides = array<i32>} : memref<800x64xf32, #tpu.memory_space<vmem>>, vector<1x16xf32>,
        %get3A_2099 = arith.index_cast %scan3A_2086 : i32 to index
        %get3A_2100 = arith.constant 16 : index
        %get3A_2101 = tpu.vector_load %arg11[%get3A_2099, %get3A_2100] {strides = array<i32>} : memref<800x64xf32, #tpu.memory_space<vmem>>, vector<1x16xf32>,
        %get3A_2102 = vector.shape_cast %get3A_2101 : vector<1x16xf32> to vector<16xf32>
        %get3A_2103 = arith.constant 16 : index
        %get3A_2104 = tpu.vector_load %arg13[%get3A_2103] {strides = array<i32>} : memref<64xf32, #tpu.memory_space<vmem>>, vector<16xf32>,
        %get3A_2105 = vector.shape_cast %get3A_2104 : vector<16xf32> to vector<16xf32>
        %sub3A_2106 = arith.subf %get3A_2102, %get3A_2105 : vector<16xf32>
        %swap3A_2107 = arith.index_cast %scan3A_2086 : i32 to index
        %swap3A_2108 = arith.constant 16 : index
        %swap3A_2109 = tpu.vector_load %arg11[%swap3A_2107, %swap3A_2108] {strides = array<i32>} : memref<800x64xf32, #tpu.memory_space<vmem>>, vector<1x16xf32>,
        %swap3A_2110 = vector.shape_cast %swap3A_2109 : vector<1x16xf32> to vector<16xf32>
        %swap3A_2111 = vector.shape_cast %sub3A_2106 : vector<16xf32> to vector<1x16xf32>
        tpu.vector_store %arg11[%swap3A_2107, %swap3A_2108], %swap3A_2111 {strides = array<i32>} : memref<800x64xf32, #tpu.memory_space<vmem>>, vector<1x16xf32>,
        %get3A_2112 = arith.index_cast %scan3A_2086 : i32 to index
        %get3A_2113 = arith.constant 32 : index
        %get3A_2114 = tpu.vector_load %arg11[%get3A_2112, %get3A_2113] {strides = array<i32>} : memref<800x64xf32, #tpu.memory_space<vmem>>, vector<1x16xf32>,
        %get3A_2115 = vector.shape_cast %get3A_2114 : vector<1x16xf32> to vector<16xf32>
        %get3A_2116 = arith.constant 32 : index
        %get3A_2117 = tpu.vector_load %arg13[%get3A_2116] {strides = array<i32>} : memref<64xf32, #tpu.memory_space<vmem>>, vector<16xf32>,
        %get3A_2118 = vector.shape_cast %get3A_2117 : vector<16xf32> to vector<16xf32>
        %sub3A_2119 = arith.subf %get3A_2115, %get3A_2118 : vector<16xf32>
        %swap3A_2120 = arith.index_cast %scan3A_2086 : i32 to index
        %swap3A_2121 = arith.constant 32 : index
        %swap3A_2122 = tpu.vector_load %arg11[%swap3A_2120, %swap3A_2121] {strides = array<i32>} : memref<800x64xf32, #tpu.memory_space<vmem>>, vector<1x16xf32>,
        %swap3A_2123 = vector.shape_cast %swap3A_2122 : vector<1x16xf32> to vector<16xf32>
        %swap3A_2124 = vector.shape_cast %sub3A_2119 : vector<16xf32> to vector<1x16xf32>
        tpu.vector_store %arg11[%swap3A_2120, %swap3A_2121], %swap3A_2124 {strides = array<i32>} : memref<800x64xf32, #tpu.memory_space<vmem>>, vector<1x16xf32>,
        %get3A_2125 = arith.index_cast %scan3A_2086 : i32 to index
        %get3A_2126 = arith.constant 48 : index
        %get3A_2127 = tpu.vector_load %arg11[%get3A_2125, %get3A_2126] {strides = array<i32>} : memref<800x64xf32, #tpu.memory_space<vmem>>, vector<1x16xf32>,
        %get3A_2128 = vector.shape_cast %get3A_2127 : vector<1x16xf32> to vector<16xf32>
        %get3A_2129 = arith.constant 48 : index
        %get3A_2130 = tpu.vector_load %arg13[%get3A_2129] {strides = array<i32>} : memref<64xf32, #tpu.memory_space<vmem>>, vector<16xf32>,
        %get3A_2131 = vector.shape_cast %get3A_2130 : vector<16xf32> to vector<16xf32>
        %sub3A_2132 = arith.subf %get3A_2128, %get3A_2131 : vector<16xf32>
        %swap3A_2133 = arith.index_cast %scan3A_2086 : i32 to index
        %swap3A_2134 = arith.constant 48 : index
        %swap3A_2135 = tpu.vector_load %arg11[%swap3A_2133, %swap3A_2134] {strides = array<i32>} : memref<800x64xf32, #tpu.memory_space<vmem>>, vector<1x16xf32>,
        %swap3A_2136 = vector.shape_cast %swap3A_2135 : vector<1x16xf32> to vector<16xf32>
        %swap3A_2137 = vector.shape_cast %sub3A_2132 : vector<16xf32> to vector<1x16xf32>
        tpu.vector_store %arg11[%swap3A_2133, %swap3A_2134], %swap3A_2137 {strides = array<i32>} : memref<800x64xf32, #tpu.memory_space<vmem>>, vector<1x16xf32>,
      }
      %scan3A_2085 = arith.constant 512 : i32
      "tpu.region"() ({
        %run_scoped3A_2086 = tpu.sem_alloc : memref<!tpu.dma_semaphore, #tpu.memory_space<semaphore_mem>>
        %dma_start3A_2087 = arith.constant 0 : i32
        %dma_start3A_2088 = arith.constant 0 : i32
        %dma_start3A_2089 = tpu.memref_slice %arg11[%dma_start3A_2087, %dma_start3A_2088] : memref<800x64xf32, #tpu.memory_space<vmem>> -> memref<512x64xf32, #tpu.memory_space<vmem>>
        %dma_start3A_2090 = arith.constant 512 : i32
        %dma_start3A_2091 = arith.constant 0 : i32
        %dma_start3A_2092 = tpu.memref_slice %arg14[%dma_start3A_2090, %dma_start3A_2091] : memref<1024x64xf32, #tpu.memory_space<vmem_shared>> -> memref<512x64xf32, #tpu.memory_space<vmem_shared>>
        %dma_start3A_2093 = arith.constant 512 : i32
        %dma_start3A_2094 = arith.constant 0 : i32
        %dma_start3A_2095 = tpu.memref_slice %arg14[%dma_start3A_2093, %dma_start3A_2094] : memref<1024x64xf32, #tpu.memory_space<vmem_shared>> -> memref<512x64xf32, #tpu.memory_space<vmem_shared>>
        %dma_start3A_2096 = arith.constant 0 : i32
        %dma_start3A_2097 = arith.constant 0 : i32
        %dma_start3A_2098 = tpu.memref_slice %arg11[%dma_start3A_2096, %dma_start3A_2097] : memref<800x64xf32, #tpu.memory_space<vmem>> -> memref<512x64xf32, #tpu.memory_space<vmem>>
        tpu.enqueue_dma source(%dma_start3A_2098 : memref<512x64xf32, #tpu.memory_space<vmem>>) target(%dma_start3A_2095 : memref<512x64xf32, #tpu.memory_space<vmem_shared>>) target_semaphore(%run_scoped3A_2086 : memref<!tpu.dma_semaphore, #tpu.memory_space<semaphore_mem>>)
        %dma_wait3A_2099 = arith.constant 0 : i32
        %dma_wait3A_2100 = arith.constant 0 : i32
        %dma_wait3A_2101 = tpu.memref_slice %arg11[%dma_wait3A_2099, %dma_wait3A_2100] : memref<800x64xf32, #tpu.memory_space<vmem>> -> memref<512x64xf32, #tpu.memory_space<vmem>>
        %dma_wait3A_2102 = arith.constant 512 : i32
        %dma_wait3A_2103 = arith.constant 0 : i32
        %dma_wait3A_2104 = tpu.memref_slice %arg14[%dma_wait3A_2102, %dma_wait3A_2103] : memref<1024x64xf32, #tpu.memory_space<vmem_shared>> -> memref<512x64xf32, #tpu.memory_space<vmem_shared>>
        %dma_wait3A_2105 = arith.constant 512 : i32
        %dma_wait3A_2106 = arith.constant 0 : i32
        %dma_wait3A_2107 = tpu.memref_slice %arg14[%dma_wait3A_2105, %dma_wait3A_2106] : memref<1024x64xf32, #tpu.memory_space<vmem_shared>> -> memref<512x64xf32, #tpu.memory_space<vmem_shared>>
        %dma_wait3A_2108 = arith.constant 0 : i32
        %dma_wait3A_2109 = arith.constant 0 : i32
        %dma_wait3A_2110 = tpu.memref_slice %arg11[%dma_wait3A_2108, %dma_wait3A_2109] : memref<800x64xf32, #tpu.memory_space<vmem>> -> memref<512x64xf32, #tpu.memory_space<vmem>>
        tpu.wait_dma2 semaphore(%run_scoped3A_2086 : memref<!tpu.dma_semaphore, #tpu.memory_space<semaphore_mem>>) src(%dma_wait3A_2110 : memref<512x64xf32, #tpu.memory_space<vmem>>) dst(%dma_wait3A_2107 : memref<512x64xf32, #tpu.memory_space<vmem_shared>>)
        tpu.yield
      }) : () -> ()
    } else {
    }
    %barrier3A = arith.constant 0 : index
    tpu.barrier barrier_id(%barrier3A)
    %add3A_7 = arith.constant 0 : i32
    %add3A_8 = arith.addi %mul3A_2, %add3A_7 : i32
    %dma_start3A = tpu.memref_slice %arg2[%add3A_8] : memref<3276800xi32, #tpu.memory_space<hbm>> -> memref<800xi32, #tpu.memory_space<hbm>>
    %dma_start3A_9 = tpu.memref_slice %arg2[%add3A_8] : memref<3276800xi32, #tpu.memory_space<hbm>> -> memref<800xi32, #tpu.memory_space<hbm>>
    tpu.enqueue_dma source(%dma_start3A_9 : memref<800xi32, #tpu.memory_space<hbm>>) target(%arg7 : memref<800xi32, #tpu.memory_space<vmem>>) target_semaphore(%arg15 : memref<!tpu.dma_semaphore, #tpu.memory_space<semaphore_mem>>)
    %dma_start3A_10 = tpu.memref_slice %arg3[%add3A_8] : memref<3276800xi32, #tpu.memory_space<hbm>> -> memref<800xi32, #tpu.memory_space<hbm>>
    %dma_start3A_11 = tpu.memref_slice %arg3[%add3A_8] : memref<3276800xi32, #tpu.memory_space<hbm>> -> memref<800xi32, #tpu.memory_space<hbm>>
    tpu.enqueue_dma source(%dma_start3A_11 : memref<800xi32, #tpu.memory_space<hbm>>) target(%arg9 : memref<800xi32, #tpu.memory_space<vmem>>) target_semaphore(%arg15 : memref<!tpu.dma_semaphore, #tpu.memory_space<semaphore_mem>>)
    %add3A_12 = arith.constant 800 : i32
    %add3A_13 = arith.addi %mul3A_2, %add3A_12 : i32
    %dma_start3A_14 = tpu.memref_slice %arg2[%add3A_13] : memref<3276800xi32, #tpu.memory_space<hbm>> -> memref<800xi32, #tpu.memory_space<hbm>>
    %dma_start3A_15 = tpu.memref_slice %arg2[%add3A_13] : memref<3276800xi32, #tpu.memory_space<hbm>> -> memref<800xi32, #tpu.memory_space<hbm>>
    tpu.enqueue_dma source(%dma_start3A_15 : memref<800xi32, #tpu.memory_space<hbm>>) target(%arg8 : memref<800xi32, #tpu.memory_space<vmem>>) target_semaphore(%arg16 : memref<!tpu.dma_semaphore, #tpu.memory_space<semaphore_mem>>)
    %dma_start3A_16 = tpu.memref_slice %arg3[%add3A_13] : memref<3276800xi32, #tpu.memory_space<hbm>> -> memref<800xi32, #tpu.memory_space<hbm>>
    %dma_start3A_17 = tpu.memref_slice %arg3[%add3A_13] : memref<3276800xi32, #tpu.memory_space<hbm>> -> memref<800xi32, #tpu.memory_space<hbm>>
    tpu.enqueue_dma source(%dma_start3A_17 : memref<800xi32, #tpu.memory_space<hbm>>) target(%arg10 : memref<800xi32, #tpu.memory_space<vmem>>) target_semaphore(%arg16 : memref<!tpu.dma_semaphore, #tpu.memory_space<semaphore_mem>>)
    %add3A_18 = arith.constant 0 : i32
    %add3A_19 = arith.addi %mul3A_2, %add3A_18 : i32
    %dma_wait3A = tpu.memref_slice %arg2[%add3A_19] : memref<3276800xi32, #tpu.memory_space<hbm>> -> memref<800xi32, #tpu.memory_space<hbm>>
    %dma_wait3A_20 = tpu.memref_slice %arg2[%add3A_19] : memref<3276800xi32, #tpu.memory_space<hbm>> -> memref<800xi32, #tpu.memory_space<hbm>>
    tpu.wait_dma2 semaphore(%arg15 : memref<!tpu.dma_semaphore, #tpu.memory_space<semaphore_mem>>) src(%dma_wait3A_20 : memref<800xi32, #tpu.memory_space<hbm>>) dst(%arg7 : memref<800xi32, #tpu.memory_space<vmem>>)
    %dma_wait3A_21 = tpu.memref_slice %arg3[%add3A_19] : memref<3276800xi32, #tpu.memory_space<hbm>> -> memref<800xi32, #tpu.memory_space<hbm>>
    %dma_wait3A_22 = tpu.memref_slice %arg3[%add3A_19] : memref<3276800xi32, #tpu.memory_space<hbm>> -> memref<800xi32, #tpu.memory_space<hbm>>
    tpu.wait_dma2 semaphore(%arg15 : memref<!tpu.dma_semaphore, #tpu.memory_space<semaphore_mem>>) src(%dma_wait3A_22 : memref<800xi32, #tpu.memory_space<hbm>>) dst(%arg9 : memref<800xi32, #tpu.memory_space<vmem>>)
    %get3A = arith.constant 0 : index
    %get3A_23 = tpu.vector_load %arg9[%get3A] {strides = array<i32>} : memref<800xi32, #tpu.memory_space<vmem>>, vector<16xi32>,
    %get3A_24 = vector.shape_cast %get3A_23 : vector<16xi32> to vector<16xi32>
    %get3A_25 = arith.constant 0 : index
    %get3A_26 = tpu.vector_load %arg7[%get3A_25] {strides = array<i32>} : memref<800xi32, #tpu.memory_space<vmem>>, vector<16xi32>,
    %get3A_27 = vector.shape_cast %get3A_26 : vector<16xi32> to vector<16xi32>
    %eq3A_28 = arith.constant 0 : i32
    %eq3A_29 = vector.broadcast %eq3A_28 : i32 to vector<16xi32>
    %eq3A_30 = arith.cmpi eq, %get3A_27, %eq3A_29 : vector<16xi32>
    %add3A_31 = arith.constant 512 : i32
    %add3A_32 = vector.broadcast %add3A_31 : i32 to vector<16xi32>
    %add3A_33 = arith.addi %get3A_24, %add3A_32 : vector<16xi32>
    %select_n3A = arith.select %eq3A_30, %add3A_33, %get3A_24 : vector<16xi1>, vector<16xi32>
    %swap3A = arith.constant 0 : index
    %swap3A_34 = tpu.vector_load %arg9[%swap3A] {strides = array<i32>} : memref<800xi32, #tpu.memory_space<vmem>>, vector<16xi32>,
    %swap3A_35 = vector.shape_cast %swap3A_34 : vector<16xi32> to vector<16xi32>
    %swap3A_36 = vector.shape_cast %select_n3A : vector<16xi32> to vector<16xi32>
    tpu.vector_store %arg9[%swap3A], %swap3A_36 {strides = array<i32>} : memref<800xi32, #tpu.memory_space<vmem>>, vector<16xi32>,
    %get3A_37 = arith.constant 16 : index
    %get3A_38 = tpu.vector_load %arg9[%get3A_37] {strides = array<i32>} : memref<800xi32, #tpu.memory_space<vmem>>, vector<16xi32>,
    %get3A_39 = vector.shape_cast %get3A_38 : vector<16xi32> to vector<16xi32>
    %get3A_40 = arith.constant 16 : index
    %get3A_41 = tpu.vector_load %arg7[%get3A_40] {strides = array<i32>} : memref<800xi32, #tpu.memory_space<vmem>>, vector<16xi32>,
    %get3A_42 = vector.shape_cast %get3A_41 : vector<16xi32> to vector<16xi32>
    %eq3A_43 = arith.constant 0 : i32
    %eq3A_44 = vector.broadcast %eq3A_43 : i32 to vector<16xi32>
    %eq3A_45 = arith.cmpi eq, %get3A_42, %eq3A_44 : vector<16xi32>
    %add3A_46 = arith.constant 512 : i32
    %add3A_47 = vector.broadcast %add3A_46 : i32 to vector<16xi32>
    %add3A_48 = arith.addi %get3A_39, %add3A_47 : vector<16xi32>
    %select_n3A_49 = arith.select %eq3A_45, %add3A_48, %get3A_39 : vector<16xi1>, vector<16xi32>
    %swap3A_50 = arith.constant 16 : index
    %swap3A_51 = tpu.vector_load %arg9[%swap3A_50] {strides = array<i32>} : memref<800xi32, #tpu.memory_space<vmem>>, vector<16xi32>,
    %swap3A_52 = vector.shape_cast %swap3A_51 : vector<16xi32> to vector<16xi32>
    %swap3A_53 = vector.shape_cast %select_n3A_49 : vector<16xi32> to vector<16xi32>
    tpu.vector_store %arg9[%swap3A_50], %swap3A_53 {strides = array<i32>} : memref<800xi32, #tpu.memory_space<vmem>>, vector<16xi32>,
    %get3A_54 = arith.constant 32 : index
    %get3A_55 = tpu.vector_load %arg9[%get3A_54] {strides = array<i32>} : memref<800xi32, #tpu.memory_space<vmem>>, vector<16xi32>,
    %get3A_56 = vector.shape_cast %get3A_55 : vector<16xi32> to vector<16xi32>
    %get3A_57 = arith.constant 32 : index
    %get3A_58 = tpu.vector_load %arg7[%get3A_57] {strides = array<i32>} : memref<800xi32, #tpu.memory_space<vmem>>, vector<16xi32>,
    %get3A_59 = vector.shape_cast %get3A_58 : vector<16xi32> to vector<16xi32>
    %eq3A_60 = arith.constant 0 : i32
    %eq3A_61 = vector.broadcast %eq3A_60 : i32 to vector<16xi32>
    %eq3A_62 = arith.cmpi eq, %get3A_59, %eq3A_61 : vector<16xi32>
    %add3A_63 = arith.constant 512 : i32
    %add3A_64 = vector.broadcast %add3A_63 : i32 to vector<16xi32>
    %add3A_65 = arith.addi %get3A_56, %add3A_64 : vector<16xi32>
    %select_n3A_66 = arith.select %eq3A_62, %add3A_65, %get3A_56 : vector<16xi1>, vector<16xi32>
    %swap3A_67 = arith.constant 32 : index
    %swap3A_68 = tpu.vector_load %arg9[%swap3A_67] {strides = array<i32>} : memref<800xi32, #tpu.memory_space<vmem>>, vector<16xi32>,
    %swap3A_69 = vector.shape_cast %swap3A_68 : vector<16xi32> to vector<16xi32>
    %swap3A_70 = vector.shape_cast %select_n3A_66 : vector<16xi32> to vector<16xi32>
    tpu.vector_store %arg9[%swap3A_67], %swap3A_70 {strides = array<i32>} : memref<800xi32, #tpu.memory_space<vmem>>, vector<16xi32>,
    %get3A_71 = arith.constant 48 : index
    %get3A_72 = tpu.vector_load %arg9[%get3A_71] {strides = array<i32>} : memref<800xi32, #tpu.memory_space<vmem>>, vector<16xi32>,
    %get3A_73 = vector.shape_cast %get3A_72 : vector<16xi32> to vector<16xi32>
    %get3A_74 = arith.constant 48 : index
    %get3A_75 = tpu.vector_load %arg7[%get3A_74] {strides = array<i32>} : memref<800xi32, #tpu.memory_space<vmem>>, vector<16xi32>,
    %get3A_76 = vector.shape_cast %get3A_75 : vector<16xi32> to vector<16xi32>
    %eq3A_77 = arith.constant 0 : i32
    %eq3A_78 = vector.broadcast %eq3A_77 : i32 to vector<16xi32>
    %eq3A_79 = arith.cmpi eq, %get3A_76, %eq3A_78 : vector<16xi32>
    %add3A_80 = arith.constant 512 : i32
    %add3A_81 = vector.broadcast %add3A_80 : i32 to vector<16xi32>
    %add3A_82 = arith.addi %get3A_73, %add3A_81 : vector<16xi32>
    %select_n3A_83 = arith.select %eq3A_79, %add3A_82, %get3A_73 : vector<16xi1>, vector<16xi32>
    %swap3A_84 = arith.constant 48 : index
    %swap3A_85 = tpu.vector_load %arg9[%swap3A_84] {strides = array<i32>} : memref<800xi32, #tpu.memory_space<vmem>>, vector<16xi32>,
    %swap3A_86 = vector.shape_cast %swap3A_85 : vector<16xi32> to vector<16xi32>
    %swap3A_87 = vector.shape_cast %select_n3A_83 : vector<16xi32> to vector<16xi32>
    tpu.vector_store %arg9[%swap3A_84], %swap3A_87 {strides = array<i32>} : memref<800xi32, #tpu.memory_space<vmem>>, vector<16xi32>,
    %get3A_88 = arith.constant 64 : index
    %get3A_89 = tpu.vector_load %arg9[%get3A_88] {strides = array<i32>} : memref<800xi32, #tpu.memory_space<vmem>>, vector<16xi32>,
    %get3A_90 = vector.shape_cast %get3A_89 : vector<16xi32> to vector<16xi32>
    %get3A_91 = arith.constant 64 : index
    %get3A_92 = tpu.vector_load %arg7[%get3A_91] {strides = array<i32>} : memref<800xi32, #tpu.memory_space<vmem>>, vector<16xi32>,
    %get3A_93 = vector.shape_cast %get3A_92 : vector<16xi32> to vector<16xi32>
    %eq3A_94 = arith.constant 0 : i32
    %eq3A_95 = vector.broadcast %eq3A_94 : i32 to vector<16xi32>
    %eq3A_96 = arith.cmpi eq, %get3A_93, %eq3A_95 : vector<16xi32>
    %add3A_97 = arith.constant 512 : i32
    %add3A_98 = vector.broadcast %add3A_97 : i32 to vector<16xi32>
    %add3A_99 = arith.addi %get3A_90, %add3A_98 : vector<16xi32>
    %select_n3A_100 = arith.select %eq3A_96, %add3A_99, %get3A_90 : vector<16xi1>, vector<16xi32>
    %swap3A_101 = arith.constant 64 : index
    %swap3A_102 = tpu.vector_load %arg9[%swap3A_101] {strides = array<i32>} : memref<800xi32, #tpu.memory_space<vmem>>, vector<16xi32>,
    %swap3A_103 = vector.shape_cast %swap3A_102 : vector<16xi32> to vector<16xi32>
    %swap3A_104 = vector.shape_cast %select_n3A_100 : vector<16xi32> to vector<16xi32>
    tpu.vector_store %arg9[%swap3A_101], %swap3A_104 {strides = array<i32>} : memref<800xi32, #tpu.memory_space<vmem>>, vector<16xi32>,
    %get3A_105 = arith.constant 80 : index
    %get3A_106 = tpu.vector_load %arg9[%get3A_105] {strides = array<i32>} : memref<800xi32, #tpu.memory_space<vmem>>, vector<16xi32>,
    %get3A_107 = vector.shape_cast %get3A_106 : vector<16xi32> to vector<16xi32>
    %get3A_108 = arith.constant 80 : index
    %get3A_109 = tpu.vector_load %arg7[%get3A_108] {strides = array<i32>} : memref<800xi32, #tpu.memory_space<vmem>>, vector<16xi32>,
    %get3A_110 = vector.shape_cast %get3A_109 : vector<16xi32> to vector<16xi32>
    %eq3A_111 = arith.constant 0 : i32
    %eq3A_112 = vector.broadcast %eq3A_111 : i32 to vector<16xi32>
    %eq3A_113 = arith.cmpi eq, %get3A_110, %eq3A_112 : vector<16xi32>
    %add3A_114 = arith.constant 512 : i32
    %add3A_115 = vector.broadcast %add3A_114 : i32 to vector<16xi32>
    %add3A_116 = arith.addi %get3A_107, %add3A_115 : vector<16xi32>
    %select_n3A_117 = arith.select %eq3A_113, %add3A_116, %get3A_107 : vector<16xi1>, vector<16xi32>
    %swap3A_118 = arith.constant 80 : index
    %swap3A_119 = tpu.vector_load %arg9[%swap3A_118] {strides = array<i32>} : memref<800xi32, #tpu.memory_space<vmem>>, vector<16xi32>,
    %swap3A_120 = vector.shape_cast %swap3A_119 : vector<16xi32> to vector<16xi32>
    %swap3A_121 = vector.shape_cast %select_n3A_117 : vector<16xi32> to vector<16xi32>
    tpu.vector_store %arg9[%swap3A_118], %swap3A_121 {strides = array<i32>} : memref<800xi32, #tpu.memory_space<vmem>>, vector<16xi32>,
    %get3A_122 = arith.constant 96 : index
    %get3A_123 = tpu.vector_load %arg9[%get3A_122] {strides = array<i32>} : memref<800xi32, #tpu.memory_space<vmem>>, vector<16xi32>,
    %get3A_124 = vector.shape_cast %get3A_123 : vector<16xi32> to vector<16xi32>
    %get3A_125 = arith.constant 96 : index
    %get3A_126 = tpu.vector_load %arg7[%get3A_125] {strides = array<i32>} : memref<800xi32, #tpu.memory_space<vmem>>, vector<16xi32>,
    %get3A_127 = vector.shape_cast %get3A_126 : vector<16xi32> to vector<16xi32>
    %eq3A_128 = arith.constant 0 : i32
    %eq3A_129 = vector.broadcast %eq3A_128 : i32 to vector<16xi32>
    %eq3A_130 = arith.cmpi eq, %get3A_127, %eq3A_129 : vector<16xi32>
    %add3A_131 = arith.constant 512 : i32
    %add3A_132 = vector.broadcast %add3A_131 : i32 to vector<16xi32>
    %add3A_133 = arith.addi %get3A_124, %add3A_132 : vector<16xi32>
    %select_n3A_134 = arith.select %eq3A_130, %add3A_133, %get3A_124 : vector<16xi1>, vector<16xi32>
    %swap3A_135 = arith.constant 96 : index
    %swap3A_136 = tpu.vector_load %arg9[%swap3A_135] {strides = array<i32>} : memref<800xi32, #tpu.memory_space<vmem>>, vector<16xi32>,
    %swap3A_137 = vector.shape_cast %swap3A_136 : vector<16xi32> to vector<16xi32>
    %swap3A_138 = vector.shape_cast %select_n3A_134 : vector<16xi32> to vector<16xi32>
    tpu.vector_store %arg9[%swap3A_135], %swap3A_138 {strides = array<i32>} : memref<800xi32, #tpu.memory_space<vmem>>, vector<16xi32>,
    %get3A_139 = arith.constant 112 : index
    %get3A_140 = tpu.vector_load %arg9[%get3A_139] {strides = array<i32>} : memref<800xi32, #tpu.memory_space<vmem>>, vector<16xi32>,
    %get3A_141 = vector.shape_cast %get3A_140 : vector<16xi32> to vector<16xi32>
    %get3A_142 = arith.constant 112 : index
    %get3A_143 = tpu.vector_load %arg7[%get3A_142] {strides = array<i32>} : memref<800xi32, #tpu.memory_space<vmem>>, vector<16xi32>,
    %get3A_144 = vector.shape_cast %get3A_143 : vector<16xi32> to vector<16xi32>
    %eq3A_145 = arith.constant 0 : i32
    %eq3A_146 = vector.broadcast %eq3A_145 : i32 to vector<16xi32>
    %eq3A_147 = arith.cmpi eq, %get3A_144, %eq3A_146 : vector<16xi32>
    %add3A_148 = arith.constant 512 : i32
    %add3A_149 = vector.broadcast %add3A_148 : i32 to vector<16xi32>
    %add3A_150 = arith.addi %get3A_141, %add3A_149 : vector<16xi32>
    %select_n3A_151 = arith.select %eq3A_147, %add3A_150, %get3A_141 : vector<16xi1>, vector<16xi32>
    %swap3A_152 = arith.constant 112 : index
    %swap3A_153 = tpu.vector_load %arg9[%swap3A_152] {strides = array<i32>} : memref<800xi32, #tpu.memory_space<vmem>>, vector<16xi32>,
    %swap3A_154 = vector.shape_cast %swap3A_153 : vector<16xi32> to vector<16xi32>
    %swap3A_155 = vector.shape_cast %select_n3A_151 : vector<16xi32> to vector<16xi32>
    tpu.vector_store %arg9[%swap3A_152], %swap3A_155 {strides = array<i32>} : memref<800xi32, #tpu.memory_space<vmem>>, vector<16xi32>,
    %get3A_156 = arith.constant 128 : index
    %get3A_157 = tpu.vector_load %arg9[%get3A_156] {strides = array<i32>} : memref<800xi32, #tpu.memory_space<vmem>>, vector<16xi32>,
    %get3A_158 = vector.shape_cast %get3A_157 : vector<16xi32> to vector<16xi32>
    %get3A_159 = arith.constant 128 : index
    %get3A_160 = tpu.vector_load %arg7[%get3A_159] {strides = array<i32>} : memref<800xi32, #tpu.memory_space<vmem>>, vector<16xi32>,
    %get3A_161 = vector.shape_cast %get3A_160 : vector<16xi32> to vector<16xi32>
    %eq3A_162 = arith.constant 0 : i32
    %eq3A_163 = vector.broadcast %eq3A_162 : i32 to vector<16xi32>
    %eq3A_164 = arith.cmpi eq, %get3A_161, %eq3A_163 : vector<16xi32>
    %add3A_165 = arith.constant 512 : i32
    %add3A_166 = vector.broadcast %add3A_165 : i32 to vector<16xi32>
    %add3A_167 = arith.addi %get3A_158, %add3A_166 : vector<16xi32>
    %select_n3A_168 = arith.select %eq3A_164, %add3A_167, %get3A_158 : vector<16xi1>, vector<16xi32>
    %swap3A_169 = arith.constant 128 : index
    %swap3A_170 = tpu.vector_load %arg9[%swap3A_169] {strides = array<i32>} : memref<800xi32, #tpu.memory_space<vmem>>, vector<16xi32>,
    %swap3A_171 = vector.shape_cast %swap3A_170 : vector<16xi32> to vector<16xi32>
    %swap3A_172 = vector.shape_cast %select_n3A_168 : vector<16xi32> to vector<16xi32>
    tpu.vector_store %arg9[%swap3A_169], %swap3A_172 {strides = array<i32>} : memref<800xi32, #tpu.memory_space<vmem>>, vector<16xi32>,
    %get3A_173 = arith.constant 144 : index
    %get3A_174 = tpu.vector_load %arg9[%get3A_173] {strides = array<i32>} : memref<800xi32, #tpu.memory_space<vmem>>, vector<16xi32>,
    %get3A_175 = vector.shape_cast %get3A_174 : vector<16xi32> to vector<16xi32>
    %get3A_176 = arith.constant 144 : index
    %get3A_177 = tpu.vector_load %arg7[%get3A_176] {strides = array<i32>} : memref<800xi32, #tpu.memory_space<vmem>>, vector<16xi32>,
    %get3A_178 = vector.shape_cast %get3A_177 : vector<16xi32> to vector<16xi32>
    %eq3A_179 = arith.constant 0 : i32
    %eq3A_180 = vector.broadcast %eq3A_179 : i32 to vector<16xi32>
    %eq3A_181 = arith.cmpi eq, %get3A_178, %eq3A_180 : vector<16xi32>
    %add3A_182 = arith.constant 512 : i32
    %add3A_183 = vector.broadcast %add3A_182 : i32 to vector<16xi32>
    %add3A_184 = arith.addi %get3A_175, %add3A_183 : vector<16xi32>
    %select_n3A_185 = arith.select %eq3A_181, %add3A_184, %get3A_175 : vector<16xi1>, vector<16xi32>
    %swap3A_186 = arith.constant 144 : index
    %swap3A_187 = tpu.vector_load %arg9[%swap3A_186] {strides = array<i32>} : memref<800xi32, #tpu.memory_space<vmem>>, vector<16xi32>,
    %swap3A_188 = vector.shape_cast %swap3A_187 : vector<16xi32> to vector<16xi32>
    %swap3A_189 = vector.shape_cast %select_n3A_185 : vector<16xi32> to vector<16xi32>
    tpu.vector_store %arg9[%swap3A_186], %swap3A_189 {strides = array<i32>} : memref<800xi32, #tpu.memory_space<vmem>>, vector<16xi32>,
    %get3A_190 = arith.constant 160 : index
    %get3A_191 = tpu.vector_load %arg9[%get3A_190] {strides = array<i32>} : memref<800xi32, #tpu.memory_space<vmem>>, vector<16xi32>,
    %get3A_192 = vector.shape_cast %get3A_191 : vector<16xi32> to vector<16xi32>
    %get3A_193 = arith.constant 160 : index
    %get3A_194 = tpu.vector_load %arg7[%get3A_193] {strides = array<i32>} : memref<800xi32, #tpu.memory_space<vmem>>, vector<16xi32>,
    %get3A_195 = vector.shape_cast %get3A_194 : vector<16xi32> to vector<16xi32>
    %eq3A_196 = arith.constant 0 : i32
    %eq3A_197 = vector.broadcast %eq3A_196 : i32 to vector<16xi32>
    %eq3A_198 = arith.cmpi eq, %get3A_195, %eq3A_197 : vector<16xi32>
    %add3A_199 = arith.constant 512 : i32
    %add3A_200 = vector.broadcast %add3A_199 : i32 to vector<16xi32>
    %add3A_201 = arith.addi %get3A_192, %add3A_200 : vector<16xi32>
    %select_n3A_202 = arith.select %eq3A_198, %add3A_201, %get3A_192 : vector<16xi1>, vector<16xi32>
    %swap3A_203 = arith.constant 160 : index
    %swap3A_204 = tpu.vector_load %arg9[%swap3A_203] {strides = array<i32>} : memref<800xi32, #tpu.memory_space<vmem>>, vector<16xi32>,
    %swap3A_205 = vector.shape_cast %swap3A_204 : vector<16xi32> to vector<16xi32>
    %swap3A_206 = vector.shape_cast %select_n3A_202 : vector<16xi32> to vector<16xi32>
    tpu.vector_store %arg9[%swap3A_203], %swap3A_206 {strides = array<i32>} : memref<800xi32, #tpu.memory_space<vmem>>, vector<16xi32>,
    %get3A_207 = arith.constant 176 : index
    %get3A_208 = tpu.vector_load %arg9[%get3A_207] {strides = array<i32>} : memref<800xi32, #tpu.memory_space<vmem>>, vector<16xi32>,
    %get3A_209 = vector.shape_cast %get3A_208 : vector<16xi32> to vector<16xi32>
    %get3A_210 = arith.constant 176 : index
    %get3A_211 = tpu.vector_load %arg7[%get3A_210] {strides = array<i32>} : memref<800xi32, #tpu.memory_space<vmem>>, vector<16xi32>,
    %get3A_212 = vector.shape_cast %get3A_211 : vector<16xi32> to vector<16xi32>
    %eq3A_213 = arith.constant 0 : i32
    %eq3A_214 = vector.broadcast %eq3A_213 : i32 to vector<16xi32>
    %eq3A_215 = arith.cmpi eq, %get3A_212, %eq3A_214 : vector<16xi32>
    %add3A_216 = arith.constant 512 : i32
    %add3A_217 = vector.broadcast %add3A_216 : i32 to vector<16xi32>
    %add3A_218 = arith.addi %get3A_209, %add3A_217 : vector<16xi32>
    %select_n3A_219 = arith.select %eq3A_215, %add3A_218, %get3A_209 : vector<16xi1>, vector<16xi32>
    %swap3A_220 = arith.constant 176 : index
    %swap3A_221 = tpu.vector_load %arg9[%swap3A_220] {strides = array<i32>} : memref<800xi32, #tpu.memory_space<vmem>>, vector<16xi32>,
    %swap3A_222 = vector.shape_cast %swap3A_221 : vector<16xi32> to vector<16xi32>
    %swap3A_223 = vector.shape_cast %select_n3A_219 : vector<16xi32> to vector<16xi32>
    tpu.vector_store %arg9[%swap3A_220], %swap3A_223 {strides = array<i32>} : memref<800xi32, #tpu.memory_space<vmem>>, vector<16xi32>,
    %get3A_224 = arith.constant 192 : index
    %get3A_225 = tpu.vector_load %arg9[%get3A_224] {strides = array<i32>} : memref<800xi32, #tpu.memory_space<vmem>>, vector<16xi32>,
    %get3A_226 = vector.shape_cast %get3A_225 : vector<16xi32> to vector<16xi32>
    %get3A_227 = arith.constant 192 : index
    %get3A_228 = tpu.vector_load %arg7[%get3A_227] {strides = array<i32>} : memref<800xi32, #tpu.memory_space<vmem>>, vector<16xi32>,
    %get3A_229 = vector.shape_cast %get3A_228 : vector<16xi32> to vector<16xi32>
    %eq3A_230 = arith.constant 0 : i32
    %eq3A_231 = vector.broadcast %eq3A_230 : i32 to vector<16xi32>
    %eq3A_232 = arith.cmpi eq, %get3A_229, %eq3A_231 : vector<16xi32>
    %add3A_233 = arith.constant 512 : i32
    %add3A_234 = vector.broadcast %add3A_233 : i32 to vector<16xi32>
    %add3A_235 = arith.addi %get3A_226, %add3A_234 : vector<16xi32>
    %select_n3A_236 = arith.select %eq3A_232, %add3A_235, %get3A_226 : vector<16xi1>, vector<16xi32>
    %swap3A_237 = arith.constant 192 : index
    %swap3A_238 = tpu.vector_load %arg9[%swap3A_237] {strides = array<i32>} : memref<800xi32, #tpu.memory_space<vmem>>, vector<16xi32>,
    %swap3A_239 = vector.shape_cast %swap3A_238 : vector<16xi32> to vector<16xi32>
    %swap3A_240 = vector.shape_cast %select_n3A_236 : vector<16xi32> to vector<16xi32>
    tpu.vector_store %arg9[%swap3A_237], %swap3A_240 {strides = array<i32>} : memref<800xi32, #tpu.memory_space<vmem>>, vector<16xi32>,
    %get3A_241 = arith.constant 208 : index
    %get3A_242 = tpu.vector_load %arg9[%get3A_241] {strides = array<i32>} : memref<800xi32, #tpu.memory_space<vmem>>, vector<16xi32>,
    %get3A_243 = vector.shape_cast %get3A_242 : vector<16xi32> to vector<16xi32>
    %get3A_244 = arith.constant 208 : index
    %get3A_245 = tpu.vector_load %arg7[%get3A_244] {strides = array<i32>} : memref<800xi32, #tpu.memory_space<vmem>>, vector<16xi32>,
    %get3A_246 = vector.shape_cast %get3A_245 : vector<16xi32> to vector<16xi32>
    %eq3A_247 = arith.constant 0 : i32
    %eq3A_248 = vector.broadcast %eq3A_247 : i32 to vector<16xi32>
    %eq3A_249 = arith.cmpi eq, %get3A_246, %eq3A_248 : vector<16xi32>
    %add3A_250 = arith.constant 512 : i32
    %add3A_251 = vector.broadcast %add3A_250 : i32 to vector<16xi32>
    %add3A_252 = arith.addi %get3A_243, %add3A_251 : vector<16xi32>
    %select_n3A_253 = arith.select %eq3A_249, %add3A_252, %get3A_243 : vector<16xi1>, vector<16xi32>
    %swap3A_254 = arith.constant 208 : index
    %swap3A_255 = tpu.vector_load %arg9[%swap3A_254] {strides = array<i32>} : memref<800xi32, #tpu.memory_space<vmem>>, vector<16xi32>,
    %swap3A_256 = vector.shape_cast %swap3A_255 : vector<16xi32> to vector<16xi32>
    %swap3A_257 = vector.shape_cast %select_n3A_253 : vector<16xi32> to vector<16xi32>
    tpu.vector_store %arg9[%swap3A_254], %swap3A_257 {strides = array<i32>} : memref<800xi32, #tpu.memory_space<vmem>>, vector<16xi32>,
    %get3A_258 = arith.constant 224 : index
    %get3A_259 = tpu.vector_load %arg9[%get3A_258] {strides = array<i32>} : memref<800xi32, #tpu.memory_space<vmem>>, vector<16xi32>,
    %get3A_260 = vector.shape_cast %get3A_259 : vector<16xi32> to vector<16xi32>
    %get3A_261 = arith.constant 224 : index
    %get3A_262 = tpu.vector_load %arg7[%get3A_261] {strides = array<i32>} : memref<800xi32, #tpu.memory_space<vmem>>, vector<16xi32>,
    %get3A_263 = vector.shape_cast %get3A_262 : vector<16xi32> to vector<16xi32>
    %eq3A_264 = arith.constant 0 : i32
    %eq3A_265 = vector.broadcast %eq3A_264 : i32 to vector<16xi32>
    %eq3A_266 = arith.cmpi eq, %get3A_263, %eq3A_265 : vector<16xi32>
    %add3A_267 = arith.constant 512 : i32
    %add3A_268 = vector.broadcast %add3A_267 : i32 to vector<16xi32>
    %add3A_269 = arith.addi %get3A_260, %add3A_268 : vector<16xi32>
    %select_n3A_270 = arith.select %eq3A_266, %add3A_269, %get3A_260 : vector<16xi1>, vector<16xi32>
    %swap3A_271 = arith.constant 224 : index
    %swap3A_272 = tpu.vector_load %arg9[%swap3A_271] {strides = array<i32>} : memref<800xi32, #tpu.memory_space<vmem>>, vector<16xi32>,
    %swap3A_273 = vector.shape_cast %swap3A_272 : vector<16xi32> to vector<16xi32>
    %swap3A_274 = vector.shape_cast %select_n3A_270 : vector<16xi32> to vector<16xi32>
    tpu.vector_store %arg9[%swap3A_271], %swap3A_274 {strides = array<i32>} : memref<800xi32, #tpu.memory_space<vmem>>, vector<16xi32>,
    %get3A_275 = arith.constant 240 : index
    %get3A_276 = tpu.vector_load %arg9[%get3A_275] {strides = array<i32>} : memref<800xi32, #tpu.memory_space<vmem>>, vector<16xi32>,
    %get3A_277 = vector.shape_cast %get3A_276 : vector<16xi32> to vector<16xi32>
    %get3A_278 = arith.constant 240 : index
    %get3A_279 = tpu.vector_load %arg7[%get3A_278] {strides = array<i32>} : memref<800xi32, #tpu.memory_space<vmem>>, vector<16xi32>,
    %get3A_280 = vector.shape_cast %get3A_279 : vector<16xi32> to vector<16xi32>
    %eq3A_281 = arith.constant 0 : i32
    %eq3A_282 = vector.broadcast %eq3A_281 : i32 to vector<16xi32>
    %eq3A_283 = arith.cmpi eq, %get3A_280, %eq3A_282 : vector<16xi32>
    %add3A_284 = arith.constant 512 : i32
    %add3A_285 = vector.broadcast %add3A_284 : i32 to vector<16xi32>
    %add3A_286 = arith.addi %get3A_277, %add3A_285 : vector<16xi32>
    %select_n3A_287 = arith.select %eq3A_283, %add3A_286, %get3A_277 : vector<16xi1>, vector<16xi32>
    %swap3A_288 = arith.constant 240 : index
    %swap3A_289 = tpu.vector_load %arg9[%swap3A_288] {strides = array<i32>} : memref<800xi32, #tpu.memory_space<vmem>>, vector<16xi32>,
    %swap3A_290 = vector.shape_cast %swap3A_289 : vector<16xi32> to vector<16xi32>
    %swap3A_291 = vector.shape_cast %select_n3A_287 : vector<16xi32> to vector<16xi32>
    tpu.vector_store %arg9[%swap3A_288], %swap3A_291 {strides = array<i32>} : memref<800xi32, #tpu.memory_space<vmem>>, vector<16xi32>,
    %get3A_292 = arith.constant 256 : index
    %get3A_293 = tpu.vector_load %arg9[%get3A_292] {strides = array<i32>} : memref<800xi32, #tpu.memory_space<vmem>>, vector<16xi32>,
    %get3A_294 = vector.shape_cast %get3A_293 : vector<16xi32> to vector<16xi32>
    %get3A_295 = arith.constant 256 : index
    %get3A_296 = tpu.vector_load %arg7[%get3A_295] {strides = array<i32>} : memref<800xi32, #tpu.memory_space<vmem>>, vector<16xi32>,
    %get3A_297 = vector.shape_cast %get3A_296 : vector<16xi32> to vector<16xi32>
    %eq3A_298 = arith.constant 0 : i32
    %eq3A_299 = vector.broadcast %eq3A_298 : i32 to vector<16xi32>
    %eq3A_300 = arith.cmpi eq, %get3A_297, %eq3A_299 : vector<16xi32>
    %add3A_301 = arith.constant 512 : i32
    %add3A_302 = vector.broadcast %add3A_301 : i32 to vector<16xi32>
    %add3A_303 = arith.addi %get3A_294, %add3A_302 : vector<16xi32>
    %select_n3A_304 = arith.select %eq3A_300, %add3A_303, %get3A_294 : vector<16xi1>, vector<16xi32>
    %swap3A_305 = arith.constant 256 : index
    %swap3A_306 = tpu.vector_load %arg9[%swap3A_305] {strides = array<i32>} : memref<800xi32, #tpu.memory_space<vmem>>, vector<16xi32>,
    %swap3A_307 = vector.shape_cast %swap3A_306 : vector<16xi32> to vector<16xi32>
    %swap3A_308 = vector.shape_cast %select_n3A_304 : vector<16xi32> to vector<16xi32>
    tpu.vector_store %arg9[%swap3A_305], %swap3A_308 {strides = array<i32>} : memref<800xi32, #tpu.memory_space<vmem>>, vector<16xi32>,
    %get3A_309 = arith.constant 272 : index
    %get3A_310 = tpu.vector_load %arg9[%get3A_309] {strides = array<i32>} : memref<800xi32, #tpu.memory_space<vmem>>, vector<16xi32>,
    %get3A_311 = vector.shape_cast %get3A_310 : vector<16xi32> to vector<16xi32>
    %get3A_312 = arith.constant 272 : index
    %get3A_313 = tpu.vector_load %arg7[%get3A_312] {strides = array<i32>} : memref<800xi32, #tpu.memory_space<vmem>>, vector<16xi32>,
    %get3A_314 = vector.shape_cast %get3A_313 : vector<16xi32> to vector<16xi32>
    %eq3A_315 = arith.constant 0 : i32
    %eq3A_316 = vector.broadcast %eq3A_315 : i32 to vector<16xi32>
    %eq3A_317 = arith.cmpi eq, %get3A_314, %eq3A_316 : vector<16xi32>
    %add3A_318 = arith.constant 512 : i32
    %add3A_319 = vector.broadcast %add3A_318 : i32 to vector<16xi32>
    %add3A_320 = arith.addi %get3A_311, %add3A_319 : vector<16xi32>
    %select_n3A_321 = arith.select %eq3A_317, %add3A_320, %get3A_311 : vector<16xi1>, vector<16xi32>
    %swap3A_322 = arith.constant 272 : index
    %swap3A_323 = tpu.vector_load %arg9[%swap3A_322] {strides = array<i32>} : memref<800xi32, #tpu.memory_space<vmem>>, vector<16xi32>,
    %swap3A_324 = vector.shape_cast %swap3A_323 : vector<16xi32> to vector<16xi32>
    %swap3A_325 = vector.shape_cast %select_n3A_321 : vector<16xi32> to vector<16xi32>
    tpu.vector_store %arg9[%swap3A_322], %swap3A_325 {strides = array<i32>} : memref<800xi32, #tpu.memory_space<vmem>>, vector<16xi32>,
    %get3A_326 = arith.constant 288 : index
    %get3A_327 = tpu.vector_load %arg9[%get3A_326] {strides = array<i32>} : memref<800xi32, #tpu.memory_space<vmem>>, vector<16xi32>,
    %get3A_328 = vector.shape_cast %get3A_327 : vector<16xi32> to vector<16xi32>
    %get3A_329 = arith.constant 288 : index
    %get3A_330 = tpu.vector_load %arg7[%get3A_329] {strides = array<i32>} : memref<800xi32, #tpu.memory_space<vmem>>, vector<16xi32>,
    %get3A_331 = vector.shape_cast %get3A_330 : vector<16xi32> to vector<16xi32>
    %eq3A_332 = arith.constant 0 : i32
    %eq3A_333 = vector.broadcast %eq3A_332 : i32 to vector<16xi32>
    %eq3A_334 = arith.cmpi eq, %get3A_331, %eq3A_333 : vector<16xi32>
    %add3A_335 = arith.constant 512 : i32
    %add3A_336 = vector.broadcast %add3A_335 : i32 to vector<16xi32>
    %add3A_337 = arith.addi %get3A_328, %add3A_336 : vector<16xi32>
    %select_n3A_338 = arith.select %eq3A_334, %add3A_337, %get3A_328 : vector<16xi1>, vector<16xi32>
    %swap3A_339 = arith.constant 288 : index
    %swap3A_340 = tpu.vector_load %arg9[%swap3A_339] {strides = array<i32>} : memref<800xi32, #tpu.memory_space<vmem>>, vector<16xi32>,
    %swap3A_341 = vector.shape_cast %swap3A_340 : vector<16xi32> to vector<16xi32>
    %swap3A_342 = vector.shape_cast %select_n3A_338 : vector<16xi32> to vector<16xi32>
    tpu.vector_store %arg9[%swap3A_339], %swap3A_342 {strides = array<i32>} : memref<800xi32, #tpu.memory_space<vmem>>, vector<16xi32>,
    %get3A_343 = arith.constant 304 : index
    %get3A_344 = tpu.vector_load %arg9[%get3A_343] {strides = array<i32>} : memref<800xi32, #tpu.memory_space<vmem>>, vector<16xi32>,
    %get3A_345 = vector.shape_cast %get3A_344 : vector<16xi32> to vector<16xi32>
    %get3A_346 = arith.constant 304 : index
    %get3A_347 = tpu.vector_load %arg7[%get3A_346] {strides = array<i32>} : memref<800xi32, #tpu.memory_space<vmem>>, vector<16xi32>,
    %get3A_348 = vector.shape_cast %get3A_347 : vector<16xi32> to vector<16xi32>
    %eq3A_349 = arith.constant 0 : i32
    %eq3A_350 = vector.broadcast %eq3A_349 : i32 to vector<16xi32>
    %eq3A_351 = arith.cmpi eq, %get3A_348, %eq3A_350 : vector<16xi32>
    %add3A_352 = arith.constant 512 : i32
    %add3A_353 = vector.broadcast %add3A_352 : i32 to vector<16xi32>
    %add3A_354 = arith.addi %get3A_345, %add3A_353 : vector<16xi32>
    %select_n3A_355 = arith.select %eq3A_351, %add3A_354, %get3A_345 : vector<16xi1>, vector<16xi32>
    %swap3A_356 = arith.constant 304 : index
    %swap3A_357 = tpu.vector_load %arg9[%swap3A_356] {strides = array<i32>} : memref<800xi32, #tpu.memory_space<vmem>>, vector<16xi32>,
    %swap3A_358 = vector.shape_cast %swap3A_357 : vector<16xi32> to vector<16xi32>
    %swap3A_359 = vector.shape_cast %select_n3A_355 : vector<16xi32> to vector<16xi32>
    tpu.vector_store %arg9[%swap3A_356], %swap3A_359 {strides = array<i32>} : memref<800xi32, #tpu.memory_space<vmem>>, vector<16xi32>,
    %get3A_360 = arith.constant 320 : index
    %get3A_361 = tpu.vector_load %arg9[%get3A_360] {strides = array<i32>} : memref<800xi32, #tpu.memory_space<vmem>>, vector<16xi32>,
    %get3A_362 = vector.shape_cast %get3A_361 : vector<16xi32> to vector<16xi32>
    %get3A_363 = arith.constant 320 : index
    %get3A_364 = tpu.vector_load %arg7[%get3A_363] {strides = array<i32>} : memref<800xi32, #tpu.memory_space<vmem>>, vector<16xi32>,
    %get3A_365 = vector.shape_cast %get3A_364 : vector<16xi32> to vector<16xi32>
    %eq3A_366 = arith.constant 0 : i32
    %eq3A_367 = vector.broadcast %eq3A_366 : i32 to vector<16xi32>
    %eq3A_368 = arith.cmpi eq, %get3A_365, %eq3A_367 : vector<16xi32>
    %add3A_369 = arith.constant 512 : i32
    %add3A_370 = vector.broadcast %add3A_369 : i32 to vector<16xi32>
    %add3A_371 = arith.addi %get3A_362, %add3A_370 : vector<16xi32>
    %select_n3A_372 = arith.select %eq3A_368, %add3A_371, %get3A_362 : vector<16xi1>, vector<16xi32>
    %swap3A_373 = arith.constant 320 : index
    %swap3A_374 = tpu.vector_load %arg9[%swap3A_373] {strides = array<i32>} : memref<800xi32, #tpu.memory_space<vmem>>, vector<16xi32>,
    %swap3A_375 = vector.shape_cast %swap3A_374 : vector<16xi32> to vector<16xi32>
    %swap3A_376 = vector.shape_cast %select_n3A_372 : vector<16xi32> to vector<16xi32>
    tpu.vector_store %arg9[%swap3A_373], %swap3A_376 {strides = array<i32>} : memref<800xi32, #tpu.memory_space<vmem>>, vector<16xi32>,
    %get3A_377 = arith.constant 336 : index
    %get3A_378 = tpu.vector_load %arg9[%get3A_377] {strides = array<i32>} : memref<800xi32, #tpu.memory_space<vmem>>, vector<16xi32>,
    %get3A_379 = vector.shape_cast %get3A_378 : vector<16xi32> to vector<16xi32>
    %get3A_380 = arith.constant 336 : index
    %get3A_381 = tpu.vector_load %arg7[%get3A_380] {strides = array<i32>} : memref<800xi32, #tpu.memory_space<vmem>>, vector<16xi32>,
    %get3A_382 = vector.shape_cast %get3A_381 : vector<16xi32> to vector<16xi32>
    %eq3A_383 = arith.constant 0 : i32
    %eq3A_384 = vector.broadcast %eq3A_383 : i32 to vector<16xi32>
    %eq3A_385 = arith.cmpi eq, %get3A_382, %eq3A_384 : vector<16xi32>
    %add3A_386 = arith.constant 512 : i32
    %add3A_387 = vector.broadcast %add3A_386 : i32 to vector<16xi32>
    %add3A_388 = arith.addi %get3A_379, %add3A_387 : vector<16xi32>
    %select_n3A_389 = arith.select %eq3A_385, %add3A_388, %get3A_379 : vector<16xi1>, vector<16xi32>
    %swap3A_390 = arith.constant 336 : index
    %swap3A_391 = tpu.vector_load %arg9[%swap3A_390] {strides = array<i32>} : memref<800xi32, #tpu.memory_space<vmem>>, vector<16xi32>,
    %swap3A_392 = vector.shape_cast %swap3A_391 : vector<16xi32> to vector<16xi32>
    %swap3A_393 = vector.shape_cast %select_n3A_389 : vector<16xi32> to vector<16xi32>
    tpu.vector_store %arg9[%swap3A_390], %swap3A_393 {strides = array<i32>} : memref<800xi32, #tpu.memory_space<vmem>>, vector<16xi32>,
    %get3A_394 = arith.constant 352 : index
    %get3A_395 = tpu.vector_load %arg9[%get3A_394] {strides = array<i32>} : memref<800xi32, #tpu.memory_space<vmem>>, vector<16xi32>,
    %get3A_396 = vector.shape_cast %get3A_395 : vector<16xi32> to vector<16xi32>
    %get3A_397 = arith.constant 352 : index
    %get3A_398 = tpu.vector_load %arg7[%get3A_397] {strides = array<i32>} : memref<800xi32, #tpu.memory_space<vmem>>, vector<16xi32>,
    %get3A_399 = vector.shape_cast %get3A_398 : vector<16xi32> to vector<16xi32>
    %eq3A_400 = arith.constant 0 : i32
    %eq3A_401 = vector.broadcast %eq3A_400 : i32 to vector<16xi32>
    %eq3A_402 = arith.cmpi eq, %get3A_399, %eq3A_401 : vector<16xi32>
    %add3A_403 = arith.constant 512 : i32
    %add3A_404 = vector.broadcast %add3A_403 : i32 to vector<16xi32>
    %add3A_405 = arith.addi %get3A_396, %add3A_404 : vector<16xi32>
    %select_n3A_406 = arith.select %eq3A_402, %add3A_405, %get3A_396 : vector<16xi1>, vector<16xi32>
    %swap3A_407 = arith.constant 352 : index
    %swap3A_408 = tpu.vector_load %arg9[%swap3A_407] {strides = array<i32>} : memref<800xi32, #tpu.memory_space<vmem>>, vector<16xi32>,
    %swap3A_409 = vector.shape_cast %swap3A_408 : vector<16xi32> to vector<16xi32>
    %swap3A_410 = vector.shape_cast %select_n3A_406 : vector<16xi32> to vector<16xi32>
    tpu.vector_store %arg9[%swap3A_407], %swap3A_410 {strides = array<i32>} : memref<800xi32, #tpu.memory_space<vmem>>, vector<16xi32>,
    %get3A_411 = arith.constant 368 : index
    %get3A_412 = tpu.vector_load %arg9[%get3A_411] {strides = array<i32>} : memref<800xi32, #tpu.memory_space<vmem>>, vector<16xi32>,
    %get3A_413 = vector.shape_cast %get3A_412 : vector<16xi32> to vector<16xi32>
    %get3A_414 = arith.constant 368 : index
    %get3A_415 = tpu.vector_load %arg7[%get3A_414] {strides = array<i32>} : memref<800xi32, #tpu.memory_space<vmem>>, vector<16xi32>,
    %get3A_416 = vector.shape_cast %get3A_415 : vector<16xi32> to vector<16xi32>
    %eq3A_417 = arith.constant 0 : i32
    %eq3A_418 = vector.broadcast %eq3A_417 : i32 to vector<16xi32>
    %eq3A_419 = arith.cmpi eq, %get3A_416, %eq3A_418 : vector<16xi32>
    %add3A_420 = arith.constant 512 : i32
    %add3A_421 = vector.broadcast %add3A_420 : i32 to vector<16xi32>
    %add3A_422 = arith.addi %get3A_413, %add3A_421 : vector<16xi32>
    %select_n3A_423 = arith.select %eq3A_419, %add3A_422, %get3A_413 : vector<16xi1>, vector<16xi32>
    %swap3A_424 = arith.constant 368 : index
    %swap3A_425 = tpu.vector_load %arg9[%swap3A_424] {strides = array<i32>} : memref<800xi32, #tpu.memory_space<vmem>>, vector<16xi32>,
    %swap3A_426 = vector.shape_cast %swap3A_425 : vector<16xi32> to vector<16xi32>
    %swap3A_427 = vector.shape_cast %select_n3A_423 : vector<16xi32> to vector<16xi32>
    tpu.vector_store %arg9[%swap3A_424], %swap3A_427 {strides = array<i32>} : memref<800xi32, #tpu.memory_space<vmem>>, vector<16xi32>,
    %get3A_428 = arith.constant 384 : index
    %get3A_429 = tpu.vector_load %arg9[%get3A_428] {strides = array<i32>} : memref<800xi32, #tpu.memory_space<vmem>>, vector<16xi32>,
    %get3A_430 = vector.shape_cast %get3A_429 : vector<16xi32> to vector<16xi32>
    %get3A_431 = arith.constant 384 : index
    %get3A_432 = tpu.vector_load %arg7[%get3A_431] {strides = array<i32>} : memref<800xi32, #tpu.memory_space<vmem>>, vector<16xi32>,
    %get3A_433 = vector.shape_cast %get3A_432 : vector<16xi32> to vector<16xi32>
    %eq3A_434 = arith.constant 0 : i32
    %eq3A_435 = vector.broadcast %eq3A_434 : i32 to vector<16xi32>
    %eq3A_436 = arith.cmpi eq, %get3A_433, %eq3A_435 : vector<16xi32>
    %add3A_437 = arith.constant 512 : i32
    %add3A_438 = vector.broadcast %add3A_437 : i32 to vector<16xi32>
    %add3A_439 = arith.addi %get3A_430, %add3A_438 : vector<16xi32>
    %select_n3A_440 = arith.select %eq3A_436, %add3A_439, %get3A_430 : vector<16xi1>, vector<16xi32>
    %swap3A_441 = arith.constant 384 : index
    %swap3A_442 = tpu.vector_load %arg9[%swap3A_441] {strides = array<i32>} : memref<800xi32, #tpu.memory_space<vmem>>, vector<16xi32>,
    %swap3A_443 = vector.shape_cast %swap3A_442 : vector<16xi32> to vector<16xi32>
    %swap3A_444 = vector.shape_cast %select_n3A_440 : vector<16xi32> to vector<16xi32>
    tpu.vector_store %arg9[%swap3A_441], %swap3A_444 {strides = array<i32>} : memref<800xi32, #tpu.memory_space<vmem>>, vector<16xi32>,
    %get3A_445 = arith.constant 400 : index
    %get3A_446 = tpu.vector_load %arg9[%get3A_445] {strides = array<i32>} : memref<800xi32, #tpu.memory_space<vmem>>, vector<16xi32>,
    %get3A_447 = vector.shape_cast %get3A_446 : vector<16xi32> to vector<16xi32>
    %get3A_448 = arith.constant 400 : index
    %get3A_449 = tpu.vector_load %arg7[%get3A_448] {strides = array<i32>} : memref<800xi32, #tpu.memory_space<vmem>>, vector<16xi32>,
    %get3A_450 = vector.shape_cast %get3A_449 : vector<16xi32> to vector<16xi32>
    %eq3A_451 = arith.constant 0 : i32
    %eq3A_452 = vector.broadcast %eq3A_451 : i32 to vector<16xi32>
    %eq3A_453 = arith.cmpi eq, %get3A_450, %eq3A_452 : vector<16xi32>
    %add3A_454 = arith.constant 512 : i32
    %add3A_455 = vector.broadcast %add3A_454 : i32 to vector<16xi32>
    %add3A_456 = arith.addi %get3A_447, %add3A_455 : vector<16xi32>
    %select_n3A_457 = arith.select %eq3A_453, %add3A_456, %get3A_447 : vector<16xi1>, vector<16xi32>
    %swap3A_458 = arith.constant 400 : index
    %swap3A_459 = tpu.vector_load %arg9[%swap3A_458] {strides = array<i32>} : memref<800xi32, #tpu.memory_space<vmem>>, vector<16xi32>,
    %swap3A_460 = vector.shape_cast %swap3A_459 : vector<16xi32> to vector<16xi32>
    %swap3A_461 = vector.shape_cast %select_n3A_457 : vector<16xi32> to vector<16xi32>
    tpu.vector_store %arg9[%swap3A_458], %swap3A_461 {strides = array<i32>} : memref<800xi32, #tpu.memory_space<vmem>>, vector<16xi32>,
    %get3A_462 = arith.constant 416 : index
    %get3A_463 = tpu.vector_load %arg9[%get3A_462] {strides = array<i32>} : memref<800xi32, #tpu.memory_space<vmem>>, vector<16xi32>,
    %get3A_464 = vector.shape_cast %get3A_463 : vector<16xi32> to vector<16xi32>
    %get3A_465 = arith.constant 416 : index
    %get3A_466 = tpu.vector_load %arg7[%get3A_465] {strides = array<i32>} : memref<800xi32, #tpu.memory_space<vmem>>, vector<16xi32>,
    %get3A_467 = vector.shape_cast %get3A_466 : vector<16xi32> to vector<16xi32>
    %eq3A_468 = arith.constant 0 : i32
    %eq3A_469 = vector.broadcast %eq3A_468 : i32 to vector<16xi32>
    %eq3A_470 = arith.cmpi eq, %get3A_467, %eq3A_469 : vector<16xi32>
    %add3A_471 = arith.constant 512 : i32
    %add3A_472 = vector.broadcast %add3A_471 : i32 to vector<16xi32>
    %add3A_473 = arith.addi %get3A_464, %add3A_472 : vector<16xi32>
    %select_n3A_474 = arith.select %eq3A_470, %add3A_473, %get3A_464 : vector<16xi1>, vector<16xi32>
    %swap3A_475 = arith.constant 416 : index
    %swap3A_476 = tpu.vector_load %arg9[%swap3A_475] {strides = array<i32>} : memref<800xi32, #tpu.memory_space<vmem>>, vector<16xi32>,
    %swap3A_477 = vector.shape_cast %swap3A_476 : vector<16xi32> to vector<16xi32>
    %swap3A_478 = vector.shape_cast %select_n3A_474 : vector<16xi32> to vector<16xi32>
    tpu.vector_store %arg9[%swap3A_475], %swap3A_478 {strides = array<i32>} : memref<800xi32, #tpu.memory_space<vmem>>, vector<16xi32>,
    %get3A_479 = arith.constant 432 : index
    %get3A_480 = tpu.vector_load %arg9[%get3A_479] {strides = array<i32>} : memref<800xi32, #tpu.memory_space<vmem>>, vector<16xi32>,
    %get3A_481 = vector.shape_cast %get3A_480 : vector<16xi32> to vector<16xi32>
    %get3A_482 = arith.constant 432 : index
    %get3A_483 = tpu.vector_load %arg7[%get3A_482] {strides = array<i32>} : memref<800xi32, #tpu.memory_space<vmem>>, vector<16xi32>,
    %get3A_484 = vector.shape_cast %get3A_483 : vector<16xi32> to vector<16xi32>
    %eq3A_485 = arith.constant 0 : i32
    %eq3A_486 = vector.broadcast %eq3A_485 : i32 to vector<16xi32>
    %eq3A_487 = arith.cmpi eq, %get3A_484, %eq3A_486 : vector<16xi32>
    %add3A_488 = arith.constant 512 : i32
    %add3A_489 = vector.broadcast %add3A_488 : i32 to vector<16xi32>
    %add3A_490 = arith.addi %get3A_481, %add3A_489 : vector<16xi32>
    %select_n3A_491 = arith.select %eq3A_487, %add3A_490, %get3A_481 : vector<16xi1>, vector<16xi32>
    %swap3A_492 = arith.constant 432 : index
    %swap3A_493 = tpu.vector_load %arg9[%swap3A_492] {strides = array<i32>} : memref<800xi32, #tpu.memory_space<vmem>>, vector<16xi32>,
    %swap3A_494 = vector.shape_cast %swap3A_493 : vector<16xi32> to vector<16xi32>
    %swap3A_495 = vector.shape_cast %select_n3A_491 : vector<16xi32> to vector<16xi32>
    tpu.vector_store %arg9[%swap3A_492], %swap3A_495 {strides = array<i32>} : memref<800xi32, #tpu.memory_space<vmem>>, vector<16xi32>,
    %get3A_496 = arith.constant 448 : index
    %get3A_497 = tpu.vector_load %arg9[%get3A_496] {strides = array<i32>} : memref<800xi32, #tpu.memory_space<vmem>>, vector<16xi32>,
    %get3A_498 = vector.shape_cast %get3A_497 : vector<16xi32> to vector<16xi32>
    %get3A_499 = arith.constant 448 : index
    %get3A_500 = tpu.vector_load %arg7[%get3A_499] {strides = array<i32>} : memref<800xi32, #tpu.memory_space<vmem>>, vector<16xi32>,
    %get3A_501 = vector.shape_cast %get3A_500 : vector<16xi32> to vector<16xi32>
    %eq3A_502 = arith.constant 0 : i32
    %eq3A_503 = vector.broadcast %eq3A_502 : i32 to vector<16xi32>
    %eq3A_504 = arith.cmpi eq, %get3A_501, %eq3A_503 : vector<16xi32>
    %add3A_505 = arith.constant 512 : i32
    %add3A_506 = vector.broadcast %add3A_505 : i32 to vector<16xi32>
    %add3A_507 = arith.addi %get3A_498, %add3A_506 : vector<16xi32>
    %select_n3A_508 = arith.select %eq3A_504, %add3A_507, %get3A_498 : vector<16xi1>, vector<16xi32>
    %swap3A_509 = arith.constant 448 : index
    %swap3A_510 = tpu.vector_load %arg9[%swap3A_509] {strides = array<i32>} : memref<800xi32, #tpu.memory_space<vmem>>, vector<16xi32>,
    %swap3A_511 = vector.shape_cast %swap3A_510 : vector<16xi32> to vector<16xi32>
    %swap3A_512 = vector.shape_cast %select_n3A_508 : vector<16xi32> to vector<16xi32>
    tpu.vector_store %arg9[%swap3A_509], %swap3A_512 {strides = array<i32>} : memref<800xi32, #tpu.memory_space<vmem>>, vector<16xi32>,
    %get3A_513 = arith.constant 464 : index
    %get3A_514 = tpu.vector_load %arg9[%get3A_513] {strides = array<i32>} : memref<800xi32, #tpu.memory_space<vmem>>, vector<16xi32>,
    %get3A_515 = vector.shape_cast %get3A_514 : vector<16xi32> to vector<16xi32>
    %get3A_516 = arith.constant 464 : index
    %get3A_517 = tpu.vector_load %arg7[%get3A_516] {strides = array<i32>} : memref<800xi32, #tpu.memory_space<vmem>>, vector<16xi32>,
    %get3A_518 = vector.shape_cast %get3A_517 : vector<16xi32> to vector<16xi32>
    %eq3A_519 = arith.constant 0 : i32
    %eq3A_520 = vector.broadcast %eq3A_519 : i32 to vector<16xi32>
    %eq3A_521 = arith.cmpi eq, %get3A_518, %eq3A_520 : vector<16xi32>
    %add3A_522 = arith.constant 512 : i32
    %add3A_523 = vector.broadcast %add3A_522 : i32 to vector<16xi32>
    %add3A_524 = arith.addi %get3A_515, %add3A_523 : vector<16xi32>
    %select_n3A_525 = arith.select %eq3A_521, %add3A_524, %get3A_515 : vector<16xi1>, vector<16xi32>
    %swap3A_526 = arith.constant 464 : index
    %swap3A_527 = tpu.vector_load %arg9[%swap3A_526] {strides = array<i32>} : memref<800xi32, #tpu.memory_space<vmem>>, vector<16xi32>,
    %swap3A_528 = vector.shape_cast %swap3A_527 : vector<16xi32> to vector<16xi32>
    %swap3A_529 = vector.shape_cast %select_n3A_525 : vector<16xi32> to vector<16xi32>
    tpu.vector_store %arg9[%swap3A_526], %swap3A_529 {strides = array<i32>} : memref<800xi32, #tpu.memory_space<vmem>>, vector<16xi32>,
    %get3A_530 = arith.constant 480 : index
    %get3A_531 = tpu.vector_load %arg9[%get3A_530] {strides = array<i32>} : memref<800xi32, #tpu.memory_space<vmem>>, vector<16xi32>,
    %get3A_532 = vector.shape_cast %get3A_531 : vector<16xi32> to vector<16xi32>
    %get3A_533 = arith.constant 480 : index
    %get3A_534 = tpu.vector_load %arg7[%get3A_533] {strides = array<i32>} : memref<800xi32, #tpu.memory_space<vmem>>, vector<16xi32>,
    %get3A_535 = vector.shape_cast %get3A_534 : vector<16xi32> to vector<16xi32>
    %eq3A_536 = arith.constant 0 : i32
    %eq3A_537 = vector.broadcast %eq3A_536 : i32 to vector<16xi32>
    %eq3A_538 = arith.cmpi eq, %get3A_535, %eq3A_537 : vector<16xi32>
    %add3A_539 = arith.constant 512 : i32
    %add3A_540 = vector.broadcast %add3A_539 : i32 to vector<16xi32>
    %add3A_541 = arith.addi %get3A_532, %add3A_540 : vector<16xi32>
    %select_n3A_542 = arith.select %eq3A_538, %add3A_541, %get3A_532 : vector<16xi1>, vector<16xi32>
    %swap3A_543 = arith.constant 480 : index
    %swap3A_544 = tpu.vector_load %arg9[%swap3A_543] {strides = array<i32>} : memref<800xi32, #tpu.memory_space<vmem>>, vector<16xi32>,
    %swap3A_545 = vector.shape_cast %swap3A_544 : vector<16xi32> to vector<16xi32>
    %swap3A_546 = vector.shape_cast %select_n3A_542 : vector<16xi32> to vector<16xi32>
    tpu.vector_store %arg9[%swap3A_543], %swap3A_546 {strides = array<i32>} : memref<800xi32, #tpu.memory_space<vmem>>, vector<16xi32>,
    %get3A_547 = arith.constant 496 : index
    %get3A_548 = tpu.vector_load %arg9[%get3A_547] {strides = array<i32>} : memref<800xi32, #tpu.memory_space<vmem>>, vector<16xi32>,
    %get3A_549 = vector.shape_cast %get3A_548 : vector<16xi32> to vector<16xi32>
    %get3A_550 = arith.constant 496 : index
    %get3A_551 = tpu.vector_load %arg7[%get3A_550] {strides = array<i32>} : memref<800xi32, #tpu.memory_space<vmem>>, vector<16xi32>,
    %get3A_552 = vector.shape_cast %get3A_551 : vector<16xi32> to vector<16xi32>
    %eq3A_553 = arith.constant 0 : i32
    %eq3A_554 = vector.broadcast %eq3A_553 : i32 to vector<16xi32>
    %eq3A_555 = arith.cmpi eq, %get3A_552, %eq3A_554 : vector<16xi32>
    %add3A_556 = arith.constant 512 : i32
    %add3A_557 = vector.broadcast %add3A_556 : i32 to vector<16xi32>
    %add3A_558 = arith.addi %get3A_549, %add3A_557 : vector<16xi32>
    %select_n3A_559 = arith.select %eq3A_555, %add3A_558, %get3A_549 : vector<16xi1>, vector<16xi32>
    %swap3A_560 = arith.constant 496 : index
    %swap3A_561 = tpu.vector_load %arg9[%swap3A_560] {strides = array<i32>} : memref<800xi32, #tpu.memory_space<vmem>>, vector<16xi32>,
    %swap3A_562 = vector.shape_cast %swap3A_561 : vector<16xi32> to vector<16xi32>
    %swap3A_563 = vector.shape_cast %select_n3A_559 : vector<16xi32> to vector<16xi32>
    tpu.vector_store %arg9[%swap3A_560], %swap3A_563 {strides = array<i32>} : memref<800xi32, #tpu.memory_space<vmem>>, vector<16xi32>,
    %get3A_564 = arith.constant 512 : index
    %get3A_565 = tpu.vector_load %arg9[%get3A_564] {strides = array<i32>} : memref<800xi32, #tpu.memory_space<vmem>>, vector<16xi32>,
    %get3A_566 = vector.shape_cast %get3A_565 : vector<16xi32> to vector<16xi32>
    %get3A_567 = arith.constant 512 : index
    %get3A_568 = tpu.vector_load %arg7[%get3A_567] {strides = array<i32>} : memref<800xi32, #tpu.memory_space<vmem>>, vector<16xi32>,
    %get3A_569 = vector.shape_cast %get3A_568 : vector<16xi32> to vector<16xi32>
    %eq3A_570 = arith.constant 0 : i32
    %eq3A_571 = vector.broadcast %eq3A_570 : i32 to vector<16xi32>
    %eq3A_572 = arith.cmpi eq, %get3A_569, %eq3A_571 : vector<16xi32>
    %add3A_573 = arith.constant 512 : i32
    %add3A_574 = vector.broadcast %add3A_573 : i32 to vector<16xi32>
    %add3A_575 = arith.addi %get3A_566, %add3A_574 : vector<16xi32>
    %select_n3A_576 = arith.select %eq3A_572, %add3A_575, %get3A_566 : vector<16xi1>, vector<16xi32>
    %swap3A_577 = arith.constant 512 : index
    %swap3A_578 = tpu.vector_load %arg9[%swap3A_577] {strides = array<i32>} : memref<800xi32, #tpu.memory_space<vmem>>, vector<16xi32>,
    %swap3A_579 = vector.shape_cast %swap3A_578 : vector<16xi32> to vector<16xi32>
    %swap3A_580 = vector.shape_cast %select_n3A_576 : vector<16xi32> to vector<16xi32>
    tpu.vector_store %arg9[%swap3A_577], %swap3A_580 {strides = array<i32>} : memref<800xi32, #tpu.memory_space<vmem>>, vector<16xi32>,
    %get3A_581 = arith.constant 528 : index
    %get3A_582 = tpu.vector_load %arg9[%get3A_581] {strides = array<i32>} : memref<800xi32, #tpu.memory_space<vmem>>, vector<16xi32>,
    %get3A_583 = vector.shape_cast %get3A_582 : vector<16xi32> to vector<16xi32>
    %get3A_584 = arith.constant 528 : index
    %get3A_585 = tpu.vector_load %arg7[%get3A_584] {strides = array<i32>} : memref<800xi32, #tpu.memory_space<vmem>>, vector<16xi32>,
    %get3A_586 = vector.shape_cast %get3A_585 : vector<16xi32> to vector<16xi32>
    %eq3A_587 = arith.constant 0 : i32
    %eq3A_588 = vector.broadcast %eq3A_587 : i32 to vector<16xi32>
    %eq3A_589 = arith.cmpi eq, %get3A_586, %eq3A_588 : vector<16xi32>
    %add3A_590 = arith.constant 512 : i32
    %add3A_591 = vector.broadcast %add3A_590 : i32 to vector<16xi32>
    %add3A_592 = arith.addi %get3A_583, %add3A_591 : vector<16xi32>
    %select_n3A_593 = arith.select %eq3A_589, %add3A_592, %get3A_583 : vector<16xi1>, vector<16xi32>
    %swap3A_594 = arith.constant 528 : index
    %swap3A_595 = tpu.vector_load %arg9[%swap3A_594] {strides = array<i32>} : memref<800xi32, #tpu.memory_space<vmem>>, vector<16xi32>,
    %swap3A_596 = vector.shape_cast %swap3A_595 : vector<16xi32> to vector<16xi32>
    %swap3A_597 = vector.shape_cast %select_n3A_593 : vector<16xi32> to vector<16xi32>
    tpu.vector_store %arg9[%swap3A_594], %swap3A_597 {strides = array<i32>} : memref<800xi32, #tpu.memory_space<vmem>>, vector<16xi32>,
    %get3A_598 = arith.constant 544 : index
    %get3A_599 = tpu.vector_load %arg9[%get3A_598] {strides = array<i32>} : memref<800xi32, #tpu.memory_space<vmem>>, vector<16xi32>,
    %get3A_600 = vector.shape_cast %get3A_599 : vector<16xi32> to vector<16xi32>
    %get3A_601 = arith.constant 544 : index
    %get3A_602 = tpu.vector_load %arg7[%get3A_601] {strides = array<i32>} : memref<800xi32, #tpu.memory_space<vmem>>, vector<16xi32>,
    %get3A_603 = vector.shape_cast %get3A_602 : vector<16xi32> to vector<16xi32>
    %eq3A_604 = arith.constant 0 : i32
    %eq3A_605 = vector.broadcast %eq3A_604 : i32 to vector<16xi32>
    %eq3A_606 = arith.cmpi eq, %get3A_603, %eq3A_605 : vector<16xi32>
    %add3A_607 = arith.constant 512 : i32
    %add3A_608 = vector.broadcast %add3A_607 : i32 to vector<16xi32>
    %add3A_609 = arith.addi %get3A_600, %add3A_608 : vector<16xi32>
    %select_n3A_610 = arith.select %eq3A_606, %add3A_609, %get3A_600 : vector<16xi1>, vector<16xi32>
    %swap3A_611 = arith.constant 544 : index
    %swap3A_612 = tpu.vector_load %arg9[%swap3A_611] {strides = array<i32>} : memref<800xi32, #tpu.memory_space<vmem>>, vector<16xi32>,
    %swap3A_613 = vector.shape_cast %swap3A_612 : vector<16xi32> to vector<16xi32>
    %swap3A_614 = vector.shape_cast %select_n3A_610 : vector<16xi32> to vector<16xi32>
    tpu.vector_store %arg9[%swap3A_611], %swap3A_614 {strides = array<i32>} : memref<800xi32, #tpu.memory_space<vmem>>, vector<16xi32>,
    %get3A_615 = arith.constant 560 : index
    %get3A_616 = tpu.vector_load %arg9[%get3A_615] {strides = array<i32>} : memref<800xi32, #tpu.memory_space<vmem>>, vector<16xi32>,
    %get3A_617 = vector.shape_cast %get3A_616 : vector<16xi32> to vector<16xi32>
    %get3A_618 = arith.constant 560 : index
    %get3A_619 = tpu.vector_load %arg7[%get3A_618] {strides = array<i32>} : memref<800xi32, #tpu.memory_space<vmem>>, vector<16xi32>,
    %get3A_620 = vector.shape_cast %get3A_619 : vector<16xi32> to vector<16xi32>
    %eq3A_621 = arith.constant 0 : i32
    %eq3A_622 = vector.broadcast %eq3A_621 : i32 to vector<16xi32>
    %eq3A_623 = arith.cmpi eq, %get3A_620, %eq3A_622 : vector<16xi32>
    %add3A_624 = arith.constant 512 : i32
    %add3A_625 = vector.broadcast %add3A_624 : i32 to vector<16xi32>
    %add3A_626 = arith.addi %get3A_617, %add3A_625 : vector<16xi32>
    %select_n3A_627 = arith.select %eq3A_623, %add3A_626, %get3A_617 : vector<16xi1>, vector<16xi32>
    %swap3A_628 = arith.constant 560 : index
    %swap3A_629 = tpu.vector_load %arg9[%swap3A_628] {strides = array<i32>} : memref<800xi32, #tpu.memory_space<vmem>>, vector<16xi32>,
    %swap3A_630 = vector.shape_cast %swap3A_629 : vector<16xi32> to vector<16xi32>
    %swap3A_631 = vector.shape_cast %select_n3A_627 : vector<16xi32> to vector<16xi32>
    tpu.vector_store %arg9[%swap3A_628], %swap3A_631 {strides = array<i32>} : memref<800xi32, #tpu.memory_space<vmem>>, vector<16xi32>,
    %get3A_632 = arith.constant 576 : index
    %get3A_633 = tpu.vector_load %arg9[%get3A_632] {strides = array<i32>} : memref<800xi32, #tpu.memory_space<vmem>>, vector<16xi32>,
    %get3A_634 = vector.shape_cast %get3A_633 : vector<16xi32> to vector<16xi32>
    %get3A_635 = arith.constant 576 : index
    %get3A_636 = tpu.vector_load %arg7[%get3A_635] {strides = array<i32>} : memref<800xi32, #tpu.memory_space<vmem>>, vector<16xi32>,
    %get3A_637 = vector.shape_cast %get3A_636 : vector<16xi32> to vector<16xi32>
    %eq3A_638 = arith.constant 0 : i32
    %eq3A_639 = vector.broadcast %eq3A_638 : i32 to vector<16xi32>
    %eq3A_640 = arith.cmpi eq, %get3A_637, %eq3A_639 : vector<16xi32>
    %add3A_641 = arith.constant 512 : i32
    %add3A_642 = vector.broadcast %add3A_641 : i32 to vector<16xi32>
    %add3A_643 = arith.addi %get3A_634, %add3A_642 : vector<16xi32>
    %select_n3A_644 = arith.select %eq3A_640, %add3A_643, %get3A_634 : vector<16xi1>, vector<16xi32>
    %swap3A_645 = arith.constant 576 : index
    %swap3A_646 = tpu.vector_load %arg9[%swap3A_645] {strides = array<i32>} : memref<800xi32, #tpu.memory_space<vmem>>, vector<16xi32>,
    %swap3A_647 = vector.shape_cast %swap3A_646 : vector<16xi32> to vector<16xi32>
    %swap3A_648 = vector.shape_cast %select_n3A_644 : vector<16xi32> to vector<16xi32>
    tpu.vector_store %arg9[%swap3A_645], %swap3A_648 {strides = array<i32>} : memref<800xi32, #tpu.memory_space<vmem>>, vector<16xi32>,
    %get3A_649 = arith.constant 592 : index
    %get3A_650 = tpu.vector_load %arg9[%get3A_649] {strides = array<i32>} : memref<800xi32, #tpu.memory_space<vmem>>, vector<16xi32>,
    %get3A_651 = vector.shape_cast %get3A_650 : vector<16xi32> to vector<16xi32>
    %get3A_652 = arith.constant 592 : index
    %get3A_653 = tpu.vector_load %arg7[%get3A_652] {strides = array<i32>} : memref<800xi32, #tpu.memory_space<vmem>>, vector<16xi32>,
    %get3A_654 = vector.shape_cast %get3A_653 : vector<16xi32> to vector<16xi32>
    %eq3A_655 = arith.constant 0 : i32
    %eq3A_656 = vector.broadcast %eq3A_655 : i32 to vector<16xi32>
    %eq3A_657 = arith.cmpi eq, %get3A_654, %eq3A_656 : vector<16xi32>
    %add3A_658 = arith.constant 512 : i32
    %add3A_659 = vector.broadcast %add3A_658 : i32 to vector<16xi32>
    %add3A_660 = arith.addi %get3A_651, %add3A_659 : vector<16xi32>
    %select_n3A_661 = arith.select %eq3A_657, %add3A_660, %get3A_651 : vector<16xi1>, vector<16xi32>
    %swap3A_662 = arith.constant 592 : index
    %swap3A_663 = tpu.vector_load %arg9[%swap3A_662] {strides = array<i32>} : memref<800xi32, #tpu.memory_space<vmem>>, vector<16xi32>,
    %swap3A_664 = vector.shape_cast %swap3A_663 : vector<16xi32> to vector<16xi32>
    %swap3A_665 = vector.shape_cast %select_n3A_661 : vector<16xi32> to vector<16xi32>
    tpu.vector_store %arg9[%swap3A_662], %swap3A_665 {strides = array<i32>} : memref<800xi32, #tpu.memory_space<vmem>>, vector<16xi32>,
    %get3A_666 = arith.constant 608 : index
    %get3A_667 = tpu.vector_load %arg9[%get3A_666] {strides = array<i32>} : memref<800xi32, #tpu.memory_space<vmem>>, vector<16xi32>,
    %get3A_668 = vector.shape_cast %get3A_667 : vector<16xi32> to vector<16xi32>
    %get3A_669 = arith.constant 608 : index
    %get3A_670 = tpu.vector_load %arg7[%get3A_669] {strides = array<i32>} : memref<800xi32, #tpu.memory_space<vmem>>, vector<16xi32>,
    %get3A_671 = vector.shape_cast %get3A_670 : vector<16xi32> to vector<16xi32>
    %eq3A_672 = arith.constant 0 : i32
    %eq3A_673 = vector.broadcast %eq3A_672 : i32 to vector<16xi32>
    %eq3A_674 = arith.cmpi eq, %get3A_671, %eq3A_673 : vector<16xi32>
    %add3A_675 = arith.constant 512 : i32
    %add3A_676 = vector.broadcast %add3A_675 : i32 to vector<16xi32>
    %add3A_677 = arith.addi %get3A_668, %add3A_676 : vector<16xi32>
    %select_n3A_678 = arith.select %eq3A_674, %add3A_677, %get3A_668 : vector<16xi1>, vector<16xi32>
    %swap3A_679 = arith.constant 608 : index
    %swap3A_680 = tpu.vector_load %arg9[%swap3A_679] {strides = array<i32>} : memref<800xi32, #tpu.memory_space<vmem>>, vector<16xi32>,
    %swap3A_681 = vector.shape_cast %swap3A_680 : vector<16xi32> to vector<16xi32>
    %swap3A_682 = vector.shape_cast %select_n3A_678 : vector<16xi32> to vector<16xi32>
    tpu.vector_store %arg9[%swap3A_679], %swap3A_682 {strides = array<i32>} : memref<800xi32, #tpu.memory_space<vmem>>, vector<16xi32>,
    %get3A_683 = arith.constant 624 : index
    %get3A_684 = tpu.vector_load %arg9[%get3A_683] {strides = array<i32>} : memref<800xi32, #tpu.memory_space<vmem>>, vector<16xi32>,
    %get3A_685 = vector.shape_cast %get3A_684 : vector<16xi32> to vector<16xi32>
    %get3A_686 = arith.constant 624 : index
    %get3A_687 = tpu.vector_load %arg7[%get3A_686] {strides = array<i32>} : memref<800xi32, #tpu.memory_space<vmem>>, vector<16xi32>,
    %get3A_688 = vector.shape_cast %get3A_687 : vector<16xi32> to vector<16xi32>
    %eq3A_689 = arith.constant 0 : i32
    %eq3A_690 = vector.broadcast %eq3A_689 : i32 to vector<16xi32>
    %eq3A_691 = arith.cmpi eq, %get3A_688, %eq3A_690 : vector<16xi32>
    %add3A_692 = arith.constant 512 : i32
    %add3A_693 = vector.broadcast %add3A_692 : i32 to vector<16xi32>
    %add3A_694 = arith.addi %get3A_685, %add3A_693 : vector<16xi32>
    %select_n3A_695 = arith.select %eq3A_691, %add3A_694, %get3A_685 : vector<16xi1>, vector<16xi32>
    %swap3A_696 = arith.constant 624 : index
    %swap3A_697 = tpu.vector_load %arg9[%swap3A_696] {strides = array<i32>} : memref<800xi32, #tpu.memory_space<vmem>>, vector<16xi32>,
    %swap3A_698 = vector.shape_cast %swap3A_697 : vector<16xi32> to vector<16xi32>
    %swap3A_699 = vector.shape_cast %select_n3A_695 : vector<16xi32> to vector<16xi32>
    tpu.vector_store %arg9[%swap3A_696], %swap3A_699 {strides = array<i32>} : memref<800xi32, #tpu.memory_space<vmem>>, vector<16xi32>,
    %get3A_700 = arith.constant 640 : index
    %get3A_701 = tpu.vector_load %arg9[%get3A_700] {strides = array<i32>} : memref<800xi32, #tpu.memory_space<vmem>>, vector<16xi32>,
    %get3A_702 = vector.shape_cast %get3A_701 : vector<16xi32> to vector<16xi32>
    %get3A_703 = arith.constant 640 : index
    %get3A_704 = tpu.vector_load %arg7[%get3A_703] {strides = array<i32>} : memref<800xi32, #tpu.memory_space<vmem>>, vector<16xi32>,
    %get3A_705 = vector.shape_cast %get3A_704 : vector<16xi32> to vector<16xi32>
    %eq3A_706 = arith.constant 0 : i32
    %eq3A_707 = vector.broadcast %eq3A_706 : i32 to vector<16xi32>
    %eq3A_708 = arith.cmpi eq, %get3A_705, %eq3A_707 : vector<16xi32>
    %add3A_709 = arith.constant 512 : i32
    %add3A_710 = vector.broadcast %add3A_709 : i32 to vector<16xi32>
    %add3A_711 = arith.addi %get3A_702, %add3A_710 : vector<16xi32>
    %select_n3A_712 = arith.select %eq3A_708, %add3A_711, %get3A_702 : vector<16xi1>, vector<16xi32>
    %swap3A_713 = arith.constant 640 : index
    %swap3A_714 = tpu.vector_load %arg9[%swap3A_713] {strides = array<i32>} : memref<800xi32, #tpu.memory_space<vmem>>, vector<16xi32>,
    %swap3A_715 = vector.shape_cast %swap3A_714 : vector<16xi32> to vector<16xi32>
    %swap3A_716 = vector.shape_cast %select_n3A_712 : vector<16xi32> to vector<16xi32>
    tpu.vector_store %arg9[%swap3A_713], %swap3A_716 {strides = array<i32>} : memref<800xi32, #tpu.memory_space<vmem>>, vector<16xi32>,
    %get3A_717 = arith.constant 656 : index
    %get3A_718 = tpu.vector_load %arg9[%get3A_717] {strides = array<i32>} : memref<800xi32, #tpu.memory_space<vmem>>, vector<16xi32>,
    %get3A_719 = vector.shape_cast %get3A_718 : vector<16xi32> to vector<16xi32>
    %get3A_720 = arith.constant 656 : index
    %get3A_721 = tpu.vector_load %arg7[%get3A_720] {strides = array<i32>} : memref<800xi32, #tpu.memory_space<vmem>>, vector<16xi32>,
    %get3A_722 = vector.shape_cast %get3A_721 : vector<16xi32> to vector<16xi32>
    %eq3A_723 = arith.constant 0 : i32
    %eq3A_724 = vector.broadcast %eq3A_723 : i32 to vector<16xi32>
    %eq3A_725 = arith.cmpi eq, %get3A_722, %eq3A_724 : vector<16xi32>
    %add3A_726 = arith.constant 512 : i32
    %add3A_727 = vector.broadcast %add3A_726 : i32 to vector<16xi32>
    %add3A_728 = arith.addi %get3A_719, %add3A_727 : vector<16xi32>
    %select_n3A_729 = arith.select %eq3A_725, %add3A_728, %get3A_719 : vector<16xi1>, vector<16xi32>
    %swap3A_730 = arith.constant 656 : index
    %swap3A_731 = tpu.vector_load %arg9[%swap3A_730] {strides = array<i32>} : memref<800xi32, #tpu.memory_space<vmem>>, vector<16xi32>,
    %swap3A_732 = vector.shape_cast %swap3A_731 : vector<16xi32> to vector<16xi32>
    %swap3A_733 = vector.shape_cast %select_n3A_729 : vector<16xi32> to vector<16xi32>
    tpu.vector_store %arg9[%swap3A_730], %swap3A_733 {strides = array<i32>} : memref<800xi32, #tpu.memory_space<vmem>>, vector<16xi32>,
    %get3A_734 = arith.constant 672 : index
    %get3A_735 = tpu.vector_load %arg9[%get3A_734] {strides = array<i32>} : memref<800xi32, #tpu.memory_space<vmem>>, vector<16xi32>,
    %get3A_736 = vector.shape_cast %get3A_735 : vector<16xi32> to vector<16xi32>
    %get3A_737 = arith.constant 672 : index
    %get3A_738 = tpu.vector_load %arg7[%get3A_737] {strides = array<i32>} : memref<800xi32, #tpu.memory_space<vmem>>, vector<16xi32>,
    %get3A_739 = vector.shape_cast %get3A_738 : vector<16xi32> to vector<16xi32>
    %eq3A_740 = arith.constant 0 : i32
    %eq3A_741 = vector.broadcast %eq3A_740 : i32 to vector<16xi32>
    %eq3A_742 = arith.cmpi eq, %get3A_739, %eq3A_741 : vector<16xi32>
    %add3A_743 = arith.constant 512 : i32
    %add3A_744 = vector.broadcast %add3A_743 : i32 to vector<16xi32>
    %add3A_745 = arith.addi %get3A_736, %add3A_744 : vector<16xi32>
    %select_n3A_746 = arith.select %eq3A_742, %add3A_745, %get3A_736 : vector<16xi1>, vector<16xi32>
    %swap3A_747 = arith.constant 672 : index
    %swap3A_748 = tpu.vector_load %arg9[%swap3A_747] {strides = array<i32>} : memref<800xi32, #tpu.memory_space<vmem>>, vector<16xi32>,
    %swap3A_749 = vector.shape_cast %swap3A_748 : vector<16xi32> to vector<16xi32>
    %swap3A_750 = vector.shape_cast %select_n3A_746 : vector<16xi32> to vector<16xi32>
    tpu.vector_store %arg9[%swap3A_747], %swap3A_750 {strides = array<i32>} : memref<800xi32, #tpu.memory_space<vmem>>, vector<16xi32>,
    %get3A_751 = arith.constant 688 : index
    %get3A_752 = tpu.vector_load %arg9[%get3A_751] {strides = array<i32>} : memref<800xi32, #tpu.memory_space<vmem>>, vector<16xi32>,
    %get3A_753 = vector.shape_cast %get3A_752 : vector<16xi32> to vector<16xi32>
    %get3A_754 = arith.constant 688 : index
    %get3A_755 = tpu.vector_load %arg7[%get3A_754] {strides = array<i32>} : memref<800xi32, #tpu.memory_space<vmem>>, vector<16xi32>,
    %get3A_756 = vector.shape_cast %get3A_755 : vector<16xi32> to vector<16xi32>
    %eq3A_757 = arith.constant 0 : i32
    %eq3A_758 = vector.broadcast %eq3A_757 : i32 to vector<16xi32>
    %eq3A_759 = arith.cmpi eq, %get3A_756, %eq3A_758 : vector<16xi32>
    %add3A_760 = arith.constant 512 : i32
    %add3A_761 = vector.broadcast %add3A_760 : i32 to vector<16xi32>
    %add3A_762 = arith.addi %get3A_753, %add3A_761 : vector<16xi32>
    %select_n3A_763 = arith.select %eq3A_759, %add3A_762, %get3A_753 : vector<16xi1>, vector<16xi32>
    %swap3A_764 = arith.constant 688 : index
    %swap3A_765 = tpu.vector_load %arg9[%swap3A_764] {strides = array<i32>} : memref<800xi32, #tpu.memory_space<vmem>>, vector<16xi32>,
    %swap3A_766 = vector.shape_cast %swap3A_765 : vector<16xi32> to vector<16xi32>
    %swap3A_767 = vector.shape_cast %select_n3A_763 : vector<16xi32> to vector<16xi32>
    tpu.vector_store %arg9[%swap3A_764], %swap3A_767 {strides = array<i32>} : memref<800xi32, #tpu.memory_space<vmem>>, vector<16xi32>,
    %get3A_768 = arith.constant 704 : index
    %get3A_769 = tpu.vector_load %arg9[%get3A_768] {strides = array<i32>} : memref<800xi32, #tpu.memory_space<vmem>>, vector<16xi32>,
    %get3A_770 = vector.shape_cast %get3A_769 : vector<16xi32> to vector<16xi32>
    %get3A_771 = arith.constant 704 : index
    %get3A_772 = tpu.vector_load %arg7[%get3A_771] {strides = array<i32>} : memref<800xi32, #tpu.memory_space<vmem>>, vector<16xi32>,
    %get3A_773 = vector.shape_cast %get3A_772 : vector<16xi32> to vector<16xi32>
    %eq3A_774 = arith.constant 0 : i32
    %eq3A_775 = vector.broadcast %eq3A_774 : i32 to vector<16xi32>
    %eq3A_776 = arith.cmpi eq, %get3A_773, %eq3A_775 : vector<16xi32>
    %add3A_777 = arith.constant 512 : i32
    %add3A_778 = vector.broadcast %add3A_777 : i32 to vector<16xi32>
    %add3A_779 = arith.addi %get3A_770, %add3A_778 : vector<16xi32>
    %select_n3A_780 = arith.select %eq3A_776, %add3A_779, %get3A_770 : vector<16xi1>, vector<16xi32>
    %swap3A_781 = arith.constant 704 : index
    %swap3A_782 = tpu.vector_load %arg9[%swap3A_781] {strides = array<i32>} : memref<800xi32, #tpu.memory_space<vmem>>, vector<16xi32>,
    %swap3A_783 = vector.shape_cast %swap3A_782 : vector<16xi32> to vector<16xi32>
    %swap3A_784 = vector.shape_cast %select_n3A_780 : vector<16xi32> to vector<16xi32>
    tpu.vector_store %arg9[%swap3A_781], %swap3A_784 {strides = array<i32>} : memref<800xi32, #tpu.memory_space<vmem>>, vector<16xi32>,
    %get3A_785 = arith.constant 720 : index
    %get3A_786 = tpu.vector_load %arg9[%get3A_785] {strides = array<i32>} : memref<800xi32, #tpu.memory_space<vmem>>, vector<16xi32>,
    %get3A_787 = vector.shape_cast %get3A_786 : vector<16xi32> to vector<16xi32>
    %get3A_788 = arith.constant 720 : index
    %get3A_789 = tpu.vector_load %arg7[%get3A_788] {strides = array<i32>} : memref<800xi32, #tpu.memory_space<vmem>>, vector<16xi32>,
    %get3A_790 = vector.shape_cast %get3A_789 : vector<16xi32> to vector<16xi32>
    %eq3A_791 = arith.constant 0 : i32
    %eq3A_792 = vector.broadcast %eq3A_791 : i32 to vector<16xi32>
    %eq3A_793 = arith.cmpi eq, %get3A_790, %eq3A_792 : vector<16xi32>
    %add3A_794 = arith.constant 512 : i32
    %add3A_795 = vector.broadcast %add3A_794 : i32 to vector<16xi32>
    %add3A_796 = arith.addi %get3A_787, %add3A_795 : vector<16xi32>
    %select_n3A_797 = arith.select %eq3A_793, %add3A_796, %get3A_787 : vector<16xi1>, vector<16xi32>
    %swap3A_798 = arith.constant 720 : index
    %swap3A_799 = tpu.vector_load %arg9[%swap3A_798] {strides = array<i32>} : memref<800xi32, #tpu.memory_space<vmem>>, vector<16xi32>,
    %swap3A_800 = vector.shape_cast %swap3A_799 : vector<16xi32> to vector<16xi32>
    %swap3A_801 = vector.shape_cast %select_n3A_797 : vector<16xi32> to vector<16xi32>
    tpu.vector_store %arg9[%swap3A_798], %swap3A_801 {strides = array<i32>} : memref<800xi32, #tpu.memory_space<vmem>>, vector<16xi32>,
    %get3A_802 = arith.constant 736 : index
    %get3A_803 = tpu.vector_load %arg9[%get3A_802] {strides = array<i32>} : memref<800xi32, #tpu.memory_space<vmem>>, vector<16xi32>,
    %get3A_804 = vector.shape_cast %get3A_803 : vector<16xi32> to vector<16xi32>
    %get3A_805 = arith.constant 736 : index
    %get3A_806 = tpu.vector_load %arg7[%get3A_805] {strides = array<i32>} : memref<800xi32, #tpu.memory_space<vmem>>, vector<16xi32>,
    %get3A_807 = vector.shape_cast %get3A_806 : vector<16xi32> to vector<16xi32>
    %eq3A_808 = arith.constant 0 : i32
    %eq3A_809 = vector.broadcast %eq3A_808 : i32 to vector<16xi32>
    %eq3A_810 = arith.cmpi eq, %get3A_807, %eq3A_809 : vector<16xi32>
    %add3A_811 = arith.constant 512 : i32
    %add3A_812 = vector.broadcast %add3A_811 : i32 to vector<16xi32>
    %add3A_813 = arith.addi %get3A_804, %add3A_812 : vector<16xi32>
    %select_n3A_814 = arith.select %eq3A_810, %add3A_813, %get3A_804 : vector<16xi1>, vector<16xi32>
    %swap3A_815 = arith.constant 736 : index
    %swap3A_816 = tpu.vector_load %arg9[%swap3A_815] {strides = array<i32>} : memref<800xi32, #tpu.memory_space<vmem>>, vector<16xi32>,
    %swap3A_817 = vector.shape_cast %swap3A_816 : vector<16xi32> to vector<16xi32>
    %swap3A_818 = vector.shape_cast %select_n3A_814 : vector<16xi32> to vector<16xi32>
    tpu.vector_store %arg9[%swap3A_815], %swap3A_818 {strides = array<i32>} : memref<800xi32, #tpu.memory_space<vmem>>, vector<16xi32>,
    %get3A_819 = arith.constant 752 : index
    %get3A_820 = tpu.vector_load %arg9[%get3A_819] {strides = array<i32>} : memref<800xi32, #tpu.memory_space<vmem>>, vector<16xi32>,
    %get3A_821 = vector.shape_cast %get3A_820 : vector<16xi32> to vector<16xi32>
    %get3A_822 = arith.constant 752 : index
    %get3A_823 = tpu.vector_load %arg7[%get3A_822] {strides = array<i32>} : memref<800xi32, #tpu.memory_space<vmem>>, vector<16xi32>,
    %get3A_824 = vector.shape_cast %get3A_823 : vector<16xi32> to vector<16xi32>
    %eq3A_825 = arith.constant 0 : i32
    %eq3A_826 = vector.broadcast %eq3A_825 : i32 to vector<16xi32>
    %eq3A_827 = arith.cmpi eq, %get3A_824, %eq3A_826 : vector<16xi32>
    %add3A_828 = arith.constant 512 : i32
    %add3A_829 = vector.broadcast %add3A_828 : i32 to vector<16xi32>
    %add3A_830 = arith.addi %get3A_821, %add3A_829 : vector<16xi32>
    %select_n3A_831 = arith.select %eq3A_827, %add3A_830, %get3A_821 : vector<16xi1>, vector<16xi32>
    %swap3A_832 = arith.constant 752 : index
    %swap3A_833 = tpu.vector_load %arg9[%swap3A_832] {strides = array<i32>} : memref<800xi32, #tpu.memory_space<vmem>>, vector<16xi32>,
    %swap3A_834 = vector.shape_cast %swap3A_833 : vector<16xi32> to vector<16xi32>
    %swap3A_835 = vector.shape_cast %select_n3A_831 : vector<16xi32> to vector<16xi32>
    tpu.vector_store %arg9[%swap3A_832], %swap3A_835 {strides = array<i32>} : memref<800xi32, #tpu.memory_space<vmem>>, vector<16xi32>,
    %get3A_836 = arith.constant 768 : index
    %get3A_837 = tpu.vector_load %arg9[%get3A_836] {strides = array<i32>} : memref<800xi32, #tpu.memory_space<vmem>>, vector<16xi32>,
    %get3A_838 = vector.shape_cast %get3A_837 : vector<16xi32> to vector<16xi32>
    %get3A_839 = arith.constant 768 : index
    %get3A_840 = tpu.vector_load %arg7[%get3A_839] {strides = array<i32>} : memref<800xi32, #tpu.memory_space<vmem>>, vector<16xi32>,
    %get3A_841 = vector.shape_cast %get3A_840 : vector<16xi32> to vector<16xi32>
    %eq3A_842 = arith.constant 0 : i32
    %eq3A_843 = vector.broadcast %eq3A_842 : i32 to vector<16xi32>
    %eq3A_844 = arith.cmpi eq, %get3A_841, %eq3A_843 : vector<16xi32>
    %add3A_845 = arith.constant 512 : i32
    %add3A_846 = vector.broadcast %add3A_845 : i32 to vector<16xi32>
    %add3A_847 = arith.addi %get3A_838, %add3A_846 : vector<16xi32>
    %select_n3A_848 = arith.select %eq3A_844, %add3A_847, %get3A_838 : vector<16xi1>, vector<16xi32>
    %swap3A_849 = arith.constant 768 : index
    %swap3A_850 = tpu.vector_load %arg9[%swap3A_849] {strides = array<i32>} : memref<800xi32, #tpu.memory_space<vmem>>, vector<16xi32>,
    %swap3A_851 = vector.shape_cast %swap3A_850 : vector<16xi32> to vector<16xi32>
    %swap3A_852 = vector.shape_cast %select_n3A_848 : vector<16xi32> to vector<16xi32>
    tpu.vector_store %arg9[%swap3A_849], %swap3A_852 {strides = array<i32>} : memref<800xi32, #tpu.memory_space<vmem>>, vector<16xi32>,
    %get3A_853 = arith.constant 784 : index
    %get3A_854 = tpu.vector_load %arg9[%get3A_853] {strides = array<i32>} : memref<800xi32, #tpu.memory_space<vmem>>, vector<16xi32>,
    %get3A_855 = vector.shape_cast %get3A_854 : vector<16xi32> to vector<16xi32>
    %get3A_856 = arith.constant 784 : index
    %get3A_857 = tpu.vector_load %arg7[%get3A_856] {strides = array<i32>} : memref<800xi32, #tpu.memory_space<vmem>>, vector<16xi32>,
    %get3A_858 = vector.shape_cast %get3A_857 : vector<16xi32> to vector<16xi32>
    %eq3A_859 = arith.constant 0 : i32
    %eq3A_860 = vector.broadcast %eq3A_859 : i32 to vector<16xi32>
    %eq3A_861 = arith.cmpi eq, %get3A_858, %eq3A_860 : vector<16xi32>
    %add3A_862 = arith.constant 512 : i32
    %add3A_863 = vector.broadcast %add3A_862 : i32 to vector<16xi32>
    %add3A_864 = arith.addi %get3A_855, %add3A_863 : vector<16xi32>
    %select_n3A_865 = arith.select %eq3A_861, %add3A_864, %get3A_855 : vector<16xi1>, vector<16xi32>
    %swap3A_866 = arith.constant 784 : index
    %swap3A_867 = tpu.vector_load %arg9[%swap3A_866] {strides = array<i32>} : memref<800xi32, #tpu.memory_space<vmem>>, vector<16xi32>,
    %swap3A_868 = vector.shape_cast %swap3A_867 : vector<16xi32> to vector<16xi32>
    %swap3A_869 = vector.shape_cast %select_n3A_865 : vector<16xi32> to vector<16xi32>
    tpu.vector_store %arg9[%swap3A_866], %swap3A_869 {strides = array<i32>} : memref<800xi32, #tpu.memory_space<vmem>>, vector<16xi32>,
    %dma_start3A_870 = arith.constant 0 : i32
    %dma_start3A_871 = arith.constant 0 : i32
    %dma_start3A_872 = tpu.memref_slice %arg4[%dma_start3A_870, %dma_start3A_871] : memref<1000000x64xf32, #tpu.memory_space<hbm>> -> memref<1000000x64xf32, #tpu.memory_space<hbm>>
    tpu.enqueue_indirect_dma source(%dma_start3A_872 : memref<1000000x64xf32, #tpu.memory_space<hbm>>) target(%arg11 : memref<800x64xf32, #tpu.memory_space<vmem>>) offsets(%arg7 : memref<800xi32, #tpu.memory_space<vmem>>) semaphore(%arg17 : memref<!tpu.dma_semaphore, #tpu.memory_space<semaphore_mem>>)
    %dma_wait3A_873 = arith.constant 0 : i32
    %dma_wait3A_874 = arith.constant 0 : i32
    %dma_wait3A_875 = tpu.memref_slice %arg4[%dma_wait3A_873, %dma_wait3A_874] : memref<1000000x64xf32, #tpu.memory_space<hbm>> -> memref<1000000x64xf32, #tpu.memory_space<hbm>>
    tpu.wait_indirect_dma semaphore(%arg17 : memref<!tpu.dma_semaphore, #tpu.memory_space<semaphore_mem>>) src(%dma_wait3A_875 : memref<1000000x64xf32, #tpu.memory_space<hbm>>) dst(%arg11 : memref<800x64xf32, #tpu.memory_space<vmem>>)
    %dma_start3A_876 = arith.constant 0 : i32
    %dma_start3A_877 = arith.constant 0 : i32
    %dma_start3A_878 = tpu.memref_slice %arg14[%dma_start3A_876, %dma_start3A_877] : memref<1024x64xf32, #tpu.memory_space<vmem_shared>> -> memref<1024x64xf32, #tpu.memory_space<vmem_shared>>
    tpu.enqueue_indirect_dma source(%dma_start3A_878 : memref<1024x64xf32, #tpu.memory_space<vmem_shared>>) target(%arg11 : memref<800x64xf32, #tpu.memory_space<vmem>>) offsets(%arg9 : memref<800xi32, #tpu.memory_space<vmem>>) semaphore(%arg19 : memref<!tpu.dma_semaphore, #tpu.memory_space<semaphore_mem>>) {add = true}
    %add3A_879 = arith.constant 800 : i32
    %add3A_880 = arith.addi %mul3A_2, %add3A_879 : i32
    %dma_wait3A_881 = tpu.memref_slice %arg2[%add3A_880] : memref<3276800xi32, #tpu.memory_space<hbm>> -> memref<800xi32, #tpu.memory_space<hbm>>
    %dma_wait3A_882 = tpu.memref_slice %arg2[%add3A_880] : memref<3276800xi32, #tpu.memory_space<hbm>> -> memref<800xi32, #tpu.memory_space<hbm>>
    tpu.wait_dma2 semaphore(%arg16 : memref<!tpu.dma_semaphore, #tpu.memory_space<semaphore_mem>>) src(%dma_wait3A_882 : memref<800xi32, #tpu.memory_space<hbm>>) dst(%arg8 : memref<800xi32, #tpu.memory_space<vmem>>)
    %dma_wait3A_883 = tpu.memref_slice %arg3[%add3A_880] : memref<3276800xi32, #tpu.memory_space<hbm>> -> memref<800xi32, #tpu.memory_space<hbm>>
    %dma_wait3A_884 = tpu.memref_slice %arg3[%add3A_880] : memref<3276800xi32, #tpu.memory_space<hbm>> -> memref<800xi32, #tpu.memory_space<hbm>>
    tpu.wait_dma2 semaphore(%arg16 : memref<!tpu.dma_semaphore, #tpu.memory_space<semaphore_mem>>) src(%dma_wait3A_884 : memref<800xi32, #tpu.memory_space<hbm>>) dst(%arg10 : memref<800xi32, #tpu.memory_space<vmem>>)
    %dma_start3A_885 = arith.constant 0 : i32
    %dma_start3A_886 = arith.constant 0 : i32
    %dma_start3A_887 = tpu.memref_slice %arg4[%dma_start3A_885, %dma_start3A_886] : memref<1000000x64xf32, #tpu.memory_space<hbm>> -> memref<1000000x64xf32, #tpu.memory_space<hbm>>
    tpu.enqueue_indirect_dma source(%dma_start3A_887 : memref<1000000x64xf32, #tpu.memory_space<hbm>>) target(%arg12 : memref<800x64xf32, #tpu.memory_space<vmem>>) offsets(%arg8 : memref<800xi32, #tpu.memory_space<vmem>>) semaphore(%arg18 : memref<!tpu.dma_semaphore, #tpu.memory_space<semaphore_mem>>)
    %get3A_888 = arith.constant 0 : index
    %get3A_889 = tpu.vector_load %arg10[%get3A_888] {strides = array<i32>} : memref<800xi32, #tpu.memory_space<vmem>>, vector<16xi32>,
    %get3A_890 = vector.shape_cast %get3A_889 : vector<16xi32> to vector<16xi32>
    %get3A_891 = arith.constant 0 : index
    %get3A_892 = tpu.vector_load %arg8[%get3A_891] {strides = array<i32>} : memref<800xi32, #tpu.memory_space<vmem>>, vector<16xi32>,
    %get3A_893 = vector.shape_cast %get3A_892 : vector<16xi32> to vector<16xi32>
    %eq3A_894 = arith.constant 0 : i32
    %eq3A_895 = vector.broadcast %eq3A_894 : i32 to vector<16xi32>
    %eq3A_896 = arith.cmpi eq, %get3A_893, %eq3A_895 : vector<16xi32>
    %add3A_897 = arith.constant 512 : i32
    %add3A_898 = vector.broadcast %add3A_897 : i32 to vector<16xi32>
    %add3A_899 = arith.addi %get3A_890, %add3A_898 : vector<16xi32>
    %select_n3A_900 = arith.select %eq3A_896, %add3A_899, %get3A_890 : vector<16xi1>, vector<16xi32>
    %swap3A_901 = arith.constant 0 : index
    %swap3A_902 = tpu.vector_load %arg10[%swap3A_901] {strides = array<i32>} : memref<800xi32, #tpu.memory_space<vmem>>, vector<16xi32>,
    %swap3A_903 = vector.shape_cast %swap3A_902 : vector<16xi32> to vector<16xi32>
    %swap3A_904 = vector.shape_cast %select_n3A_900 : vector<16xi32> to vector<16xi32>
    tpu.vector_store %arg10[%swap3A_901], %swap3A_904 {strides = array<i32>} : memref<800xi32, #tpu.memory_space<vmem>>, vector<16xi32>,
    %get3A_905 = arith.constant 16 : index
    %get3A_906 = tpu.vector_load %arg10[%get3A_905] {strides = array<i32>} : memref<800xi32, #tpu.memory_space<vmem>>, vector<16xi32>,
    %get3A_907 = vector.shape_cast %get3A_906 : vector<16xi32> to vector<16xi32>
    %get3A_908 = arith.constant 16 : index
    %get3A_909 = tpu.vector_load %arg8[%get3A_908] {strides = array<i32>} : memref<800xi32, #tpu.memory_space<vmem>>, vector<16xi32>,
    %get3A_910 = vector.shape_cast %get3A_909 : vector<16xi32> to vector<16xi32>
    %eq3A_911 = arith.constant 0 : i32
    %eq3A_912 = vector.broadcast %eq3A_911 : i32 to vector<16xi32>
    %eq3A_913 = arith.cmpi eq, %get3A_910, %eq3A_912 : vector<16xi32>
    %add3A_914 = arith.constant 512 : i32
    %add3A_915 = vector.broadcast %add3A_914 : i32 to vector<16xi32>
    %add3A_916 = arith.addi %get3A_907, %add3A_915 : vector<16xi32>
    %select_n3A_917 = arith.select %eq3A_913, %add3A_916, %get3A_907 : vector<16xi1>, vector<16xi32>
    %swap3A_918 = arith.constant 16 : index
    %swap3A_919 = tpu.vector_load %arg10[%swap3A_918] {strides = array<i32>} : memref<800xi32, #tpu.memory_space<vmem>>, vector<16xi32>,
    %swap3A_920 = vector.shape_cast %swap3A_919 : vector<16xi32> to vector<16xi32>
    %swap3A_921 = vector.shape_cast %select_n3A_917 : vector<16xi32> to vector<16xi32>
    tpu.vector_store %arg10[%swap3A_918], %swap3A_921 {strides = array<i32>} : memref<800xi32, #tpu.memory_space<vmem>>, vector<16xi32>,
    %get3A_922 = arith.constant 32 : index
    %get3A_923 = tpu.vector_load %arg10[%get3A_922] {strides = array<i32>} : memref<800xi32, #tpu.memory_space<vmem>>, vector<16xi32>,
    %get3A_924 = vector.shape_cast %get3A_923 : vector<16xi32> to vector<16xi32>
    %get3A_925 = arith.constant 32 : index
    %get3A_926 = tpu.vector_load %arg8[%get3A_925] {strides = array<i32>} : memref<800xi32, #tpu.memory_space<vmem>>, vector<16xi32>,
    %get3A_927 = vector.shape_cast %get3A_926 : vector<16xi32> to vector<16xi32>
    %eq3A_928 = arith.constant 0 : i32
    %eq3A_929 = vector.broadcast %eq3A_928 : i32 to vector<16xi32>
    %eq3A_930 = arith.cmpi eq, %get3A_927, %eq3A_929 : vector<16xi32>
    %add3A_931 = arith.constant 512 : i32
    %add3A_932 = vector.broadcast %add3A_931 : i32 to vector<16xi32>
    %add3A_933 = arith.addi %get3A_924, %add3A_932 : vector<16xi32>
    %select_n3A_934 = arith.select %eq3A_930, %add3A_933, %get3A_924 : vector<16xi1>, vector<16xi32>
    %swap3A_935 = arith.constant 32 : index
    %swap3A_936 = tpu.vector_load %arg10[%swap3A_935] {strides = array<i32>} : memref<800xi32, #tpu.memory_space<vmem>>, vector<16xi32>,
    %swap3A_937 = vector.shape_cast %swap3A_936 : vector<16xi32> to vector<16xi32>
    %swap3A_938 = vector.shape_cast %select_n3A_934 : vector<16xi32> to vector<16xi32>
    tpu.vector_store %arg10[%swap3A_935], %swap3A_938 {strides = array<i32>} : memref<800xi32, #tpu.memory_space<vmem>>, vector<16xi32>,
    %get3A_939 = arith.constant 48 : index
    %get3A_940 = tpu.vector_load %arg10[%get3A_939] {strides = array<i32>} : memref<800xi32, #tpu.memory_space<vmem>>, vector<16xi32>,
    %get3A_941 = vector.shape_cast %get3A_940 : vector<16xi32> to vector<16xi32>
    %get3A_942 = arith.constant 48 : index
    %get3A_943 = tpu.vector_load %arg8[%get3A_942] {strides = array<i32>} : memref<800xi32, #tpu.memory_space<vmem>>, vector<16xi32>,
    %get3A_944 = vector.shape_cast %get3A_943 : vector<16xi32> to vector<16xi32>
    %eq3A_945 = arith.constant 0 : i32
    %eq3A_946 = vector.broadcast %eq3A_945 : i32 to vector<16xi32>
    %eq3A_947 = arith.cmpi eq, %get3A_944, %eq3A_946 : vector<16xi32>
    %add3A_948 = arith.constant 512 : i32
    %add3A_949 = vector.broadcast %add3A_948 : i32 to vector<16xi32>
    %add3A_950 = arith.addi %get3A_941, %add3A_949 : vector<16xi32>
    %select_n3A_951 = arith.select %eq3A_947, %add3A_950, %get3A_941 : vector<16xi1>, vector<16xi32>
    %swap3A_952 = arith.constant 48 : index
    %swap3A_953 = tpu.vector_load %arg10[%swap3A_952] {strides = array<i32>} : memref<800xi32, #tpu.memory_space<vmem>>, vector<16xi32>,
    %swap3A_954 = vector.shape_cast %swap3A_953 : vector<16xi32> to vector<16xi32>
    %swap3A_955 = vector.shape_cast %select_n3A_951 : vector<16xi32> to vector<16xi32>
    tpu.vector_store %arg10[%swap3A_952], %swap3A_955 {strides = array<i32>} : memref<800xi32, #tpu.memory_space<vmem>>, vector<16xi32>,
    %get3A_956 = arith.constant 64 : index
    %get3A_957 = tpu.vector_load %arg10[%get3A_956] {strides = array<i32>} : memref<800xi32, #tpu.memory_space<vmem>>, vector<16xi32>,
    %get3A_958 = vector.shape_cast %get3A_957 : vector<16xi32> to vector<16xi32>
    %get3A_959 = arith.constant 64 : index
    %get3A_960 = tpu.vector_load %arg8[%get3A_959] {strides = array<i32>} : memref<800xi32, #tpu.memory_space<vmem>>, vector<16xi32>,
    %get3A_961 = vector.shape_cast %get3A_960 : vector<16xi32> to vector<16xi32>
    %eq3A_962 = arith.constant 0 : i32
    %eq3A_963 = vector.broadcast %eq3A_962 : i32 to vector<16xi32>
    %eq3A_964 = arith.cmpi eq, %get3A_961, %eq3A_963 : vector<16xi32>
    %add3A_965 = arith.constant 512 : i32
    %add3A_966 = vector.broadcast %add3A_965 : i32 to vector<16xi32>
    %add3A_967 = arith.addi %get3A_958, %add3A_966 : vector<16xi32>
    %select_n3A_968 = arith.select %eq3A_964, %add3A_967, %get3A_958 : vector<16xi1>, vector<16xi32>
    %swap3A_969 = arith.constant 64 : index
    %swap3A_970 = tpu.vector_load %arg10[%swap3A_969] {strides = array<i32>} : memref<800xi32, #tpu.memory_space<vmem>>, vector<16xi32>,
    %swap3A_971 = vector.shape_cast %swap3A_970 : vector<16xi32> to vector<16xi32>
    %swap3A_972 = vector.shape_cast %select_n3A_968 : vector<16xi32> to vector<16xi32>
    tpu.vector_store %arg10[%swap3A_969], %swap3A_972 {strides = array<i32>} : memref<800xi32, #tpu.memory_space<vmem>>, vector<16xi32>,
    %get3A_973 = arith.constant 80 : index
    %get3A_974 = tpu.vector_load %arg10[%get3A_973] {strides = array<i32>} : memref<800xi32, #tpu.memory_space<vmem>>, vector<16xi32>,
    %get3A_975 = vector.shape_cast %get3A_974 : vector<16xi32> to vector<16xi32>
    %get3A_976 = arith.constant 80 : index
    %get3A_977 = tpu.vector_load %arg8[%get3A_976] {strides = array<i32>} : memref<800xi32, #tpu.memory_space<vmem>>, vector<16xi32>,
    %get3A_978 = vector.shape_cast %get3A_977 : vector<16xi32> to vector<16xi32>
    %eq3A_979 = arith.constant 0 : i32
    %eq3A_980 = vector.broadcast %eq3A_979 : i32 to vector<16xi32>
    %eq3A_981 = arith.cmpi eq, %get3A_978, %eq3A_980 : vector<16xi32>
    %add3A_982 = arith.constant 512 : i32
    %add3A_983 = vector.broadcast %add3A_982 : i32 to vector<16xi32>
    %add3A_984 = arith.addi %get3A_975, %add3A_983 : vector<16xi32>
    %select_n3A_985 = arith.select %eq3A_981, %add3A_984, %get3A_975 : vector<16xi1>, vector<16xi32>
    %swap3A_986 = arith.constant 80 : index
    %swap3A_987 = tpu.vector_load %arg10[%swap3A_986] {strides = array<i32>} : memref<800xi32, #tpu.memory_space<vmem>>, vector<16xi32>,
    %swap3A_988 = vector.shape_cast %swap3A_987 : vector<16xi32> to vector<16xi32>
    %swap3A_989 = vector.shape_cast %select_n3A_985 : vector<16xi32> to vector<16xi32>
    tpu.vector_store %arg10[%swap3A_986], %swap3A_989 {strides = array<i32>} : memref<800xi32, #tpu.memory_space<vmem>>, vector<16xi32>,
    %get3A_990 = arith.constant 96 : index
    %get3A_991 = tpu.vector_load %arg10[%get3A_990] {strides = array<i32>} : memref<800xi32, #tpu.memory_space<vmem>>, vector<16xi32>,
    %get3A_992 = vector.shape_cast %get3A_991 : vector<16xi32> to vector<16xi32>
    %get3A_993 = arith.constant 96 : index
    %get3A_994 = tpu.vector_load %arg8[%get3A_993] {strides = array<i32>} : memref<800xi32, #tpu.memory_space<vmem>>, vector<16xi32>,
    %get3A_995 = vector.shape_cast %get3A_994 : vector<16xi32> to vector<16xi32>
    %eq3A_996 = arith.constant 0 : i32
    %eq3A_997 = vector.broadcast %eq3A_996 : i32 to vector<16xi32>
    %eq3A_998 = arith.cmpi eq, %get3A_995, %eq3A_997 : vector<16xi32>
    %add3A_999 = arith.constant 512 : i32
    %add3A_1000 = vector.broadcast %add3A_999 : i32 to vector<16xi32>
    %add3A_1001 = arith.addi %get3A_992, %add3A_1000 : vector<16xi32>
    %select_n3A_1002 = arith.select %eq3A_998, %add3A_1001, %get3A_992 : vector<16xi1>, vector<16xi32>
    %swap3A_1003 = arith.constant 96 : index
    %swap3A_1004 = tpu.vector_load %arg10[%swap3A_1003] {strides = array<i32>} : memref<800xi32, #tpu.memory_space<vmem>>, vector<16xi32>,
    %swap3A_1005 = vector.shape_cast %swap3A_1004 : vector<16xi32> to vector<16xi32>
    %swap3A_1006 = vector.shape_cast %select_n3A_1002 : vector<16xi32> to vector<16xi32>
    tpu.vector_store %arg10[%swap3A_1003], %swap3A_1006 {strides = array<i32>} : memref<800xi32, #tpu.memory_space<vmem>>, vector<16xi32>,
    %get3A_1007 = arith.constant 112 : index
    %get3A_1008 = tpu.vector_load %arg10[%get3A_1007] {strides = array<i32>} : memref<800xi32, #tpu.memory_space<vmem>>, vector<16xi32>,
    %get3A_1009 = vector.shape_cast %get3A_1008 : vector<16xi32> to vector<16xi32>
    %get3A_1010 = arith.constant 112 : index
    %get3A_1011 = tpu.vector_load %arg8[%get3A_1010] {strides = array<i32>} : memref<800xi32, #tpu.memory_space<vmem>>, vector<16xi32>,
    %get3A_1012 = vector.shape_cast %get3A_1011 : vector<16xi32> to vector<16xi32>
    %eq3A_1013 = arith.constant 0 : i32
    %eq3A_1014 = vector.broadcast %eq3A_1013 : i32 to vector<16xi32>
    %eq3A_1015 = arith.cmpi eq, %get3A_1012, %eq3A_1014 : vector<16xi32>
    %add3A_1016 = arith.constant 512 : i32
    %add3A_1017 = vector.broadcast %add3A_1016 : i32 to vector<16xi32>
    %add3A_1018 = arith.addi %get3A_1009, %add3A_1017 : vector<16xi32>
    %select_n3A_1019 = arith.select %eq3A_1015, %add3A_1018, %get3A_1009 : vector<16xi1>, vector<16xi32>
    %swap3A_1020 = arith.constant 112 : index
    %swap3A_1021 = tpu.vector_load %arg10[%swap3A_1020] {strides = array<i32>} : memref<800xi32, #tpu.memory_space<vmem>>, vector<16xi32>,
    %swap3A_1022 = vector.shape_cast %swap3A_1021 : vector<16xi32> to vector<16xi32>
    %swap3A_1023 = vector.shape_cast %select_n3A_1019 : vector<16xi32> to vector<16xi32>
    tpu.vector_store %arg10[%swap3A_1020], %swap3A_1023 {strides = array<i32>} : memref<800xi32, #tpu.memory_space<vmem>>, vector<16xi32>,
    %get3A_1024 = arith.constant 128 : index
    %get3A_1025 = tpu.vector_load %arg10[%get3A_1024] {strides = array<i32>} : memref<800xi32, #tpu.memory_space<vmem>>, vector<16xi32>,
    %get3A_1026 = vector.shape_cast %get3A_1025 : vector<16xi32> to vector<16xi32>
    %get3A_1027 = arith.constant 128 : index
    %get3A_1028 = tpu.vector_load %arg8[%get3A_1027] {strides = array<i32>} : memref<800xi32, #tpu.memory_space<vmem>>, vector<16xi32>,
    %get3A_1029 = vector.shape_cast %get3A_1028 : vector<16xi32> to vector<16xi32>
    %eq3A_1030 = arith.constant 0 : i32
    %eq3A_1031 = vector.broadcast %eq3A_1030 : i32 to vector<16xi32>
    %eq3A_1032 = arith.cmpi eq, %get3A_1029, %eq3A_1031 : vector<16xi32>
    %add3A_1033 = arith.constant 512 : i32
    %add3A_1034 = vector.broadcast %add3A_1033 : i32 to vector<16xi32>
    %add3A_1035 = arith.addi %get3A_1026, %add3A_1034 : vector<16xi32>
    %select_n3A_1036 = arith.select %eq3A_1032, %add3A_1035, %get3A_1026 : vector<16xi1>, vector<16xi32>
    %swap3A_1037 = arith.constant 128 : index
    %swap3A_1038 = tpu.vector_load %arg10[%swap3A_1037] {strides = array<i32>} : memref<800xi32, #tpu.memory_space<vmem>>, vector<16xi32>,
    %swap3A_1039 = vector.shape_cast %swap3A_1038 : vector<16xi32> to vector<16xi32>
    %swap3A_1040 = vector.shape_cast %select_n3A_1036 : vector<16xi32> to vector<16xi32>
    tpu.vector_store %arg10[%swap3A_1037], %swap3A_1040 {strides = array<i32>} : memref<800xi32, #tpu.memory_space<vmem>>, vector<16xi32>,
    %get3A_1041 = arith.constant 144 : index
    %get3A_1042 = tpu.vector_load %arg10[%get3A_1041] {strides = array<i32>} : memref<800xi32, #tpu.memory_space<vmem>>, vector<16xi32>,
    %get3A_1043 = vector.shape_cast %get3A_1042 : vector<16xi32> to vector<16xi32>
    %get3A_1044 = arith.constant 144 : index
    %get3A_1045 = tpu.vector_load %arg8[%get3A_1044] {strides = array<i32>} : memref<800xi32, #tpu.memory_space<vmem>>, vector<16xi32>,
    %get3A_1046 = vector.shape_cast %get3A_1045 : vector<16xi32> to vector<16xi32>
    %eq3A_1047 = arith.constant 0 : i32
    %eq3A_1048 = vector.broadcast %eq3A_1047 : i32 to vector<16xi32>
    %eq3A_1049 = arith.cmpi eq, %get3A_1046, %eq3A_1048 : vector<16xi32>
    %add3A_1050 = arith.constant 512 : i32
    %add3A_1051 = vector.broadcast %add3A_1050 : i32 to vector<16xi32>
    %add3A_1052 = arith.addi %get3A_1043, %add3A_1051 : vector<16xi32>
    %select_n3A_1053 = arith.select %eq3A_1049, %add3A_1052, %get3A_1043 : vector<16xi1>, vector<16xi32>
    %swap3A_1054 = arith.constant 144 : index
    %swap3A_1055 = tpu.vector_load %arg10[%swap3A_1054] {strides = array<i32>} : memref<800xi32, #tpu.memory_space<vmem>>, vector<16xi32>,
    %swap3A_1056 = vector.shape_cast %swap3A_1055 : vector<16xi32> to vector<16xi32>
    %swap3A_1057 = vector.shape_cast %select_n3A_1053 : vector<16xi32> to vector<16xi32>
    tpu.vector_store %arg10[%swap3A_1054], %swap3A_1057 {strides = array<i32>} : memref<800xi32, #tpu.memory_space<vmem>>, vector<16xi32>,
    %get3A_1058 = arith.constant 160 : index
    %get3A_1059 = tpu.vector_load %arg10[%get3A_1058] {strides = array<i32>} : memref<800xi32, #tpu.memory_space<vmem>>, vector<16xi32>,
    %get3A_1060 = vector.shape_cast %get3A_1059 : vector<16xi32> to vector<16xi32>
    %get3A_1061 = arith.constant 160 : index
    %get3A_1062 = tpu.vector_load %arg8[%get3A_1061] {strides = array<i32>} : memref<800xi32, #tpu.memory_space<vmem>>, vector<16xi32>,
    %get3A_1063 = vector.shape_cast %get3A_1062 : vector<16xi32> to vector<16xi32>
    %eq3A_1064 = arith.constant 0 : i32
    %eq3A_1065 = vector.broadcast %eq3A_1064 : i32 to vector<16xi32>
    %eq3A_1066 = arith.cmpi eq, %get3A_1063, %eq3A_1065 : vector<16xi32>
    %add3A_1067 = arith.constant 512 : i32
    %add3A_1068 = vector.broadcast %add3A_1067 : i32 to vector<16xi32>
    %add3A_1069 = arith.addi %get3A_1060, %add3A_1068 : vector<16xi32>
    %select_n3A_1070 = arith.select %eq3A_1066, %add3A_1069, %get3A_1060 : vector<16xi1>, vector<16xi32>
    %swap3A_1071 = arith.constant 160 : index
    %swap3A_1072 = tpu.vector_load %arg10[%swap3A_1071] {strides = array<i32>} : memref<800xi32, #tpu.memory_space<vmem>>, vector<16xi32>,
    %swap3A_1073 = vector.shape_cast %swap3A_1072 : vector<16xi32> to vector<16xi32>
    %swap3A_1074 = vector.shape_cast %select_n3A_1070 : vector<16xi32> to vector<16xi32>
    tpu.vector_store %arg10[%swap3A_1071], %swap3A_1074 {strides = array<i32>} : memref<800xi32, #tpu.memory_space<vmem>>, vector<16xi32>,
    %get3A_1075 = arith.constant 176 : index
    %get3A_1076 = tpu.vector_load %arg10[%get3A_1075] {strides = array<i32>} : memref<800xi32, #tpu.memory_space<vmem>>, vector<16xi32>,
    %get3A_1077 = vector.shape_cast %get3A_1076 : vector<16xi32> to vector<16xi32>
    %get3A_1078 = arith.constant 176 : index
    %get3A_1079 = tpu.vector_load %arg8[%get3A_1078] {strides = array<i32>} : memref<800xi32, #tpu.memory_space<vmem>>, vector<16xi32>,
    %get3A_1080 = vector.shape_cast %get3A_1079 : vector<16xi32> to vector<16xi32>
    %eq3A_1081 = arith.constant 0 : i32
    %eq3A_1082 = vector.broadcast %eq3A_1081 : i32 to vector<16xi32>
    %eq3A_1083 = arith.cmpi eq, %get3A_1080, %eq3A_1082 : vector<16xi32>
    %add3A_1084 = arith.constant 512 : i32
    %add3A_1085 = vector.broadcast %add3A_1084 : i32 to vector<16xi32>
    %add3A_1086 = arith.addi %get3A_1077, %add3A_1085 : vector<16xi32>
    %select_n3A_1087 = arith.select %eq3A_1083, %add3A_1086, %get3A_1077 : vector<16xi1>, vector<16xi32>
    %swap3A_1088 = arith.constant 176 : index
    %swap3A_1089 = tpu.vector_load %arg10[%swap3A_1088] {strides = array<i32>} : memref<800xi32, #tpu.memory_space<vmem>>, vector<16xi32>,
    %swap3A_1090 = vector.shape_cast %swap3A_1089 : vector<16xi32> to vector<16xi32>
    %swap3A_1091 = vector.shape_cast %select_n3A_1087 : vector<16xi32> to vector<16xi32>
    tpu.vector_store %arg10[%swap3A_1088], %swap3A_1091 {strides = array<i32>} : memref<800xi32, #tpu.memory_space<vmem>>, vector<16xi32>,
    %get3A_1092 = arith.constant 192 : index
    %get3A_1093 = tpu.vector_load %arg10[%get3A_1092] {strides = array<i32>} : memref<800xi32, #tpu.memory_space<vmem>>, vector<16xi32>,
    %get3A_1094 = vector.shape_cast %get3A_1093 : vector<16xi32> to vector<16xi32>
    %get3A_1095 = arith.constant 192 : index
    %get3A_1096 = tpu.vector_load %arg8[%get3A_1095] {strides = array<i32>} : memref<800xi32, #tpu.memory_space<vmem>>, vector<16xi32>,
    %get3A_1097 = vector.shape_cast %get3A_1096 : vector<16xi32> to vector<16xi32>
    %eq3A_1098 = arith.constant 0 : i32
    %eq3A_1099 = vector.broadcast %eq3A_1098 : i32 to vector<16xi32>
    %eq3A_1100 = arith.cmpi eq, %get3A_1097, %eq3A_1099 : vector<16xi32>
    %add3A_1101 = arith.constant 512 : i32
    %add3A_1102 = vector.broadcast %add3A_1101 : i32 to vector<16xi32>
    %add3A_1103 = arith.addi %get3A_1094, %add3A_1102 : vector<16xi32>
    %select_n3A_1104 = arith.select %eq3A_1100, %add3A_1103, %get3A_1094 : vector<16xi1>, vector<16xi32>
    %swap3A_1105 = arith.constant 192 : index
    %swap3A_1106 = tpu.vector_load %arg10[%swap3A_1105] {strides = array<i32>} : memref<800xi32, #tpu.memory_space<vmem>>, vector<16xi32>,
    %swap3A_1107 = vector.shape_cast %swap3A_1106 : vector<16xi32> to vector<16xi32>
    %swap3A_1108 = vector.shape_cast %select_n3A_1104 : vector<16xi32> to vector<16xi32>
    tpu.vector_store %arg10[%swap3A_1105], %swap3A_1108 {strides = array<i32>} : memref<800xi32, #tpu.memory_space<vmem>>, vector<16xi32>,
    %get3A_1109 = arith.constant 208 : index
    %get3A_1110 = tpu.vector_load %arg10[%get3A_1109] {strides = array<i32>} : memref<800xi32, #tpu.memory_space<vmem>>, vector<16xi32>,
    %get3A_1111 = vector.shape_cast %get3A_1110 : vector<16xi32> to vector<16xi32>
    %get3A_1112 = arith.constant 208 : index
    %get3A_1113 = tpu.vector_load %arg8[%get3A_1112] {strides = array<i32>} : memref<800xi32, #tpu.memory_space<vmem>>, vector<16xi32>,
    %get3A_1114 = vector.shape_cast %get3A_1113 : vector<16xi32> to vector<16xi32>
    %eq3A_1115 = arith.constant 0 : i32
    %eq3A_1116 = vector.broadcast %eq3A_1115 : i32 to vector<16xi32>
    %eq3A_1117 = arith.cmpi eq, %get3A_1114, %eq3A_1116 : vector<16xi32>
    %add3A_1118 = arith.constant 512 : i32
    %add3A_1119 = vector.broadcast %add3A_1118 : i32 to vector<16xi32>
    %add3A_1120 = arith.addi %get3A_1111, %add3A_1119 : vector<16xi32>
    %select_n3A_1121 = arith.select %eq3A_1117, %add3A_1120, %get3A_1111 : vector<16xi1>, vector<16xi32>
    %swap3A_1122 = arith.constant 208 : index
    %swap3A_1123 = tpu.vector_load %arg10[%swap3A_1122] {strides = array<i32>} : memref<800xi32, #tpu.memory_space<vmem>>, vector<16xi32>,
    %swap3A_1124 = vector.shape_cast %swap3A_1123 : vector<16xi32> to vector<16xi32>
    %swap3A_1125 = vector.shape_cast %select_n3A_1121 : vector<16xi32> to vector<16xi32>
    tpu.vector_store %arg10[%swap3A_1122], %swap3A_1125 {strides = array<i32>} : memref<800xi32, #tpu.memory_space<vmem>>, vector<16xi32>,
    %get3A_1126 = arith.constant 224 : index
    %get3A_1127 = tpu.vector_load %arg10[%get3A_1126] {strides = array<i32>} : memref<800xi32, #tpu.memory_space<vmem>>, vector<16xi32>,
    %get3A_1128 = vector.shape_cast %get3A_1127 : vector<16xi32> to vector<16xi32>
    %get3A_1129 = arith.constant 224 : index
    %get3A_1130 = tpu.vector_load %arg8[%get3A_1129] {strides = array<i32>} : memref<800xi32, #tpu.memory_space<vmem>>, vector<16xi32>,
    %get3A_1131 = vector.shape_cast %get3A_1130 : vector<16xi32> to vector<16xi32>
    %eq3A_1132 = arith.constant 0 : i32
    %eq3A_1133 = vector.broadcast %eq3A_1132 : i32 to vector<16xi32>
    %eq3A_1134 = arith.cmpi eq, %get3A_1131, %eq3A_1133 : vector<16xi32>
    %add3A_1135 = arith.constant 512 : i32
    %add3A_1136 = vector.broadcast %add3A_1135 : i32 to vector<16xi32>
    %add3A_1137 = arith.addi %get3A_1128, %add3A_1136 : vector<16xi32>
    %select_n3A_1138 = arith.select %eq3A_1134, %add3A_1137, %get3A_1128 : vector<16xi1>, vector<16xi32>
    %swap3A_1139 = arith.constant 224 : index
    %swap3A_1140 = tpu.vector_load %arg10[%swap3A_1139] {strides = array<i32>} : memref<800xi32, #tpu.memory_space<vmem>>, vector<16xi32>,
    %swap3A_1141 = vector.shape_cast %swap3A_1140 : vector<16xi32> to vector<16xi32>
    %swap3A_1142 = vector.shape_cast %select_n3A_1138 : vector<16xi32> to vector<16xi32>
    tpu.vector_store %arg10[%swap3A_1139], %swap3A_1142 {strides = array<i32>} : memref<800xi32, #tpu.memory_space<vmem>>, vector<16xi32>,
    %get3A_1143 = arith.constant 240 : index
    %get3A_1144 = tpu.vector_load %arg10[%get3A_1143] {strides = array<i32>} : memref<800xi32, #tpu.memory_space<vmem>>, vector<16xi32>,
    %get3A_1145 = vector.shape_cast %get3A_1144 : vector<16xi32> to vector<16xi32>
    %get3A_1146 = arith.constant 240 : index
    %get3A_1147 = tpu.vector_load %arg8[%get3A_1146] {strides = array<i32>} : memref<800xi32, #tpu.memory_space<vmem>>, vector<16xi32>,
    %get3A_1148 = vector.shape_cast %get3A_1147 : vector<16xi32> to vector<16xi32>
    %eq3A_1149 = arith.constant 0 : i32
    %eq3A_1150 = vector.broadcast %eq3A_1149 : i32 to vector<16xi32>
    %eq3A_1151 = arith.cmpi eq, %get3A_1148, %eq3A_1150 : vector<16xi32>
    %add3A_1152 = arith.constant 512 : i32
    %add3A_1153 = vector.broadcast %add3A_1152 : i32 to vector<16xi32>
    %add3A_1154 = arith.addi %get3A_1145, %add3A_1153 : vector<16xi32>
    %select_n3A_1155 = arith.select %eq3A_1151, %add3A_1154, %get3A_1145 : vector<16xi1>, vector<16xi32>
    %swap3A_1156 = arith.constant 240 : index
    %swap3A_1157 = tpu.vector_load %arg10[%swap3A_1156] {strides = array<i32>} : memref<800xi32, #tpu.memory_space<vmem>>, vector<16xi32>,
    %swap3A_1158 = vector.shape_cast %swap3A_1157 : vector<16xi32> to vector<16xi32>
    %swap3A_1159 = vector.shape_cast %select_n3A_1155 : vector<16xi32> to vector<16xi32>
    tpu.vector_store %arg10[%swap3A_1156], %swap3A_1159 {strides = array<i32>} : memref<800xi32, #tpu.memory_space<vmem>>, vector<16xi32>,
    %get3A_1160 = arith.constant 256 : index
    %get3A_1161 = tpu.vector_load %arg10[%get3A_1160] {strides = array<i32>} : memref<800xi32, #tpu.memory_space<vmem>>, vector<16xi32>,
    %get3A_1162 = vector.shape_cast %get3A_1161 : vector<16xi32> to vector<16xi32>
    %get3A_1163 = arith.constant 256 : index
    %get3A_1164 = tpu.vector_load %arg8[%get3A_1163] {strides = array<i32>} : memref<800xi32, #tpu.memory_space<vmem>>, vector<16xi32>,
    %get3A_1165 = vector.shape_cast %get3A_1164 : vector<16xi32> to vector<16xi32>
    %eq3A_1166 = arith.constant 0 : i32
    %eq3A_1167 = vector.broadcast %eq3A_1166 : i32 to vector<16xi32>
    %eq3A_1168 = arith.cmpi eq, %get3A_1165, %eq3A_1167 : vector<16xi32>
    %add3A_1169 = arith.constant 512 : i32
    %add3A_1170 = vector.broadcast %add3A_1169 : i32 to vector<16xi32>
    %add3A_1171 = arith.addi %get3A_1162, %add3A_1170 : vector<16xi32>
    %select_n3A_1172 = arith.select %eq3A_1168, %add3A_1171, %get3A_1162 : vector<16xi1>, vector<16xi32>
    %swap3A_1173 = arith.constant 256 : index
    %swap3A_1174 = tpu.vector_load %arg10[%swap3A_1173] {strides = array<i32>} : memref<800xi32, #tpu.memory_space<vmem>>, vector<16xi32>,
    %swap3A_1175 = vector.shape_cast %swap3A_1174 : vector<16xi32> to vector<16xi32>
    %swap3A_1176 = vector.shape_cast %select_n3A_1172 : vector<16xi32> to vector<16xi32>
    tpu.vector_store %arg10[%swap3A_1173], %swap3A_1176 {strides = array<i32>} : memref<800xi32, #tpu.memory_space<vmem>>, vector<16xi32>,
    %get3A_1177 = arith.constant 272 : index
    %get3A_1178 = tpu.vector_load %arg10[%get3A_1177] {strides = array<i32>} : memref<800xi32, #tpu.memory_space<vmem>>, vector<16xi32>,
    %get3A_1179 = vector.shape_cast %get3A_1178 : vector<16xi32> to vector<16xi32>
    %get3A_1180 = arith.constant 272 : index
    %get3A_1181 = tpu.vector_load %arg8[%get3A_1180] {strides = array<i32>} : memref<800xi32, #tpu.memory_space<vmem>>, vector<16xi32>,
    %get3A_1182 = vector.shape_cast %get3A_1181 : vector<16xi32> to vector<16xi32>
    %eq3A_1183 = arith.constant 0 : i32
    %eq3A_1184 = vector.broadcast %eq3A_1183 : i32 to vector<16xi32>
    %eq3A_1185 = arith.cmpi eq, %get3A_1182, %eq3A_1184 : vector<16xi32>
    %add3A_1186 = arith.constant 512 : i32
    %add3A_1187 = vector.broadcast %add3A_1186 : i32 to vector<16xi32>
    %add3A_1188 = arith.addi %get3A_1179, %add3A_1187 : vector<16xi32>
    %select_n3A_1189 = arith.select %eq3A_1185, %add3A_1188, %get3A_1179 : vector<16xi1>, vector<16xi32>
    %swap3A_1190 = arith.constant 272 : index
    %swap3A_1191 = tpu.vector_load %arg10[%swap3A_1190] {strides = array<i32>} : memref<800xi32, #tpu.memory_space<vmem>>, vector<16xi32>,
    %swap3A_1192 = vector.shape_cast %swap3A_1191 : vector<16xi32> to vector<16xi32>
    %swap3A_1193 = vector.shape_cast %select_n3A_1189 : vector<16xi32> to vector<16xi32>
    tpu.vector_store %arg10[%swap3A_1190], %swap3A_1193 {strides = array<i32>} : memref<800xi32, #tpu.memory_space<vmem>>, vector<16xi32>,
    %get3A_1194 = arith.constant 288 : index
    %get3A_1195 = tpu.vector_load %arg10[%get3A_1194] {strides = array<i32>} : memref<800xi32, #tpu.memory_space<vmem>>, vector<16xi32>,
    %get3A_1196 = vector.shape_cast %get3A_1195 : vector<16xi32> to vector<16xi32>
    %get3A_1197 = arith.constant 288 : index
    %get3A_1198 = tpu.vector_load %arg8[%get3A_1197] {strides = array<i32>} : memref<800xi32, #tpu.memory_space<vmem>>, vector<16xi32>,
    %get3A_1199 = vector.shape_cast %get3A_1198 : vector<16xi32> to vector<16xi32>
    %eq3A_1200 = arith.constant 0 : i32
    %eq3A_1201 = vector.broadcast %eq3A_1200 : i32 to vector<16xi32>
    %eq3A_1202 = arith.cmpi eq, %get3A_1199, %eq3A_1201 : vector<16xi32>
    %add3A_1203 = arith.constant 512 : i32
    %add3A_1204 = vector.broadcast %add3A_1203 : i32 to vector<16xi32>
    %add3A_1205 = arith.addi %get3A_1196, %add3A_1204 : vector<16xi32>
    %select_n3A_1206 = arith.select %eq3A_1202, %add3A_1205, %get3A_1196 : vector<16xi1>, vector<16xi32>
    %swap3A_1207 = arith.constant 288 : index
    %swap3A_1208 = tpu.vector_load %arg10[%swap3A_1207] {strides = array<i32>} : memref<800xi32, #tpu.memory_space<vmem>>, vector<16xi32>,
    %swap3A_1209 = vector.shape_cast %swap3A_1208 : vector<16xi32> to vector<16xi32>
    %swap3A_1210 = vector.shape_cast %select_n3A_1206 : vector<16xi32> to vector<16xi32>
    tpu.vector_store %arg10[%swap3A_1207], %swap3A_1210 {strides = array<i32>} : memref<800xi32, #tpu.memory_space<vmem>>, vector<16xi32>,
    %get3A_1211 = arith.constant 304 : index
    %get3A_1212 = tpu.vector_load %arg10[%get3A_1211] {strides = array<i32>} : memref<800xi32, #tpu.memory_space<vmem>>, vector<16xi32>,
    %get3A_1213 = vector.shape_cast %get3A_1212 : vector<16xi32> to vector<16xi32>
    %get3A_1214 = arith.constant 304 : index
    %get3A_1215 = tpu.vector_load %arg8[%get3A_1214] {strides = array<i32>} : memref<800xi32, #tpu.memory_space<vmem>>, vector<16xi32>,
    %get3A_1216 = vector.shape_cast %get3A_1215 : vector<16xi32> to vector<16xi32>
    %eq3A_1217 = arith.constant 0 : i32
    %eq3A_1218 = vector.broadcast %eq3A_1217 : i32 to vector<16xi32>
    %eq3A_1219 = arith.cmpi eq, %get3A_1216, %eq3A_1218 : vector<16xi32>
    %add3A_1220 = arith.constant 512 : i32
    %add3A_1221 = vector.broadcast %add3A_1220 : i32 to vector<16xi32>
    %add3A_1222 = arith.addi %get3A_1213, %add3A_1221 : vector<16xi32>
    %select_n3A_1223 = arith.select %eq3A_1219, %add3A_1222, %get3A_1213 : vector<16xi1>, vector<16xi32>
    %swap3A_1224 = arith.constant 304 : index
    %swap3A_1225 = tpu.vector_load %arg10[%swap3A_1224] {strides = array<i32>} : memref<800xi32, #tpu.memory_space<vmem>>, vector<16xi32>,
    %swap3A_1226 = vector.shape_cast %swap3A_1225 : vector<16xi32> to vector<16xi32>
    %swap3A_1227 = vector.shape_cast %select_n3A_1223 : vector<16xi32> to vector<16xi32>
    tpu.vector_store %arg10[%swap3A_1224], %swap3A_1227 {strides = array<i32>} : memref<800xi32, #tpu.memory_space<vmem>>, vector<16xi32>,
    %get3A_1228 = arith.constant 320 : index
    %get3A_1229 = tpu.vector_load %arg10[%get3A_1228] {strides = array<i32>} : memref<800xi32, #tpu.memory_space<vmem>>, vector<16xi32>,
    %get3A_1230 = vector.shape_cast %get3A_1229 : vector<16xi32> to vector<16xi32>
    %get3A_1231 = arith.constant 320 : index
    %get3A_1232 = tpu.vector_load %arg8[%get3A_1231] {strides = array<i32>} : memref<800xi32, #tpu.memory_space<vmem>>, vector<16xi32>,
    %get3A_1233 = vector.shape_cast %get3A_1232 : vector<16xi32> to vector<16xi32>
    %eq3A_1234 = arith.constant 0 : i32
    %eq3A_1235 = vector.broadcast %eq3A_1234 : i32 to vector<16xi32>
    %eq3A_1236 = arith.cmpi eq, %get3A_1233, %eq3A_1235 : vector<16xi32>
    %add3A_1237 = arith.constant 512 : i32
    %add3A_1238 = vector.broadcast %add3A_1237 : i32 to vector<16xi32>
    %add3A_1239 = arith.addi %get3A_1230, %add3A_1238 : vector<16xi32>
    %select_n3A_1240 = arith.select %eq3A_1236, %add3A_1239, %get3A_1230 : vector<16xi1>, vector<16xi32>
    %swap3A_1241 = arith.constant 320 : index
    %swap3A_1242 = tpu.vector_load %arg10[%swap3A_1241] {strides = array<i32>} : memref<800xi32, #tpu.memory_space<vmem>>, vector<16xi32>,
    %swap3A_1243 = vector.shape_cast %swap3A_1242 : vector<16xi32> to vector<16xi32>
    %swap3A_1244 = vector.shape_cast %select_n3A_1240 : vector<16xi32> to vector<16xi32>
    tpu.vector_store %arg10[%swap3A_1241], %swap3A_1244 {strides = array<i32>} : memref<800xi32, #tpu.memory_space<vmem>>, vector<16xi32>,
    %get3A_1245 = arith.constant 336 : index
    %get3A_1246 = tpu.vector_load %arg10[%get3A_1245] {strides = array<i32>} : memref<800xi32, #tpu.memory_space<vmem>>, vector<16xi32>,
    %get3A_1247 = vector.shape_cast %get3A_1246 : vector<16xi32> to vector<16xi32>
    %get3A_1248 = arith.constant 336 : index
    %get3A_1249 = tpu.vector_load %arg8[%get3A_1248] {strides = array<i32>} : memref<800xi32, #tpu.memory_space<vmem>>, vector<16xi32>,
    %get3A_1250 = vector.shape_cast %get3A_1249 : vector<16xi32> to vector<16xi32>
    %eq3A_1251 = arith.constant 0 : i32
    %eq3A_1252 = vector.broadcast %eq3A_1251 : i32 to vector<16xi32>
    %eq3A_1253 = arith.cmpi eq, %get3A_1250, %eq3A_1252 : vector<16xi32>
    %add3A_1254 = arith.constant 512 : i32
    %add3A_1255 = vector.broadcast %add3A_1254 : i32 to vector<16xi32>
    %add3A_1256 = arith.addi %get3A_1247, %add3A_1255 : vector<16xi32>
    %select_n3A_1257 = arith.select %eq3A_1253, %add3A_1256, %get3A_1247 : vector<16xi1>, vector<16xi32>
    %swap3A_1258 = arith.constant 336 : index
    %swap3A_1259 = tpu.vector_load %arg10[%swap3A_1258] {strides = array<i32>} : memref<800xi32, #tpu.memory_space<vmem>>, vector<16xi32>,
    %swap3A_1260 = vector.shape_cast %swap3A_1259 : vector<16xi32> to vector<16xi32>
    %swap3A_1261 = vector.shape_cast %select_n3A_1257 : vector<16xi32> to vector<16xi32>
    tpu.vector_store %arg10[%swap3A_1258], %swap3A_1261 {strides = array<i32>} : memref<800xi32, #tpu.memory_space<vmem>>, vector<16xi32>,
    %get3A_1262 = arith.constant 352 : index
    %get3A_1263 = tpu.vector_load %arg10[%get3A_1262] {strides = array<i32>} : memref<800xi32, #tpu.memory_space<vmem>>, vector<16xi32>,
    %get3A_1264 = vector.shape_cast %get3A_1263 : vector<16xi32> to vector<16xi32>
    %get3A_1265 = arith.constant 352 : index
    %get3A_1266 = tpu.vector_load %arg8[%get3A_1265] {strides = array<i32>} : memref<800xi32, #tpu.memory_space<vmem>>, vector<16xi32>,
    %get3A_1267 = vector.shape_cast %get3A_1266 : vector<16xi32> to vector<16xi32>
    %eq3A_1268 = arith.constant 0 : i32
    %eq3A_1269 = vector.broadcast %eq3A_1268 : i32 to vector<16xi32>
    %eq3A_1270 = arith.cmpi eq, %get3A_1267, %eq3A_1269 : vector<16xi32>
    %add3A_1271 = arith.constant 512 : i32
    %add3A_1272 = vector.broadcast %add3A_1271 : i32 to vector<16xi32>
    %add3A_1273 = arith.addi %get3A_1264, %add3A_1272 : vector<16xi32>
    %select_n3A_1274 = arith.select %eq3A_1270, %add3A_1273, %get3A_1264 : vector<16xi1>, vector<16xi32>
    %swap3A_1275 = arith.constant 352 : index
    %swap3A_1276 = tpu.vector_load %arg10[%swap3A_1275] {strides = array<i32>} : memref<800xi32, #tpu.memory_space<vmem>>, vector<16xi32>,
    %swap3A_1277 = vector.shape_cast %swap3A_1276 : vector<16xi32> to vector<16xi32>
    %swap3A_1278 = vector.shape_cast %select_n3A_1274 : vector<16xi32> to vector<16xi32>
    tpu.vector_store %arg10[%swap3A_1275], %swap3A_1278 {strides = array<i32>} : memref<800xi32, #tpu.memory_space<vmem>>, vector<16xi32>,
    %get3A_1279 = arith.constant 368 : index
    %get3A_1280 = tpu.vector_load %arg10[%get3A_1279] {strides = array<i32>} : memref<800xi32, #tpu.memory_space<vmem>>, vector<16xi32>,
    %get3A_1281 = vector.shape_cast %get3A_1280 : vector<16xi32> to vector<16xi32>
    %get3A_1282 = arith.constant 368 : index
    %get3A_1283 = tpu.vector_load %arg8[%get3A_1282] {strides = array<i32>} : memref<800xi32, #tpu.memory_space<vmem>>, vector<16xi32>,
    %get3A_1284 = vector.shape_cast %get3A_1283 : vector<16xi32> to vector<16xi32>
    %eq3A_1285 = arith.constant 0 : i32
    %eq3A_1286 = vector.broadcast %eq3A_1285 : i32 to vector<16xi32>
    %eq3A_1287 = arith.cmpi eq, %get3A_1284, %eq3A_1286 : vector<16xi32>
    %add3A_1288 = arith.constant 512 : i32
    %add3A_1289 = vector.broadcast %add3A_1288 : i32 to vector<16xi32>
    %add3A_1290 = arith.addi %get3A_1281, %add3A_1289 : vector<16xi32>
    %select_n3A_1291 = arith.select %eq3A_1287, %add3A_1290, %get3A_1281 : vector<16xi1>, vector<16xi32>
    %swap3A_1292 = arith.constant 368 : index
    %swap3A_1293 = tpu.vector_load %arg10[%swap3A_1292] {strides = array<i32>} : memref<800xi32, #tpu.memory_space<vmem>>, vector<16xi32>,
    %swap3A_1294 = vector.shape_cast %swap3A_1293 : vector<16xi32> to vector<16xi32>
    %swap3A_1295 = vector.shape_cast %select_n3A_1291 : vector<16xi32> to vector<16xi32>
    tpu.vector_store %arg10[%swap3A_1292], %swap3A_1295 {strides = array<i32>} : memref<800xi32, #tpu.memory_space<vmem>>, vector<16xi32>,
    %get3A_1296 = arith.constant 384 : index
    %get3A_1297 = tpu.vector_load %arg10[%get3A_1296] {strides = array<i32>} : memref<800xi32, #tpu.memory_space<vmem>>, vector<16xi32>,
    %get3A_1298 = vector.shape_cast %get3A_1297 : vector<16xi32> to vector<16xi32>
    %get3A_1299 = arith.constant 384 : index
    %get3A_1300 = tpu.vector_load %arg8[%get3A_1299] {strides = array<i32>} : memref<800xi32, #tpu.memory_space<vmem>>, vector<16xi32>,
    %get3A_1301 = vector.shape_cast %get3A_1300 : vector<16xi32> to vector<16xi32>
    %eq3A_1302 = arith.constant 0 : i32
    %eq3A_1303 = vector.broadcast %eq3A_1302 : i32 to vector<16xi32>
    %eq3A_1304 = arith.cmpi eq, %get3A_1301, %eq3A_1303 : vector<16xi32>
    %add3A_1305 = arith.constant 512 : i32
    %add3A_1306 = vector.broadcast %add3A_1305 : i32 to vector<16xi32>
    %add3A_1307 = arith.addi %get3A_1298, %add3A_1306 : vector<16xi32>
    %select_n3A_1308 = arith.select %eq3A_1304, %add3A_1307, %get3A_1298 : vector<16xi1>, vector<16xi32>
    %swap3A_1309 = arith.constant 384 : index
    %swap3A_1310 = tpu.vector_load %arg10[%swap3A_1309] {strides = array<i32>} : memref<800xi32, #tpu.memory_space<vmem>>, vector<16xi32>,
    %swap3A_1311 = vector.shape_cast %swap3A_1310 : vector<16xi32> to vector<16xi32>
    %swap3A_1312 = vector.shape_cast %select_n3A_1308 : vector<16xi32> to vector<16xi32>
    tpu.vector_store %arg10[%swap3A_1309], %swap3A_1312 {strides = array<i32>} : memref<800xi32, #tpu.memory_space<vmem>>, vector<16xi32>,
    %get3A_1313 = arith.constant 400 : index
    %get3A_1314 = tpu.vector_load %arg10[%get3A_1313] {strides = array<i32>} : memref<800xi32, #tpu.memory_space<vmem>>, vector<16xi32>,
    %get3A_1315 = vector.shape_cast %get3A_1314 : vector<16xi32> to vector<16xi32>
    %get3A_1316 = arith.constant 400 : index
    %get3A_1317 = tpu.vector_load %arg8[%get3A_1316] {strides = array<i32>} : memref<800xi32, #tpu.memory_space<vmem>>, vector<16xi32>,
    %get3A_1318 = vector.shape_cast %get3A_1317 : vector<16xi32> to vector<16xi32>
    %eq3A_1319 = arith.constant 0 : i32
    %eq3A_1320 = vector.broadcast %eq3A_1319 : i32 to vector<16xi32>
    %eq3A_1321 = arith.cmpi eq, %get3A_1318, %eq3A_1320 : vector<16xi32>
    %add3A_1322 = arith.constant 512 : i32
    %add3A_1323 = vector.broadcast %add3A_1322 : i32 to vector<16xi32>
    %add3A_1324 = arith.addi %get3A_1315, %add3A_1323 : vector<16xi32>
    %select_n3A_1325 = arith.select %eq3A_1321, %add3A_1324, %get3A_1315 : vector<16xi1>, vector<16xi32>
    %swap3A_1326 = arith.constant 400 : index
    %swap3A_1327 = tpu.vector_load %arg10[%swap3A_1326] {strides = array<i32>} : memref<800xi32, #tpu.memory_space<vmem>>, vector<16xi32>,
    %swap3A_1328 = vector.shape_cast %swap3A_1327 : vector<16xi32> to vector<16xi32>
    %swap3A_1329 = vector.shape_cast %select_n3A_1325 : vector<16xi32> to vector<16xi32>
    tpu.vector_store %arg10[%swap3A_1326], %swap3A_1329 {strides = array<i32>} : memref<800xi32, #tpu.memory_space<vmem>>, vector<16xi32>,
    %get3A_1330 = arith.constant 416 : index
    %get3A_1331 = tpu.vector_load %arg10[%get3A_1330] {strides = array<i32>} : memref<800xi32, #tpu.memory_space<vmem>>, vector<16xi32>,
    %get3A_1332 = vector.shape_cast %get3A_1331 : vector<16xi32> to vector<16xi32>
    %get3A_1333 = arith.constant 416 : index
    %get3A_1334 = tpu.vector_load %arg8[%get3A_1333] {strides = array<i32>} : memref<800xi32, #tpu.memory_space<vmem>>, vector<16xi32>,
    %get3A_1335 = vector.shape_cast %get3A_1334 : vector<16xi32> to vector<16xi32>
    %eq3A_1336 = arith.constant 0 : i32
    %eq3A_1337 = vector.broadcast %eq3A_1336 : i32 to vector<16xi32>
    %eq3A_1338 = arith.cmpi eq, %get3A_1335, %eq3A_1337 : vector<16xi32>
    %add3A_1339 = arith.constant 512 : i32
    %add3A_1340 = vector.broadcast %add3A_1339 : i32 to vector<16xi32>
    %add3A_1341 = arith.addi %get3A_1332, %add3A_1340 : vector<16xi32>
    %select_n3A_1342 = arith.select %eq3A_1338, %add3A_1341, %get3A_1332 : vector<16xi1>, vector<16xi32>
    %swap3A_1343 = arith.constant 416 : index
    %swap3A_1344 = tpu.vector_load %arg10[%swap3A_1343] {strides = array<i32>} : memref<800xi32, #tpu.memory_space<vmem>>, vector<16xi32>,
    %swap3A_1345 = vector.shape_cast %swap3A_1344 : vector<16xi32> to vector<16xi32>
    %swap3A_1346 = vector.shape_cast %select_n3A_1342 : vector<16xi32> to vector<16xi32>
    tpu.vector_store %arg10[%swap3A_1343], %swap3A_1346 {strides = array<i32>} : memref<800xi32, #tpu.memory_space<vmem>>, vector<16xi32>,
    %get3A_1347 = arith.constant 432 : index
    %get3A_1348 = tpu.vector_load %arg10[%get3A_1347] {strides = array<i32>} : memref<800xi32, #tpu.memory_space<vmem>>, vector<16xi32>,
    %get3A_1349 = vector.shape_cast %get3A_1348 : vector<16xi32> to vector<16xi32>
    %get3A_1350 = arith.constant 432 : index
    %get3A_1351 = tpu.vector_load %arg8[%get3A_1350] {strides = array<i32>} : memref<800xi32, #tpu.memory_space<vmem>>, vector<16xi32>,
    %get3A_1352 = vector.shape_cast %get3A_1351 : vector<16xi32> to vector<16xi32>
    %eq3A_1353 = arith.constant 0 : i32
    %eq3A_1354 = vector.broadcast %eq3A_1353 : i32 to vector<16xi32>
    %eq3A_1355 = arith.cmpi eq, %get3A_1352, %eq3A_1354 : vector<16xi32>
    %add3A_1356 = arith.constant 512 : i32
    %add3A_1357 = vector.broadcast %add3A_1356 : i32 to vector<16xi32>
    %add3A_1358 = arith.addi %get3A_1349, %add3A_1357 : vector<16xi32>
    %select_n3A_1359 = arith.select %eq3A_1355, %add3A_1358, %get3A_1349 : vector<16xi1>, vector<16xi32>
    %swap3A_1360 = arith.constant 432 : index
    %swap3A_1361 = tpu.vector_load %arg10[%swap3A_1360] {strides = array<i32>} : memref<800xi32, #tpu.memory_space<vmem>>, vector<16xi32>,
    %swap3A_1362 = vector.shape_cast %swap3A_1361 : vector<16xi32> to vector<16xi32>
    %swap3A_1363 = vector.shape_cast %select_n3A_1359 : vector<16xi32> to vector<16xi32>
    tpu.vector_store %arg10[%swap3A_1360], %swap3A_1363 {strides = array<i32>} : memref<800xi32, #tpu.memory_space<vmem>>, vector<16xi32>,
    %get3A_1364 = arith.constant 448 : index
    %get3A_1365 = tpu.vector_load %arg10[%get3A_1364] {strides = array<i32>} : memref<800xi32, #tpu.memory_space<vmem>>, vector<16xi32>,
    %get3A_1366 = vector.shape_cast %get3A_1365 : vector<16xi32> to vector<16xi32>
    %get3A_1367 = arith.constant 448 : index
    %get3A_1368 = tpu.vector_load %arg8[%get3A_1367] {strides = array<i32>} : memref<800xi32, #tpu.memory_space<vmem>>, vector<16xi32>,
    %get3A_1369 = vector.shape_cast %get3A_1368 : vector<16xi32> to vector<16xi32>
    %eq3A_1370 = arith.constant 0 : i32
    %eq3A_1371 = vector.broadcast %eq3A_1370 : i32 to vector<16xi32>
    %eq3A_1372 = arith.cmpi eq, %get3A_1369, %eq3A_1371 : vector<16xi32>
    %add3A_1373 = arith.constant 512 : i32
    %add3A_1374 = vector.broadcast %add3A_1373 : i32 to vector<16xi32>
    %add3A_1375 = arith.addi %get3A_1366, %add3A_1374 : vector<16xi32>
    %select_n3A_1376 = arith.select %eq3A_1372, %add3A_1375, %get3A_1366 : vector<16xi1>, vector<16xi32>
    %swap3A_1377 = arith.constant 448 : index
    %swap3A_1378 = tpu.vector_load %arg10[%swap3A_1377] {strides = array<i32>} : memref<800xi32, #tpu.memory_space<vmem>>, vector<16xi32>,
    %swap3A_1379 = vector.shape_cast %swap3A_1378 : vector<16xi32> to vector<16xi32>
    %swap3A_1380 = vector.shape_cast %select_n3A_1376 : vector<16xi32> to vector<16xi32>
    tpu.vector_store %arg10[%swap3A_1377], %swap3A_1380 {strides = array<i32>} : memref<800xi32, #tpu.memory_space<vmem>>, vector<16xi32>,
    %get3A_1381 = arith.constant 464 : index
    %get3A_1382 = tpu.vector_load %arg10[%get3A_1381] {strides = array<i32>} : memref<800xi32, #tpu.memory_space<vmem>>, vector<16xi32>,
    %get3A_1383 = vector.shape_cast %get3A_1382 : vector<16xi32> to vector<16xi32>
    %get3A_1384 = arith.constant 464 : index
    %get3A_1385 = tpu.vector_load %arg8[%get3A_1384] {strides = array<i32>} : memref<800xi32, #tpu.memory_space<vmem>>, vector<16xi32>,
    %get3A_1386 = vector.shape_cast %get3A_1385 : vector<16xi32> to vector<16xi32>
    %eq3A_1387 = arith.constant 0 : i32
    %eq3A_1388 = vector.broadcast %eq3A_1387 : i32 to vector<16xi32>
    %eq3A_1389 = arith.cmpi eq, %get3A_1386, %eq3A_1388 : vector<16xi32>
    %add3A_1390 = arith.constant 512 : i32
    %add3A_1391 = vector.broadcast %add3A_1390 : i32 to vector<16xi32>
    %add3A_1392 = arith.addi %get3A_1383, %add3A_1391 : vector<16xi32>
    %select_n3A_1393 = arith.select %eq3A_1389, %add3A_1392, %get3A_1383 : vector<16xi1>, vector<16xi32>
    %swap3A_1394 = arith.constant 464 : index
    %swap3A_1395 = tpu.vector_load %arg10[%swap3A_1394] {strides = array<i32>} : memref<800xi32, #tpu.memory_space<vmem>>, vector<16xi32>,
    %swap3A_1396 = vector.shape_cast %swap3A_1395 : vector<16xi32> to vector<16xi32>
    %swap3A_1397 = vector.shape_cast %select_n3A_1393 : vector<16xi32> to vector<16xi32>
    tpu.vector_store %arg10[%swap3A_1394], %swap3A_1397 {strides = array<i32>} : memref<800xi32, #tpu.memory_space<vmem>>, vector<16xi32>,
    %get3A_1398 = arith.constant 480 : index
    %get3A_1399 = tpu.vector_load %arg10[%get3A_1398] {strides = array<i32>} : memref<800xi32, #tpu.memory_space<vmem>>, vector<16xi32>,
    %get3A_1400 = vector.shape_cast %get3A_1399 : vector<16xi32> to vector<16xi32>
    %get3A_1401 = arith.constant 480 : index
    %get3A_1402 = tpu.vector_load %arg8[%get3A_1401] {strides = array<i32>} : memref<800xi32, #tpu.memory_space<vmem>>, vector<16xi32>,
    %get3A_1403 = vector.shape_cast %get3A_1402 : vector<16xi32> to vector<16xi32>
    %eq3A_1404 = arith.constant 0 : i32
    %eq3A_1405 = vector.broadcast %eq3A_1404 : i32 to vector<16xi32>
    %eq3A_1406 = arith.cmpi eq, %get3A_1403, %eq3A_1405 : vector<16xi32>
    %add3A_1407 = arith.constant 512 : i32
    %add3A_1408 = vector.broadcast %add3A_1407 : i32 to vector<16xi32>
    %add3A_1409 = arith.addi %get3A_1400, %add3A_1408 : vector<16xi32>
    %select_n3A_1410 = arith.select %eq3A_1406, %add3A_1409, %get3A_1400 : vector<16xi1>, vector<16xi32>
    %swap3A_1411 = arith.constant 480 : index
    %swap3A_1412 = tpu.vector_load %arg10[%swap3A_1411] {strides = array<i32>} : memref<800xi32, #tpu.memory_space<vmem>>, vector<16xi32>,
    %swap3A_1413 = vector.shape_cast %swap3A_1412 : vector<16xi32> to vector<16xi32>
    %swap3A_1414 = vector.shape_cast %select_n3A_1410 : vector<16xi32> to vector<16xi32>
    tpu.vector_store %arg10[%swap3A_1411], %swap3A_1414 {strides = array<i32>} : memref<800xi32, #tpu.memory_space<vmem>>, vector<16xi32>,
    %get3A_1415 = arith.constant 496 : index
    %get3A_1416 = tpu.vector_load %arg10[%get3A_1415] {strides = array<i32>} : memref<800xi32, #tpu.memory_space<vmem>>, vector<16xi32>,
    %get3A_1417 = vector.shape_cast %get3A_1416 : vector<16xi32> to vector<16xi32>
    %get3A_1418 = arith.constant 496 : index
    %get3A_1419 = tpu.vector_load %arg8[%get3A_1418] {strides = array<i32>} : memref<800xi32, #tpu.memory_space<vmem>>, vector<16xi32>,
    %get3A_1420 = vector.shape_cast %get3A_1419 : vector<16xi32> to vector<16xi32>
    %eq3A_1421 = arith.constant 0 : i32
    %eq3A_1422 = vector.broadcast %eq3A_1421 : i32 to vector<16xi32>
    %eq3A_1423 = arith.cmpi eq, %get3A_1420, %eq3A_1422 : vector<16xi32>
    %add3A_1424 = arith.constant 512 : i32
    %add3A_1425 = vector.broadcast %add3A_1424 : i32 to vector<16xi32>
    %add3A_1426 = arith.addi %get3A_1417, %add3A_1425 : vector<16xi32>
    %select_n3A_1427 = arith.select %eq3A_1423, %add3A_1426, %get3A_1417 : vector<16xi1>, vector<16xi32>
    %swap3A_1428 = arith.constant 496 : index
    %swap3A_1429 = tpu.vector_load %arg10[%swap3A_1428] {strides = array<i32>} : memref<800xi32, #tpu.memory_space<vmem>>, vector<16xi32>,
    %swap3A_1430 = vector.shape_cast %swap3A_1429 : vector<16xi32> to vector<16xi32>
    %swap3A_1431 = vector.shape_cast %select_n3A_1427 : vector<16xi32> to vector<16xi32>
    tpu.vector_store %arg10[%swap3A_1428], %swap3A_1431 {strides = array<i32>} : memref<800xi32, #tpu.memory_space<vmem>>, vector<16xi32>,
    %get3A_1432 = arith.constant 512 : index
    %get3A_1433 = tpu.vector_load %arg10[%get3A_1432] {strides = array<i32>} : memref<800xi32, #tpu.memory_space<vmem>>, vector<16xi32>,
    %get3A_1434 = vector.shape_cast %get3A_1433 : vector<16xi32> to vector<16xi32>
    %get3A_1435 = arith.constant 512 : index
    %get3A_1436 = tpu.vector_load %arg8[%get3A_1435] {strides = array<i32>} : memref<800xi32, #tpu.memory_space<vmem>>, vector<16xi32>,
    %get3A_1437 = vector.shape_cast %get3A_1436 : vector<16xi32> to vector<16xi32>
    %eq3A_1438 = arith.constant 0 : i32
    %eq3A_1439 = vector.broadcast %eq3A_1438 : i32 to vector<16xi32>
    %eq3A_1440 = arith.cmpi eq, %get3A_1437, %eq3A_1439 : vector<16xi32>
    %add3A_1441 = arith.constant 512 : i32
    %add3A_1442 = vector.broadcast %add3A_1441 : i32 to vector<16xi32>
    %add3A_1443 = arith.addi %get3A_1434, %add3A_1442 : vector<16xi32>
    %select_n3A_1444 = arith.select %eq3A_1440, %add3A_1443, %get3A_1434 : vector<16xi1>, vector<16xi32>
    %swap3A_1445 = arith.constant 512 : index
    %swap3A_1446 = tpu.vector_load %arg10[%swap3A_1445] {strides = array<i32>} : memref<800xi32, #tpu.memory_space<vmem>>, vector<16xi32>,
    %swap3A_1447 = vector.shape_cast %swap3A_1446 : vector<16xi32> to vector<16xi32>
    %swap3A_1448 = vector.shape_cast %select_n3A_1444 : vector<16xi32> to vector<16xi32>
    tpu.vector_store %arg10[%swap3A_1445], %swap3A_1448 {strides = array<i32>} : memref<800xi32, #tpu.memory_space<vmem>>, vector<16xi32>,
    %get3A_1449 = arith.constant 528 : index
    %get3A_1450 = tpu.vector_load %arg10[%get3A_1449] {strides = array<i32>} : memref<800xi32, #tpu.memory_space<vmem>>, vector<16xi32>,
    %get3A_1451 = vector.shape_cast %get3A_1450 : vector<16xi32> to vector<16xi32>
    %get3A_1452 = arith.constant 528 : index
    %get3A_1453 = tpu.vector_load %arg8[%get3A_1452] {strides = array<i32>} : memref<800xi32, #tpu.memory_space<vmem>>, vector<16xi32>,
    %get3A_1454 = vector.shape_cast %get3A_1453 : vector<16xi32> to vector<16xi32>
    %eq3A_1455 = arith.constant 0 : i32
    %eq3A_1456 = vector.broadcast %eq3A_1455 : i32 to vector<16xi32>
    %eq3A_1457 = arith.cmpi eq, %get3A_1454, %eq3A_1456 : vector<16xi32>
    %add3A_1458 = arith.constant 512 : i32
    %add3A_1459 = vector.broadcast %add3A_1458 : i32 to vector<16xi32>
    %add3A_1460 = arith.addi %get3A_1451, %add3A_1459 : vector<16xi32>
    %select_n3A_1461 = arith.select %eq3A_1457, %add3A_1460, %get3A_1451 : vector<16xi1>, vector<16xi32>
    %swap3A_1462 = arith.constant 528 : index
    %swap3A_1463 = tpu.vector_load %arg10[%swap3A_1462] {strides = array<i32>} : memref<800xi32, #tpu.memory_space<vmem>>, vector<16xi32>,
    %swap3A_1464 = vector.shape_cast %swap3A_1463 : vector<16xi32> to vector<16xi32>
    %swap3A_1465 = vector.shape_cast %select_n3A_1461 : vector<16xi32> to vector<16xi32>
    tpu.vector_store %arg10[%swap3A_1462], %swap3A_1465 {strides = array<i32>} : memref<800xi32, #tpu.memory_space<vmem>>, vector<16xi32>,
    %get3A_1466 = arith.constant 544 : index
    %get3A_1467 = tpu.vector_load %arg10[%get3A_1466] {strides = array<i32>} : memref<800xi32, #tpu.memory_space<vmem>>, vector<16xi32>,
    %get3A_1468 = vector.shape_cast %get3A_1467 : vector<16xi32> to vector<16xi32>
    %get3A_1469 = arith.constant 544 : index
    %get3A_1470 = tpu.vector_load %arg8[%get3A_1469] {strides = array<i32>} : memref<800xi32, #tpu.memory_space<vmem>>, vector<16xi32>,
    %get3A_1471 = vector.shape_cast %get3A_1470 : vector<16xi32> to vector<16xi32>
    %eq3A_1472 = arith.constant 0 : i32
    %eq3A_1473 = vector.broadcast %eq3A_1472 : i32 to vector<16xi32>
    %eq3A_1474 = arith.cmpi eq, %get3A_1471, %eq3A_1473 : vector<16xi32>
    %add3A_1475 = arith.constant 512 : i32
    %add3A_1476 = vector.broadcast %add3A_1475 : i32 to vector<16xi32>
    %add3A_1477 = arith.addi %get3A_1468, %add3A_1476 : vector<16xi32>
    %select_n3A_1478 = arith.select %eq3A_1474, %add3A_1477, %get3A_1468 : vector<16xi1>, vector<16xi32>
    %swap3A_1479 = arith.constant 544 : index
    %swap3A_1480 = tpu.vector_load %arg10[%swap3A_1479] {strides = array<i32>} : memref<800xi32, #tpu.memory_space<vmem>>, vector<16xi32>,
    %swap3A_1481 = vector.shape_cast %swap3A_1480 : vector<16xi32> to vector<16xi32>
    %swap3A_1482 = vector.shape_cast %select_n3A_1478 : vector<16xi32> to vector<16xi32>
    tpu.vector_store %arg10[%swap3A_1479], %swap3A_1482 {strides = array<i32>} : memref<800xi32, #tpu.memory_space<vmem>>, vector<16xi32>,
    %get3A_1483 = arith.constant 560 : index
    %get3A_1484 = tpu.vector_load %arg10[%get3A_1483] {strides = array<i32>} : memref<800xi32, #tpu.memory_space<vmem>>, vector<16xi32>,
    %get3A_1485 = vector.shape_cast %get3A_1484 : vector<16xi32> to vector<16xi32>
    %get3A_1486 = arith.constant 560 : index
    %get3A_1487 = tpu.vector_load %arg8[%get3A_1486] {strides = array<i32>} : memref<800xi32, #tpu.memory_space<vmem>>, vector<16xi32>,
    %get3A_1488 = vector.shape_cast %get3A_1487 : vector<16xi32> to vector<16xi32>
    %eq3A_1489 = arith.constant 0 : i32
    %eq3A_1490 = vector.broadcast %eq3A_1489 : i32 to vector<16xi32>
    %eq3A_1491 = arith.cmpi eq, %get3A_1488, %eq3A_1490 : vector<16xi32>
    %add3A_1492 = arith.constant 512 : i32
    %add3A_1493 = vector.broadcast %add3A_1492 : i32 to vector<16xi32>
    %add3A_1494 = arith.addi %get3A_1485, %add3A_1493 : vector<16xi32>
    %select_n3A_1495 = arith.select %eq3A_1491, %add3A_1494, %get3A_1485 : vector<16xi1>, vector<16xi32>
    %swap3A_1496 = arith.constant 560 : index
    %swap3A_1497 = tpu.vector_load %arg10[%swap3A_1496] {strides = array<i32>} : memref<800xi32, #tpu.memory_space<vmem>>, vector<16xi32>,
    %swap3A_1498 = vector.shape_cast %swap3A_1497 : vector<16xi32> to vector<16xi32>
    %swap3A_1499 = vector.shape_cast %select_n3A_1495 : vector<16xi32> to vector<16xi32>
    tpu.vector_store %arg10[%swap3A_1496], %swap3A_1499 {strides = array<i32>} : memref<800xi32, #tpu.memory_space<vmem>>, vector<16xi32>,
    %get3A_1500 = arith.constant 576 : index
    %get3A_1501 = tpu.vector_load %arg10[%get3A_1500] {strides = array<i32>} : memref<800xi32, #tpu.memory_space<vmem>>, vector<16xi32>,
    %get3A_1502 = vector.shape_cast %get3A_1501 : vector<16xi32> to vector<16xi32>
    %get3A_1503 = arith.constant 576 : index
    %get3A_1504 = tpu.vector_load %arg8[%get3A_1503] {strides = array<i32>} : memref<800xi32, #tpu.memory_space<vmem>>, vector<16xi32>,
    %get3A_1505 = vector.shape_cast %get3A_1504 : vector<16xi32> to vector<16xi32>
    %eq3A_1506 = arith.constant 0 : i32
    %eq3A_1507 = vector.broadcast %eq3A_1506 : i32 to vector<16xi32>
    %eq3A_1508 = arith.cmpi eq, %get3A_1505, %eq3A_1507 : vector<16xi32>
    %add3A_1509 = arith.constant 512 : i32
    %add3A_1510 = vector.broadcast %add3A_1509 : i32 to vector<16xi32>
    %add3A_1511 = arith.addi %get3A_1502, %add3A_1510 : vector<16xi32>
    %select_n3A_1512 = arith.select %eq3A_1508, %add3A_1511, %get3A_1502 : vector<16xi1>, vector<16xi32>
    %swap3A_1513 = arith.constant 576 : index
    %swap3A_1514 = tpu.vector_load %arg10[%swap3A_1513] {strides = array<i32>} : memref<800xi32, #tpu.memory_space<vmem>>, vector<16xi32>,
    %swap3A_1515 = vector.shape_cast %swap3A_1514 : vector<16xi32> to vector<16xi32>
    %swap3A_1516 = vector.shape_cast %select_n3A_1512 : vector<16xi32> to vector<16xi32>
    tpu.vector_store %arg10[%swap3A_1513], %swap3A_1516 {strides = array<i32>} : memref<800xi32, #tpu.memory_space<vmem>>, vector<16xi32>,
    %get3A_1517 = arith.constant 592 : index
    %get3A_1518 = tpu.vector_load %arg10[%get3A_1517] {strides = array<i32>} : memref<800xi32, #tpu.memory_space<vmem>>, vector<16xi32>,
    %get3A_1519 = vector.shape_cast %get3A_1518 : vector<16xi32> to vector<16xi32>
    %get3A_1520 = arith.constant 592 : index
    %get3A_1521 = tpu.vector_load %arg8[%get3A_1520] {strides = array<i32>} : memref<800xi32, #tpu.memory_space<vmem>>, vector<16xi32>,
    %get3A_1522 = vector.shape_cast %get3A_1521 : vector<16xi32> to vector<16xi32>
    %eq3A_1523 = arith.constant 0 : i32
    %eq3A_1524 = vector.broadcast %eq3A_1523 : i32 to vector<16xi32>
    %eq3A_1525 = arith.cmpi eq, %get3A_1522, %eq3A_1524 : vector<16xi32>
    %add3A_1526 = arith.constant 512 : i32
    %add3A_1527 = vector.broadcast %add3A_1526 : i32 to vector<16xi32>
    %add3A_1528 = arith.addi %get3A_1519, %add3A_1527 : vector<16xi32>
    %select_n3A_1529 = arith.select %eq3A_1525, %add3A_1528, %get3A_1519 : vector<16xi1>, vector<16xi32>
    %swap3A_1530 = arith.constant 592 : index
    %swap3A_1531 = tpu.vector_load %arg10[%swap3A_1530] {strides = array<i32>} : memref<800xi32, #tpu.memory_space<vmem>>, vector<16xi32>,
    %swap3A_1532 = vector.shape_cast %swap3A_1531 : vector<16xi32> to vector<16xi32>
    %swap3A_1533 = vector.shape_cast %select_n3A_1529 : vector<16xi32> to vector<16xi32>
    tpu.vector_store %arg10[%swap3A_1530], %swap3A_1533 {strides = array<i32>} : memref<800xi32, #tpu.memory_space<vmem>>, vector<16xi32>,
    %get3A_1534 = arith.constant 608 : index
    %get3A_1535 = tpu.vector_load %arg10[%get3A_1534] {strides = array<i32>} : memref<800xi32, #tpu.memory_space<vmem>>, vector<16xi32>,
    %get3A_1536 = vector.shape_cast %get3A_1535 : vector<16xi32> to vector<16xi32>
    %get3A_1537 = arith.constant 608 : index
    %get3A_1538 = tpu.vector_load %arg8[%get3A_1537] {strides = array<i32>} : memref<800xi32, #tpu.memory_space<vmem>>, vector<16xi32>,
    %get3A_1539 = vector.shape_cast %get3A_1538 : vector<16xi32> to vector<16xi32>
    %eq3A_1540 = arith.constant 0 : i32
    %eq3A_1541 = vector.broadcast %eq3A_1540 : i32 to vector<16xi32>
    %eq3A_1542 = arith.cmpi eq, %get3A_1539, %eq3A_1541 : vector<16xi32>
    %add3A_1543 = arith.constant 512 : i32
    %add3A_1544 = vector.broadcast %add3A_1543 : i32 to vector<16xi32>
    %add3A_1545 = arith.addi %get3A_1536, %add3A_1544 : vector<16xi32>
    %select_n3A_1546 = arith.select %eq3A_1542, %add3A_1545, %get3A_1536 : vector<16xi1>, vector<16xi32>
    %swap3A_1547 = arith.constant 608 : index
    %swap3A_1548 = tpu.vector_load %arg10[%swap3A_1547] {strides = array<i32>} : memref<800xi32, #tpu.memory_space<vmem>>, vector<16xi32>,
    %swap3A_1549 = vector.shape_cast %swap3A_1548 : vector<16xi32> to vector<16xi32>
    %swap3A_1550 = vector.shape_cast %select_n3A_1546 : vector<16xi32> to vector<16xi32>
    tpu.vector_store %arg10[%swap3A_1547], %swap3A_1550 {strides = array<i32>} : memref<800xi32, #tpu.memory_space<vmem>>, vector<16xi32>,
    %get3A_1551 = arith.constant 624 : index
    %get3A_1552 = tpu.vector_load %arg10[%get3A_1551] {strides = array<i32>} : memref<800xi32, #tpu.memory_space<vmem>>, vector<16xi32>,
    %get3A_1553 = vector.shape_cast %get3A_1552 : vector<16xi32> to vector<16xi32>
    %get3A_1554 = arith.constant 624 : index
    %get3A_1555 = tpu.vector_load %arg8[%get3A_1554] {strides = array<i32>} : memref<800xi32, #tpu.memory_space<vmem>>, vector<16xi32>,
    %get3A_1556 = vector.shape_cast %get3A_1555 : vector<16xi32> to vector<16xi32>
    %eq3A_1557 = arith.constant 0 : i32
    %eq3A_1558 = vector.broadcast %eq3A_1557 : i32 to vector<16xi32>
    %eq3A_1559 = arith.cmpi eq, %get3A_1556, %eq3A_1558 : vector<16xi32>
    %add3A_1560 = arith.constant 512 : i32
    %add3A_1561 = vector.broadcast %add3A_1560 : i32 to vector<16xi32>
    %add3A_1562 = arith.addi %get3A_1553, %add3A_1561 : vector<16xi32>
    %select_n3A_1563 = arith.select %eq3A_1559, %add3A_1562, %get3A_1553 : vector<16xi1>, vector<16xi32>
    %swap3A_1564 = arith.constant 624 : index
    %swap3A_1565 = tpu.vector_load %arg10[%swap3A_1564] {strides = array<i32>} : memref<800xi32, #tpu.memory_space<vmem>>, vector<16xi32>,
    %swap3A_1566 = vector.shape_cast %swap3A_1565 : vector<16xi32> to vector<16xi32>
    %swap3A_1567 = vector.shape_cast %select_n3A_1563 : vector<16xi32> to vector<16xi32>
    tpu.vector_store %arg10[%swap3A_1564], %swap3A_1567 {strides = array<i32>} : memref<800xi32, #tpu.memory_space<vmem>>, vector<16xi32>,
    %get3A_1568 = arith.constant 640 : index
    %get3A_1569 = tpu.vector_load %arg10[%get3A_1568] {strides = array<i32>} : memref<800xi32, #tpu.memory_space<vmem>>, vector<16xi32>,
    %get3A_1570 = vector.shape_cast %get3A_1569 : vector<16xi32> to vector<16xi32>
    %get3A_1571 = arith.constant 640 : index
    %get3A_1572 = tpu.vector_load %arg8[%get3A_1571] {strides = array<i32>} : memref<800xi32, #tpu.memory_space<vmem>>, vector<16xi32>,
    %get3A_1573 = vector.shape_cast %get3A_1572 : vector<16xi32> to vector<16xi32>
    %eq3A_1574 = arith.constant 0 : i32
    %eq3A_1575 = vector.broadcast %eq3A_1574 : i32 to vector<16xi32>
    %eq3A_1576 = arith.cmpi eq, %get3A_1573, %eq3A_1575 : vector<16xi32>
    %add3A_1577 = arith.constant 512 : i32
    %add3A_1578 = vector.broadcast %add3A_1577 : i32 to vector<16xi32>
    %add3A_1579 = arith.addi %get3A_1570, %add3A_1578 : vector<16xi32>
    %select_n3A_1580 = arith.select %eq3A_1576, %add3A_1579, %get3A_1570 : vector<16xi1>, vector<16xi32>
    %swap3A_1581 = arith.constant 640 : index
    %swap3A_1582 = tpu.vector_load %arg10[%swap3A_1581] {strides = array<i32>} : memref<800xi32, #tpu.memory_space<vmem>>, vector<16xi32>,
    %swap3A_1583 = vector.shape_cast %swap3A_1582 : vector<16xi32> to vector<16xi32>
    %swap3A_1584 = vector.shape_cast %select_n3A_1580 : vector<16xi32> to vector<16xi32>
    tpu.vector_store %arg10[%swap3A_1581], %swap3A_1584 {strides = array<i32>} : memref<800xi32, #tpu.memory_space<vmem>>, vector<16xi32>,
    %get3A_1585 = arith.constant 656 : index
    %get3A_1586 = tpu.vector_load %arg10[%get3A_1585] {strides = array<i32>} : memref<800xi32, #tpu.memory_space<vmem>>, vector<16xi32>,
    %get3A_1587 = vector.shape_cast %get3A_1586 : vector<16xi32> to vector<16xi32>
    %get3A_1588 = arith.constant 656 : index
    %get3A_1589 = tpu.vector_load %arg8[%get3A_1588] {strides = array<i32>} : memref<800xi32, #tpu.memory_space<vmem>>, vector<16xi32>,
    %get3A_1590 = vector.shape_cast %get3A_1589 : vector<16xi32> to vector<16xi32>
    %eq3A_1591 = arith.constant 0 : i32
    %eq3A_1592 = vector.broadcast %eq3A_1591 : i32 to vector<16xi32>
    %eq3A_1593 = arith.cmpi eq, %get3A_1590, %eq3A_1592 : vector<16xi32>
    %add3A_1594 = arith.constant 512 : i32
    %add3A_1595 = vector.broadcast %add3A_1594 : i32 to vector<16xi32>
    %add3A_1596 = arith.addi %get3A_1587, %add3A_1595 : vector<16xi32>
    %select_n3A_1597 = arith.select %eq3A_1593, %add3A_1596, %get3A_1587 : vector<16xi1>, vector<16xi32>
    %swap3A_1598 = arith.constant 656 : index
    %swap3A_1599 = tpu.vector_load %arg10[%swap3A_1598] {strides = array<i32>} : memref<800xi32, #tpu.memory_space<vmem>>, vector<16xi32>,
    %swap3A_1600 = vector.shape_cast %swap3A_1599 : vector<16xi32> to vector<16xi32>
    %swap3A_1601 = vector.shape_cast %select_n3A_1597 : vector<16xi32> to vector<16xi32>
    tpu.vector_store %arg10[%swap3A_1598], %swap3A_1601 {strides = array<i32>} : memref<800xi32, #tpu.memory_space<vmem>>, vector<16xi32>,
    %get3A_1602 = arith.constant 672 : index
    %get3A_1603 = tpu.vector_load %arg10[%get3A_1602] {strides = array<i32>} : memref<800xi32, #tpu.memory_space<vmem>>, vector<16xi32>,
    %get3A_1604 = vector.shape_cast %get3A_1603 : vector<16xi32> to vector<16xi32>
    %get3A_1605 = arith.constant 672 : index
    %get3A_1606 = tpu.vector_load %arg8[%get3A_1605] {strides = array<i32>} : memref<800xi32, #tpu.memory_space<vmem>>, vector<16xi32>,
    %get3A_1607 = vector.shape_cast %get3A_1606 : vector<16xi32> to vector<16xi32>
    %eq3A_1608 = arith.constant 0 : i32
    %eq3A_1609 = vector.broadcast %eq3A_1608 : i32 to vector<16xi32>
    %eq3A_1610 = arith.cmpi eq, %get3A_1607, %eq3A_1609 : vector<16xi32>
    %add3A_1611 = arith.constant 512 : i32
    %add3A_1612 = vector.broadcast %add3A_1611 : i32 to vector<16xi32>
    %add3A_1613 = arith.addi %get3A_1604, %add3A_1612 : vector<16xi32>
    %select_n3A_1614 = arith.select %eq3A_1610, %add3A_1613, %get3A_1604 : vector<16xi1>, vector<16xi32>
    %swap3A_1615 = arith.constant 672 : index
    %swap3A_1616 = tpu.vector_load %arg10[%swap3A_1615] {strides = array<i32>} : memref<800xi32, #tpu.memory_space<vmem>>, vector<16xi32>,
    %swap3A_1617 = vector.shape_cast %swap3A_1616 : vector<16xi32> to vector<16xi32>
    %swap3A_1618 = vector.shape_cast %select_n3A_1614 : vector<16xi32> to vector<16xi32>
    tpu.vector_store %arg10[%swap3A_1615], %swap3A_1618 {strides = array<i32>} : memref<800xi32, #tpu.memory_space<vmem>>, vector<16xi32>,
    %get3A_1619 = arith.constant 688 : index
    %get3A_1620 = tpu.vector_load %arg10[%get3A_1619] {strides = array<i32>} : memref<800xi32, #tpu.memory_space<vmem>>, vector<16xi32>,
    %get3A_1621 = vector.shape_cast %get3A_1620 : vector<16xi32> to vector<16xi32>
    %get3A_1622 = arith.constant 688 : index
    %get3A_1623 = tpu.vector_load %arg8[%get3A_1622] {strides = array<i32>} : memref<800xi32, #tpu.memory_space<vmem>>, vector<16xi32>,
    %get3A_1624 = vector.shape_cast %get3A_1623 : vector<16xi32> to vector<16xi32>
    %eq3A_1625 = arith.constant 0 : i32
    %eq3A_1626 = vector.broadcast %eq3A_1625 : i32 to vector<16xi32>
    %eq3A_1627 = arith.cmpi eq, %get3A_1624, %eq3A_1626 : vector<16xi32>
    %add3A_1628 = arith.constant 512 : i32
    %add3A_1629 = vector.broadcast %add3A_1628 : i32 to vector<16xi32>
    %add3A_1630 = arith.addi %get3A_1621, %add3A_1629 : vector<16xi32>
    %select_n3A_1631 = arith.select %eq3A_1627, %add3A_1630, %get3A_1621 : vector<16xi1>, vector<16xi32>
    %swap3A_1632 = arith.constant 688 : index
    %swap3A_1633 = tpu.vector_load %arg10[%swap3A_1632] {strides = array<i32>} : memref<800xi32, #tpu.memory_space<vmem>>, vector<16xi32>,
    %swap3A_1634 = vector.shape_cast %swap3A_1633 : vector<16xi32> to vector<16xi32>
    %swap3A_1635 = vector.shape_cast %select_n3A_1631 : vector<16xi32> to vector<16xi32>
    tpu.vector_store %arg10[%swap3A_1632], %swap3A_1635 {strides = array<i32>} : memref<800xi32, #tpu.memory_space<vmem>>, vector<16xi32>,
    %get3A_1636 = arith.constant 704 : index
    %get3A_1637 = tpu.vector_load %arg10[%get3A_1636] {strides = array<i32>} : memref<800xi32, #tpu.memory_space<vmem>>, vector<16xi32>,
    %get3A_1638 = vector.shape_cast %get3A_1637 : vector<16xi32> to vector<16xi32>
    %get3A_1639 = arith.constant 704 : index
    %get3A_1640 = tpu.vector_load %arg8[%get3A_1639] {strides = array<i32>} : memref<800xi32, #tpu.memory_space<vmem>>, vector<16xi32>,
    %get3A_1641 = vector.shape_cast %get3A_1640 : vector<16xi32> to vector<16xi32>
    %eq3A_1642 = arith.constant 0 : i32
    %eq3A_1643 = vector.broadcast %eq3A_1642 : i32 to vector<16xi32>
    %eq3A_1644 = arith.cmpi eq, %get3A_1641, %eq3A_1643 : vector<16xi32>
    %add3A_1645 = arith.constant 512 : i32
    %add3A_1646 = vector.broadcast %add3A_1645 : i32 to vector<16xi32>
    %add3A_1647 = arith.addi %get3A_1638, %add3A_1646 : vector<16xi32>
    %select_n3A_1648 = arith.select %eq3A_1644, %add3A_1647, %get3A_1638 : vector<16xi1>, vector<16xi32>
    %swap3A_1649 = arith.constant 704 : index
    %swap3A_1650 = tpu.vector_load %arg10[%swap3A_1649] {strides = array<i32>} : memref<800xi32, #tpu.memory_space<vmem>>, vector<16xi32>,
    %swap3A_1651 = vector.shape_cast %swap3A_1650 : vector<16xi32> to vector<16xi32>
    %swap3A_1652 = vector.shape_cast %select_n3A_1648 : vector<16xi32> to vector<16xi32>
    tpu.vector_store %arg10[%swap3A_1649], %swap3A_1652 {strides = array<i32>} : memref<800xi32, #tpu.memory_space<vmem>>, vector<16xi32>,
    %get3A_1653 = arith.constant 720 : index
    %get3A_1654 = tpu.vector_load %arg10[%get3A_1653] {strides = array<i32>} : memref<800xi32, #tpu.memory_space<vmem>>, vector<16xi32>,
    %get3A_1655 = vector.shape_cast %get3A_1654 : vector<16xi32> to vector<16xi32>
    %get3A_1656 = arith.constant 720 : index
    %get3A_1657 = tpu.vector_load %arg8[%get3A_1656] {strides = array<i32>} : memref<800xi32, #tpu.memory_space<vmem>>, vector<16xi32>,
    %get3A_1658 = vector.shape_cast %get3A_1657 : vector<16xi32> to vector<16xi32>
    %eq3A_1659 = arith.constant 0 : i32
    %eq3A_1660 = vector.broadcast %eq3A_1659 : i32 to vector<16xi32>
    %eq3A_1661 = arith.cmpi eq, %get3A_1658, %eq3A_1660 : vector<16xi32>
    %add3A_1662 = arith.constant 512 : i32
    %add3A_1663 = vector.broadcast %add3A_1662 : i32 to vector<16xi32>
    %add3A_1664 = arith.addi %get3A_1655, %add3A_1663 : vector<16xi32>
    %select_n3A_1665 = arith.select %eq3A_1661, %add3A_1664, %get3A_1655 : vector<16xi1>, vector<16xi32>
    %swap3A_1666 = arith.constant 720 : index
    %swap3A_1667 = tpu.vector_load %arg10[%swap3A_1666] {strides = array<i32>} : memref<800xi32, #tpu.memory_space<vmem>>, vector<16xi32>,
    %swap3A_1668 = vector.shape_cast %swap3A_1667 : vector<16xi32> to vector<16xi32>
    %swap3A_1669 = vector.shape_cast %select_n3A_1665 : vector<16xi32> to vector<16xi32>
    tpu.vector_store %arg10[%swap3A_1666], %swap3A_1669 {strides = array<i32>} : memref<800xi32, #tpu.memory_space<vmem>>, vector<16xi32>,
    %get3A_1670 = arith.constant 736 : index
    %get3A_1671 = tpu.vector_load %arg10[%get3A_1670] {strides = array<i32>} : memref<800xi32, #tpu.memory_space<vmem>>, vector<16xi32>,
    %get3A_1672 = vector.shape_cast %get3A_1671 : vector<16xi32> to vector<16xi32>
    %get3A_1673 = arith.constant 736 : index
    %get3A_1674 = tpu.vector_load %arg8[%get3A_1673] {strides = array<i32>} : memref<800xi32, #tpu.memory_space<vmem>>, vector<16xi32>,
    %get3A_1675 = vector.shape_cast %get3A_1674 : vector<16xi32> to vector<16xi32>
    %eq3A_1676 = arith.constant 0 : i32
    %eq3A_1677 = vector.broadcast %eq3A_1676 : i32 to vector<16xi32>
    %eq3A_1678 = arith.cmpi eq, %get3A_1675, %eq3A_1677 : vector<16xi32>
    %add3A_1679 = arith.constant 512 : i32
    %add3A_1680 = vector.broadcast %add3A_1679 : i32 to vector<16xi32>
    %add3A_1681 = arith.addi %get3A_1672, %add3A_1680 : vector<16xi32>
    %select_n3A_1682 = arith.select %eq3A_1678, %add3A_1681, %get3A_1672 : vector<16xi1>, vector<16xi32>
    %swap3A_1683 = arith.constant 736 : index
    %swap3A_1684 = tpu.vector_load %arg10[%swap3A_1683] {strides = array<i32>} : memref<800xi32, #tpu.memory_space<vmem>>, vector<16xi32>,
    %swap3A_1685 = vector.shape_cast %swap3A_1684 : vector<16xi32> to vector<16xi32>
    %swap3A_1686 = vector.shape_cast %select_n3A_1682 : vector<16xi32> to vector<16xi32>
    tpu.vector_store %arg10[%swap3A_1683], %swap3A_1686 {strides = array<i32>} : memref<800xi32, #tpu.memory_space<vmem>>, vector<16xi32>,
    %get3A_1687 = arith.constant 752 : index
    %get3A_1688 = tpu.vector_load %arg10[%get3A_1687] {strides = array<i32>} : memref<800xi32, #tpu.memory_space<vmem>>, vector<16xi32>,
    %get3A_1689 = vector.shape_cast %get3A_1688 : vector<16xi32> to vector<16xi32>
    %get3A_1690 = arith.constant 752 : index
    %get3A_1691 = tpu.vector_load %arg8[%get3A_1690] {strides = array<i32>} : memref<800xi32, #tpu.memory_space<vmem>>, vector<16xi32>,
    %get3A_1692 = vector.shape_cast %get3A_1691 : vector<16xi32> to vector<16xi32>
    %eq3A_1693 = arith.constant 0 : i32
    %eq3A_1694 = vector.broadcast %eq3A_1693 : i32 to vector<16xi32>
    %eq3A_1695 = arith.cmpi eq, %get3A_1692, %eq3A_1694 : vector<16xi32>
    %add3A_1696 = arith.constant 512 : i32
    %add3A_1697 = vector.broadcast %add3A_1696 : i32 to vector<16xi32>
    %add3A_1698 = arith.addi %get3A_1689, %add3A_1697 : vector<16xi32>
    %select_n3A_1699 = arith.select %eq3A_1695, %add3A_1698, %get3A_1689 : vector<16xi1>, vector<16xi32>
    %swap3A_1700 = arith.constant 752 : index
    %swap3A_1701 = tpu.vector_load %arg10[%swap3A_1700] {strides = array<i32>} : memref<800xi32, #tpu.memory_space<vmem>>, vector<16xi32>,
    %swap3A_1702 = vector.shape_cast %swap3A_1701 : vector<16xi32> to vector<16xi32>
    %swap3A_1703 = vector.shape_cast %select_n3A_1699 : vector<16xi32> to vector<16xi32>
    tpu.vector_store %arg10[%swap3A_1700], %swap3A_1703 {strides = array<i32>} : memref<800xi32, #tpu.memory_space<vmem>>, vector<16xi32>,
    %get3A_1704 = arith.constant 768 : index
    %get3A_1705 = tpu.vector_load %arg10[%get3A_1704] {strides = array<i32>} : memref<800xi32, #tpu.memory_space<vmem>>, vector<16xi32>,
    %get3A_1706 = vector.shape_cast %get3A_1705 : vector<16xi32> to vector<16xi32>
    %get3A_1707 = arith.constant 768 : index
    %get3A_1708 = tpu.vector_load %arg8[%get3A_1707] {strides = array<i32>} : memref<800xi32, #tpu.memory_space<vmem>>, vector<16xi32>,
    %get3A_1709 = vector.shape_cast %get3A_1708 : vector<16xi32> to vector<16xi32>
    %eq3A_1710 = arith.constant 0 : i32
    %eq3A_1711 = vector.broadcast %eq3A_1710 : i32 to vector<16xi32>
    %eq3A_1712 = arith.cmpi eq, %get3A_1709, %eq3A_1711 : vector<16xi32>
    %add3A_1713 = arith.constant 512 : i32
    %add3A_1714 = vector.broadcast %add3A_1713 : i32 to vector<16xi32>
    %add3A_1715 = arith.addi %get3A_1706, %add3A_1714 : vector<16xi32>
    %select_n3A_1716 = arith.select %eq3A_1712, %add3A_1715, %get3A_1706 : vector<16xi1>, vector<16xi32>
    %swap3A_1717 = arith.constant 768 : index
    %swap3A_1718 = tpu.vector_load %arg10[%swap3A_1717] {strides = array<i32>} : memref<800xi32, #tpu.memory_space<vmem>>, vector<16xi32>,
    %swap3A_1719 = vector.shape_cast %swap3A_1718 : vector<16xi32> to vector<16xi32>
    %swap3A_1720 = vector.shape_cast %select_n3A_1716 : vector<16xi32> to vector<16xi32>
    tpu.vector_store %arg10[%swap3A_1717], %swap3A_1720 {strides = array<i32>} : memref<800xi32, #tpu.memory_space<vmem>>, vector<16xi32>,
    %get3A_1721 = arith.constant 784 : index
    %get3A_1722 = tpu.vector_load %arg10[%get3A_1721] {strides = array<i32>} : memref<800xi32, #tpu.memory_space<vmem>>, vector<16xi32>,
    %get3A_1723 = vector.shape_cast %get3A_1722 : vector<16xi32> to vector<16xi32>
    %get3A_1724 = arith.constant 784 : index
    %get3A_1725 = tpu.vector_load %arg8[%get3A_1724] {strides = array<i32>} : memref<800xi32, #tpu.memory_space<vmem>>, vector<16xi32>,
    %get3A_1726 = vector.shape_cast %get3A_1725 : vector<16xi32> to vector<16xi32>
    %eq3A_1727 = arith.constant 0 : i32
    %eq3A_1728 = vector.broadcast %eq3A_1727 : i32 to vector<16xi32>
    %eq3A_1729 = arith.cmpi eq, %get3A_1726, %eq3A_1728 : vector<16xi32>
    %add3A_1730 = arith.constant 512 : i32
    %add3A_1731 = vector.broadcast %add3A_1730 : i32 to vector<16xi32>
    %add3A_1732 = arith.addi %get3A_1723, %add3A_1731 : vector<16xi32>
    %select_n3A_1733 = arith.select %eq3A_1729, %add3A_1732, %get3A_1723 : vector<16xi1>, vector<16xi32>
    %swap3A_1734 = arith.constant 784 : index
    %swap3A_1735 = tpu.vector_load %arg10[%swap3A_1734] {strides = array<i32>} : memref<800xi32, #tpu.memory_space<vmem>>, vector<16xi32>,
    %swap3A_1736 = vector.shape_cast %swap3A_1735 : vector<16xi32> to vector<16xi32>
    %swap3A_1737 = vector.shape_cast %select_n3A_1733 : vector<16xi32> to vector<16xi32>
    tpu.vector_store %arg10[%swap3A_1734], %swap3A_1737 {strides = array<i32>} : memref<800xi32, #tpu.memory_space<vmem>>, vector<16xi32>,
    %dma_wait3A_1738 = arith.constant 0 : i32
    %dma_wait3A_1739 = arith.constant 0 : i32
    %dma_wait3A_1740 = tpu.memref_slice %arg14[%dma_wait3A_1738, %dma_wait3A_1739] : memref<1024x64xf32, #tpu.memory_space<vmem_shared>> -> memref<1024x64xf32, #tpu.memory_space<vmem_shared>>
    tpu.wait_indirect_dma semaphore(%arg19 : memref<!tpu.dma_semaphore, #tpu.memory_space<semaphore_mem>>) src(%dma_wait3A_1740 : memref<1024x64xf32, #tpu.memory_space<vmem_shared>>) dst(%arg11 : memref<800x64xf32, #tpu.memory_space<vmem>>)
    %add3A_1741 = arith.constant 0 : i32
    %add3A_1742 = arith.addi %mul3A_4, %add3A_1741 : i32
    %add3A_1743 = arith.constant 0 : i32
    %add3A_1744 = arith.addi %add3A_1742, %add3A_1743 : i32
    %dma_start3A_1745 = arith.constant 0 : i32
    %dma_start3A_1746 = arith.constant 0 : i32
    %dma_start3A_1747 = tpu.memref_slice %arg11[%dma_start3A_1745, %dma_start3A_1746] : memref<800x64xf32, #tpu.memory_space<vmem>> -> memref<200x64xf32, #tpu.memory_space<vmem>>
    %dma_start3A_1748 = arith.constant 0 : i32
    %dma_start3A_1749 = arith.constant 0 : i32
    %dma_start3A_1750 = tpu.memref_slice %arg6[%add3A_1744, %dma_start3A_1748, %dma_start3A_1749] : memref<16384x200x128xf32, #tpu.memory_space<hbm>> -> memref<1x200x64xf32, #tpu.memory_space<hbm>>
    %dma_start3A_1751 = tpu.memref_squeeze %dma_start3A_1750 : memref<1x200x64xf32, #tpu.memory_space<hbm>> -> memref<200x64xf32, #tpu.memory_space<hbm>>
    %dma_start3A_1752 = arith.constant 0 : i32
    %dma_start3A_1753 = arith.constant 0 : i32
    %dma_start3A_1754 = tpu.memref_slice %arg6[%add3A_1744, %dma_start3A_1752, %dma_start3A_1753] : memref<16384x200x128xf32, #tpu.memory_space<hbm>> -> memref<1x200x64xf32, #tpu.memory_space<hbm>>
    %dma_start3A_1755 = tpu.memref_squeeze %dma_start3A_1754 : memref<1x200x64xf32, #tpu.memory_space<hbm>> -> memref<200x64xf32, #tpu.memory_space<hbm>>
    %dma_start3A_1756 = arith.constant 0 : i32
    %dma_start3A_1757 = arith.constant 0 : i32
    %dma_start3A_1758 = tpu.memref_slice %arg11[%dma_start3A_1756, %dma_start3A_1757] : memref<800x64xf32, #tpu.memory_space<vmem>> -> memref<200x64xf32, #tpu.memory_space<vmem>>
    tpu.enqueue_dma source(%dma_start3A_1758 : memref<200x64xf32, #tpu.memory_space<vmem>>) target(%dma_start3A_1755 : memref<200x64xf32, #tpu.memory_space<hbm>>) target_semaphore(%arg20 : memref<!tpu.dma_semaphore, #tpu.memory_space<semaphore_mem>>)
    %add3A_1759 = arith.constant 0 : i32
    %add3A_1760 = arith.addi %mul3A_4, %add3A_1759 : i32
    %add3A_1761 = arith.constant 1 : i32
    %add3A_1762 = arith.addi %add3A_1760, %add3A_1761 : i32
    %dma_start3A_1763 = arith.constant 200 : i32
    %dma_start3A_1764 = arith.constant 0 : i32
    %dma_start3A_1765 = tpu.memref_slice %arg11[%dma_start3A_1763, %dma_start3A_1764] : memref<800x64xf32, #tpu.memory_space<vmem>> -> memref<200x64xf32, #tpu.memory_space<vmem>>
    %dma_start3A_1766 = arith.constant 0 : i32
    %dma_start3A_1767 = arith.constant 0 : i32
    %dma_start3A_1768 = tpu.memref_slice %arg6[%add3A_1762, %dma_start3A_1766, %dma_start3A_1767] : memref<16384x200x128xf32, #tpu.memory_space<hbm>> -> memref<1x200x64xf32, #tpu.memory_space<hbm>>
    %dma_start3A_1769 = tpu.memref_squeeze %dma_start3A_1768 : memref<1x200x64xf32, #tpu.memory_space<hbm>> -> memref<200x64xf32, #tpu.memory_space<hbm>>
    %dma_start3A_1770 = arith.constant 0 : i32
    %dma_start3A_1771 = arith.constant 0 : i32
    %dma_start3A_1772 = tpu.memref_slice %arg6[%add3A_1762, %dma_start3A_1770, %dma_start3A_1771] : memref<16384x200x128xf32, #tpu.memory_space<hbm>> -> memref<1x200x64xf32, #tpu.memory_space<hbm>>
    %dma_start3A_1773 = tpu.memref_squeeze %dma_start3A_1772 : memref<1x200x64xf32, #tpu.memory_space<hbm>> -> memref<200x64xf32, #tpu.memory_space<hbm>>
    %dma_start3A_1774 = arith.constant 200 : i32
    %dma_start3A_1775 = arith.constant 0 : i32
    %dma_start3A_1776 = tpu.memref_slice %arg11[%dma_start3A_1774, %dma_start3A_1775] : memref<800x64xf32, #tpu.memory_space<vmem>> -> memref<200x64xf32, #tpu.memory_space<vmem>>
    tpu.enqueue_dma source(%dma_start3A_1776 : memref<200x64xf32, #tpu.memory_space<vmem>>) target(%dma_start3A_1773 : memref<200x64xf32, #tpu.memory_space<hbm>>) target_semaphore(%arg20 : memref<!tpu.dma_semaphore, #tpu.memory_space<semaphore_mem>>)
    %add3A_1777 = arith.constant 0 : i32
    %add3A_1778 = arith.addi %mul3A_4, %add3A_1777 : i32
    %add3A_1779 = arith.constant 2 : i32
    %add3A_1780 = arith.addi %add3A_1778, %add3A_1779 : i32
    %dma_start3A_1781 = arith.constant 400 : i32
    %dma_start3A_1782 = arith.constant 0 : i32
    %dma_start3A_1783 = tpu.memref_slice %arg11[%dma_start3A_1781, %dma_start3A_1782] : memref<800x64xf32, #tpu.memory_space<vmem>> -> memref<200x64xf32, #tpu.memory_space<vmem>>
    %dma_start3A_1784 = arith.constant 0 : i32
    %dma_start3A_1785 = arith.constant 0 : i32
    %dma_start3A_1786 = tpu.memref_slice %arg6[%add3A_1780, %dma_start3A_1784, %dma_start3A_1785] : memref<16384x200x128xf32, #tpu.memory_space<hbm>> -> memref<1x200x64xf32, #tpu.memory_space<hbm>>
    %dma_start3A_1787 = tpu.memref_squeeze %dma_start3A_1786 : memref<1x200x64xf32, #tpu.memory_space<hbm>> -> memref<200x64xf32, #tpu.memory_space<hbm>>
    %dma_start3A_1788 = arith.constant 0 : i32
    %dma_start3A_1789 = arith.constant 0 : i32
    %dma_start3A_1790 = tpu.memref_slice %arg6[%add3A_1780, %dma_start3A_1788, %dma_start3A_1789] : memref<16384x200x128xf32, #tpu.memory_space<hbm>> -> memref<1x200x64xf32, #tpu.memory_space<hbm>>
    %dma_start3A_1791 = tpu.memref_squeeze %dma_start3A_1790 : memref<1x200x64xf32, #tpu.memory_space<hbm>> -> memref<200x64xf32, #tpu.memory_space<hbm>>
    %dma_start3A_1792 = arith.constant 400 : i32
    %dma_start3A_1793 = arith.constant 0 : i32
    %dma_start3A_1794 = tpu.memref_slice %arg11[%dma_start3A_1792, %dma_start3A_1793] : memref<800x64xf32, #tpu.memory_space<vmem>> -> memref<200x64xf32, #tpu.memory_space<vmem>>
    tpu.enqueue_dma source(%dma_start3A_1794 : memref<200x64xf32, #tpu.memory_space<vmem>>) target(%dma_start3A_1791 : memref<200x64xf32, #tpu.memory_space<hbm>>) target_semaphore(%arg20 : memref<!tpu.dma_semaphore, #tpu.memory_space<semaphore_mem>>)
    %add3A_1795 = arith.constant 0 : i32
    %add3A_1796 = arith.addi %mul3A_4, %add3A_1795 : i32
    %add3A_1797 = arith.constant 3 : i32
    %add3A_1798 = arith.addi %add3A_1796, %add3A_1797 : i32
    %dma_start3A_1799 = arith.constant 600 : i32
    %dma_start3A_1800 = arith.constant 0 : i32
    %dma_start3A_1801 = tpu.memref_slice %arg11[%dma_start3A_1799, %dma_start3A_1800] : memref<800x64xf32, #tpu.memory_space<vmem>> -> memref<200x64xf32, #tpu.memory_space<vmem>>
    %dma_start3A_1802 = arith.constant 0 : i32
    %dma_start3A_1803 = arith.constant 0 : i32
    %dma_start3A_1804 = tpu.memref_slice %arg6[%add3A_1798, %dma_start3A_1802, %dma_start3A_1803] : memref<16384x200x128xf32, #tpu.memory_space<hbm>> -> memref<1x200x64xf32, #tpu.memory_space<hbm>>
    %dma_start3A_1805 = tpu.memref_squeeze %dma_start3A_1804 : memref<1x200x64xf32, #tpu.memory_space<hbm>> -> memref<200x64xf32, #tpu.memory_space<hbm>>
    %dma_start3A_1806 = arith.constant 0 : i32
    %dma_start3A_1807 = arith.constant 0 : i32
    %dma_start3A_1808 = tpu.memref_slice %arg6[%add3A_1798, %dma_start3A_1806, %dma_start3A_1807] : memref<16384x200x128xf32, #tpu.memory_space<hbm>> -> memref<1x200x64xf32, #tpu.memory_space<hbm>>
    %dma_start3A_1809 = tpu.memref_squeeze %dma_start3A_1808 : memref<1x200x64xf32, #tpu.memory_space<hbm>> -> memref<200x64xf32, #tpu.memory_space<hbm>>
    %dma_start3A_1810 = arith.constant 600 : i32
    %dma_start3A_1811 = arith.constant 0 : i32
    %dma_start3A_1812 = tpu.memref_slice %arg11[%dma_start3A_1810, %dma_start3A_1811] : memref<800x64xf32, #tpu.memory_space<vmem>> -> memref<200x64xf32, #tpu.memory_space<vmem>>
    tpu.enqueue_dma source(%dma_start3A_1812 : memref<200x64xf32, #tpu.memory_space<vmem>>) target(%dma_start3A_1809 : memref<200x64xf32, #tpu.memory_space<hbm>>) target_semaphore(%arg20 : memref<!tpu.dma_semaphore, #tpu.memory_space<semaphore_mem>>)
    %add3A_1813 = arith.constant 1600 : i32
    %add3A_1814 = arith.addi %mul3A_2, %add3A_1813 : i32
    %dma_start3A_1815 = tpu.memref_slice %arg2[%add3A_1814] : memref<3276800xi32, #tpu.memory_space<hbm>> -> memref<800xi32, #tpu.memory_space<hbm>>
    %dma_start3A_1816 = tpu.memref_slice %arg2[%add3A_1814] : memref<3276800xi32, #tpu.memory_space<hbm>> -> memref<800xi32, #tpu.memory_space<hbm>>
    tpu.enqueue_dma source(%dma_start3A_1816 : memref<800xi32, #tpu.memory_space<hbm>>) target(%arg7 : memref<800xi32, #tpu.memory_space<vmem>>) target_semaphore(%arg15 : memref<!tpu.dma_semaphore, #tpu.memory_space<semaphore_mem>>)
    %dma_start3A_1817 = tpu.memref_slice %arg3[%add3A_1814] : memref<3276800xi32, #tpu.memory_space<hbm>> -> memref<800xi32, #tpu.memory_space<hbm>>
    %dma_start3A_1818 = tpu.memref_slice %arg3[%add3A_1814] : memref<3276800xi32, #tpu.memory_space<hbm>> -> memref<800xi32, #tpu.memory_space<hbm>>
    tpu.enqueue_dma source(%dma_start3A_1818 : memref<800xi32, #tpu.memory_space<hbm>>) target(%arg9 : memref<800xi32, #tpu.memory_space<vmem>>) target_semaphore(%arg15 : memref<!tpu.dma_semaphore, #tpu.memory_space<semaphore_mem>>)
    %dma_wait3A_1819 = arith.constant 0 : i32
    %dma_wait3A_1820 = arith.constant 0 : i32
    %dma_wait3A_1821 = tpu.memref_slice %arg4[%dma_wait3A_1819, %dma_wait3A_1820] : memref<1000000x64xf32, #tpu.memory_space<hbm>> -> memref<1000000x64xf32, #tpu.memory_space<hbm>>
    tpu.wait_indirect_dma semaphore(%arg18 : memref<!tpu.dma_semaphore, #tpu.memory_space<semaphore_mem>>) src(%dma_wait3A_1821 : memref<1000000x64xf32, #tpu.memory_space<hbm>>) dst(%arg12 : memref<800x64xf32, #tpu.memory_space<vmem>>)
    %scan3A = arith.constant 0 : i32
    %scan3A_1822 = arith.constant 0 : i32
    %scan3A_1823 = arith.constant 63 : i32
    %scan3A_1824 = arith.addi %scan3A_1822, %scan3A_1823 : i32
    %scan3A_1825 = arith.constant 1 : i32
    scf.for %scan3A_2049 = %scan3A_1822 to %scan3A_1824 step %scan3A_1825  : i32 {
      %mul3A_2050 = arith.constant 2 : i32
      %mul3A_2051 = arith.muli %mul3A_2050, %scan3A_2049 : i32
      %add3A_2052 = arith.constant 2 : i32
      %add3A_2053 = arith.addi %mul3A_2051, %add3A_2052 : i32
      %dma_start3A_2054 = arith.constant 0 : i32
      %dma_start3A_2055 = arith.constant 0 : i32
      %dma_start3A_2056 = tpu.memref_slice %arg14[%dma_start3A_2054, %dma_start3A_2055] : memref<1024x64xf32, #tpu.memory_space<vmem_shared>> -> memref<1024x64xf32, #tpu.memory_space<vmem_shared>>
      tpu.enqueue_indirect_dma source(%dma_start3A_2056 : memref<1024x64xf32, #tpu.memory_space<vmem_shared>>) target(%arg12 : memref<800x64xf32, #tpu.memory_space<vmem>>) offsets(%arg10 : memref<800xi32, #tpu.memory_space<vmem>>) semaphore(%arg19 : memref<!tpu.dma_semaphore, #tpu.memory_space<semaphore_mem>>) {add = true}
      %mul3A_2057 = arith.constant 800 : i32
      %mul3A_2058 = arith.muli %add3A_2053, %mul3A_2057 : i32
      %add3A_2059 = arith.addi %mul3A_2, %mul3A_2058 : i32
      %dma_wait3A_2060 = tpu.memref_slice %arg2[%add3A_2059] : memref<3276800xi32, #tpu.memory_space<hbm>> -> memref<800xi32, #tpu.memory_space<hbm>>
      %dma_wait3A_2061 = tpu.memref_slice %arg2[%add3A_2059] : memref<3276800xi32, #tpu.memory_space<hbm>> -> memref<800xi32, #tpu.memory_space<hbm>>
      tpu.wait_dma2 semaphore(%arg15 : memref<!tpu.dma_semaphore, #tpu.memory_space<semaphore_mem>>) src(%dma_wait3A_2061 : memref<800xi32, #tpu.memory_space<hbm>>) dst(%arg7 : memref<800xi32, #tpu.memory_space<vmem>>)
      %dma_wait3A_2062 = tpu.memref_slice %arg3[%add3A_2059] : memref<3276800xi32, #tpu.memory_space<hbm>> -> memref<800xi32, #tpu.memory_space<hbm>>
      %dma_wait3A_2063 = tpu.memref_slice %arg3[%add3A_2059] : memref<3276800xi32, #tpu.memory_space<hbm>> -> memref<800xi32, #tpu.memory_space<hbm>>
      tpu.wait_dma2 semaphore(%arg15 : memref<!tpu.dma_semaphore, #tpu.memory_space<semaphore_mem>>) src(%dma_wait3A_2063 : memref<800xi32, #tpu.memory_space<hbm>>) dst(%arg9 : memref<800xi32, #tpu.memory_space<vmem>>)
      %sub3A = arith.constant 2 : i32
      %sub3A_2064 = arith.subi %add3A_2053, %sub3A : i32
      %mul3A_2065 = arith.constant 4 : i32
      %mul3A_2066 = arith.muli %sub3A_2064, %mul3A_2065 : i32
      %add3A_2067 = arith.addi %mul3A_4, %mul3A_2066 : i32
      %add3A_2068 = arith.constant 0 : i32
      %add3A_2069 = arith.addi %add3A_2067, %add3A_2068 : i32
      %dma_wait3A_2070 = arith.constant 0 : i32
      %dma_wait3A_2071 = arith.constant 0 : i32
      %dma_wait3A_2072 = tpu.memref_slice %arg11[%dma_wait3A_2070, %dma_wait3A_2071] : memref<800x64xf32, #tpu.memory_space<vmem>> -> memref<200x64xf32, #tpu.memory_space<vmem>>
      %dma_wait3A_2073 = arith.constant 0 : i32
      %dma_wait3A_2074 = arith.constant 0 : i32
      %dma_wait3A_2075 = tpu.memref_slice %arg6[%add3A_2069, %dma_wait3A_2073, %dma_wait3A_2074] : memref<16384x200x128xf32, #tpu.memory_space<hbm>> -> memref<1x200x64xf32, #tpu.memory_space<hbm>>
      %dma_wait3A_2076 = tpu.memref_squeeze %dma_wait3A_2075 : memref<1x200x64xf32, #tpu.memory_space<hbm>> -> memref<200x64xf32, #tpu.memory_space<hbm>>
      %dma_wait3A_2077 = arith.constant 0 : i32
      %dma_wait3A_2078 = arith.constant 0 : i32
      %dma_wait3A_2079 = tpu.memref_slice %arg6[%add3A_2069, %dma_wait3A_2077, %dma_wait3A_2078] : memref<16384x200x128xf32, #tpu.memory_space<hbm>> -> memref<1x200x64xf32, #tpu.memory_space<hbm>>
      %dma_wait3A_2080 = tpu.memref_squeeze %dma_wait3A_2079 : memref<1x200x64xf32, #tpu.memory_space<hbm>> -> memref<200x64xf32, #tpu.memory_space<hbm>>
      %dma_wait3A_2081 = arith.constant 0 : i32
      %dma_wait3A_2082 = arith.constant 0 : i32
      %dma_wait3A_2083 = tpu.memref_slice %arg11[%dma_wait3A_2081, %dma_wait3A_2082] : memref<800x64xf32, #tpu.memory_space<vmem>> -> memref<200x64xf32, #tpu.memory_space<vmem>>
      tpu.wait_dma2 semaphore(%arg20 : memref<!tpu.dma_semaphore, #tpu.memory_space<semaphore_mem>>) src(%dma_wait3A_2083 : memref<200x64xf32, #tpu.memory_space<vmem>>) dst(%dma_wait3A_2080 : memref<200x64xf32, #tpu.memory_space<hbm>>)
      %mul3A_2084 = arith.constant 4 : i32
      %mul3A_2085 = arith.muli %sub3A_2064, %mul3A_2084 : i32
      %add3A_2086 = arith.addi %mul3A_4, %mul3A_2085 : i32
      %add3A_2087 = arith.constant 1 : i32
      %add3A_2088 = arith.addi %add3A_2086, %add3A_2087 : i32
      %dma_wait3A_2089 = arith.constant 200 : i32
      %dma_wait3A_2090 = arith.constant 0 : i32
      %dma_wait3A_2091 = tpu.memref_slice %arg11[%dma_wait3A_2089, %dma_wait3A_2090] : memref<800x64xf32, #tpu.memory_space<vmem>> -> memref<200x64xf32, #tpu.memory_space<vmem>>
      %dma_wait3A_2092 = arith.constant 0 : i32
      %dma_wait3A_2093 = arith.constant 0 : i32
      %dma_wait3A_2094 = tpu.memref_slice %arg6[%add3A_2088, %dma_wait3A_2092, %dma_wait3A_2093] : memref<16384x200x128xf32, #tpu.memory_space<hbm>> -> memref<1x200x64xf32, #tpu.memory_space<hbm>>
      %dma_wait3A_2095 = tpu.memref_squeeze %dma_wait3A_2094 : memref<1x200x64xf32, #tpu.memory_space<hbm>> -> memref<200x64xf32, #tpu.memory_space<hbm>>
      %dma_wait3A_2096 = arith.constant 0 : i32
      %dma_wait3A_2097 = arith.constant 0 : i32
      %dma_wait3A_2098 = tpu.memref_slice %arg6[%add3A_2088, %dma_wait3A_2096, %dma_wait3A_2097] : memref<16384x200x128xf32, #tpu.memory_space<hbm>> -> memref<1x200x64xf32, #tpu.memory_space<hbm>>
      %dma_wait3A_2099 = tpu.memref_squeeze %dma_wait3A_2098 : memref<1x200x64xf32, #tpu.memory_space<hbm>> -> memref<200x64xf32, #tpu.memory_space<hbm>>
      %dma_wait3A_2100 = arith.constant 200 : i32
      %dma_wait3A_2101 = arith.constant 0 : i32
      %dma_wait3A_2102 = tpu.memref_slice %arg11[%dma_wait3A_2100, %dma_wait3A_2101] : memref<800x64xf32, #tpu.memory_space<vmem>> -> memref<200x64xf32, #tpu.memory_space<vmem>>
      tpu.wait_dma2 semaphore(%arg20 : memref<!tpu.dma_semaphore, #tpu.memory_space<semaphore_mem>>) src(%dma_wait3A_2102 : memref<200x64xf32, #tpu.memory_space<vmem>>) dst(%dma_wait3A_2099 : memref<200x64xf32, #tpu.memory_space<hbm>>)
      %mul3A_2103 = arith.constant 4 : i32
      %mul3A_2104 = arith.muli %sub3A_2064, %mul3A_2103 : i32
      %add3A_2105 = arith.addi %mul3A_4, %mul3A_2104 : i32
      %add3A_2106 = arith.constant 2 : i32
      %add3A_2107 = arith.addi %add3A_2105, %add3A_2106 : i32
      %dma_wait3A_2108 = arith.constant 400 : i32
      %dma_wait3A_2109 = arith.constant 0 : i32
      %dma_wait3A_2110 = tpu.memref_slice %arg11[%dma_wait3A_2108, %dma_wait3A_2109] : memref<800x64xf32, #tpu.memory_space<vmem>> -> memref<200x64xf32, #tpu.memory_space<vmem>>
      %dma_wait3A_2111 = arith.constant 0 : i32
      %dma_wait3A_2112 = arith.constant 0 : i32
      %dma_wait3A_2113 = tpu.memref_slice %arg6[%add3A_2107, %dma_wait3A_2111, %dma_wait3A_2112] : memref<16384x200x128xf32, #tpu.memory_space<hbm>> -> memref<1x200x64xf32, #tpu.memory_space<hbm>>
      %dma_wait3A_2114 = tpu.memref_squeeze %dma_wait3A_2113 : memref<1x200x64xf32, #tpu.memory_space<hbm>> -> memref<200x64xf32, #tpu.memory_space<hbm>>
      %dma_wait3A_2115 = arith.constant 0 : i32
      %dma_wait3A_2116 = arith.constant 0 : i32
      %dma_wait3A_2117 = tpu.memref_slice %arg6[%add3A_2107, %dma_wait3A_2115, %dma_wait3A_2116] : memref<16384x200x128xf32, #tpu.memory_space<hbm>> -> memref<1x200x64xf32, #tpu.memory_space<hbm>>
      %dma_wait3A_2118 = tpu.memref_squeeze %dma_wait3A_2117 : memref<1x200x64xf32, #tpu.memory_space<hbm>> -> memref<200x64xf32, #tpu.memory_space<hbm>>
      %dma_wait3A_2119 = arith.constant 400 : i32
      %dma_wait3A_2120 = arith.constant 0 : i32
      %dma_wait3A_2121 = tpu.memref_slice %arg11[%dma_wait3A_2119, %dma_wait3A_2120] : memref<800x64xf32, #tpu.memory_space<vmem>> -> memref<200x64xf32, #tpu.memory_space<vmem>>
      tpu.wait_dma2 semaphore(%arg20 : memref<!tpu.dma_semaphore, #tpu.memory_space<semaphore_mem>>) src(%dma_wait3A_2121 : memref<200x64xf32, #tpu.memory_space<vmem>>) dst(%dma_wait3A_2118 : memref<200x64xf32, #tpu.memory_space<hbm>>)
      %mul3A_2122 = arith.constant 4 : i32
      %mul3A_2123 = arith.muli %sub3A_2064, %mul3A_2122 : i32
      %add3A_2124 = arith.addi %mul3A_4, %mul3A_2123 : i32
      %add3A_2125 = arith.constant 3 : i32
      %add3A_2126 = arith.addi %add3A_2124, %add3A_2125 : i32
      %dma_wait3A_2127 = arith.constant 600 : i32
      %dma_wait3A_2128 = arith.constant 0 : i32
      %dma_wait3A_2129 = tpu.memref_slice %arg11[%dma_wait3A_2127, %dma_wait3A_2128] : memref<800x64xf32, #tpu.memory_space<vmem>> -> memref<200x64xf32, #tpu.memory_space<vmem>>
      %dma_wait3A_2130 = arith.constant 0 : i32
      %dma_wait3A_2131 = arith.constant 0 : i32
      %dma_wait3A_2132 = tpu.memref_slice %arg6[%add3A_2126, %dma_wait3A_2130, %dma_wait3A_2131] : memref<16384x200x128xf32, #tpu.memory_space<hbm>> -> memref<1x200x64xf32, #tpu.memory_space<hbm>>
      %dma_wait3A_2133 = tpu.memref_squeeze %dma_wait3A_2132 : memref<1x200x64xf32, #tpu.memory_space<hbm>> -> memref<200x64xf32, #tpu.memory_space<hbm>>
      %dma_wait3A_2134 = arith.constant 0 : i32
      %dma_wait3A_2135 = arith.constant 0 : i32
      %dma_wait3A_2136 = tpu.memref_slice %arg6[%add3A_2126, %dma_wait3A_2134, %dma_wait3A_2135] : memref<16384x200x128xf32, #tpu.memory_space<hbm>> -> memref<1x200x64xf32, #tpu.memory_space<hbm>>
      %dma_wait3A_2137 = tpu.memref_squeeze %dma_wait3A_2136 : memref<1x200x64xf32, #tpu.memory_space<hbm>> -> memref<200x64xf32, #tpu.memory_space<hbm>>
      %dma_wait3A_2138 = arith.constant 600 : i32
      %dma_wait3A_2139 = arith.constant 0 : i32
      %dma_wait3A_2140 = tpu.memref_slice %arg11[%dma_wait3A_2138, %dma_wait3A_2139] : memref<800x64xf32, #tpu.memory_space<vmem>> -> memref<200x64xf32, #tpu.memory_space<vmem>>
      tpu.wait_dma2 semaphore(%arg20 : memref<!tpu.dma_semaphore, #tpu.memory_space<semaphore_mem>>) src(%dma_wait3A_2140 : memref<200x64xf32, #tpu.memory_space<vmem>>) dst(%dma_wait3A_2137 : memref<200x64xf32, #tpu.memory_space<hbm>>)
      %dma_start3A_2141 = arith.constant 0 : i32
      %dma_start3A_2142 = arith.constant 0 : i32
      %dma_start3A_2143 = tpu.memref_slice %arg4[%dma_start3A_2141, %dma_start3A_2142] : memref<1000000x64xf32, #tpu.memory_space<hbm>> -> memref<1000000x64xf32, #tpu.memory_space<hbm>>
      tpu.enqueue_indirect_dma source(%dma_start3A_2143 : memref<1000000x64xf32, #tpu.memory_space<hbm>>) target(%arg11 : memref<800x64xf32, #tpu.memory_space<vmem>>) offsets(%arg7 : memref<800xi32, #tpu.memory_space<vmem>>) semaphore(%arg17 : memref<!tpu.dma_semaphore, #tpu.memory_space<semaphore_mem>>)
      %get3A_2144 = arith.constant 0 : index
      %get3A_2145 = tpu.vector_load %arg9[%get3A_2144] {strides = array<i32>} : memref<800xi32, #tpu.memory_space<vmem>>, vector<16xi32>,
      %get3A_2146 = vector.shape_cast %get3A_2145 : vector<16xi32> to vector<16xi32>
      %get3A_2147 = arith.constant 0 : index
      %get3A_2148 = tpu.vector_load %arg7[%get3A_2147] {strides = array<i32>} : memref<800xi32, #tpu.memory_space<vmem>>, vector<16xi32>,
      %get3A_2149 = vector.shape_cast %get3A_2148 : vector<16xi32> to vector<16xi32>
      %eq3A_2150 = arith.constant 0 : i32
      %eq3A_2151 = vector.broadcast %eq3A_2150 : i32 to vector<16xi32>
      %eq3A_2152 = arith.cmpi eq, %get3A_2149, %eq3A_2151 : vector<16xi32>
      %add3A_2153 = arith.constant 512 : i32
      %add3A_2154 = vector.broadcast %add3A_2153 : i32 to vector<16xi32>
      %add3A_2155 = arith.addi %get3A_2146, %add3A_2154 : vector<16xi32>
      %select_n3A_2156 = arith.select %eq3A_2152, %add3A_2155, %get3A_2146 : vector<16xi1>, vector<16xi32>
      %swap3A_2157 = arith.constant 0 : index
      %swap3A_2158 = tpu.vector_load %arg9[%swap3A_2157] {strides = array<i32>} : memref<800xi32, #tpu.memory_space<vmem>>, vector<16xi32>,
      %swap3A_2159 = vector.shape_cast %swap3A_2158 : vector<16xi32> to vector<16xi32>
      %swap3A_2160 = vector.shape_cast %select_n3A_2156 : vector<16xi32> to vector<16xi32>
      tpu.vector_store %arg9[%swap3A_2157], %swap3A_2160 {strides = array<i32>} : memref<800xi32, #tpu.memory_space<vmem>>, vector<16xi32>,
      %get3A_2161 = arith.constant 16 : index
      %get3A_2162 = tpu.vector_load %arg9[%get3A_2161] {strides = array<i32>} : memref<800xi32, #tpu.memory_space<vmem>>, vector<16xi32>,
      %get3A_2163 = vector.shape_cast %get3A_2162 : vector<16xi32> to vector<16xi32>
      %get3A_2164 = arith.constant 16 : index
      %get3A_2165 = tpu.vector_load %arg7[%get3A_2164] {strides = array<i32>} : memref<800xi32, #tpu.memory_space<vmem>>, vector<16xi32>,
      %get3A_2166 = vector.shape_cast %get3A_2165 : vector<16xi32> to vector<16xi32>
      %eq3A_2167 = arith.constant 0 : i32
      %eq3A_2168 = vector.broadcast %eq3A_2167 : i32 to vector<16xi32>
      %eq3A_2169 = arith.cmpi eq, %get3A_2166, %eq3A_2168 : vector<16xi32>
      %add3A_2170 = arith.constant 512 : i32
      %add3A_2171 = vector.broadcast %add3A_2170 : i32 to vector<16xi32>
      %add3A_2172 = arith.addi %get3A_2163, %add3A_2171 : vector<16xi32>
      %select_n3A_2173 = arith.select %eq3A_2169, %add3A_2172, %get3A_2163 : vector<16xi1>, vector<16xi32>
      %swap3A_2174 = arith.constant 16 : index
      %swap3A_2175 = tpu.vector_load %arg9[%swap3A_2174] {strides = array<i32>} : memref<800xi32, #tpu.memory_space<vmem>>, vector<16xi32>,
      %swap3A_2176 = vector.shape_cast %swap3A_2175 : vector<16xi32> to vector<16xi32>
      %swap3A_2177 = vector.shape_cast %select_n3A_2173 : vector<16xi32> to vector<16xi32>
      tpu.vector_store %arg9[%swap3A_2174], %swap3A_2177 {strides = array<i32>} : memref<800xi32, #tpu.memory_space<vmem>>, vector<16xi32>,
      %get3A_2178 = arith.constant 32 : index
      %get3A_2179 = tpu.vector_load %arg9[%get3A_2178] {strides = array<i32>} : memref<800xi32, #tpu.memory_space<vmem>>, vector<16xi32>,
      %get3A_2180 = vector.shape_cast %get3A_2179 : vector<16xi32> to vector<16xi32>
      %get3A_2181 = arith.constant 32 : index
      %get3A_2182 = tpu.vector_load %arg7[%get3A_2181] {strides = array<i32>} : memref<800xi32, #tpu.memory_space<vmem>>, vector<16xi32>,
      %get3A_2183 = vector.shape_cast %get3A_2182 : vector<16xi32> to vector<16xi32>
      %eq3A_2184 = arith.constant 0 : i32
      %eq3A_2185 = vector.broadcast %eq3A_2184 : i32 to vector<16xi32>
      %eq3A_2186 = arith.cmpi eq, %get3A_2183, %eq3A_2185 : vector<16xi32>
      %add3A_2187 = arith.constant 512 : i32
      %add3A_2188 = vector.broadcast %add3A_2187 : i32 to vector<16xi32>
      %add3A_2189 = arith.addi %get3A_2180, %add3A_2188 : vector<16xi32>
      %select_n3A_2190 = arith.select %eq3A_2186, %add3A_2189, %get3A_2180 : vector<16xi1>, vector<16xi32>
      %swap3A_2191 = arith.constant 32 : index
      %swap3A_2192 = tpu.vector_load %arg9[%swap3A_2191] {strides = array<i32>} : memref<800xi32, #tpu.memory_space<vmem>>, vector<16xi32>,
      %swap3A_2193 = vector.shape_cast %swap3A_2192 : vector<16xi32> to vector<16xi32>
      %swap3A_2194 = vector.shape_cast %select_n3A_2190 : vector<16xi32> to vector<16xi32>
      tpu.vector_store %arg9[%swap3A_2191], %swap3A_2194 {strides = array<i32>} : memref<800xi32, #tpu.memory_space<vmem>>, vector<16xi32>,
      %get3A_2195 = arith.constant 48 : index
      %get3A_2196 = tpu.vector_load %arg9[%get3A_2195] {strides = array<i32>} : memref<800xi32, #tpu.memory_space<vmem>>, vector<16xi32>,
      %get3A_2197 = vector.shape_cast %get3A_2196 : vector<16xi32> to vector<16xi32>
      %get3A_2198 = arith.constant 48 : index
      %get3A_2199 = tpu.vector_load %arg7[%get3A_2198] {strides = array<i32>} : memref<800xi32, #tpu.memory_space<vmem>>, vector<16xi32>,
      %get3A_2200 = vector.shape_cast %get3A_2199 : vector<16xi32> to vector<16xi32>
      %eq3A_2201 = arith.constant 0 : i32
      %eq3A_2202 = vector.broadcast %eq3A_2201 : i32 to vector<16xi32>
      %eq3A_2203 = arith.cmpi eq, %get3A_2200, %eq3A_2202 : vector<16xi32>
      %add3A_2204 = arith.constant 512 : i32
      %add3A_2205 = vector.broadcast %add3A_2204 : i32 to vector<16xi32>
      %add3A_2206 = arith.addi %get3A_2197, %add3A_2205 : vector<16xi32>
      %select_n3A_2207 = arith.select %eq3A_2203, %add3A_2206, %get3A_2197 : vector<16xi1>, vector<16xi32>
      %swap3A_2208 = arith.constant 48 : index
      %swap3A_2209 = tpu.vector_load %arg9[%swap3A_2208] {strides = array<i32>} : memref<800xi32, #tpu.memory_space<vmem>>, vector<16xi32>,
      %swap3A_2210 = vector.shape_cast %swap3A_2209 : vector<16xi32> to vector<16xi32>
      %swap3A_2211 = vector.shape_cast %select_n3A_2207 : vector<16xi32> to vector<16xi32>
      tpu.vector_store %arg9[%swap3A_2208], %swap3A_2211 {strides = array<i32>} : memref<800xi32, #tpu.memory_space<vmem>>, vector<16xi32>,
      %get3A_2212 = arith.constant 64 : index
      %get3A_2213 = tpu.vector_load %arg9[%get3A_2212] {strides = array<i32>} : memref<800xi32, #tpu.memory_space<vmem>>, vector<16xi32>,
      %get3A_2214 = vector.shape_cast %get3A_2213 : vector<16xi32> to vector<16xi32>
      %get3A_2215 = arith.constant 64 : index
      %get3A_2216 = tpu.vector_load %arg7[%get3A_2215] {strides = array<i32>} : memref<800xi32, #tpu.memory_space<vmem>>, vector<16xi32>,
      %get3A_2217 = vector.shape_cast %get3A_2216 : vector<16xi32> to vector<16xi32>
      %eq3A_2218 = arith.constant 0 : i32
      %eq3A_2219 = vector.broadcast %eq3A_2218 : i32 to vector<16xi32>
      %eq3A_2220 = arith.cmpi eq, %get3A_2217, %eq3A_2219 : vector<16xi32>
      %add3A_2221 = arith.constant 512 : i32
      %add3A_2222 = vector.broadcast %add3A_2221 : i32 to vector<16xi32>
      %add3A_2223 = arith.addi %get3A_2214, %add3A_2222 : vector<16xi32>
      %select_n3A_2224 = arith.select %eq3A_2220, %add3A_2223, %get3A_2214 : vector<16xi1>, vector<16xi32>
      %swap3A_2225 = arith.constant 64 : index
      %swap3A_2226 = tpu.vector_load %arg9[%swap3A_2225] {strides = array<i32>} : memref<800xi32, #tpu.memory_space<vmem>>, vector<16xi32>,
      %swap3A_2227 = vector.shape_cast %swap3A_2226 : vector<16xi32> to vector<16xi32>
      %swap3A_2228 = vector.shape_cast %select_n3A_2224 : vector<16xi32> to vector<16xi32>
      tpu.vector_store %arg9[%swap3A_2225], %swap3A_2228 {strides = array<i32>} : memref<800xi32, #tpu.memory_space<vmem>>, vector<16xi32>,
      %get3A_2229 = arith.constant 80 : index
      %get3A_2230 = tpu.vector_load %arg9[%get3A_2229] {strides = array<i32>} : memref<800xi32, #tpu.memory_space<vmem>>, vector<16xi32>,
      %get3A_2231 = vector.shape_cast %get3A_2230 : vector<16xi32> to vector<16xi32>
      %get3A_2232 = arith.constant 80 : index
      %get3A_2233 = tpu.vector_load %arg7[%get3A_2232] {strides = array<i32>} : memref<800xi32, #tpu.memory_space<vmem>>, vector<16xi32>,
      %get3A_2234 = vector.shape_cast %get3A_2233 : vector<16xi32> to vector<16xi32>
      %eq3A_2235 = arith.constant 0 : i32
      %eq3A_2236 = vector.broadcast %eq3A_2235 : i32 to vector<16xi32>
      %eq3A_2237 = arith.cmpi eq, %get3A_2234, %eq3A_2236 : vector<16xi32>
      %add3A_2238 = arith.constant 512 : i32
      %add3A_2239 = vector.broadcast %add3A_2238 : i32 to vector<16xi32>
      %add3A_2240 = arith.addi %get3A_2231, %add3A_2239 : vector<16xi32>
      %select_n3A_2241 = arith.select %eq3A_2237, %add3A_2240, %get3A_2231 : vector<16xi1>, vector<16xi32>
      %swap3A_2242 = arith.constant 80 : index
      %swap3A_2243 = tpu.vector_load %arg9[%swap3A_2242] {strides = array<i32>} : memref<800xi32, #tpu.memory_space<vmem>>, vector<16xi32>,
      %swap3A_2244 = vector.shape_cast %swap3A_2243 : vector<16xi32> to vector<16xi32>
      %swap3A_2245 = vector.shape_cast %select_n3A_2241 : vector<16xi32> to vector<16xi32>
      tpu.vector_store %arg9[%swap3A_2242], %swap3A_2245 {strides = array<i32>} : memref<800xi32, #tpu.memory_space<vmem>>, vector<16xi32>,
      %get3A_2246 = arith.constant 96 : index
      %get3A_2247 = tpu.vector_load %arg9[%get3A_2246] {strides = array<i32>} : memref<800xi32, #tpu.memory_space<vmem>>, vector<16xi32>,
      %get3A_2248 = vector.shape_cast %get3A_2247 : vector<16xi32> to vector<16xi32>
      %get3A_2249 = arith.constant 96 : index
      %get3A_2250 = tpu.vector_load %arg7[%get3A_2249] {strides = array<i32>} : memref<800xi32, #tpu.memory_space<vmem>>, vector<16xi32>,
      %get3A_2251 = vector.shape_cast %get3A_2250 : vector<16xi32> to vector<16xi32>
      %eq3A_2252 = arith.constant 0 : i32
      %eq3A_2253 = vector.broadcast %eq3A_2252 : i32 to vector<16xi32>
      %eq3A_2254 = arith.cmpi eq, %get3A_2251, %eq3A_2253 : vector<16xi32>
      %add3A_2255 = arith.constant 512 : i32
      %add3A_2256 = vector.broadcast %add3A_2255 : i32 to vector<16xi32>
      %add3A_2257 = arith.addi %get3A_2248, %add3A_2256 : vector<16xi32>
      %select_n3A_2258 = arith.select %eq3A_2254, %add3A_2257, %get3A_2248 : vector<16xi1>, vector<16xi32>
      %swap3A_2259 = arith.constant 96 : index
      %swap3A_2260 = tpu.vector_load %arg9[%swap3A_2259] {strides = array<i32>} : memref<800xi32, #tpu.memory_space<vmem>>, vector<16xi32>,
      %swap3A_2261 = vector.shape_cast %swap3A_2260 : vector<16xi32> to vector<16xi32>
      %swap3A_2262 = vector.shape_cast %select_n3A_2258 : vector<16xi32> to vector<16xi32>
      tpu.vector_store %arg9[%swap3A_2259], %swap3A_2262 {strides = array<i32>} : memref<800xi32, #tpu.memory_space<vmem>>, vector<16xi32>,
      %get3A_2263 = arith.constant 112 : index
      %get3A_2264 = tpu.vector_load %arg9[%get3A_2263] {strides = array<i32>} : memref<800xi32, #tpu.memory_space<vmem>>, vector<16xi32>,
      %get3A_2265 = vector.shape_cast %get3A_2264 : vector<16xi32> to vector<16xi32>
      %get3A_2266 = arith.constant 112 : index
      %get3A_2267 = tpu.vector_load %arg7[%get3A_2266] {strides = array<i32>} : memref<800xi32, #tpu.memory_space<vmem>>, vector<16xi32>,
      %get3A_2268 = vector.shape_cast %get3A_2267 : vector<16xi32> to vector<16xi32>
      %eq3A_2269 = arith.constant 0 : i32
      %eq3A_2270 = vector.broadcast %eq3A_2269 : i32 to vector<16xi32>
      %eq3A_2271 = arith.cmpi eq, %get3A_2268, %eq3A_2270 : vector<16xi32>
      %add3A_2272 = arith.constant 512 : i32
      %add3A_2273 = vector.broadcast %add3A_2272 : i32 to vector<16xi32>
      %add3A_2274 = arith.addi %get3A_2265, %add3A_2273 : vector<16xi32>
      %select_n3A_2275 = arith.select %eq3A_2271, %add3A_2274, %get3A_2265 : vector<16xi1>, vector<16xi32>
      %swap3A_2276 = arith.constant 112 : index
      %swap3A_2277 = tpu.vector_load %arg9[%swap3A_2276] {strides = array<i32>} : memref<800xi32, #tpu.memory_space<vmem>>, vector<16xi32>,
      %swap3A_2278 = vector.shape_cast %swap3A_2277 : vector<16xi32> to vector<16xi32>
      %swap3A_2279 = vector.shape_cast %select_n3A_2275 : vector<16xi32> to vector<16xi32>
      tpu.vector_store %arg9[%swap3A_2276], %swap3A_2279 {strides = array<i32>} : memref<800xi32, #tpu.memory_space<vmem>>, vector<16xi32>,
      %get3A_2280 = arith.constant 128 : index
      %get3A_2281 = tpu.vector_load %arg9[%get3A_2280] {strides = array<i32>} : memref<800xi32, #tpu.memory_space<vmem>>, vector<16xi32>,
      %get3A_2282 = vector.shape_cast %get3A_2281 : vector<16xi32> to vector<16xi32>
      %get3A_2283 = arith.constant 128 : index
      %get3A_2284 = tpu.vector_load %arg7[%get3A_2283] {strides = array<i32>} : memref<800xi32, #tpu.memory_space<vmem>>, vector<16xi32>,
      %get3A_2285 = vector.shape_cast %get3A_2284 : vector<16xi32> to vector<16xi32>
      %eq3A_2286 = arith.constant 0 : i32
      %eq3A_2287 = vector.broadcast %eq3A_2286 : i32 to vector<16xi32>
      %eq3A_2288 = arith.cmpi eq, %get3A_2285, %eq3A_2287 : vector<16xi32>
      %add3A_2289 = arith.constant 512 : i32
      %add3A_2290 = vector.broadcast %add3A_2289 : i32 to vector<16xi32>
      %add3A_2291 = arith.addi %get3A_2282, %add3A_2290 : vector<16xi32>
      %select_n3A_2292 = arith.select %eq3A_2288, %add3A_2291, %get3A_2282 : vector<16xi1>, vector<16xi32>
      %swap3A_2293 = arith.constant 128 : index
      %swap3A_2294 = tpu.vector_load %arg9[%swap3A_2293] {strides = array<i32>} : memref<800xi32, #tpu.memory_space<vmem>>, vector<16xi32>,
      %swap3A_2295 = vector.shape_cast %swap3A_2294 : vector<16xi32> to vector<16xi32>
      %swap3A_2296 = vector.shape_cast %select_n3A_2292 : vector<16xi32> to vector<16xi32>
      tpu.vector_store %arg9[%swap3A_2293], %swap3A_2296 {strides = array<i32>} : memref<800xi32, #tpu.memory_space<vmem>>, vector<16xi32>,
      %get3A_2297 = arith.constant 144 : index
      %get3A_2298 = tpu.vector_load %arg9[%get3A_2297] {strides = array<i32>} : memref<800xi32, #tpu.memory_space<vmem>>, vector<16xi32>,
      %get3A_2299 = vector.shape_cast %get3A_2298 : vector<16xi32> to vector<16xi32>
      %get3A_2300 = arith.constant 144 : index
      %get3A_2301 = tpu.vector_load %arg7[%get3A_2300] {strides = array<i32>} : memref<800xi32, #tpu.memory_space<vmem>>, vector<16xi32>,
      %get3A_2302 = vector.shape_cast %get3A_2301 : vector<16xi32> to vector<16xi32>
      %eq3A_2303 = arith.constant 0 : i32
      %eq3A_2304 = vector.broadcast %eq3A_2303 : i32 to vector<16xi32>
      %eq3A_2305 = arith.cmpi eq, %get3A_2302, %eq3A_2304 : vector<16xi32>
      %add3A_2306 = arith.constant 512 : i32
      %add3A_2307 = vector.broadcast %add3A_2306 : i32 to vector<16xi32>
      %add3A_2308 = arith.addi %get3A_2299, %add3A_2307 : vector<16xi32>
      %select_n3A_2309 = arith.select %eq3A_2305, %add3A_2308, %get3A_2299 : vector<16xi1>, vector<16xi32>
      %swap3A_2310 = arith.constant 144 : index
      %swap3A_2311 = tpu.vector_load %arg9[%swap3A_2310] {strides = array<i32>} : memref<800xi32, #tpu.memory_space<vmem>>, vector<16xi32>,
      %swap3A_2312 = vector.shape_cast %swap3A_2311 : vector<16xi32> to vector<16xi32>
      %swap3A_2313 = vector.shape_cast %select_n3A_2309 : vector<16xi32> to vector<16xi32>
      tpu.vector_store %arg9[%swap3A_2310], %swap3A_2313 {strides = array<i32>} : memref<800xi32, #tpu.memory_space<vmem>>, vector<16xi32>,
      %get3A_2314 = arith.constant 160 : index
      %get3A_2315 = tpu.vector_load %arg9[%get3A_2314] {strides = array<i32>} : memref<800xi32, #tpu.memory_space<vmem>>, vector<16xi32>,
      %get3A_2316 = vector.shape_cast %get3A_2315 : vector<16xi32> to vector<16xi32>
      %get3A_2317 = arith.constant 160 : index
      %get3A_2318 = tpu.vector_load %arg7[%get3A_2317] {strides = array<i32>} : memref<800xi32, #tpu.memory_space<vmem>>, vector<16xi32>,
      %get3A_2319 = vector.shape_cast %get3A_2318 : vector<16xi32> to vector<16xi32>
      %eq3A_2320 = arith.constant 0 : i32
      %eq3A_2321 = vector.broadcast %eq3A_2320 : i32 to vector<16xi32>
      %eq3A_2322 = arith.cmpi eq, %get3A_2319, %eq3A_2321 : vector<16xi32>
      %add3A_2323 = arith.constant 512 : i32
      %add3A_2324 = vector.broadcast %add3A_2323 : i32 to vector<16xi32>
      %add3A_2325 = arith.addi %get3A_2316, %add3A_2324 : vector<16xi32>
      %select_n3A_2326 = arith.select %eq3A_2322, %add3A_2325, %get3A_2316 : vector<16xi1>, vector<16xi32>
      %swap3A_2327 = arith.constant 160 : index
      %swap3A_2328 = tpu.vector_load %arg9[%swap3A_2327] {strides = array<i32>} : memref<800xi32, #tpu.memory_space<vmem>>, vector<16xi32>,
      %swap3A_2329 = vector.shape_cast %swap3A_2328 : vector<16xi32> to vector<16xi32>
      %swap3A_2330 = vector.shape_cast %select_n3A_2326 : vector<16xi32> to vector<16xi32>
      tpu.vector_store %arg9[%swap3A_2327], %swap3A_2330 {strides = array<i32>} : memref<800xi32, #tpu.memory_space<vmem>>, vector<16xi32>,
      %get3A_2331 = arith.constant 176 : index
      %get3A_2332 = tpu.vector_load %arg9[%get3A_2331] {strides = array<i32>} : memref<800xi32, #tpu.memory_space<vmem>>, vector<16xi32>,
      %get3A_2333 = vector.shape_cast %get3A_2332 : vector<16xi32> to vector<16xi32>
      %get3A_2334 = arith.constant 176 : index
      %get3A_2335 = tpu.vector_load %arg7[%get3A_2334] {strides = array<i32>} : memref<800xi32, #tpu.memory_space<vmem>>, vector<16xi32>,
      %get3A_2336 = vector.shape_cast %get3A_2335 : vector<16xi32> to vector<16xi32>
      %eq3A_2337 = arith.constant 0 : i32
      %eq3A_2338 = vector.broadcast %eq3A_2337 : i32 to vector<16xi32>
      %eq3A_2339 = arith.cmpi eq, %get3A_2336, %eq3A_2338 : vector<16xi32>
      %add3A_2340 = arith.constant 512 : i32
      %add3A_2341 = vector.broadcast %add3A_2340 : i32 to vector<16xi32>
      %add3A_2342 = arith.addi %get3A_2333, %add3A_2341 : vector<16xi32>
      %select_n3A_2343 = arith.select %eq3A_2339, %add3A_2342, %get3A_2333 : vector<16xi1>, vector<16xi32>
      %swap3A_2344 = arith.constant 176 : index
      %swap3A_2345 = tpu.vector_load %arg9[%swap3A_2344] {strides = array<i32>} : memref<800xi32, #tpu.memory_space<vmem>>, vector<16xi32>,
      %swap3A_2346 = vector.shape_cast %swap3A_2345 : vector<16xi32> to vector<16xi32>
      %swap3A_2347 = vector.shape_cast %select_n3A_2343 : vector<16xi32> to vector<16xi32>
      tpu.vector_store %arg9[%swap3A_2344], %swap3A_2347 {strides = array<i32>} : memref<800xi32, #tpu.memory_space<vmem>>, vector<16xi32>,
      %get3A_2348 = arith.constant 192 : index
      %get3A_2349 = tpu.vector_load %arg9[%get3A_2348] {strides = array<i32>} : memref<800xi32, #tpu.memory_space<vmem>>, vector<16xi32>,
      %get3A_2350 = vector.shape_cast %get3A_2349 : vector<16xi32> to vector<16xi32>
      %get3A_2351 = arith.constant 192 : index
      %get3A_2352 = tpu.vector_load %arg7[%get3A_2351] {strides = array<i32>} : memref<800xi32, #tpu.memory_space<vmem>>, vector<16xi32>,
      %get3A_2353 = vector.shape_cast %get3A_2352 : vector<16xi32> to vector<16xi32>
      %eq3A_2354 = arith.constant 0 : i32
      %eq3A_2355 = vector.broadcast %eq3A_2354 : i32 to vector<16xi32>
      %eq3A_2356 = arith.cmpi eq, %get3A_2353, %eq3A_2355 : vector<16xi32>
      %add3A_2357 = arith.constant 512 : i32
      %add3A_2358 = vector.broadcast %add3A_2357 : i32 to vector<16xi32>
      %add3A_2359 = arith.addi %get3A_2350, %add3A_2358 : vector<16xi32>
      %select_n3A_2360 = arith.select %eq3A_2356, %add3A_2359, %get3A_2350 : vector<16xi1>, vector<16xi32>
      %swap3A_2361 = arith.constant 192 : index
      %swap3A_2362 = tpu.vector_load %arg9[%swap3A_2361] {strides = array<i32>} : memref<800xi32, #tpu.memory_space<vmem>>, vector<16xi32>,
      %swap3A_2363 = vector.shape_cast %swap3A_2362 : vector<16xi32> to vector<16xi32>
      %swap3A_2364 = vector.shape_cast %select_n3A_2360 : vector<16xi32> to vector<16xi32>
      tpu.vector_store %arg9[%swap3A_2361], %swap3A_2364 {strides = array<i32>} : memref<800xi32, #tpu.memory_space<vmem>>, vector<16xi32>,
      %get3A_2365 = arith.constant 208 : index
      %get3A_2366 = tpu.vector_load %arg9[%get3A_2365] {strides = array<i32>} : memref<800xi32, #tpu.memory_space<vmem>>, vector<16xi32>,
      %get3A_2367 = vector.shape_cast %get3A_2366 : vector<16xi32> to vector<16xi32>
      %get3A_2368 = arith.constant 208 : index
      %get3A_2369 = tpu.vector_load %arg7[%get3A_2368] {strides = array<i32>} : memref<800xi32, #tpu.memory_space<vmem>>, vector<16xi32>,
      %get3A_2370 = vector.shape_cast %get3A_2369 : vector<16xi32> to vector<16xi32>
      %eq3A_2371 = arith.constant 0 : i32
      %eq3A_2372 = vector.broadcast %eq3A_2371 : i32 to vector<16xi32>
      %eq3A_2373 = arith.cmpi eq, %get3A_2370, %eq3A_2372 : vector<16xi32>
      %add3A_2374 = arith.constant 512 : i32
      %add3A_2375 = vector.broadcast %add3A_2374 : i32 to vector<16xi32>
      %add3A_2376 = arith.addi %get3A_2367, %add3A_2375 : vector<16xi32>
      %select_n3A_2377 = arith.select %eq3A_2373, %add3A_2376, %get3A_2367 : vector<16xi1>, vector<16xi32>
      %swap3A_2378 = arith.constant 208 : index
      %swap3A_2379 = tpu.vector_load %arg9[%swap3A_2378] {strides = array<i32>} : memref<800xi32, #tpu.memory_space<vmem>>, vector<16xi32>,
      %swap3A_2380 = vector.shape_cast %swap3A_2379 : vector<16xi32> to vector<16xi32>
      %swap3A_2381 = vector.shape_cast %select_n3A_2377 : vector<16xi32> to vector<16xi32>
      tpu.vector_store %arg9[%swap3A_2378], %swap3A_2381 {strides = array<i32>} : memref<800xi32, #tpu.memory_space<vmem>>, vector<16xi32>,
      %get3A_2382 = arith.constant 224 : index
      %get3A_2383 = tpu.vector_load %arg9[%get3A_2382] {strides = array<i32>} : memref<800xi32, #tpu.memory_space<vmem>>, vector<16xi32>,
      %get3A_2384 = vector.shape_cast %get3A_2383 : vector<16xi32> to vector<16xi32>
      %get3A_2385 = arith.constant 224 : index
      %get3A_2386 = tpu.vector_load %arg7[%get3A_2385] {strides = array<i32>} : memref<800xi32, #tpu.memory_space<vmem>>, vector<16xi32>,
      %get3A_2387 = vector.shape_cast %get3A_2386 : vector<16xi32> to vector<16xi32>
      %eq3A_2388 = arith.constant 0 : i32
      %eq3A_2389 = vector.broadcast %eq3A_2388 : i32 to vector<16xi32>
      %eq3A_2390 = arith.cmpi eq, %get3A_2387, %eq3A_2389 : vector<16xi32>
      %add3A_2391 = arith.constant 512 : i32
      %add3A_2392 = vector.broadcast %add3A_2391 : i32 to vector<16xi32>
      %add3A_2393 = arith.addi %get3A_2384, %add3A_2392 : vector<16xi32>
      %select_n3A_2394 = arith.select %eq3A_2390, %add3A_2393, %get3A_2384 : vector<16xi1>, vector<16xi32>
      %swap3A_2395 = arith.constant 224 : index
      %swap3A_2396 = tpu.vector_load %arg9[%swap3A_2395] {strides = array<i32>} : memref<800xi32, #tpu.memory_space<vmem>>, vector<16xi32>,
      %swap3A_2397 = vector.shape_cast %swap3A_2396 : vector<16xi32> to vector<16xi32>
      %swap3A_2398 = vector.shape_cast %select_n3A_2394 : vector<16xi32> to vector<16xi32>
      tpu.vector_store %arg9[%swap3A_2395], %swap3A_2398 {strides = array<i32>} : memref<800xi32, #tpu.memory_space<vmem>>, vector<16xi32>,
      %get3A_2399 = arith.constant 240 : index
      %get3A_2400 = tpu.vector_load %arg9[%get3A_2399] {strides = array<i32>} : memref<800xi32, #tpu.memory_space<vmem>>, vector<16xi32>,
      %get3A_2401 = vector.shape_cast %get3A_2400 : vector<16xi32> to vector<16xi32>
      %get3A_2402 = arith.constant 240 : index
      %get3A_2403 = tpu.vector_load %arg7[%get3A_2402] {strides = array<i32>} : memref<800xi32, #tpu.memory_space<vmem>>, vector<16xi32>,
      %get3A_2404 = vector.shape_cast %get3A_2403 : vector<16xi32> to vector<16xi32>
      %eq3A_2405 = arith.constant 0 : i32
      %eq3A_2406 = vector.broadcast %eq3A_2405 : i32 to vector<16xi32>
      %eq3A_2407 = arith.cmpi eq, %get3A_2404, %eq3A_2406 : vector<16xi32>
      %add3A_2408 = arith.constant 512 : i32
      %add3A_2409 = vector.broadcast %add3A_2408 : i32 to vector<16xi32>
      %add3A_2410 = arith.addi %get3A_2401, %add3A_2409 : vector<16xi32>
      %select_n3A_2411 = arith.select %eq3A_2407, %add3A_2410, %get3A_2401 : vector<16xi1>, vector<16xi32>
      %swap3A_2412 = arith.constant 240 : index
      %swap3A_2413 = tpu.vector_load %arg9[%swap3A_2412] {strides = array<i32>} : memref<800xi32, #tpu.memory_space<vmem>>, vector<16xi32>,
      %swap3A_2414 = vector.shape_cast %swap3A_2413 : vector<16xi32> to vector<16xi32>
      %swap3A_2415 = vector.shape_cast %select_n3A_2411 : vector<16xi32> to vector<16xi32>
      tpu.vector_store %arg9[%swap3A_2412], %swap3A_2415 {strides = array<i32>} : memref<800xi32, #tpu.memory_space<vmem>>, vector<16xi32>,
      %get3A_2416 = arith.constant 256 : index
      %get3A_2417 = tpu.vector_load %arg9[%get3A_2416] {strides = array<i32>} : memref<800xi32, #tpu.memory_space<vmem>>, vector<16xi32>,
      %get3A_2418 = vector.shape_cast %get3A_2417 : vector<16xi32> to vector<16xi32>
      %get3A_2419 = arith.constant 256 : index
      %get3A_2420 = tpu.vector_load %arg7[%get3A_2419] {strides = array<i32>} : memref<800xi32, #tpu.memory_space<vmem>>, vector<16xi32>,
      %get3A_2421 = vector.shape_cast %get3A_2420 : vector<16xi32> to vector<16xi32>
      %eq3A_2422 = arith.constant 0 : i32
      %eq3A_2423 = vector.broadcast %eq3A_2422 : i32 to vector<16xi32>
      %eq3A_2424 = arith.cmpi eq, %get3A_2421, %eq3A_2423 : vector<16xi32>
      %add3A_2425 = arith.constant 512 : i32
      %add3A_2426 = vector.broadcast %add3A_2425 : i32 to vector<16xi32>
      %add3A_2427 = arith.addi %get3A_2418, %add3A_2426 : vector<16xi32>
      %select_n3A_2428 = arith.select %eq3A_2424, %add3A_2427, %get3A_2418 : vector<16xi1>, vector<16xi32>
      %swap3A_2429 = arith.constant 256 : index
      %swap3A_2430 = tpu.vector_load %arg9[%swap3A_2429] {strides = array<i32>} : memref<800xi32, #tpu.memory_space<vmem>>, vector<16xi32>,
      %swap3A_2431 = vector.shape_cast %swap3A_2430 : vector<16xi32> to vector<16xi32>
      %swap3A_2432 = vector.shape_cast %select_n3A_2428 : vector<16xi32> to vector<16xi32>
      tpu.vector_store %arg9[%swap3A_2429], %swap3A_2432 {strides = array<i32>} : memref<800xi32, #tpu.memory_space<vmem>>, vector<16xi32>,
      %get3A_2433 = arith.constant 272 : index
      %get3A_2434 = tpu.vector_load %arg9[%get3A_2433] {strides = array<i32>} : memref<800xi32, #tpu.memory_space<vmem>>, vector<16xi32>,
      %get3A_2435 = vector.shape_cast %get3A_2434 : vector<16xi32> to vector<16xi32>
      %get3A_2436 = arith.constant 272 : index
      %get3A_2437 = tpu.vector_load %arg7[%get3A_2436] {strides = array<i32>} : memref<800xi32, #tpu.memory_space<vmem>>, vector<16xi32>,
      %get3A_2438 = vector.shape_cast %get3A_2437 : vector<16xi32> to vector<16xi32>
      %eq3A_2439 = arith.constant 0 : i32
      %eq3A_2440 = vector.broadcast %eq3A_2439 : i32 to vector<16xi32>
      %eq3A_2441 = arith.cmpi eq, %get3A_2438, %eq3A_2440 : vector<16xi32>
      %add3A_2442 = arith.constant 512 : i32
      %add3A_2443 = vector.broadcast %add3A_2442 : i32 to vector<16xi32>
      %add3A_2444 = arith.addi %get3A_2435, %add3A_2443 : vector<16xi32>
      %select_n3A_2445 = arith.select %eq3A_2441, %add3A_2444, %get3A_2435 : vector<16xi1>, vector<16xi32>
      %swap3A_2446 = arith.constant 272 : index
      %swap3A_2447 = tpu.vector_load %arg9[%swap3A_2446] {strides = array<i32>} : memref<800xi32, #tpu.memory_space<vmem>>, vector<16xi32>,
      %swap3A_2448 = vector.shape_cast %swap3A_2447 : vector<16xi32> to vector<16xi32>
      %swap3A_2449 = vector.shape_cast %select_n3A_2445 : vector<16xi32> to vector<16xi32>
      tpu.vector_store %arg9[%swap3A_2446], %swap3A_2449 {strides = array<i32>} : memref<800xi32, #tpu.memory_space<vmem>>, vector<16xi32>,
      %get3A_2450 = arith.constant 288 : index
      %get3A_2451 = tpu.vector_load %arg9[%get3A_2450] {strides = array<i32>} : memref<800xi32, #tpu.memory_space<vmem>>, vector<16xi32>,
      %get3A_2452 = vector.shape_cast %get3A_2451 : vector<16xi32> to vector<16xi32>
      %get3A_2453 = arith.constant 288 : index
      %get3A_2454 = tpu.vector_load %arg7[%get3A_2453] {strides = array<i32>} : memref<800xi32, #tpu.memory_space<vmem>>, vector<16xi32>,
      %get3A_2455 = vector.shape_cast %get3A_2454 : vector<16xi32> to vector<16xi32>
      %eq3A_2456 = arith.constant 0 : i32
      %eq3A_2457 = vector.broadcast %eq3A_2456 : i32 to vector<16xi32>
      %eq3A_2458 = arith.cmpi eq, %get3A_2455, %eq3A_2457 : vector<16xi32>
      %add3A_2459 = arith.constant 512 : i32
      %add3A_2460 = vector.broadcast %add3A_2459 : i32 to vector<16xi32>
      %add3A_2461 = arith.addi %get3A_2452, %add3A_2460 : vector<16xi32>
      %select_n3A_2462 = arith.select %eq3A_2458, %add3A_2461, %get3A_2452 : vector<16xi1>, vector<16xi32>
      %swap3A_2463 = arith.constant 288 : index
      %swap3A_2464 = tpu.vector_load %arg9[%swap3A_2463] {strides = array<i32>} : memref<800xi32, #tpu.memory_space<vmem>>, vector<16xi32>,
      %swap3A_2465 = vector.shape_cast %swap3A_2464 : vector<16xi32> to vector<16xi32>
      %swap3A_2466 = vector.shape_cast %select_n3A_2462 : vector<16xi32> to vector<16xi32>
      tpu.vector_store %arg9[%swap3A_2463], %swap3A_2466 {strides = array<i32>} : memref<800xi32, #tpu.memory_space<vmem>>, vector<16xi32>,
      %get3A_2467 = arith.constant 304 : index
      %get3A_2468 = tpu.vector_load %arg9[%get3A_2467] {strides = array<i32>} : memref<800xi32, #tpu.memory_space<vmem>>, vector<16xi32>,
      %get3A_2469 = vector.shape_cast %get3A_2468 : vector<16xi32> to vector<16xi32>
      %get3A_2470 = arith.constant 304 : index
      %get3A_2471 = tpu.vector_load %arg7[%get3A_2470] {strides = array<i32>} : memref<800xi32, #tpu.memory_space<vmem>>, vector<16xi32>,
      %get3A_2472 = vector.shape_cast %get3A_2471 : vector<16xi32> to vector<16xi32>
      %eq3A_2473 = arith.constant 0 : i32
      %eq3A_2474 = vector.broadcast %eq3A_2473 : i32 to vector<16xi32>
      %eq3A_2475 = arith.cmpi eq, %get3A_2472, %eq3A_2474 : vector<16xi32>
      %add3A_2476 = arith.constant 512 : i32
      %add3A_2477 = vector.broadcast %add3A_2476 : i32 to vector<16xi32>
      %add3A_2478 = arith.addi %get3A_2469, %add3A_2477 : vector<16xi32>
      %select_n3A_2479 = arith.select %eq3A_2475, %add3A_2478, %get3A_2469 : vector<16xi1>, vector<16xi32>
      %swap3A_2480 = arith.constant 304 : index
      %swap3A_2481 = tpu.vector_load %arg9[%swap3A_2480] {strides = array<i32>} : memref<800xi32, #tpu.memory_space<vmem>>, vector<16xi32>,
      %swap3A_2482 = vector.shape_cast %swap3A_2481 : vector<16xi32> to vector<16xi32>
      %swap3A_2483 = vector.shape_cast %select_n3A_2479 : vector<16xi32> to vector<16xi32>
      tpu.vector_store %arg9[%swap3A_2480], %swap3A_2483 {strides = array<i32>} : memref<800xi32, #tpu.memory_space<vmem>>, vector<16xi32>,
      %get3A_2484 = arith.constant 320 : index
      %get3A_2485 = tpu.vector_load %arg9[%get3A_2484] {strides = array<i32>} : memref<800xi32, #tpu.memory_space<vmem>>, vector<16xi32>,
      %get3A_2486 = vector.shape_cast %get3A_2485 : vector<16xi32> to vector<16xi32>
      %get3A_2487 = arith.constant 320 : index
      %get3A_2488 = tpu.vector_load %arg7[%get3A_2487] {strides = array<i32>} : memref<800xi32, #tpu.memory_space<vmem>>, vector<16xi32>,
      %get3A_2489 = vector.shape_cast %get3A_2488 : vector<16xi32> to vector<16xi32>
      %eq3A_2490 = arith.constant 0 : i32
      %eq3A_2491 = vector.broadcast %eq3A_2490 : i32 to vector<16xi32>
      %eq3A_2492 = arith.cmpi eq, %get3A_2489, %eq3A_2491 : vector<16xi32>
      %add3A_2493 = arith.constant 512 : i32
      %add3A_2494 = vector.broadcast %add3A_2493 : i32 to vector<16xi32>
      %add3A_2495 = arith.addi %get3A_2486, %add3A_2494 : vector<16xi32>
      %select_n3A_2496 = arith.select %eq3A_2492, %add3A_2495, %get3A_2486 : vector<16xi1>, vector<16xi32>
      %swap3A_2497 = arith.constant 320 : index
      %swap3A_2498 = tpu.vector_load %arg9[%swap3A_2497] {strides = array<i32>} : memref<800xi32, #tpu.memory_space<vmem>>, vector<16xi32>,
      %swap3A_2499 = vector.shape_cast %swap3A_2498 : vector<16xi32> to vector<16xi32>
      %swap3A_2500 = vector.shape_cast %select_n3A_2496 : vector<16xi32> to vector<16xi32>
      tpu.vector_store %arg9[%swap3A_2497], %swap3A_2500 {strides = array<i32>} : memref<800xi32, #tpu.memory_space<vmem>>, vector<16xi32>,
      %get3A_2501 = arith.constant 336 : index
      %get3A_2502 = tpu.vector_load %arg9[%get3A_2501] {strides = array<i32>} : memref<800xi32, #tpu.memory_space<vmem>>, vector<16xi32>,
      %get3A_2503 = vector.shape_cast %get3A_2502 : vector<16xi32> to vector<16xi32>
      %get3A_2504 = arith.constant 336 : index
      %get3A_2505 = tpu.vector_load %arg7[%get3A_2504] {strides = array<i32>} : memref<800xi32, #tpu.memory_space<vmem>>, vector<16xi32>,
      %get3A_2506 = vector.shape_cast %get3A_2505 : vector<16xi32> to vector<16xi32>
      %eq3A_2507 = arith.constant 0 : i32
      %eq3A_2508 = vector.broadcast %eq3A_2507 : i32 to vector<16xi32>
      %eq3A_2509 = arith.cmpi eq, %get3A_2506, %eq3A_2508 : vector<16xi32>
      %add3A_2510 = arith.constant 512 : i32
      %add3A_2511 = vector.broadcast %add3A_2510 : i32 to vector<16xi32>
      %add3A_2512 = arith.addi %get3A_2503, %add3A_2511 : vector<16xi32>
      %select_n3A_2513 = arith.select %eq3A_2509, %add3A_2512, %get3A_2503 : vector<16xi1>, vector<16xi32>
      %swap3A_2514 = arith.constant 336 : index
      %swap3A_2515 = tpu.vector_load %arg9[%swap3A_2514] {strides = array<i32>} : memref<800xi32, #tpu.memory_space<vmem>>, vector<16xi32>,
      %swap3A_2516 = vector.shape_cast %swap3A_2515 : vector<16xi32> to vector<16xi32>
      %swap3A_2517 = vector.shape_cast %select_n3A_2513 : vector<16xi32> to vector<16xi32>
      tpu.vector_store %arg9[%swap3A_2514], %swap3A_2517 {strides = array<i32>} : memref<800xi32, #tpu.memory_space<vmem>>, vector<16xi32>,
      %get3A_2518 = arith.constant 352 : index
      %get3A_2519 = tpu.vector_load %arg9[%get3A_2518] {strides = array<i32>} : memref<800xi32, #tpu.memory_space<vmem>>, vector<16xi32>,
      %get3A_2520 = vector.shape_cast %get3A_2519 : vector<16xi32> to vector<16xi32>
      %get3A_2521 = arith.constant 352 : index
      %get3A_2522 = tpu.vector_load %arg7[%get3A_2521] {strides = array<i32>} : memref<800xi32, #tpu.memory_space<vmem>>, vector<16xi32>,
      %get3A_2523 = vector.shape_cast %get3A_2522 : vector<16xi32> to vector<16xi32>
      %eq3A_2524 = arith.constant 0 : i32
      %eq3A_2525 = vector.broadcast %eq3A_2524 : i32 to vector<16xi32>
      %eq3A_2526 = arith.cmpi eq, %get3A_2523, %eq3A_2525 : vector<16xi32>
      %add3A_2527 = arith.constant 512 : i32
      %add3A_2528 = vector.broadcast %add3A_2527 : i32 to vector<16xi32>
      %add3A_2529 = arith.addi %get3A_2520, %add3A_2528 : vector<16xi32>
      %select_n3A_2530 = arith.select %eq3A_2526, %add3A_2529, %get3A_2520 : vector<16xi1>, vector<16xi32>
      %swap3A_2531 = arith.constant 352 : index
      %swap3A_2532 = tpu.vector_load %arg9[%swap3A_2531] {strides = array<i32>} : memref<800xi32, #tpu.memory_space<vmem>>, vector<16xi32>,
      %swap3A_2533 = vector.shape_cast %swap3A_2532 : vector<16xi32> to vector<16xi32>
      %swap3A_2534 = vector.shape_cast %select_n3A_2530 : vector<16xi32> to vector<16xi32>
      tpu.vector_store %arg9[%swap3A_2531], %swap3A_2534 {strides = array<i32>} : memref<800xi32, #tpu.memory_space<vmem>>, vector<16xi32>,
      %get3A_2535 = arith.constant 368 : index
      %get3A_2536 = tpu.vector_load %arg9[%get3A_2535] {strides = array<i32>} : memref<800xi32, #tpu.memory_space<vmem>>, vector<16xi32>,
      %get3A_2537 = vector.shape_cast %get3A_2536 : vector<16xi32> to vector<16xi32>
      %get3A_2538 = arith.constant 368 : index
      %get3A_2539 = tpu.vector_load %arg7[%get3A_2538] {strides = array<i32>} : memref<800xi32, #tpu.memory_space<vmem>>, vector<16xi32>,
      %get3A_2540 = vector.shape_cast %get3A_2539 : vector<16xi32> to vector<16xi32>
      %eq3A_2541 = arith.constant 0 : i32
      %eq3A_2542 = vector.broadcast %eq3A_2541 : i32 to vector<16xi32>
      %eq3A_2543 = arith.cmpi eq, %get3A_2540, %eq3A_2542 : vector<16xi32>
      %add3A_2544 = arith.constant 512 : i32
      %add3A_2545 = vector.broadcast %add3A_2544 : i32 to vector<16xi32>
      %add3A_2546 = arith.addi %get3A_2537, %add3A_2545 : vector<16xi32>
      %select_n3A_2547 = arith.select %eq3A_2543, %add3A_2546, %get3A_2537 : vector<16xi1>, vector<16xi32>
      %swap3A_2548 = arith.constant 368 : index
      %swap3A_2549 = tpu.vector_load %arg9[%swap3A_2548] {strides = array<i32>} : memref<800xi32, #tpu.memory_space<vmem>>, vector<16xi32>,
      %swap3A_2550 = vector.shape_cast %swap3A_2549 : vector<16xi32> to vector<16xi32>
      %swap3A_2551 = vector.shape_cast %select_n3A_2547 : vector<16xi32> to vector<16xi32>
      tpu.vector_store %arg9[%swap3A_2548], %swap3A_2551 {strides = array<i32>} : memref<800xi32, #tpu.memory_space<vmem>>, vector<16xi32>,
      %get3A_2552 = arith.constant 384 : index
      %get3A_2553 = tpu.vector_load %arg9[%get3A_2552] {strides = array<i32>} : memref<800xi32, #tpu.memory_space<vmem>>, vector<16xi32>,
      %get3A_2554 = vector.shape_cast %get3A_2553 : vector<16xi32> to vector<16xi32>
      %get3A_2555 = arith.constant 384 : index
      %get3A_2556 = tpu.vector_load %arg7[%get3A_2555] {strides = array<i32>} : memref<800xi32, #tpu.memory_space<vmem>>, vector<16xi32>,
      %get3A_2557 = vector.shape_cast %get3A_2556 : vector<16xi32> to vector<16xi32>
      %eq3A_2558 = arith.constant 0 : i32
      %eq3A_2559 = vector.broadcast %eq3A_2558 : i32 to vector<16xi32>
      %eq3A_2560 = arith.cmpi eq, %get3A_2557, %eq3A_2559 : vector<16xi32>
      %add3A_2561 = arith.constant 512 : i32
      %add3A_2562 = vector.broadcast %add3A_2561 : i32 to vector<16xi32>
      %add3A_2563 = arith.addi %get3A_2554, %add3A_2562 : vector<16xi32>
      %select_n3A_2564 = arith.select %eq3A_2560, %add3A_2563, %get3A_2554 : vector<16xi1>, vector<16xi32>
      %swap3A_2565 = arith.constant 384 : index
      %swap3A_2566 = tpu.vector_load %arg9[%swap3A_2565] {strides = array<i32>} : memref<800xi32, #tpu.memory_space<vmem>>, vector<16xi32>,
      %swap3A_2567 = vector.shape_cast %swap3A_2566 : vector<16xi32> to vector<16xi32>
      %swap3A_2568 = vector.shape_cast %select_n3A_2564 : vector<16xi32> to vector<16xi32>
      tpu.vector_store %arg9[%swap3A_2565], %swap3A_2568 {strides = array<i32>} : memref<800xi32, #tpu.memory_space<vmem>>, vector<16xi32>,
      %get3A_2569 = arith.constant 400 : index
      %get3A_2570 = tpu.vector_load %arg9[%get3A_2569] {strides = array<i32>} : memref<800xi32, #tpu.memory_space<vmem>>, vector<16xi32>,
      %get3A_2571 = vector.shape_cast %get3A_2570 : vector<16xi32> to vector<16xi32>
      %get3A_2572 = arith.constant 400 : index
      %get3A_2573 = tpu.vector_load %arg7[%get3A_2572] {strides = array<i32>} : memref<800xi32, #tpu.memory_space<vmem>>, vector<16xi32>,
      %get3A_2574 = vector.shape_cast %get3A_2573 : vector<16xi32> to vector<16xi32>
      %eq3A_2575 = arith.constant 0 : i32
      %eq3A_2576 = vector.broadcast %eq3A_2575 : i32 to vector<16xi32>
      %eq3A_2577 = arith.cmpi eq, %get3A_2574, %eq3A_2576 : vector<16xi32>
      %add3A_2578 = arith.constant 512 : i32
      %add3A_2579 = vector.broadcast %add3A_2578 : i32 to vector<16xi32>
      %add3A_2580 = arith.addi %get3A_2571, %add3A_2579 : vector<16xi32>
      %select_n3A_2581 = arith.select %eq3A_2577, %add3A_2580, %get3A_2571 : vector<16xi1>, vector<16xi32>
      %swap3A_2582 = arith.constant 400 : index
      %swap3A_2583 = tpu.vector_load %arg9[%swap3A_2582] {strides = array<i32>} : memref<800xi32, #tpu.memory_space<vmem>>, vector<16xi32>,
      %swap3A_2584 = vector.shape_cast %swap3A_2583 : vector<16xi32> to vector<16xi32>
      %swap3A_2585 = vector.shape_cast %select_n3A_2581 : vector<16xi32> to vector<16xi32>
      tpu.vector_store %arg9[%swap3A_2582], %swap3A_2585 {strides = array<i32>} : memref<800xi32, #tpu.memory_space<vmem>>, vector<16xi32>,
      %get3A_2586 = arith.constant 416 : index
      %get3A_2587 = tpu.vector_load %arg9[%get3A_2586] {strides = array<i32>} : memref<800xi32, #tpu.memory_space<vmem>>, vector<16xi32>,
      %get3A_2588 = vector.shape_cast %get3A_2587 : vector<16xi32> to vector<16xi32>
      %get3A_2589 = arith.constant 416 : index
      %get3A_2590 = tpu.vector_load %arg7[%get3A_2589] {strides = array<i32>} : memref<800xi32, #tpu.memory_space<vmem>>, vector<16xi32>,
      %get3A_2591 = vector.shape_cast %get3A_2590 : vector<16xi32> to vector<16xi32>
      %eq3A_2592 = arith.constant 0 : i32
      %eq3A_2593 = vector.broadcast %eq3A_2592 : i32 to vector<16xi32>
      %eq3A_2594 = arith.cmpi eq, %get3A_2591, %eq3A_2593 : vector<16xi32>
      %add3A_2595 = arith.constant 512 : i32
      %add3A_2596 = vector.broadcast %add3A_2595 : i32 to vector<16xi32>
      %add3A_2597 = arith.addi %get3A_2588, %add3A_2596 : vector<16xi32>
      %select_n3A_2598 = arith.select %eq3A_2594, %add3A_2597, %get3A_2588 : vector<16xi1>, vector<16xi32>
      %swap3A_2599 = arith.constant 416 : index
      %swap3A_2600 = tpu.vector_load %arg9[%swap3A_2599] {strides = array<i32>} : memref<800xi32, #tpu.memory_space<vmem>>, vector<16xi32>,
      %swap3A_2601 = vector.shape_cast %swap3A_2600 : vector<16xi32> to vector<16xi32>
      %swap3A_2602 = vector.shape_cast %select_n3A_2598 : vector<16xi32> to vector<16xi32>
      tpu.vector_store %arg9[%swap3A_2599], %swap3A_2602 {strides = array<i32>} : memref<800xi32, #tpu.memory_space<vmem>>, vector<16xi32>,
      %get3A_2603 = arith.constant 432 : index
      %get3A_2604 = tpu.vector_load %arg9[%get3A_2603] {strides = array<i32>} : memref<800xi32, #tpu.memory_space<vmem>>, vector<16xi32>,
      %get3A_2605 = vector.shape_cast %get3A_2604 : vector<16xi32> to vector<16xi32>
      %get3A_2606 = arith.constant 432 : index
      %get3A_2607 = tpu.vector_load %arg7[%get3A_2606] {strides = array<i32>} : memref<800xi32, #tpu.memory_space<vmem>>, vector<16xi32>,
      %get3A_2608 = vector.shape_cast %get3A_2607 : vector<16xi32> to vector<16xi32>
      %eq3A_2609 = arith.constant 0 : i32
      %eq3A_2610 = vector.broadcast %eq3A_2609 : i32 to vector<16xi32>
      %eq3A_2611 = arith.cmpi eq, %get3A_2608, %eq3A_2610 : vector<16xi32>
      %add3A_2612 = arith.constant 512 : i32
      %add3A_2613 = vector.broadcast %add3A_2612 : i32 to vector<16xi32>
      %add3A_2614 = arith.addi %get3A_2605, %add3A_2613 : vector<16xi32>
      %select_n3A_2615 = arith.select %eq3A_2611, %add3A_2614, %get3A_2605 : vector<16xi1>, vector<16xi32>
      %swap3A_2616 = arith.constant 432 : index
      %swap3A_2617 = tpu.vector_load %arg9[%swap3A_2616] {strides = array<i32>} : memref<800xi32, #tpu.memory_space<vmem>>, vector<16xi32>,
      %swap3A_2618 = vector.shape_cast %swap3A_2617 : vector<16xi32> to vector<16xi32>
      %swap3A_2619 = vector.shape_cast %select_n3A_2615 : vector<16xi32> to vector<16xi32>
      tpu.vector_store %arg9[%swap3A_2616], %swap3A_2619 {strides = array<i32>} : memref<800xi32, #tpu.memory_space<vmem>>, vector<16xi32>,
      %get3A_2620 = arith.constant 448 : index
      %get3A_2621 = tpu.vector_load %arg9[%get3A_2620] {strides = array<i32>} : memref<800xi32, #tpu.memory_space<vmem>>, vector<16xi32>,
      %get3A_2622 = vector.shape_cast %get3A_2621 : vector<16xi32> to vector<16xi32>
      %get3A_2623 = arith.constant 448 : index
      %get3A_2624 = tpu.vector_load %arg7[%get3A_2623] {strides = array<i32>} : memref<800xi32, #tpu.memory_space<vmem>>, vector<16xi32>,
      %get3A_2625 = vector.shape_cast %get3A_2624 : vector<16xi32> to vector<16xi32>
      %eq3A_2626 = arith.constant 0 : i32
      %eq3A_2627 = vector.broadcast %eq3A_2626 : i32 to vector<16xi32>
      %eq3A_2628 = arith.cmpi eq, %get3A_2625, %eq3A_2627 : vector<16xi32>
      %add3A_2629 = arith.constant 512 : i32
      %add3A_2630 = vector.broadcast %add3A_2629 : i32 to vector<16xi32>
      %add3A_2631 = arith.addi %get3A_2622, %add3A_2630 : vector<16xi32>
      %select_n3A_2632 = arith.select %eq3A_2628, %add3A_2631, %get3A_2622 : vector<16xi1>, vector<16xi32>
      %swap3A_2633 = arith.constant 448 : index
      %swap3A_2634 = tpu.vector_load %arg9[%swap3A_2633] {strides = array<i32>} : memref<800xi32, #tpu.memory_space<vmem>>, vector<16xi32>,
      %swap3A_2635 = vector.shape_cast %swap3A_2634 : vector<16xi32> to vector<16xi32>
      %swap3A_2636 = vector.shape_cast %select_n3A_2632 : vector<16xi32> to vector<16xi32>
      tpu.vector_store %arg9[%swap3A_2633], %swap3A_2636 {strides = array<i32>} : memref<800xi32, #tpu.memory_space<vmem>>, vector<16xi32>,
      %get3A_2637 = arith.constant 464 : index
      %get3A_2638 = tpu.vector_load %arg9[%get3A_2637] {strides = array<i32>} : memref<800xi32, #tpu.memory_space<vmem>>, vector<16xi32>,
      %get3A_2639 = vector.shape_cast %get3A_2638 : vector<16xi32> to vector<16xi32>
      %get3A_2640 = arith.constant 464 : index
      %get3A_2641 = tpu.vector_load %arg7[%get3A_2640] {strides = array<i32>} : memref<800xi32, #tpu.memory_space<vmem>>, vector<16xi32>,
      %get3A_2642 = vector.shape_cast %get3A_2641 : vector<16xi32> to vector<16xi32>
      %eq3A_2643 = arith.constant 0 : i32
      %eq3A_2644 = vector.broadcast %eq3A_2643 : i32 to vector<16xi32>
      %eq3A_2645 = arith.cmpi eq, %get3A_2642, %eq3A_2644 : vector<16xi32>
      %add3A_2646 = arith.constant 512 : i32
      %add3A_2647 = vector.broadcast %add3A_2646 : i32 to vector<16xi32>
      %add3A_2648 = arith.addi %get3A_2639, %add3A_2647 : vector<16xi32>
      %select_n3A_2649 = arith.select %eq3A_2645, %add3A_2648, %get3A_2639 : vector<16xi1>, vector<16xi32>
      %swap3A_2650 = arith.constant 464 : index
      %swap3A_2651 = tpu.vector_load %arg9[%swap3A_2650] {strides = array<i32>} : memref<800xi32, #tpu.memory_space<vmem>>, vector<16xi32>,
      %swap3A_2652 = vector.shape_cast %swap3A_2651 : vector<16xi32> to vector<16xi32>
      %swap3A_2653 = vector.shape_cast %select_n3A_2649 : vector<16xi32> to vector<16xi32>
      tpu.vector_store %arg9[%swap3A_2650], %swap3A_2653 {strides = array<i32>} : memref<800xi32, #tpu.memory_space<vmem>>, vector<16xi32>,
      %get3A_2654 = arith.constant 480 : index
      %get3A_2655 = tpu.vector_load %arg9[%get3A_2654] {strides = array<i32>} : memref<800xi32, #tpu.memory_space<vmem>>, vector<16xi32>,
      %get3A_2656 = vector.shape_cast %get3A_2655 : vector<16xi32> to vector<16xi32>
      %get3A_2657 = arith.constant 480 : index
      %get3A_2658 = tpu.vector_load %arg7[%get3A_2657] {strides = array<i32>} : memref<800xi32, #tpu.memory_space<vmem>>, vector<16xi32>,
      %get3A_2659 = vector.shape_cast %get3A_2658 : vector<16xi32> to vector<16xi32>
      %eq3A_2660 = arith.constant 0 : i32
      %eq3A_2661 = vector.broadcast %eq3A_2660 : i32 to vector<16xi32>
      %eq3A_2662 = arith.cmpi eq, %get3A_2659, %eq3A_2661 : vector<16xi32>
      %add3A_2663 = arith.constant 512 : i32
      %add3A_2664 = vector.broadcast %add3A_2663 : i32 to vector<16xi32>
      %add3A_2665 = arith.addi %get3A_2656, %add3A_2664 : vector<16xi32>
      %select_n3A_2666 = arith.select %eq3A_2662, %add3A_2665, %get3A_2656 : vector<16xi1>, vector<16xi32>
      %swap3A_2667 = arith.constant 480 : index
      %swap3A_2668 = tpu.vector_load %arg9[%swap3A_2667] {strides = array<i32>} : memref<800xi32, #tpu.memory_space<vmem>>, vector<16xi32>,
      %swap3A_2669 = vector.shape_cast %swap3A_2668 : vector<16xi32> to vector<16xi32>
      %swap3A_2670 = vector.shape_cast %select_n3A_2666 : vector<16xi32> to vector<16xi32>
      tpu.vector_store %arg9[%swap3A_2667], %swap3A_2670 {strides = array<i32>} : memref<800xi32, #tpu.memory_space<vmem>>, vector<16xi32>,
      %get3A_2671 = arith.constant 496 : index
      %get3A_2672 = tpu.vector_load %arg9[%get3A_2671] {strides = array<i32>} : memref<800xi32, #tpu.memory_space<vmem>>, vector<16xi32>,
      %get3A_2673 = vector.shape_cast %get3A_2672 : vector<16xi32> to vector<16xi32>
      %get3A_2674 = arith.constant 496 : index
      %get3A_2675 = tpu.vector_load %arg7[%get3A_2674] {strides = array<i32>} : memref<800xi32, #tpu.memory_space<vmem>>, vector<16xi32>,
      %get3A_2676 = vector.shape_cast %get3A_2675 : vector<16xi32> to vector<16xi32>
      %eq3A_2677 = arith.constant 0 : i32
      %eq3A_2678 = vector.broadcast %eq3A_2677 : i32 to vector<16xi32>
      %eq3A_2679 = arith.cmpi eq, %get3A_2676, %eq3A_2678 : vector<16xi32>
      %add3A_2680 = arith.constant 512 : i32
      %add3A_2681 = vector.broadcast %add3A_2680 : i32 to vector<16xi32>
      %add3A_2682 = arith.addi %get3A_2673, %add3A_2681 : vector<16xi32>
      %select_n3A_2683 = arith.select %eq3A_2679, %add3A_2682, %get3A_2673 : vector<16xi1>, vector<16xi32>
      %swap3A_2684 = arith.constant 496 : index
      %swap3A_2685 = tpu.vector_load %arg9[%swap3A_2684] {strides = array<i32>} : memref<800xi32, #tpu.memory_space<vmem>>, vector<16xi32>,
      %swap3A_2686 = vector.shape_cast %swap3A_2685 : vector<16xi32> to vector<16xi32>
      %swap3A_2687 = vector.shape_cast %select_n3A_2683 : vector<16xi32> to vector<16xi32>
      tpu.vector_store %arg9[%swap3A_2684], %swap3A_2687 {strides = array<i32>} : memref<800xi32, #tpu.memory_space<vmem>>, vector<16xi32>,
      %get3A_2688 = arith.constant 512 : index
      %get3A_2689 = tpu.vector_load %arg9[%get3A_2688] {strides = array<i32>} : memref<800xi32, #tpu.memory_space<vmem>>, vector<16xi32>,
      %get3A_2690 = vector.shape_cast %get3A_2689 : vector<16xi32> to vector<16xi32>
      %get3A_2691 = arith.constant 512 : index
      %get3A_2692 = tpu.vector_load %arg7[%get3A_2691] {strides = array<i32>} : memref<800xi32, #tpu.memory_space<vmem>>, vector<16xi32>,
      %get3A_2693 = vector.shape_cast %get3A_2692 : vector<16xi32> to vector<16xi32>
      %eq3A_2694 = arith.constant 0 : i32
      %eq3A_2695 = vector.broadcast %eq3A_2694 : i32 to vector<16xi32>
      %eq3A_2696 = arith.cmpi eq, %get3A_2693, %eq3A_2695 : vector<16xi32>
      %add3A_2697 = arith.constant 512 : i32
      %add3A_2698 = vector.broadcast %add3A_2697 : i32 to vector<16xi32>
      %add3A_2699 = arith.addi %get3A_2690, %add3A_2698 : vector<16xi32>
      %select_n3A_2700 = arith.select %eq3A_2696, %add3A_2699, %get3A_2690 : vector<16xi1>, vector<16xi32>
      %swap3A_2701 = arith.constant 512 : index
      %swap3A_2702 = tpu.vector_load %arg9[%swap3A_2701] {strides = array<i32>} : memref<800xi32, #tpu.memory_space<vmem>>, vector<16xi32>,
      %swap3A_2703 = vector.shape_cast %swap3A_2702 : vector<16xi32> to vector<16xi32>
      %swap3A_2704 = vector.shape_cast %select_n3A_2700 : vector<16xi32> to vector<16xi32>
      tpu.vector_store %arg9[%swap3A_2701], %swap3A_2704 {strides = array<i32>} : memref<800xi32, #tpu.memory_space<vmem>>, vector<16xi32>,
      %get3A_2705 = arith.constant 528 : index
      %get3A_2706 = tpu.vector_load %arg9[%get3A_2705] {strides = array<i32>} : memref<800xi32, #tpu.memory_space<vmem>>, vector<16xi32>,
      %get3A_2707 = vector.shape_cast %get3A_2706 : vector<16xi32> to vector<16xi32>
      %get3A_2708 = arith.constant 528 : index
      %get3A_2709 = tpu.vector_load %arg7[%get3A_2708] {strides = array<i32>} : memref<800xi32, #tpu.memory_space<vmem>>, vector<16xi32>,
      %get3A_2710 = vector.shape_cast %get3A_2709 : vector<16xi32> to vector<16xi32>
      %eq3A_2711 = arith.constant 0 : i32
      %eq3A_2712 = vector.broadcast %eq3A_2711 : i32 to vector<16xi32>
      %eq3A_2713 = arith.cmpi eq, %get3A_2710, %eq3A_2712 : vector<16xi32>
      %add3A_2714 = arith.constant 512 : i32
      %add3A_2715 = vector.broadcast %add3A_2714 : i32 to vector<16xi32>
      %add3A_2716 = arith.addi %get3A_2707, %add3A_2715 : vector<16xi32>
      %select_n3A_2717 = arith.select %eq3A_2713, %add3A_2716, %get3A_2707 : vector<16xi1>, vector<16xi32>
      %swap3A_2718 = arith.constant 528 : index
      %swap3A_2719 = tpu.vector_load %arg9[%swap3A_2718] {strides = array<i32>} : memref<800xi32, #tpu.memory_space<vmem>>, vector<16xi32>,
      %swap3A_2720 = vector.shape_cast %swap3A_2719 : vector<16xi32> to vector<16xi32>
      %swap3A_2721 = vector.shape_cast %select_n3A_2717 : vector<16xi32> to vector<16xi32>
      tpu.vector_store %arg9[%swap3A_2718], %swap3A_2721 {strides = array<i32>} : memref<800xi32, #tpu.memory_space<vmem>>, vector<16xi32>,
      %get3A_2722 = arith.constant 544 : index
      %get3A_2723 = tpu.vector_load %arg9[%get3A_2722] {strides = array<i32>} : memref<800xi32, #tpu.memory_space<vmem>>, vector<16xi32>,
      %get3A_2724 = vector.shape_cast %get3A_2723 : vector<16xi32> to vector<16xi32>
      %get3A_2725 = arith.constant 544 : index
      %get3A_2726 = tpu.vector_load %arg7[%get3A_2725] {strides = array<i32>} : memref<800xi32, #tpu.memory_space<vmem>>, vector<16xi32>,
      %get3A_2727 = vector.shape_cast %get3A_2726 : vector<16xi32> to vector<16xi32>
      %eq3A_2728 = arith.constant 0 : i32
      %eq3A_2729 = vector.broadcast %eq3A_2728 : i32 to vector<16xi32>
      %eq3A_2730 = arith.cmpi eq, %get3A_2727, %eq3A_2729 : vector<16xi32>
      %add3A_2731 = arith.constant 512 : i32
      %add3A_2732 = vector.broadcast %add3A_2731 : i32 to vector<16xi32>
      %add3A_2733 = arith.addi %get3A_2724, %add3A_2732 : vector<16xi32>
      %select_n3A_2734 = arith.select %eq3A_2730, %add3A_2733, %get3A_2724 : vector<16xi1>, vector<16xi32>
      %swap3A_2735 = arith.constant 544 : index
      %swap3A_2736 = tpu.vector_load %arg9[%swap3A_2735] {strides = array<i32>} : memref<800xi32, #tpu.memory_space<vmem>>, vector<16xi32>,
      %swap3A_2737 = vector.shape_cast %swap3A_2736 : vector<16xi32> to vector<16xi32>
      %swap3A_2738 = vector.shape_cast %select_n3A_2734 : vector<16xi32> to vector<16xi32>
      tpu.vector_store %arg9[%swap3A_2735], %swap3A_2738 {strides = array<i32>} : memref<800xi32, #tpu.memory_space<vmem>>, vector<16xi32>,
      %get3A_2739 = arith.constant 560 : index
      %get3A_2740 = tpu.vector_load %arg9[%get3A_2739] {strides = array<i32>} : memref<800xi32, #tpu.memory_space<vmem>>, vector<16xi32>,
      %get3A_2741 = vector.shape_cast %get3A_2740 : vector<16xi32> to vector<16xi32>
      %get3A_2742 = arith.constant 560 : index
      %get3A_2743 = tpu.vector_load %arg7[%get3A_2742] {strides = array<i32>} : memref<800xi32, #tpu.memory_space<vmem>>, vector<16xi32>,
      %get3A_2744 = vector.shape_cast %get3A_2743 : vector<16xi32> to vector<16xi32>
      %eq3A_2745 = arith.constant 0 : i32
      %eq3A_2746 = vector.broadcast %eq3A_2745 : i32 to vector<16xi32>
      %eq3A_2747 = arith.cmpi eq, %get3A_2744, %eq3A_2746 : vector<16xi32>
      %add3A_2748 = arith.constant 512 : i32
      %add3A_2749 = vector.broadcast %add3A_2748 : i32 to vector<16xi32>
      %add3A_2750 = arith.addi %get3A_2741, %add3A_2749 : vector<16xi32>
      %select_n3A_2751 = arith.select %eq3A_2747, %add3A_2750, %get3A_2741 : vector<16xi1>, vector<16xi32>
      %swap3A_2752 = arith.constant 560 : index
      %swap3A_2753 = tpu.vector_load %arg9[%swap3A_2752] {strides = array<i32>} : memref<800xi32, #tpu.memory_space<vmem>>, vector<16xi32>,
      %swap3A_2754 = vector.shape_cast %swap3A_2753 : vector<16xi32> to vector<16xi32>
      %swap3A_2755 = vector.shape_cast %select_n3A_2751 : vector<16xi32> to vector<16xi32>
      tpu.vector_store %arg9[%swap3A_2752], %swap3A_2755 {strides = array<i32>} : memref<800xi32, #tpu.memory_space<vmem>>, vector<16xi32>,
      %get3A_2756 = arith.constant 576 : index
      %get3A_2757 = tpu.vector_load %arg9[%get3A_2756] {strides = array<i32>} : memref<800xi32, #tpu.memory_space<vmem>>, vector<16xi32>,
      %get3A_2758 = vector.shape_cast %get3A_2757 : vector<16xi32> to vector<16xi32>
      %get3A_2759 = arith.constant 576 : index
      %get3A_2760 = tpu.vector_load %arg7[%get3A_2759] {strides = array<i32>} : memref<800xi32, #tpu.memory_space<vmem>>, vector<16xi32>,
      %get3A_2761 = vector.shape_cast %get3A_2760 : vector<16xi32> to vector<16xi32>
      %eq3A_2762 = arith.constant 0 : i32
      %eq3A_2763 = vector.broadcast %eq3A_2762 : i32 to vector<16xi32>
      %eq3A_2764 = arith.cmpi eq, %get3A_2761, %eq3A_2763 : vector<16xi32>
      %add3A_2765 = arith.constant 512 : i32
      %add3A_2766 = vector.broadcast %add3A_2765 : i32 to vector<16xi32>
      %add3A_2767 = arith.addi %get3A_2758, %add3A_2766 : vector<16xi32>
      %select_n3A_2768 = arith.select %eq3A_2764, %add3A_2767, %get3A_2758 : vector<16xi1>, vector<16xi32>
      %swap3A_2769 = arith.constant 576 : index
      %swap3A_2770 = tpu.vector_load %arg9[%swap3A_2769] {strides = array<i32>} : memref<800xi32, #tpu.memory_space<vmem>>, vector<16xi32>,
      %swap3A_2771 = vector.shape_cast %swap3A_2770 : vector<16xi32> to vector<16xi32>
      %swap3A_2772 = vector.shape_cast %select_n3A_2768 : vector<16xi32> to vector<16xi32>
      tpu.vector_store %arg9[%swap3A_2769], %swap3A_2772 {strides = array<i32>} : memref<800xi32, #tpu.memory_space<vmem>>, vector<16xi32>,
      %get3A_2773 = arith.constant 592 : index
      %get3A_2774 = tpu.vector_load %arg9[%get3A_2773] {strides = array<i32>} : memref<800xi32, #tpu.memory_space<vmem>>, vector<16xi32>,
      %get3A_2775 = vector.shape_cast %get3A_2774 : vector<16xi32> to vector<16xi32>
      %get3A_2776 = arith.constant 592 : index
      %get3A_2777 = tpu.vector_load %arg7[%get3A_2776] {strides = array<i32>} : memref<800xi32, #tpu.memory_space<vmem>>, vector<16xi32>,
      %get3A_2778 = vector.shape_cast %get3A_2777 : vector<16xi32> to vector<16xi32>
      %eq3A_2779 = arith.constant 0 : i32
      %eq3A_2780 = vector.broadcast %eq3A_2779 : i32 to vector<16xi32>
      %eq3A_2781 = arith.cmpi eq, %get3A_2778, %eq3A_2780 : vector<16xi32>
      %add3A_2782 = arith.constant 512 : i32
      %add3A_2783 = vector.broadcast %add3A_2782 : i32 to vector<16xi32>
      %add3A_2784 = arith.addi %get3A_2775, %add3A_2783 : vector<16xi32>
      %select_n3A_2785 = arith.select %eq3A_2781, %add3A_2784, %get3A_2775 : vector<16xi1>, vector<16xi32>
      %swap3A_2786 = arith.constant 592 : index
      %swap3A_2787 = tpu.vector_load %arg9[%swap3A_2786] {strides = array<i32>} : memref<800xi32, #tpu.memory_space<vmem>>, vector<16xi32>,
      %swap3A_2788 = vector.shape_cast %swap3A_2787 : vector<16xi32> to vector<16xi32>
      %swap3A_2789 = vector.shape_cast %select_n3A_2785 : vector<16xi32> to vector<16xi32>
      tpu.vector_store %arg9[%swap3A_2786], %swap3A_2789 {strides = array<i32>} : memref<800xi32, #tpu.memory_space<vmem>>, vector<16xi32>,
      %get3A_2790 = arith.constant 608 : index
      %get3A_2791 = tpu.vector_load %arg9[%get3A_2790] {strides = array<i32>} : memref<800xi32, #tpu.memory_space<vmem>>, vector<16xi32>,
      %get3A_2792 = vector.shape_cast %get3A_2791 : vector<16xi32> to vector<16xi32>
      %get3A_2793 = arith.constant 608 : index
      %get3A_2794 = tpu.vector_load %arg7[%get3A_2793] {strides = array<i32>} : memref<800xi32, #tpu.memory_space<vmem>>, vector<16xi32>,
      %get3A_2795 = vector.shape_cast %get3A_2794 : vector<16xi32> to vector<16xi32>
      %eq3A_2796 = arith.constant 0 : i32
      %eq3A_2797 = vector.broadcast %eq3A_2796 : i32 to vector<16xi32>
      %eq3A_2798 = arith.cmpi eq, %get3A_2795, %eq3A_2797 : vector<16xi32>
      %add3A_2799 = arith.constant 512 : i32
      %add3A_2800 = vector.broadcast %add3A_2799 : i32 to vector<16xi32>
      %add3A_2801 = arith.addi %get3A_2792, %add3A_2800 : vector<16xi32>
      %select_n3A_2802 = arith.select %eq3A_2798, %add3A_2801, %get3A_2792 : vector<16xi1>, vector<16xi32>
      %swap3A_2803 = arith.constant 608 : index
      %swap3A_2804 = tpu.vector_load %arg9[%swap3A_2803] {strides = array<i32>} : memref<800xi32, #tpu.memory_space<vmem>>, vector<16xi32>,
      %swap3A_2805 = vector.shape_cast %swap3A_2804 : vector<16xi32> to vector<16xi32>
      %swap3A_2806 = vector.shape_cast %select_n3A_2802 : vector<16xi32> to vector<16xi32>
      tpu.vector_store %arg9[%swap3A_2803], %swap3A_2806 {strides = array<i32>} : memref<800xi32, #tpu.memory_space<vmem>>, vector<16xi32>,
      %get3A_2807 = arith.constant 624 : index
      %get3A_2808 = tpu.vector_load %arg9[%get3A_2807] {strides = array<i32>} : memref<800xi32, #tpu.memory_space<vmem>>, vector<16xi32>,
      %get3A_2809 = vector.shape_cast %get3A_2808 : vector<16xi32> to vector<16xi32>
      %get3A_2810 = arith.constant 624 : index
      %get3A_2811 = tpu.vector_load %arg7[%get3A_2810] {strides = array<i32>} : memref<800xi32, #tpu.memory_space<vmem>>, vector<16xi32>,
      %get3A_2812 = vector.shape_cast %get3A_2811 : vector<16xi32> to vector<16xi32>
      %eq3A_2813 = arith.constant 0 : i32
      %eq3A_2814 = vector.broadcast %eq3A_2813 : i32 to vector<16xi32>
      %eq3A_2815 = arith.cmpi eq, %get3A_2812, %eq3A_2814 : vector<16xi32>
      %add3A_2816 = arith.constant 512 : i32
      %add3A_2817 = vector.broadcast %add3A_2816 : i32 to vector<16xi32>
      %add3A_2818 = arith.addi %get3A_2809, %add3A_2817 : vector<16xi32>
      %select_n3A_2819 = arith.select %eq3A_2815, %add3A_2818, %get3A_2809 : vector<16xi1>, vector<16xi32>
      %swap3A_2820 = arith.constant 624 : index
      %swap3A_2821 = tpu.vector_load %arg9[%swap3A_2820] {strides = array<i32>} : memref<800xi32, #tpu.memory_space<vmem>>, vector<16xi32>,
      %swap3A_2822 = vector.shape_cast %swap3A_2821 : vector<16xi32> to vector<16xi32>
      %swap3A_2823 = vector.shape_cast %select_n3A_2819 : vector<16xi32> to vector<16xi32>
      tpu.vector_store %arg9[%swap3A_2820], %swap3A_2823 {strides = array<i32>} : memref<800xi32, #tpu.memory_space<vmem>>, vector<16xi32>,
      %get3A_2824 = arith.constant 640 : index
      %get3A_2825 = tpu.vector_load %arg9[%get3A_2824] {strides = array<i32>} : memref<800xi32, #tpu.memory_space<vmem>>, vector<16xi32>,
      %get3A_2826 = vector.shape_cast %get3A_2825 : vector<16xi32> to vector<16xi32>
      %get3A_2827 = arith.constant 640 : index
      %get3A_2828 = tpu.vector_load %arg7[%get3A_2827] {strides = array<i32>} : memref<800xi32, #tpu.memory_space<vmem>>, vector<16xi32>,
      %get3A_2829 = vector.shape_cast %get3A_2828 : vector<16xi32> to vector<16xi32>
      %eq3A_2830 = arith.constant 0 : i32
      %eq3A_2831 = vector.broadcast %eq3A_2830 : i32 to vector<16xi32>
      %eq3A_2832 = arith.cmpi eq, %get3A_2829, %eq3A_2831 : vector<16xi32>
      %add3A_2833 = arith.constant 512 : i32
      %add3A_2834 = vector.broadcast %add3A_2833 : i32 to vector<16xi32>
      %add3A_2835 = arith.addi %get3A_2826, %add3A_2834 : vector<16xi32>
      %select_n3A_2836 = arith.select %eq3A_2832, %add3A_2835, %get3A_2826 : vector<16xi1>, vector<16xi32>
      %swap3A_2837 = arith.constant 640 : index
      %swap3A_2838 = tpu.vector_load %arg9[%swap3A_2837] {strides = array<i32>} : memref<800xi32, #tpu.memory_space<vmem>>, vector<16xi32>,
      %swap3A_2839 = vector.shape_cast %swap3A_2838 : vector<16xi32> to vector<16xi32>
      %swap3A_2840 = vector.shape_cast %select_n3A_2836 : vector<16xi32> to vector<16xi32>
      tpu.vector_store %arg9[%swap3A_2837], %swap3A_2840 {strides = array<i32>} : memref<800xi32, #tpu.memory_space<vmem>>, vector<16xi32>,
      %get3A_2841 = arith.constant 656 : index
      %get3A_2842 = tpu.vector_load %arg9[%get3A_2841] {strides = array<i32>} : memref<800xi32, #tpu.memory_space<vmem>>, vector<16xi32>,
      %get3A_2843 = vector.shape_cast %get3A_2842 : vector<16xi32> to vector<16xi32>
      %get3A_2844 = arith.constant 656 : index
      %get3A_2845 = tpu.vector_load %arg7[%get3A_2844] {strides = array<i32>} : memref<800xi32, #tpu.memory_space<vmem>>, vector<16xi32>,
      %get3A_2846 = vector.shape_cast %get3A_2845 : vector<16xi32> to vector<16xi32>
      %eq3A_2847 = arith.constant 0 : i32
      %eq3A_2848 = vector.broadcast %eq3A_2847 : i32 to vector<16xi32>
      %eq3A_2849 = arith.cmpi eq, %get3A_2846, %eq3A_2848 : vector<16xi32>
      %add3A_2850 = arith.constant 512 : i32
      %add3A_2851 = vector.broadcast %add3A_2850 : i32 to vector<16xi32>
      %add3A_2852 = arith.addi %get3A_2843, %add3A_2851 : vector<16xi32>
      %select_n3A_2853 = arith.select %eq3A_2849, %add3A_2852, %get3A_2843 : vector<16xi1>, vector<16xi32>
      %swap3A_2854 = arith.constant 656 : index
      %swap3A_2855 = tpu.vector_load %arg9[%swap3A_2854] {strides = array<i32>} : memref<800xi32, #tpu.memory_space<vmem>>, vector<16xi32>,
      %swap3A_2856 = vector.shape_cast %swap3A_2855 : vector<16xi32> to vector<16xi32>
      %swap3A_2857 = vector.shape_cast %select_n3A_2853 : vector<16xi32> to vector<16xi32>
      tpu.vector_store %arg9[%swap3A_2854], %swap3A_2857 {strides = array<i32>} : memref<800xi32, #tpu.memory_space<vmem>>, vector<16xi32>,
      %get3A_2858 = arith.constant 672 : index
      %get3A_2859 = tpu.vector_load %arg9[%get3A_2858] {strides = array<i32>} : memref<800xi32, #tpu.memory_space<vmem>>, vector<16xi32>,
      %get3A_2860 = vector.shape_cast %get3A_2859 : vector<16xi32> to vector<16xi32>
      %get3A_2861 = arith.constant 672 : index
      %get3A_2862 = tpu.vector_load %arg7[%get3A_2861] {strides = array<i32>} : memref<800xi32, #tpu.memory_space<vmem>>, vector<16xi32>,
      %get3A_2863 = vector.shape_cast %get3A_2862 : vector<16xi32> to vector<16xi32>
      %eq3A_2864 = arith.constant 0 : i32
      %eq3A_2865 = vector.broadcast %eq3A_2864 : i32 to vector<16xi32>
      %eq3A_2866 = arith.cmpi eq, %get3A_2863, %eq3A_2865 : vector<16xi32>
      %add3A_2867 = arith.constant 512 : i32
      %add3A_2868 = vector.broadcast %add3A_2867 : i32 to vector<16xi32>
      %add3A_2869 = arith.addi %get3A_2860, %add3A_2868 : vector<16xi32>
      %select_n3A_2870 = arith.select %eq3A_2866, %add3A_2869, %get3A_2860 : vector<16xi1>, vector<16xi32>
      %swap3A_2871 = arith.constant 672 : index
      %swap3A_2872 = tpu.vector_load %arg9[%swap3A_2871] {strides = array<i32>} : memref<800xi32, #tpu.memory_space<vmem>>, vector<16xi32>,
      %swap3A_2873 = vector.shape_cast %swap3A_2872 : vector<16xi32> to vector<16xi32>
      %swap3A_2874 = vector.shape_cast %select_n3A_2870 : vector<16xi32> to vector<16xi32>
      tpu.vector_store %arg9[%swap3A_2871], %swap3A_2874 {strides = array<i32>} : memref<800xi32, #tpu.memory_space<vmem>>, vector<16xi32>,
      %get3A_2875 = arith.constant 688 : index
      %get3A_2876 = tpu.vector_load %arg9[%get3A_2875] {strides = array<i32>} : memref<800xi32, #tpu.memory_space<vmem>>, vector<16xi32>,
      %get3A_2877 = vector.shape_cast %get3A_2876 : vector<16xi32> to vector<16xi32>
      %get3A_2878 = arith.constant 688 : index
      %get3A_2879 = tpu.vector_load %arg7[%get3A_2878] {strides = array<i32>} : memref<800xi32, #tpu.memory_space<vmem>>, vector<16xi32>,
      %get3A_2880 = vector.shape_cast %get3A_2879 : vector<16xi32> to vector<16xi32>
      %eq3A_2881 = arith.constant 0 : i32
      %eq3A_2882 = vector.broadcast %eq3A_2881 : i32 to vector<16xi32>
      %eq3A_2883 = arith.cmpi eq, %get3A_2880, %eq3A_2882 : vector<16xi32>
      %add3A_2884 = arith.constant 512 : i32
      %add3A_2885 = vector.broadcast %add3A_2884 : i32 to vector<16xi32>
      %add3A_2886 = arith.addi %get3A_2877, %add3A_2885 : vector<16xi32>
      %select_n3A_2887 = arith.select %eq3A_2883, %add3A_2886, %get3A_2877 : vector<16xi1>, vector<16xi32>
      %swap3A_2888 = arith.constant 688 : index
      %swap3A_2889 = tpu.vector_load %arg9[%swap3A_2888] {strides = array<i32>} : memref<800xi32, #tpu.memory_space<vmem>>, vector<16xi32>,
      %swap3A_2890 = vector.shape_cast %swap3A_2889 : vector<16xi32> to vector<16xi32>
      %swap3A_2891 = vector.shape_cast %select_n3A_2887 : vector<16xi32> to vector<16xi32>
      tpu.vector_store %arg9[%swap3A_2888], %swap3A_2891 {strides = array<i32>} : memref<800xi32, #tpu.memory_space<vmem>>, vector<16xi32>,
      %get3A_2892 = arith.constant 704 : index
      %get3A_2893 = tpu.vector_load %arg9[%get3A_2892] {strides = array<i32>} : memref<800xi32, #tpu.memory_space<vmem>>, vector<16xi32>,
      %get3A_2894 = vector.shape_cast %get3A_2893 : vector<16xi32> to vector<16xi32>
      %get3A_2895 = arith.constant 704 : index
      %get3A_2896 = tpu.vector_load %arg7[%get3A_2895] {strides = array<i32>} : memref<800xi32, #tpu.memory_space<vmem>>, vector<16xi32>,
      %get3A_2897 = vector.shape_cast %get3A_2896 : vector<16xi32> to vector<16xi32>
      %eq3A_2898 = arith.constant 0 : i32
      %eq3A_2899 = vector.broadcast %eq3A_2898 : i32 to vector<16xi32>
      %eq3A_2900 = arith.cmpi eq, %get3A_2897, %eq3A_2899 : vector<16xi32>
      %add3A_2901 = arith.constant 512 : i32
      %add3A_2902 = vector.broadcast %add3A_2901 : i32 to vector<16xi32>
      %add3A_2903 = arith.addi %get3A_2894, %add3A_2902 : vector<16xi32>
      %select_n3A_2904 = arith.select %eq3A_2900, %add3A_2903, %get3A_2894 : vector<16xi1>, vector<16xi32>
      %swap3A_2905 = arith.constant 704 : index
      %swap3A_2906 = tpu.vector_load %arg9[%swap3A_2905] {strides = array<i32>} : memref<800xi32, #tpu.memory_space<vmem>>, vector<16xi32>,
      %swap3A_2907 = vector.shape_cast %swap3A_2906 : vector<16xi32> to vector<16xi32>
      %swap3A_2908 = vector.shape_cast %select_n3A_2904 : vector<16xi32> to vector<16xi32>
      tpu.vector_store %arg9[%swap3A_2905], %swap3A_2908 {strides = array<i32>} : memref<800xi32, #tpu.memory_space<vmem>>, vector<16xi32>,
      %get3A_2909 = arith.constant 720 : index
      %get3A_2910 = tpu.vector_load %arg9[%get3A_2909] {strides = array<i32>} : memref<800xi32, #tpu.memory_space<vmem>>, vector<16xi32>,
      %get3A_2911 = vector.shape_cast %get3A_2910 : vector<16xi32> to vector<16xi32>
      %get3A_2912 = arith.constant 720 : index
      %get3A_2913 = tpu.vector_load %arg7[%get3A_2912] {strides = array<i32>} : memref<800xi32, #tpu.memory_space<vmem>>, vector<16xi32>,
      %get3A_2914 = vector.shape_cast %get3A_2913 : vector<16xi32> to vector<16xi32>
      %eq3A_2915 = arith.constant 0 : i32
      %eq3A_2916 = vector.broadcast %eq3A_2915 : i32 to vector<16xi32>
      %eq3A_2917 = arith.cmpi eq, %get3A_2914, %eq3A_2916 : vector<16xi32>
      %add3A_2918 = arith.constant 512 : i32
      %add3A_2919 = vector.broadcast %add3A_2918 : i32 to vector<16xi32>
      %add3A_2920 = arith.addi %get3A_2911, %add3A_2919 : vector<16xi32>
      %select_n3A_2921 = arith.select %eq3A_2917, %add3A_2920, %get3A_2911 : vector<16xi1>, vector<16xi32>
      %swap3A_2922 = arith.constant 720 : index
      %swap3A_2923 = tpu.vector_load %arg9[%swap3A_2922] {strides = array<i32>} : memref<800xi32, #tpu.memory_space<vmem>>, vector<16xi32>,
      %swap3A_2924 = vector.shape_cast %swap3A_2923 : vector<16xi32> to vector<16xi32>
      %swap3A_2925 = vector.shape_cast %select_n3A_2921 : vector<16xi32> to vector<16xi32>
      tpu.vector_store %arg9[%swap3A_2922], %swap3A_2925 {strides = array<i32>} : memref<800xi32, #tpu.memory_space<vmem>>, vector<16xi32>,
      %get3A_2926 = arith.constant 736 : index
      %get3A_2927 = tpu.vector_load %arg9[%get3A_2926] {strides = array<i32>} : memref<800xi32, #tpu.memory_space<vmem>>, vector<16xi32>,
      %get3A_2928 = vector.shape_cast %get3A_2927 : vector<16xi32> to vector<16xi32>
      %get3A_2929 = arith.constant 736 : index
      %get3A_2930 = tpu.vector_load %arg7[%get3A_2929] {strides = array<i32>} : memref<800xi32, #tpu.memory_space<vmem>>, vector<16xi32>,
      %get3A_2931 = vector.shape_cast %get3A_2930 : vector<16xi32> to vector<16xi32>
      %eq3A_2932 = arith.constant 0 : i32
      %eq3A_2933 = vector.broadcast %eq3A_2932 : i32 to vector<16xi32>
      %eq3A_2934 = arith.cmpi eq, %get3A_2931, %eq3A_2933 : vector<16xi32>
      %add3A_2935 = arith.constant 512 : i32
      %add3A_2936 = vector.broadcast %add3A_2935 : i32 to vector<16xi32>
      %add3A_2937 = arith.addi %get3A_2928, %add3A_2936 : vector<16xi32>
      %select_n3A_2938 = arith.select %eq3A_2934, %add3A_2937, %get3A_2928 : vector<16xi1>, vector<16xi32>
      %swap3A_2939 = arith.constant 736 : index
      %swap3A_2940 = tpu.vector_load %arg9[%swap3A_2939] {strides = array<i32>} : memref<800xi32, #tpu.memory_space<vmem>>, vector<16xi32>,
      %swap3A_2941 = vector.shape_cast %swap3A_2940 : vector<16xi32> to vector<16xi32>
      %swap3A_2942 = vector.shape_cast %select_n3A_2938 : vector<16xi32> to vector<16xi32>
      tpu.vector_store %arg9[%swap3A_2939], %swap3A_2942 {strides = array<i32>} : memref<800xi32, #tpu.memory_space<vmem>>, vector<16xi32>,
      %get3A_2943 = arith.constant 752 : index
      %get3A_2944 = tpu.vector_load %arg9[%get3A_2943] {strides = array<i32>} : memref<800xi32, #tpu.memory_space<vmem>>, vector<16xi32>,
      %get3A_2945 = vector.shape_cast %get3A_2944 : vector<16xi32> to vector<16xi32>
      %get3A_2946 = arith.constant 752 : index
      %get3A_2947 = tpu.vector_load %arg7[%get3A_2946] {strides = array<i32>} : memref<800xi32, #tpu.memory_space<vmem>>, vector<16xi32>,
      %get3A_2948 = vector.shape_cast %get3A_2947 : vector<16xi32> to vector<16xi32>
      %eq3A_2949 = arith.constant 0 : i32
      %eq3A_2950 = vector.broadcast %eq3A_2949 : i32 to vector<16xi32>
      %eq3A_2951 = arith.cmpi eq, %get3A_2948, %eq3A_2950 : vector<16xi32>
      %add3A_2952 = arith.constant 512 : i32
      %add3A_2953 = vector.broadcast %add3A_2952 : i32 to vector<16xi32>
      %add3A_2954 = arith.addi %get3A_2945, %add3A_2953 : vector<16xi32>
      %select_n3A_2955 = arith.select %eq3A_2951, %add3A_2954, %get3A_2945 : vector<16xi1>, vector<16xi32>
      %swap3A_2956 = arith.constant 752 : index
      %swap3A_2957 = tpu.vector_load %arg9[%swap3A_2956] {strides = array<i32>} : memref<800xi32, #tpu.memory_space<vmem>>, vector<16xi32>,
      %swap3A_2958 = vector.shape_cast %swap3A_2957 : vector<16xi32> to vector<16xi32>
      %swap3A_2959 = vector.shape_cast %select_n3A_2955 : vector<16xi32> to vector<16xi32>
      tpu.vector_store %arg9[%swap3A_2956], %swap3A_2959 {strides = array<i32>} : memref<800xi32, #tpu.memory_space<vmem>>, vector<16xi32>,
      %get3A_2960 = arith.constant 768 : index
      %get3A_2961 = tpu.vector_load %arg9[%get3A_2960] {strides = array<i32>} : memref<800xi32, #tpu.memory_space<vmem>>, vector<16xi32>,
      %get3A_2962 = vector.shape_cast %get3A_2961 : vector<16xi32> to vector<16xi32>
      %get3A_2963 = arith.constant 768 : index
      %get3A_2964 = tpu.vector_load %arg7[%get3A_2963] {strides = array<i32>} : memref<800xi32, #tpu.memory_space<vmem>>, vector<16xi32>,
      %get3A_2965 = vector.shape_cast %get3A_2964 : vector<16xi32> to vector<16xi32>
      %eq3A_2966 = arith.constant 0 : i32
      %eq3A_2967 = vector.broadcast %eq3A_2966 : i32 to vector<16xi32>
      %eq3A_2968 = arith.cmpi eq, %get3A_2965, %eq3A_2967 : vector<16xi32>
      %add3A_2969 = arith.constant 512 : i32
      %add3A_2970 = vector.broadcast %add3A_2969 : i32 to vector<16xi32>
      %add3A_2971 = arith.addi %get3A_2962, %add3A_2970 : vector<16xi32>
      %select_n3A_2972 = arith.select %eq3A_2968, %add3A_2971, %get3A_2962 : vector<16xi1>, vector<16xi32>
      %swap3A_2973 = arith.constant 768 : index
      %swap3A_2974 = tpu.vector_load %arg9[%swap3A_2973] {strides = array<i32>} : memref<800xi32, #tpu.memory_space<vmem>>, vector<16xi32>,
      %swap3A_2975 = vector.shape_cast %swap3A_2974 : vector<16xi32> to vector<16xi32>
      %swap3A_2976 = vector.shape_cast %select_n3A_2972 : vector<16xi32> to vector<16xi32>
      tpu.vector_store %arg9[%swap3A_2973], %swap3A_2976 {strides = array<i32>} : memref<800xi32, #tpu.memory_space<vmem>>, vector<16xi32>,
      %get3A_2977 = arith.constant 784 : index
      %get3A_2978 = tpu.vector_load %arg9[%get3A_2977] {strides = array<i32>} : memref<800xi32, #tpu.memory_space<vmem>>, vector<16xi32>,
      %get3A_2979 = vector.shape_cast %get3A_2978 : vector<16xi32> to vector<16xi32>
      %get3A_2980 = arith.constant 784 : index
      %get3A_2981 = tpu.vector_load %arg7[%get3A_2980] {strides = array<i32>} : memref<800xi32, #tpu.memory_space<vmem>>, vector<16xi32>,
      %get3A_2982 = vector.shape_cast %get3A_2981 : vector<16xi32> to vector<16xi32>
      %eq3A_2983 = arith.constant 0 : i32
      %eq3A_2984 = vector.broadcast %eq3A_2983 : i32 to vector<16xi32>
      %eq3A_2985 = arith.cmpi eq, %get3A_2982, %eq3A_2984 : vector<16xi32>
      %add3A_2986 = arith.constant 512 : i32
      %add3A_2987 = vector.broadcast %add3A_2986 : i32 to vector<16xi32>
      %add3A_2988 = arith.addi %get3A_2979, %add3A_2987 : vector<16xi32>
      %select_n3A_2989 = arith.select %eq3A_2985, %add3A_2988, %get3A_2979 : vector<16xi1>, vector<16xi32>
      %swap3A_2990 = arith.constant 784 : index
      %swap3A_2991 = tpu.vector_load %arg9[%swap3A_2990] {strides = array<i32>} : memref<800xi32, #tpu.memory_space<vmem>>, vector<16xi32>,
      %swap3A_2992 = vector.shape_cast %swap3A_2991 : vector<16xi32> to vector<16xi32>
      %swap3A_2993 = vector.shape_cast %select_n3A_2989 : vector<16xi32> to vector<16xi32>
      tpu.vector_store %arg9[%swap3A_2990], %swap3A_2993 {strides = array<i32>} : memref<800xi32, #tpu.memory_space<vmem>>, vector<16xi32>,
      %dma_wait3A_2994 = arith.constant 0 : i32
      %dma_wait3A_2995 = arith.constant 0 : i32
      %dma_wait3A_2996 = tpu.memref_slice %arg14[%dma_wait3A_2994, %dma_wait3A_2995] : memref<1024x64xf32, #tpu.memory_space<vmem_shared>> -> memref<1024x64xf32, #tpu.memory_space<vmem_shared>>
      tpu.wait_indirect_dma semaphore(%arg19 : memref<!tpu.dma_semaphore, #tpu.memory_space<semaphore_mem>>) src(%dma_wait3A_2996 : memref<1024x64xf32, #tpu.memory_space<vmem_shared>>) dst(%arg12 : memref<800x64xf32, #tpu.memory_space<vmem>>)
      %sub3A_2997 = arith.constant 1 : i32
      %sub3A_2998 = arith.subi %add3A_2053, %sub3A_2997 : i32
      %mul3A_2999 = arith.constant 4 : i32
      %mul3A_3000 = arith.muli %sub3A_2998, %mul3A_2999 : i32
      %add3A_3001 = arith.addi %mul3A_4, %mul3A_3000 : i32
      %add3A_3002 = arith.constant 0 : i32
      %add3A_3003 = arith.addi %add3A_3001, %add3A_3002 : i32
      %dma_start3A_3004 = arith.constant 0 : i32
      %dma_start3A_3005 = arith.constant 0 : i32
      %dma_start3A_3006 = tpu.memref_slice %arg12[%dma_start3A_3004, %dma_start3A_3005] : memref<800x64xf32, #tpu.memory_space<vmem>> -> memref<200x64xf32, #tpu.memory_space<vmem>>
      %dma_start3A_3007 = arith.constant 0 : i32
      %dma_start3A_3008 = arith.constant 0 : i32
      %dma_start3A_3009 = tpu.memref_slice %arg6[%add3A_3003, %dma_start3A_3007, %dma_start3A_3008] : memref<16384x200x128xf32, #tpu.memory_space<hbm>> -> memref<1x200x64xf32, #tpu.memory_space<hbm>>
      %dma_start3A_3010 = tpu.memref_squeeze %dma_start3A_3009 : memref<1x200x64xf32, #tpu.memory_space<hbm>> -> memref<200x64xf32, #tpu.memory_space<hbm>>
      %dma_start3A_3011 = arith.constant 0 : i32
      %dma_start3A_3012 = arith.constant 0 : i32
      %dma_start3A_3013 = tpu.memref_slice %arg6[%add3A_3003, %dma_start3A_3011, %dma_start3A_3012] : memref<16384x200x128xf32, #tpu.memory_space<hbm>> -> memref<1x200x64xf32, #tpu.memory_space<hbm>>
      %dma_start3A_3014 = tpu.memref_squeeze %dma_start3A_3013 : memref<1x200x64xf32, #tpu.memory_space<hbm>> -> memref<200x64xf32, #tpu.memory_space<hbm>>
      %dma_start3A_3015 = arith.constant 0 : i32
      %dma_start3A_3016 = arith.constant 0 : i32
      %dma_start3A_3017 = tpu.memref_slice %arg12[%dma_start3A_3015, %dma_start3A_3016] : memref<800x64xf32, #tpu.memory_space<vmem>> -> memref<200x64xf32, #tpu.memory_space<vmem>>
      tpu.enqueue_dma source(%dma_start3A_3017 : memref<200x64xf32, #tpu.memory_space<vmem>>) target(%dma_start3A_3014 : memref<200x64xf32, #tpu.memory_space<hbm>>) target_semaphore(%arg21 : memref<!tpu.dma_semaphore, #tpu.memory_space<semaphore_mem>>)
      %mul3A_3018 = arith.constant 4 : i32
      %mul3A_3019 = arith.muli %sub3A_2998, %mul3A_3018 : i32
      %add3A_3020 = arith.addi %mul3A_4, %mul3A_3019 : i32
      %add3A_3021 = arith.constant 1 : i32
      %add3A_3022 = arith.addi %add3A_3020, %add3A_3021 : i32
      %dma_start3A_3023 = arith.constant 200 : i32
      %dma_start3A_3024 = arith.constant 0 : i32
      %dma_start3A_3025 = tpu.memref_slice %arg12[%dma_start3A_3023, %dma_start3A_3024] : memref<800x64xf32, #tpu.memory_space<vmem>> -> memref<200x64xf32, #tpu.memory_space<vmem>>
      %dma_start3A_3026 = arith.constant 0 : i32
      %dma_start3A_3027 = arith.constant 0 : i32
      %dma_start3A_3028 = tpu.memref_slice %arg6[%add3A_3022, %dma_start3A_3026, %dma_start3A_3027] : memref<16384x200x128xf32, #tpu.memory_space<hbm>> -> memref<1x200x64xf32, #tpu.memory_space<hbm>>
      %dma_start3A_3029 = tpu.memref_squeeze %dma_start3A_3028 : memref<1x200x64xf32, #tpu.memory_space<hbm>> -> memref<200x64xf32, #tpu.memory_space<hbm>>
      %dma_start3A_3030 = arith.constant 0 : i32
      %dma_start3A_3031 = arith.constant 0 : i32
      %dma_start3A_3032 = tpu.memref_slice %arg6[%add3A_3022, %dma_start3A_3030, %dma_start3A_3031] : memref<16384x200x128xf32, #tpu.memory_space<hbm>> -> memref<1x200x64xf32, #tpu.memory_space<hbm>>
      %dma_start3A_3033 = tpu.memref_squeeze %dma_start3A_3032 : memref<1x200x64xf32, #tpu.memory_space<hbm>> -> memref<200x64xf32, #tpu.memory_space<hbm>>
      %dma_start3A_3034 = arith.constant 200 : i32
      %dma_start3A_3035 = arith.constant 0 : i32
      %dma_start3A_3036 = tpu.memref_slice %arg12[%dma_start3A_3034, %dma_start3A_3035] : memref<800x64xf32, #tpu.memory_space<vmem>> -> memref<200x64xf32, #tpu.memory_space<vmem>>
      tpu.enqueue_dma source(%dma_start3A_3036 : memref<200x64xf32, #tpu.memory_space<vmem>>) target(%dma_start3A_3033 : memref<200x64xf32, #tpu.memory_space<hbm>>) target_semaphore(%arg21 : memref<!tpu.dma_semaphore, #tpu.memory_space<semaphore_mem>>)
      %mul3A_3037 = arith.constant 4 : i32
      %mul3A_3038 = arith.muli %sub3A_2998, %mul3A_3037 : i32
      %add3A_3039 = arith.addi %mul3A_4, %mul3A_3038 : i32
      %add3A_3040 = arith.constant 2 : i32
      %add3A_3041 = arith.addi %add3A_3039, %add3A_3040 : i32
      %dma_start3A_3042 = arith.constant 400 : i32
      %dma_start3A_3043 = arith.constant 0 : i32
      %dma_start3A_3044 = tpu.memref_slice %arg12[%dma_start3A_3042, %dma_start3A_3043] : memref<800x64xf32, #tpu.memory_space<vmem>> -> memref<200x64xf32, #tpu.memory_space<vmem>>
      %dma_start3A_3045 = arith.constant 0 : i32
      %dma_start3A_3046 = arith.constant 0 : i32
      %dma_start3A_3047 = tpu.memref_slice %arg6[%add3A_3041, %dma_start3A_3045, %dma_start3A_3046] : memref<16384x200x128xf32, #tpu.memory_space<hbm>> -> memref<1x200x64xf32, #tpu.memory_space<hbm>>
      %dma_start3A_3048 = tpu.memref_squeeze %dma_start3A_3047 : memref<1x200x64xf32, #tpu.memory_space<hbm>> -> memref<200x64xf32, #tpu.memory_space<hbm>>
      %dma_start3A_3049 = arith.constant 0 : i32
      %dma_start3A_3050 = arith.constant 0 : i32
      %dma_start3A_3051 = tpu.memref_slice %arg6[%add3A_3041, %dma_start3A_3049, %dma_start3A_3050] : memref<16384x200x128xf32, #tpu.memory_space<hbm>> -> memref<1x200x64xf32, #tpu.memory_space<hbm>>
      %dma_start3A_3052 = tpu.memref_squeeze %dma_start3A_3051 : memref<1x200x64xf32, #tpu.memory_space<hbm>> -> memref<200x64xf32, #tpu.memory_space<hbm>>
      %dma_start3A_3053 = arith.constant 400 : i32
      %dma_start3A_3054 = arith.constant 0 : i32
      %dma_start3A_3055 = tpu.memref_slice %arg12[%dma_start3A_3053, %dma_start3A_3054] : memref<800x64xf32, #tpu.memory_space<vmem>> -> memref<200x64xf32, #tpu.memory_space<vmem>>
      tpu.enqueue_dma source(%dma_start3A_3055 : memref<200x64xf32, #tpu.memory_space<vmem>>) target(%dma_start3A_3052 : memref<200x64xf32, #tpu.memory_space<hbm>>) target_semaphore(%arg21 : memref<!tpu.dma_semaphore, #tpu.memory_space<semaphore_mem>>)
      %mul3A_3056 = arith.constant 4 : i32
      %mul3A_3057 = arith.muli %sub3A_2998, %mul3A_3056 : i32
      %add3A_3058 = arith.addi %mul3A_4, %mul3A_3057 : i32
      %add3A_3059 = arith.constant 3 : i32
      %add3A_3060 = arith.addi %add3A_3058, %add3A_3059 : i32
      %dma_start3A_3061 = arith.constant 600 : i32
      %dma_start3A_3062 = arith.constant 0 : i32
      %dma_start3A_3063 = tpu.memref_slice %arg12[%dma_start3A_3061, %dma_start3A_3062] : memref<800x64xf32, #tpu.memory_space<vmem>> -> memref<200x64xf32, #tpu.memory_space<vmem>>
      %dma_start3A_3064 = arith.constant 0 : i32
      %dma_start3A_3065 = arith.constant 0 : i32
      %dma_start3A_3066 = tpu.memref_slice %arg6[%add3A_3060, %dma_start3A_3064, %dma_start3A_3065] : memref<16384x200x128xf32, #tpu.memory_space<hbm>> -> memref<1x200x64xf32, #tpu.memory_space<hbm>>
      %dma_start3A_3067 = tpu.memref_squeeze %dma_start3A_3066 : memref<1x200x64xf32, #tpu.memory_space<hbm>> -> memref<200x64xf32, #tpu.memory_space<hbm>>
      %dma_start3A_3068 = arith.constant 0 : i32
      %dma_start3A_3069 = arith.constant 0 : i32
      %dma_start3A_3070 = tpu.memref_slice %arg6[%add3A_3060, %dma_start3A_3068, %dma_start3A_3069] : memref<16384x200x128xf32, #tpu.memory_space<hbm>> -> memref<1x200x64xf32, #tpu.memory_space<hbm>>
      %dma_start3A_3071 = tpu.memref_squeeze %dma_start3A_3070 : memref<1x200x64xf32, #tpu.memory_space<hbm>> -> memref<200x64xf32, #tpu.memory_space<hbm>>
      %dma_start3A_3072 = arith.constant 600 : i32
      %dma_start3A_3073 = arith.constant 0 : i32
      %dma_start3A_3074 = tpu.memref_slice %arg12[%dma_start3A_3072, %dma_start3A_3073] : memref<800x64xf32, #tpu.memory_space<vmem>> -> memref<200x64xf32, #tpu.memory_space<vmem>>
      tpu.enqueue_dma source(%dma_start3A_3074 : memref<200x64xf32, #tpu.memory_space<vmem>>) target(%dma_start3A_3071 : memref<200x64xf32, #tpu.memory_space<hbm>>) target_semaphore(%arg21 : memref<!tpu.dma_semaphore, #tpu.memory_space<semaphore_mem>>)
      %add3A_3075 = arith.constant 1 : i32
      %add3A_3076 = arith.addi %add3A_2053, %add3A_3075 : i32
      %mul3A_3077 = arith.constant 800 : i32
      %mul3A_3078 = arith.muli %add3A_3076, %mul3A_3077 : i32
      %add3A_3079 = arith.addi %mul3A_2, %mul3A_3078 : i32
      %dma_start3A_3080 = tpu.memref_slice %arg2[%add3A_3079] : memref<3276800xi32, #tpu.memory_space<hbm>> -> memref<800xi32, #tpu.memory_space<hbm>>
      %dma_start3A_3081 = tpu.memref_slice %arg2[%add3A_3079] : memref<3276800xi32, #tpu.memory_space<hbm>> -> memref<800xi32, #tpu.memory_space<hbm>>
      tpu.enqueue_dma source(%dma_start3A_3081 : memref<800xi32, #tpu.memory_space<hbm>>) target(%arg8 : memref<800xi32, #tpu.memory_space<vmem>>) target_semaphore(%arg16 : memref<!tpu.dma_semaphore, #tpu.memory_space<semaphore_mem>>)
      %dma_start3A_3082 = tpu.memref_slice %arg3[%add3A_3079] : memref<3276800xi32, #tpu.memory_space<hbm>> -> memref<800xi32, #tpu.memory_space<hbm>>
      %dma_start3A_3083 = tpu.memref_slice %arg3[%add3A_3079] : memref<3276800xi32, #tpu.memory_space<hbm>> -> memref<800xi32, #tpu.memory_space<hbm>>
      tpu.enqueue_dma source(%dma_start3A_3083 : memref<800xi32, #tpu.memory_space<hbm>>) target(%arg10 : memref<800xi32, #tpu.memory_space<vmem>>) target_semaphore(%arg16 : memref<!tpu.dma_semaphore, #tpu.memory_space<semaphore_mem>>)
      %dma_wait3A_3084 = arith.constant 0 : i32
      %dma_wait3A_3085 = arith.constant 0 : i32
      %dma_wait3A_3086 = tpu.memref_slice %arg4[%dma_wait3A_3084, %dma_wait3A_3085] : memref<1000000x64xf32, #tpu.memory_space<hbm>> -> memref<1000000x64xf32, #tpu.memory_space<hbm>>
      tpu.wait_indirect_dma semaphore(%arg17 : memref<!tpu.dma_semaphore, #tpu.memory_space<semaphore_mem>>) src(%dma_wait3A_3086 : memref<1000000x64xf32, #tpu.memory_space<hbm>>) dst(%arg11 : memref<800x64xf32, #tpu.memory_space<vmem>>)
      %mul3A_3087 = arith.constant 2 : i32
      %mul3A_3088 = arith.muli %mul3A_3087, %scan3A_2049 : i32
      %add3A_3089 = arith.constant 3 : i32
      %add3A_3090 = arith.addi %mul3A_3088, %add3A_3089 : i32
      %dma_start3A_3091 = arith.constant 0 : i32
      %dma_start3A_3092 = arith.constant 0 : i32
      %dma_start3A_3093 = tpu.memref_slice %arg14[%dma_start3A_3091, %dma_start3A_3092] : memref<1024x64xf32, #tpu.memory_space<vmem_shared>> -> memref<1024x64xf32, #tpu.memory_space<vmem_shared>>
      tpu.enqueue_indirect_dma source(%dma_start3A_3093 : memref<1024x64xf32, #tpu.memory_space<vmem_shared>>) target(%arg11 : memref<800x64xf32, #tpu.memory_space<vmem>>) offsets(%arg9 : memref<800xi32, #tpu.memory_space<vmem>>) semaphore(%arg19 : memref<!tpu.dma_semaphore, #tpu.memory_space<semaphore_mem>>) {add = true}
      %mul3A_3094 = arith.constant 800 : i32
      %mul3A_3095 = arith.muli %add3A_3090, %mul3A_3094 : i32
      %add3A_3096 = arith.addi %mul3A_2, %mul3A_3095 : i32
      %dma_wait3A_3097 = tpu.memref_slice %arg2[%add3A_3096] : memref<3276800xi32, #tpu.memory_space<hbm>> -> memref<800xi32, #tpu.memory_space<hbm>>
      %dma_wait3A_3098 = tpu.memref_slice %arg2[%add3A_3096] : memref<3276800xi32, #tpu.memory_space<hbm>> -> memref<800xi32, #tpu.memory_space<hbm>>
      tpu.wait_dma2 semaphore(%arg16 : memref<!tpu.dma_semaphore, #tpu.memory_space<semaphore_mem>>) src(%dma_wait3A_3098 : memref<800xi32, #tpu.memory_space<hbm>>) dst(%arg8 : memref<800xi32, #tpu.memory_space<vmem>>)
      %dma_wait3A_3099 = tpu.memref_slice %arg3[%add3A_3096] : memref<3276800xi32, #tpu.memory_space<hbm>> -> memref<800xi32, #tpu.memory_space<hbm>>
      %dma_wait3A_3100 = tpu.memref_slice %arg3[%add3A_3096] : memref<3276800xi32, #tpu.memory_space<hbm>> -> memref<800xi32, #tpu.memory_space<hbm>>
      tpu.wait_dma2 semaphore(%arg16 : memref<!tpu.dma_semaphore, #tpu.memory_space<semaphore_mem>>) src(%dma_wait3A_3100 : memref<800xi32, #tpu.memory_space<hbm>>) dst(%arg10 : memref<800xi32, #tpu.memory_space<vmem>>)
      %sub3A_3101 = arith.constant 2 : i32
      %sub3A_3102 = arith.subi %add3A_3090, %sub3A_3101 : i32
      %mul3A_3103 = arith.constant 4 : i32
      %mul3A_3104 = arith.muli %sub3A_3102, %mul3A_3103 : i32
      %add3A_3105 = arith.addi %mul3A_4, %mul3A_3104 : i32
      %add3A_3106 = arith.constant 0 : i32
      %add3A_3107 = arith.addi %add3A_3105, %add3A_3106 : i32
      %dma_wait3A_3108 = arith.constant 0 : i32
      %dma_wait3A_3109 = arith.constant 0 : i32
      %dma_wait3A_3110 = tpu.memref_slice %arg12[%dma_wait3A_3108, %dma_wait3A_3109] : memref<800x64xf32, #tpu.memory_space<vmem>> -> memref<200x64xf32, #tpu.memory_space<vmem>>
      %dma_wait3A_3111 = arith.constant 0 : i32
      %dma_wait3A_3112 = arith.constant 0 : i32
      %dma_wait3A_3113 = tpu.memref_slice %arg6[%add3A_3107, %dma_wait3A_3111, %dma_wait3A_3112] : memref<16384x200x128xf32, #tpu.memory_space<hbm>> -> memref<1x200x64xf32, #tpu.memory_space<hbm>>
      %dma_wait3A_3114 = tpu.memref_squeeze %dma_wait3A_3113 : memref<1x200x64xf32, #tpu.memory_space<hbm>> -> memref<200x64xf32, #tpu.memory_space<hbm>>
      %dma_wait3A_3115 = arith.constant 0 : i32
      %dma_wait3A_3116 = arith.constant 0 : i32
      %dma_wait3A_3117 = tpu.memref_slice %arg6[%add3A_3107, %dma_wait3A_3115, %dma_wait3A_3116] : memref<16384x200x128xf32, #tpu.memory_space<hbm>> -> memref<1x200x64xf32, #tpu.memory_space<hbm>>
      %dma_wait3A_3118 = tpu.memref_squeeze %dma_wait3A_3117 : memref<1x200x64xf32, #tpu.memory_space<hbm>> -> memref<200x64xf32, #tpu.memory_space<hbm>>
      %dma_wait3A_3119 = arith.constant 0 : i32
      %dma_wait3A_3120 = arith.constant 0 : i32
      %dma_wait3A_3121 = tpu.memref_slice %arg12[%dma_wait3A_3119, %dma_wait3A_3120] : memref<800x64xf32, #tpu.memory_space<vmem>> -> memref<200x64xf32, #tpu.memory_space<vmem>>
      tpu.wait_dma2 semaphore(%arg21 : memref<!tpu.dma_semaphore, #tpu.memory_space<semaphore_mem>>) src(%dma_wait3A_3121 : memref<200x64xf32, #tpu.memory_space<vmem>>) dst(%dma_wait3A_3118 : memref<200x64xf32, #tpu.memory_space<hbm>>)
      %mul3A_3122 = arith.constant 4 : i32
      %mul3A_3123 = arith.muli %sub3A_3102, %mul3A_3122 : i32
      %add3A_3124 = arith.addi %mul3A_4, %mul3A_3123 : i32
      %add3A_3125 = arith.constant 1 : i32
      %add3A_3126 = arith.addi %add3A_3124, %add3A_3125 : i32
      %dma_wait3A_3127 = arith.constant 200 : i32
      %dma_wait3A_3128 = arith.constant 0 : i32
      %dma_wait3A_3129 = tpu.memref_slice %arg12[%dma_wait3A_3127, %dma_wait3A_3128] : memref<800x64xf32, #tpu.memory_space<vmem>> -> memref<200x64xf32, #tpu.memory_space<vmem>>
      %dma_wait3A_3130 = arith.constant 0 : i32
      %dma_wait3A_3131 = arith.constant 0 : i32
      %dma_wait3A_3132 = tpu.memref_slice %arg6[%add3A_3126, %dma_wait3A_3130, %dma_wait3A_3131] : memref<16384x200x128xf32, #tpu.memory_space<hbm>> -> memref<1x200x64xf32, #tpu.memory_space<hbm>>
      %dma_wait3A_3133 = tpu.memref_squeeze %dma_wait3A_3132 : memref<1x200x64xf32, #tpu.memory_space<hbm>> -> memref<200x64xf32, #tpu.memory_space<hbm>>
      %dma_wait3A_3134 = arith.constant 0 : i32
      %dma_wait3A_3135 = arith.constant 0 : i32
      %dma_wait3A_3136 = tpu.memref_slice %arg6[%add3A_3126, %dma_wait3A_3134, %dma_wait3A_3135] : memref<16384x200x128xf32, #tpu.memory_space<hbm>> -> memref<1x200x64xf32, #tpu.memory_space<hbm>>
      %dma_wait3A_3137 = tpu.memref_squeeze %dma_wait3A_3136 : memref<1x200x64xf32, #tpu.memory_space<hbm>> -> memref<200x64xf32, #tpu.memory_space<hbm>>
      %dma_wait3A_3138 = arith.constant 200 : i32
      %dma_wait3A_3139 = arith.constant 0 : i32
      %dma_wait3A_3140 = tpu.memref_slice %arg12[%dma_wait3A_3138, %dma_wait3A_3139] : memref<800x64xf32, #tpu.memory_space<vmem>> -> memref<200x64xf32, #tpu.memory_space<vmem>>
      tpu.wait_dma2 semaphore(%arg21 : memref<!tpu.dma_semaphore, #tpu.memory_space<semaphore_mem>>) src(%dma_wait3A_3140 : memref<200x64xf32, #tpu.memory_space<vmem>>) dst(%dma_wait3A_3137 : memref<200x64xf32, #tpu.memory_space<hbm>>)
      %mul3A_3141 = arith.constant 4 : i32
      %mul3A_3142 = arith.muli %sub3A_3102, %mul3A_3141 : i32
      %add3A_3143 = arith.addi %mul3A_4, %mul3A_3142 : i32
      %add3A_3144 = arith.constant 2 : i32
      %add3A_3145 = arith.addi %add3A_3143, %add3A_3144 : i32
      %dma_wait3A_3146 = arith.constant 400 : i32
      %dma_wait3A_3147 = arith.constant 0 : i32
      %dma_wait3A_3148 = tpu.memref_slice %arg12[%dma_wait3A_3146, %dma_wait3A_3147] : memref<800x64xf32, #tpu.memory_space<vmem>> -> memref<200x64xf32, #tpu.memory_space<vmem>>
      %dma_wait3A_3149 = arith.constant 0 : i32
      %dma_wait3A_3150 = arith.constant 0 : i32
      %dma_wait3A_3151 = tpu.memref_slice %arg6[%add3A_3145, %dma_wait3A_3149, %dma_wait3A_3150] : memref<16384x200x128xf32, #tpu.memory_space<hbm>> -> memref<1x200x64xf32, #tpu.memory_space<hbm>>
      %dma_wait3A_3152 = tpu.memref_squeeze %dma_wait3A_3151 : memref<1x200x64xf32, #tpu.memory_space<hbm>> -> memref<200x64xf32, #tpu.memory_space<hbm>>
      %dma_wait3A_3153 = arith.constant 0 : i32
      %dma_wait3A_3154 = arith.constant 0 : i32
      %dma_wait3A_3155 = tpu.memref_slice %arg6[%add3A_3145, %dma_wait3A_3153, %dma_wait3A_3154] : memref<16384x200x128xf32, #tpu.memory_space<hbm>> -> memref<1x200x64xf32, #tpu.memory_space<hbm>>
      %dma_wait3A_3156 = tpu.memref_squeeze %dma_wait3A_3155 : memref<1x200x64xf32, #tpu.memory_space<hbm>> -> memref<200x64xf32, #tpu.memory_space<hbm>>
      %dma_wait3A_3157 = arith.constant 400 : i32
      %dma_wait3A_3158 = arith.constant 0 : i32
      %dma_wait3A_3159 = tpu.memref_slice %arg12[%dma_wait3A_3157, %dma_wait3A_3158] : memref<800x64xf32, #tpu.memory_space<vmem>> -> memref<200x64xf32, #tpu.memory_space<vmem>>
      tpu.wait_dma2 semaphore(%arg21 : memref<!tpu.dma_semaphore, #tpu.memory_space<semaphore_mem>>) src(%dma_wait3A_3159 : memref<200x64xf32, #tpu.memory_space<vmem>>) dst(%dma_wait3A_3156 : memref<200x64xf32, #tpu.memory_space<hbm>>)
      %mul3A_3160 = arith.constant 4 : i32
      %mul3A_3161 = arith.muli %sub3A_3102, %mul3A_3160 : i32
      %add3A_3162 = arith.addi %mul3A_4, %mul3A_3161 : i32
      %add3A_3163 = arith.constant 3 : i32
      %add3A_3164 = arith.addi %add3A_3162, %add3A_3163 : i32
      %dma_wait3A_3165 = arith.constant 600 : i32
      %dma_wait3A_3166 = arith.constant 0 : i32
      %dma_wait3A_3167 = tpu.memref_slice %arg12[%dma_wait3A_3165, %dma_wait3A_3166] : memref<800x64xf32, #tpu.memory_space<vmem>> -> memref<200x64xf32, #tpu.memory_space<vmem>>
      %dma_wait3A_3168 = arith.constant 0 : i32
      %dma_wait3A_3169 = arith.constant 0 : i32
      %dma_wait3A_3170 = tpu.memref_slice %arg6[%add3A_3164, %dma_wait3A_3168, %dma_wait3A_3169] : memref<16384x200x128xf32, #tpu.memory_space<hbm>> -> memref<1x200x64xf32, #tpu.memory_space<hbm>>
      %dma_wait3A_3171 = tpu.memref_squeeze %dma_wait3A_3170 : memref<1x200x64xf32, #tpu.memory_space<hbm>> -> memref<200x64xf32, #tpu.memory_space<hbm>>
      %dma_wait3A_3172 = arith.constant 0 : i32
      %dma_wait3A_3173 = arith.constant 0 : i32
      %dma_wait3A_3174 = tpu.memref_slice %arg6[%add3A_3164, %dma_wait3A_3172, %dma_wait3A_3173] : memref<16384x200x128xf32, #tpu.memory_space<hbm>> -> memref<1x200x64xf32, #tpu.memory_space<hbm>>
      %dma_wait3A_3175 = tpu.memref_squeeze %dma_wait3A_3174 : memref<1x200x64xf32, #tpu.memory_space<hbm>> -> memref<200x64xf32, #tpu.memory_space<hbm>>
      %dma_wait3A_3176 = arith.constant 600 : i32
      %dma_wait3A_3177 = arith.constant 0 : i32
      %dma_wait3A_3178 = tpu.memref_slice %arg12[%dma_wait3A_3176, %dma_wait3A_3177] : memref<800x64xf32, #tpu.memory_space<vmem>> -> memref<200x64xf32, #tpu.memory_space<vmem>>
      tpu.wait_dma2 semaphore(%arg21 : memref<!tpu.dma_semaphore, #tpu.memory_space<semaphore_mem>>) src(%dma_wait3A_3178 : memref<200x64xf32, #tpu.memory_space<vmem>>) dst(%dma_wait3A_3175 : memref<200x64xf32, #tpu.memory_space<hbm>>)
      %dma_start3A_3179 = arith.constant 0 : i32
      %dma_start3A_3180 = arith.constant 0 : i32
      %dma_start3A_3181 = tpu.memref_slice %arg4[%dma_start3A_3179, %dma_start3A_3180] : memref<1000000x64xf32, #tpu.memory_space<hbm>> -> memref<1000000x64xf32, #tpu.memory_space<hbm>>
      tpu.enqueue_indirect_dma source(%dma_start3A_3181 : memref<1000000x64xf32, #tpu.memory_space<hbm>>) target(%arg12 : memref<800x64xf32, #tpu.memory_space<vmem>>) offsets(%arg8 : memref<800xi32, #tpu.memory_space<vmem>>) semaphore(%arg18 : memref<!tpu.dma_semaphore, #tpu.memory_space<semaphore_mem>>)
      %get3A_3182 = arith.constant 0 : index
      %get3A_3183 = tpu.vector_load %arg10[%get3A_3182] {strides = array<i32>} : memref<800xi32, #tpu.memory_space<vmem>>, vector<16xi32>,
      %get3A_3184 = vector.shape_cast %get3A_3183 : vector<16xi32> to vector<16xi32>
      %get3A_3185 = arith.constant 0 : index
      %get3A_3186 = tpu.vector_load %arg8[%get3A_3185] {strides = array<i32>} : memref<800xi32, #tpu.memory_space<vmem>>, vector<16xi32>,
      %get3A_3187 = vector.shape_cast %get3A_3186 : vector<16xi32> to vector<16xi32>
      %eq3A_3188 = arith.constant 0 : i32
      %eq3A_3189 = vector.broadcast %eq3A_3188 : i32 to vector<16xi32>
      %eq3A_3190 = arith.cmpi eq, %get3A_3187, %eq3A_3189 : vector<16xi32>
      %add3A_3191 = arith.constant 512 : i32
      %add3A_3192 = vector.broadcast %add3A_3191 : i32 to vector<16xi32>
      %add3A_3193 = arith.addi %get3A_3184, %add3A_3192 : vector<16xi32>
      %select_n3A_3194 = arith.select %eq3A_3190, %add3A_3193, %get3A_3184 : vector<16xi1>, vector<16xi32>
      %swap3A_3195 = arith.constant 0 : index
      %swap3A_3196 = tpu.vector_load %arg10[%swap3A_3195] {strides = array<i32>} : memref<800xi32, #tpu.memory_space<vmem>>, vector<16xi32>,
      %swap3A_3197 = vector.shape_cast %swap3A_3196 : vector<16xi32> to vector<16xi32>
      %swap3A_3198 = vector.shape_cast %select_n3A_3194 : vector<16xi32> to vector<16xi32>
      tpu.vector_store %arg10[%swap3A_3195], %swap3A_3198 {strides = array<i32>} : memref<800xi32, #tpu.memory_space<vmem>>, vector<16xi32>,
      %get3A_3199 = arith.constant 16 : index
      %get3A_3200 = tpu.vector_load %arg10[%get3A_3199] {strides = array<i32>} : memref<800xi32, #tpu.memory_space<vmem>>, vector<16xi32>,
      %get3A_3201 = vector.shape_cast %get3A_3200 : vector<16xi32> to vector<16xi32>
      %get3A_3202 = arith.constant 16 : index
      %get3A_3203 = tpu.vector_load %arg8[%get3A_3202] {strides = array<i32>} : memref<800xi32, #tpu.memory_space<vmem>>, vector<16xi32>,
      %get3A_3204 = vector.shape_cast %get3A_3203 : vector<16xi32> to vector<16xi32>
      %eq3A_3205 = arith.constant 0 : i32
      %eq3A_3206 = vector.broadcast %eq3A_3205 : i32 to vector<16xi32>
      %eq3A_3207 = arith.cmpi eq, %get3A_3204, %eq3A_3206 : vector<16xi32>
      %add3A_3208 = arith.constant 512 : i32
      %add3A_3209 = vector.broadcast %add3A_3208 : i32 to vector<16xi32>
      %add3A_3210 = arith.addi %get3A_3201, %add3A_3209 : vector<16xi32>
      %select_n3A_3211 = arith.select %eq3A_3207, %add3A_3210, %get3A_3201 : vector<16xi1>, vector<16xi32>
      %swap3A_3212 = arith.constant 16 : index
      %swap3A_3213 = tpu.vector_load %arg10[%swap3A_3212] {strides = array<i32>} : memref<800xi32, #tpu.memory_space<vmem>>, vector<16xi32>,
      %swap3A_3214 = vector.shape_cast %swap3A_3213 : vector<16xi32> to vector<16xi32>
      %swap3A_3215 = vector.shape_cast %select_n3A_3211 : vector<16xi32> to vector<16xi32>
      tpu.vector_store %arg10[%swap3A_3212], %swap3A_3215 {strides = array<i32>} : memref<800xi32, #tpu.memory_space<vmem>>, vector<16xi32>,
      %get3A_3216 = arith.constant 32 : index
      %get3A_3217 = tpu.vector_load %arg10[%get3A_3216] {strides = array<i32>} : memref<800xi32, #tpu.memory_space<vmem>>, vector<16xi32>,
      %get3A_3218 = vector.shape_cast %get3A_3217 : vector<16xi32> to vector<16xi32>
      %get3A_3219 = arith.constant 32 : index
      %get3A_3220 = tpu.vector_load %arg8[%get3A_3219] {strides = array<i32>} : memref<800xi32, #tpu.memory_space<vmem>>, vector<16xi32>,
      %get3A_3221 = vector.shape_cast %get3A_3220 : vector<16xi32> to vector<16xi32>
      %eq3A_3222 = arith.constant 0 : i32
      %eq3A_3223 = vector.broadcast %eq3A_3222 : i32 to vector<16xi32>
      %eq3A_3224 = arith.cmpi eq, %get3A_3221, %eq3A_3223 : vector<16xi32>
      %add3A_3225 = arith.constant 512 : i32
      %add3A_3226 = vector.broadcast %add3A_3225 : i32 to vector<16xi32>
      %add3A_3227 = arith.addi %get3A_3218, %add3A_3226 : vector<16xi32>
      %select_n3A_3228 = arith.select %eq3A_3224, %add3A_3227, %get3A_3218 : vector<16xi1>, vector<16xi32>
      %swap3A_3229 = arith.constant 32 : index
      %swap3A_3230 = tpu.vector_load %arg10[%swap3A_3229] {strides = array<i32>} : memref<800xi32, #tpu.memory_space<vmem>>, vector<16xi32>,
      %swap3A_3231 = vector.shape_cast %swap3A_3230 : vector<16xi32> to vector<16xi32>
      %swap3A_3232 = vector.shape_cast %select_n3A_3228 : vector<16xi32> to vector<16xi32>
      tpu.vector_store %arg10[%swap3A_3229], %swap3A_3232 {strides = array<i32>} : memref<800xi32, #tpu.memory_space<vmem>>, vector<16xi32>,
      %get3A_3233 = arith.constant 48 : index
      %get3A_3234 = tpu.vector_load %arg10[%get3A_3233] {strides = array<i32>} : memref<800xi32, #tpu.memory_space<vmem>>, vector<16xi32>,
      %get3A_3235 = vector.shape_cast %get3A_3234 : vector<16xi32> to vector<16xi32>
      %get3A_3236 = arith.constant 48 : index
      %get3A_3237 = tpu.vector_load %arg8[%get3A_3236] {strides = array<i32>} : memref<800xi32, #tpu.memory_space<vmem>>, vector<16xi32>,
      %get3A_3238 = vector.shape_cast %get3A_3237 : vector<16xi32> to vector<16xi32>
      %eq3A_3239 = arith.constant 0 : i32
      %eq3A_3240 = vector.broadcast %eq3A_3239 : i32 to vector<16xi32>
      %eq3A_3241 = arith.cmpi eq, %get3A_3238, %eq3A_3240 : vector<16xi32>
      %add3A_3242 = arith.constant 512 : i32
      %add3A_3243 = vector.broadcast %add3A_3242 : i32 to vector<16xi32>
      %add3A_3244 = arith.addi %get3A_3235, %add3A_3243 : vector<16xi32>
      %select_n3A_3245 = arith.select %eq3A_3241, %add3A_3244, %get3A_3235 : vector<16xi1>, vector<16xi32>
      %swap3A_3246 = arith.constant 48 : index
      %swap3A_3247 = tpu.vector_load %arg10[%swap3A_3246] {strides = array<i32>} : memref<800xi32, #tpu.memory_space<vmem>>, vector<16xi32>,
      %swap3A_3248 = vector.shape_cast %swap3A_3247 : vector<16xi32> to vector<16xi32>
      %swap3A_3249 = vector.shape_cast %select_n3A_3245 : vector<16xi32> to vector<16xi32>
      tpu.vector_store %arg10[%swap3A_3246], %swap3A_3249 {strides = array<i32>} : memref<800xi32, #tpu.memory_space<vmem>>, vector<16xi32>,
      %get3A_3250 = arith.constant 64 : index
      %get3A_3251 = tpu.vector_load %arg10[%get3A_3250] {strides = array<i32>} : memref<800xi32, #tpu.memory_space<vmem>>, vector<16xi32>,
      %get3A_3252 = vector.shape_cast %get3A_3251 : vector<16xi32> to vector<16xi32>
      %get3A_3253 = arith.constant 64 : index
      %get3A_3254 = tpu.vector_load %arg8[%get3A_3253] {strides = array<i32>} : memref<800xi32, #tpu.memory_space<vmem>>, vector<16xi32>,
      %get3A_3255 = vector.shape_cast %get3A_3254 : vector<16xi32> to vector<16xi32>
      %eq3A_3256 = arith.constant 0 : i32
      %eq3A_3257 = vector.broadcast %eq3A_3256 : i32 to vector<16xi32>
      %eq3A_3258 = arith.cmpi eq, %get3A_3255, %eq3A_3257 : vector<16xi32>
      %add3A_3259 = arith.constant 512 : i32
      %add3A_3260 = vector.broadcast %add3A_3259 : i32 to vector<16xi32>
      %add3A_3261 = arith.addi %get3A_3252, %add3A_3260 : vector<16xi32>
      %select_n3A_3262 = arith.select %eq3A_3258, %add3A_3261, %get3A_3252 : vector<16xi1>, vector<16xi32>
      %swap3A_3263 = arith.constant 64 : index
      %swap3A_3264 = tpu.vector_load %arg10[%swap3A_3263] {strides = array<i32>} : memref<800xi32, #tpu.memory_space<vmem>>, vector<16xi32>,
      %swap3A_3265 = vector.shape_cast %swap3A_3264 : vector<16xi32> to vector<16xi32>
      %swap3A_3266 = vector.shape_cast %select_n3A_3262 : vector<16xi32> to vector<16xi32>
      tpu.vector_store %arg10[%swap3A_3263], %swap3A_3266 {strides = array<i32>} : memref<800xi32, #tpu.memory_space<vmem>>, vector<16xi32>,
      %get3A_3267 = arith.constant 80 : index
      %get3A_3268 = tpu.vector_load %arg10[%get3A_3267] {strides = array<i32>} : memref<800xi32, #tpu.memory_space<vmem>>, vector<16xi32>,
      %get3A_3269 = vector.shape_cast %get3A_3268 : vector<16xi32> to vector<16xi32>
      %get3A_3270 = arith.constant 80 : index
      %get3A_3271 = tpu.vector_load %arg8[%get3A_3270] {strides = array<i32>} : memref<800xi32, #tpu.memory_space<vmem>>, vector<16xi32>,
      %get3A_3272 = vector.shape_cast %get3A_3271 : vector<16xi32> to vector<16xi32>
      %eq3A_3273 = arith.constant 0 : i32
      %eq3A_3274 = vector.broadcast %eq3A_3273 : i32 to vector<16xi32>
      %eq3A_3275 = arith.cmpi eq, %get3A_3272, %eq3A_3274 : vector<16xi32>
      %add3A_3276 = arith.constant 512 : i32
      %add3A_3277 = vector.broadcast %add3A_3276 : i32 to vector<16xi32>
      %add3A_3278 = arith.addi %get3A_3269, %add3A_3277 : vector<16xi32>
      %select_n3A_3279 = arith.select %eq3A_3275, %add3A_3278, %get3A_3269 : vector<16xi1>, vector<16xi32>
      %swap3A_3280 = arith.constant 80 : index
      %swap3A_3281 = tpu.vector_load %arg10[%swap3A_3280] {strides = array<i32>} : memref<800xi32, #tpu.memory_space<vmem>>, vector<16xi32>,
      %swap3A_3282 = vector.shape_cast %swap3A_3281 : vector<16xi32> to vector<16xi32>
      %swap3A_3283 = vector.shape_cast %select_n3A_3279 : vector<16xi32> to vector<16xi32>
      tpu.vector_store %arg10[%swap3A_3280], %swap3A_3283 {strides = array<i32>} : memref<800xi32, #tpu.memory_space<vmem>>, vector<16xi32>,
      %get3A_3284 = arith.constant 96 : index
      %get3A_3285 = tpu.vector_load %arg10[%get3A_3284] {strides = array<i32>} : memref<800xi32, #tpu.memory_space<vmem>>, vector<16xi32>,
      %get3A_3286 = vector.shape_cast %get3A_3285 : vector<16xi32> to vector<16xi32>
      %get3A_3287 = arith.constant 96 : index
      %get3A_3288 = tpu.vector_load %arg8[%get3A_3287] {strides = array<i32>} : memref<800xi32, #tpu.memory_space<vmem>>, vector<16xi32>,
      %get3A_3289 = vector.shape_cast %get3A_3288 : vector<16xi32> to vector<16xi32>
      %eq3A_3290 = arith.constant 0 : i32
      %eq3A_3291 = vector.broadcast %eq3A_3290 : i32 to vector<16xi32>
      %eq3A_3292 = arith.cmpi eq, %get3A_3289, %eq3A_3291 : vector<16xi32>
      %add3A_3293 = arith.constant 512 : i32
      %add3A_3294 = vector.broadcast %add3A_3293 : i32 to vector<16xi32>
      %add3A_3295 = arith.addi %get3A_3286, %add3A_3294 : vector<16xi32>
      %select_n3A_3296 = arith.select %eq3A_3292, %add3A_3295, %get3A_3286 : vector<16xi1>, vector<16xi32>
      %swap3A_3297 = arith.constant 96 : index
      %swap3A_3298 = tpu.vector_load %arg10[%swap3A_3297] {strides = array<i32>} : memref<800xi32, #tpu.memory_space<vmem>>, vector<16xi32>,
      %swap3A_3299 = vector.shape_cast %swap3A_3298 : vector<16xi32> to vector<16xi32>
      %swap3A_3300 = vector.shape_cast %select_n3A_3296 : vector<16xi32> to vector<16xi32>
      tpu.vector_store %arg10[%swap3A_3297], %swap3A_3300 {strides = array<i32>} : memref<800xi32, #tpu.memory_space<vmem>>, vector<16xi32>,
      %get3A_3301 = arith.constant 112 : index
      %get3A_3302 = tpu.vector_load %arg10[%get3A_3301] {strides = array<i32>} : memref<800xi32, #tpu.memory_space<vmem>>, vector<16xi32>,
      %get3A_3303 = vector.shape_cast %get3A_3302 : vector<16xi32> to vector<16xi32>
      %get3A_3304 = arith.constant 112 : index
      %get3A_3305 = tpu.vector_load %arg8[%get3A_3304] {strides = array<i32>} : memref<800xi32, #tpu.memory_space<vmem>>, vector<16xi32>,
      %get3A_3306 = vector.shape_cast %get3A_3305 : vector<16xi32> to vector<16xi32>
      %eq3A_3307 = arith.constant 0 : i32
      %eq3A_3308 = vector.broadcast %eq3A_3307 : i32 to vector<16xi32>
      %eq3A_3309 = arith.cmpi eq, %get3A_3306, %eq3A_3308 : vector<16xi32>
      %add3A_3310 = arith.constant 512 : i32
      %add3A_3311 = vector.broadcast %add3A_3310 : i32 to vector<16xi32>
      %add3A_3312 = arith.addi %get3A_3303, %add3A_3311 : vector<16xi32>
      %select_n3A_3313 = arith.select %eq3A_3309, %add3A_3312, %get3A_3303 : vector<16xi1>, vector<16xi32>
      %swap3A_3314 = arith.constant 112 : index
      %swap3A_3315 = tpu.vector_load %arg10[%swap3A_3314] {strides = array<i32>} : memref<800xi32, #tpu.memory_space<vmem>>, vector<16xi32>,
      %swap3A_3316 = vector.shape_cast %swap3A_3315 : vector<16xi32> to vector<16xi32>
      %swap3A_3317 = vector.shape_cast %select_n3A_3313 : vector<16xi32> to vector<16xi32>
      tpu.vector_store %arg10[%swap3A_3314], %swap3A_3317 {strides = array<i32>} : memref<800xi32, #tpu.memory_space<vmem>>, vector<16xi32>,
      %get3A_3318 = arith.constant 128 : index
      %get3A_3319 = tpu.vector_load %arg10[%get3A_3318] {strides = array<i32>} : memref<800xi32, #tpu.memory_space<vmem>>, vector<16xi32>,
      %get3A_3320 = vector.shape_cast %get3A_3319 : vector<16xi32> to vector<16xi32>
      %get3A_3321 = arith.constant 128 : index
      %get3A_3322 = tpu.vector_load %arg8[%get3A_3321] {strides = array<i32>} : memref<800xi32, #tpu.memory_space<vmem>>, vector<16xi32>,
      %get3A_3323 = vector.shape_cast %get3A_3322 : vector<16xi32> to vector<16xi32>
      %eq3A_3324 = arith.constant 0 : i32
      %eq3A_3325 = vector.broadcast %eq3A_3324 : i32 to vector<16xi32>
      %eq3A_3326 = arith.cmpi eq, %get3A_3323, %eq3A_3325 : vector<16xi32>
      %add3A_3327 = arith.constant 512 : i32
      %add3A_3328 = vector.broadcast %add3A_3327 : i32 to vector<16xi32>
      %add3A_3329 = arith.addi %get3A_3320, %add3A_3328 : vector<16xi32>
      %select_n3A_3330 = arith.select %eq3A_3326, %add3A_3329, %get3A_3320 : vector<16xi1>, vector<16xi32>
      %swap3A_3331 = arith.constant 128 : index
      %swap3A_3332 = tpu.vector_load %arg10[%swap3A_3331] {strides = array<i32>} : memref<800xi32, #tpu.memory_space<vmem>>, vector<16xi32>,
      %swap3A_3333 = vector.shape_cast %swap3A_3332 : vector<16xi32> to vector<16xi32>
      %swap3A_3334 = vector.shape_cast %select_n3A_3330 : vector<16xi32> to vector<16xi32>
      tpu.vector_store %arg10[%swap3A_3331], %swap3A_3334 {strides = array<i32>} : memref<800xi32, #tpu.memory_space<vmem>>, vector<16xi32>,
      %get3A_3335 = arith.constant 144 : index
      %get3A_3336 = tpu.vector_load %arg10[%get3A_3335] {strides = array<i32>} : memref<800xi32, #tpu.memory_space<vmem>>, vector<16xi32>,
      %get3A_3337 = vector.shape_cast %get3A_3336 : vector<16xi32> to vector<16xi32>
      %get3A_3338 = arith.constant 144 : index
      %get3A_3339 = tpu.vector_load %arg8[%get3A_3338] {strides = array<i32>} : memref<800xi32, #tpu.memory_space<vmem>>, vector<16xi32>,
      %get3A_3340 = vector.shape_cast %get3A_3339 : vector<16xi32> to vector<16xi32>
      %eq3A_3341 = arith.constant 0 : i32
      %eq3A_3342 = vector.broadcast %eq3A_3341 : i32 to vector<16xi32>
      %eq3A_3343 = arith.cmpi eq, %get3A_3340, %eq3A_3342 : vector<16xi32>
      %add3A_3344 = arith.constant 512 : i32
      %add3A_3345 = vector.broadcast %add3A_3344 : i32 to vector<16xi32>
      %add3A_3346 = arith.addi %get3A_3337, %add3A_3345 : vector<16xi32>
      %select_n3A_3347 = arith.select %eq3A_3343, %add3A_3346, %get3A_3337 : vector<16xi1>, vector<16xi32>
      %swap3A_3348 = arith.constant 144 : index
      %swap3A_3349 = tpu.vector_load %arg10[%swap3A_3348] {strides = array<i32>} : memref<800xi32, #tpu.memory_space<vmem>>, vector<16xi32>,
      %swap3A_3350 = vector.shape_cast %swap3A_3349 : vector<16xi32> to vector<16xi32>
      %swap3A_3351 = vector.shape_cast %select_n3A_3347 : vector<16xi32> to vector<16xi32>
      tpu.vector_store %arg10[%swap3A_3348], %swap3A_3351 {strides = array<i32>} : memref<800xi32, #tpu.memory_space<vmem>>, vector<16xi32>,
      %get3A_3352 = arith.constant 160 : index
      %get3A_3353 = tpu.vector_load %arg10[%get3A_3352] {strides = array<i32>} : memref<800xi32, #tpu.memory_space<vmem>>, vector<16xi32>,
      %get3A_3354 = vector.shape_cast %get3A_3353 : vector<16xi32> to vector<16xi32>
      %get3A_3355 = arith.constant 160 : index
      %get3A_3356 = tpu.vector_load %arg8[%get3A_3355] {strides = array<i32>} : memref<800xi32, #tpu.memory_space<vmem>>, vector<16xi32>,
      %get3A_3357 = vector.shape_cast %get3A_3356 : vector<16xi32> to vector<16xi32>
      %eq3A_3358 = arith.constant 0 : i32
      %eq3A_3359 = vector.broadcast %eq3A_3358 : i32 to vector<16xi32>
      %eq3A_3360 = arith.cmpi eq, %get3A_3357, %eq3A_3359 : vector<16xi32>
      %add3A_3361 = arith.constant 512 : i32
      %add3A_3362 = vector.broadcast %add3A_3361 : i32 to vector<16xi32>
      %add3A_3363 = arith.addi %get3A_3354, %add3A_3362 : vector<16xi32>
      %select_n3A_3364 = arith.select %eq3A_3360, %add3A_3363, %get3A_3354 : vector<16xi1>, vector<16xi32>
      %swap3A_3365 = arith.constant 160 : index
      %swap3A_3366 = tpu.vector_load %arg10[%swap3A_3365] {strides = array<i32>} : memref<800xi32, #tpu.memory_space<vmem>>, vector<16xi32>,
      %swap3A_3367 = vector.shape_cast %swap3A_3366 : vector<16xi32> to vector<16xi32>
      %swap3A_3368 = vector.shape_cast %select_n3A_3364 : vector<16xi32> to vector<16xi32>
      tpu.vector_store %arg10[%swap3A_3365], %swap3A_3368 {strides = array<i32>} : memref<800xi32, #tpu.memory_space<vmem>>, vector<16xi32>,
      %get3A_3369 = arith.constant 176 : index
      %get3A_3370 = tpu.vector_load %arg10[%get3A_3369] {strides = array<i32>} : memref<800xi32, #tpu.memory_space<vmem>>, vector<16xi32>,
      %get3A_3371 = vector.shape_cast %get3A_3370 : vector<16xi32> to vector<16xi32>
      %get3A_3372 = arith.constant 176 : index
      %get3A_3373 = tpu.vector_load %arg8[%get3A_3372] {strides = array<i32>} : memref<800xi32, #tpu.memory_space<vmem>>, vector<16xi32>,
      %get3A_3374 = vector.shape_cast %get3A_3373 : vector<16xi32> to vector<16xi32>
      %eq3A_3375 = arith.constant 0 : i32
      %eq3A_3376 = vector.broadcast %eq3A_3375 : i32 to vector<16xi32>
      %eq3A_3377 = arith.cmpi eq, %get3A_3374, %eq3A_3376 : vector<16xi32>
      %add3A_3378 = arith.constant 512 : i32
      %add3A_3379 = vector.broadcast %add3A_3378 : i32 to vector<16xi32>
      %add3A_3380 = arith.addi %get3A_3371, %add3A_3379 : vector<16xi32>
      %select_n3A_3381 = arith.select %eq3A_3377, %add3A_3380, %get3A_3371 : vector<16xi1>, vector<16xi32>
      %swap3A_3382 = arith.constant 176 : index
      %swap3A_3383 = tpu.vector_load %arg10[%swap3A_3382] {strides = array<i32>} : memref<800xi32, #tpu.memory_space<vmem>>, vector<16xi32>,
      %swap3A_3384 = vector.shape_cast %swap3A_3383 : vector<16xi32> to vector<16xi32>
      %swap3A_3385 = vector.shape_cast %select_n3A_3381 : vector<16xi32> to vector<16xi32>
      tpu.vector_store %arg10[%swap3A_3382], %swap3A_3385 {strides = array<i32>} : memref<800xi32, #tpu.memory_space<vmem>>, vector<16xi32>,
      %get3A_3386 = arith.constant 192 : index
      %get3A_3387 = tpu.vector_load %arg10[%get3A_3386] {strides = array<i32>} : memref<800xi32, #tpu.memory_space<vmem>>, vector<16xi32>,
      %get3A_3388 = vector.shape_cast %get3A_3387 : vector<16xi32> to vector<16xi32>
      %get3A_3389 = arith.constant 192 : index
      %get3A_3390 = tpu.vector_load %arg8[%get3A_3389] {strides = array<i32>} : memref<800xi32, #tpu.memory_space<vmem>>, vector<16xi32>,
      %get3A_3391 = vector.shape_cast %get3A_3390 : vector<16xi32> to vector<16xi32>
      %eq3A_3392 = arith.constant 0 : i32
      %eq3A_3393 = vector.broadcast %eq3A_3392 : i32 to vector<16xi32>
      %eq3A_3394 = arith.cmpi eq, %get3A_3391, %eq3A_3393 : vector<16xi32>
      %add3A_3395 = arith.constant 512 : i32
      %add3A_3396 = vector.broadcast %add3A_3395 : i32 to vector<16xi32>
      %add3A_3397 = arith.addi %get3A_3388, %add3A_3396 : vector<16xi32>
      %select_n3A_3398 = arith.select %eq3A_3394, %add3A_3397, %get3A_3388 : vector<16xi1>, vector<16xi32>
      %swap3A_3399 = arith.constant 192 : index
      %swap3A_3400 = tpu.vector_load %arg10[%swap3A_3399] {strides = array<i32>} : memref<800xi32, #tpu.memory_space<vmem>>, vector<16xi32>,
      %swap3A_3401 = vector.shape_cast %swap3A_3400 : vector<16xi32> to vector<16xi32>
      %swap3A_3402 = vector.shape_cast %select_n3A_3398 : vector<16xi32> to vector<16xi32>
      tpu.vector_store %arg10[%swap3A_3399], %swap3A_3402 {strides = array<i32>} : memref<800xi32, #tpu.memory_space<vmem>>, vector<16xi32>,
      %get3A_3403 = arith.constant 208 : index
      %get3A_3404 = tpu.vector_load %arg10[%get3A_3403] {strides = array<i32>} : memref<800xi32, #tpu.memory_space<vmem>>, vector<16xi32>,
      %get3A_3405 = vector.shape_cast %get3A_3404 : vector<16xi32> to vector<16xi32>
      %get3A_3406 = arith.constant 208 : index
      %get3A_3407 = tpu.vector_load %arg8[%get3A_3406] {strides = array<i32>} : memref<800xi32, #tpu.memory_space<vmem>>, vector<16xi32>,
      %get3A_3408 = vector.shape_cast %get3A_3407 : vector<16xi32> to vector<16xi32>
      %eq3A_3409 = arith.constant 0 : i32
      %eq3A_3410 = vector.broadcast %eq3A_3409 : i32 to vector<16xi32>
      %eq3A_3411 = arith.cmpi eq, %get3A_3408, %eq3A_3410 : vector<16xi32>
      %add3A_3412 = arith.constant 512 : i32
      %add3A_3413 = vector.broadcast %add3A_3412 : i32 to vector<16xi32>
      %add3A_3414 = arith.addi %get3A_3405, %add3A_3413 : vector<16xi32>
      %select_n3A_3415 = arith.select %eq3A_3411, %add3A_3414, %get3A_3405 : vector<16xi1>, vector<16xi32>
      %swap3A_3416 = arith.constant 208 : index
      %swap3A_3417 = tpu.vector_load %arg10[%swap3A_3416] {strides = array<i32>} : memref<800xi32, #tpu.memory_space<vmem>>, vector<16xi32>,
      %swap3A_3418 = vector.shape_cast %swap3A_3417 : vector<16xi32> to vector<16xi32>
      %swap3A_3419 = vector.shape_cast %select_n3A_3415 : vector<16xi32> to vector<16xi32>
      tpu.vector_store %arg10[%swap3A_3416], %swap3A_3419 {strides = array<i32>} : memref<800xi32, #tpu.memory_space<vmem>>, vector<16xi32>,
      %get3A_3420 = arith.constant 224 : index
      %get3A_3421 = tpu.vector_load %arg10[%get3A_3420] {strides = array<i32>} : memref<800xi32, #tpu.memory_space<vmem>>, vector<16xi32>,
      %get3A_3422 = vector.shape_cast %get3A_3421 : vector<16xi32> to vector<16xi32>
      %get3A_3423 = arith.constant 224 : index
      %get3A_3424 = tpu.vector_load %arg8[%get3A_3423] {strides = array<i32>} : memref<800xi32, #tpu.memory_space<vmem>>, vector<16xi32>,
      %get3A_3425 = vector.shape_cast %get3A_3424 : vector<16xi32> to vector<16xi32>
      %eq3A_3426 = arith.constant 0 : i32
      %eq3A_3427 = vector.broadcast %eq3A_3426 : i32 to vector<16xi32>
      %eq3A_3428 = arith.cmpi eq, %get3A_3425, %eq3A_3427 : vector<16xi32>
      %add3A_3429 = arith.constant 512 : i32
      %add3A_3430 = vector.broadcast %add3A_3429 : i32 to vector<16xi32>
      %add3A_3431 = arith.addi %get3A_3422, %add3A_3430 : vector<16xi32>
      %select_n3A_3432 = arith.select %eq3A_3428, %add3A_3431, %get3A_3422 : vector<16xi1>, vector<16xi32>
      %swap3A_3433 = arith.constant 224 : index
      %swap3A_3434 = tpu.vector_load %arg10[%swap3A_3433] {strides = array<i32>} : memref<800xi32, #tpu.memory_space<vmem>>, vector<16xi32>,
      %swap3A_3435 = vector.shape_cast %swap3A_3434 : vector<16xi32> to vector<16xi32>
      %swap3A_3436 = vector.shape_cast %select_n3A_3432 : vector<16xi32> to vector<16xi32>
      tpu.vector_store %arg10[%swap3A_3433], %swap3A_3436 {strides = array<i32>} : memref<800xi32, #tpu.memory_space<vmem>>, vector<16xi32>,
      %get3A_3437 = arith.constant 240 : index
      %get3A_3438 = tpu.vector_load %arg10[%get3A_3437] {strides = array<i32>} : memref<800xi32, #tpu.memory_space<vmem>>, vector<16xi32>,
      %get3A_3439 = vector.shape_cast %get3A_3438 : vector<16xi32> to vector<16xi32>
      %get3A_3440 = arith.constant 240 : index
      %get3A_3441 = tpu.vector_load %arg8[%get3A_3440] {strides = array<i32>} : memref<800xi32, #tpu.memory_space<vmem>>, vector<16xi32>,
      %get3A_3442 = vector.shape_cast %get3A_3441 : vector<16xi32> to vector<16xi32>
      %eq3A_3443 = arith.constant 0 : i32
      %eq3A_3444 = vector.broadcast %eq3A_3443 : i32 to vector<16xi32>
      %eq3A_3445 = arith.cmpi eq, %get3A_3442, %eq3A_3444 : vector<16xi32>
      %add3A_3446 = arith.constant 512 : i32
      %add3A_3447 = vector.broadcast %add3A_3446 : i32 to vector<16xi32>
      %add3A_3448 = arith.addi %get3A_3439, %add3A_3447 : vector<16xi32>
      %select_n3A_3449 = arith.select %eq3A_3445, %add3A_3448, %get3A_3439 : vector<16xi1>, vector<16xi32>
      %swap3A_3450 = arith.constant 240 : index
      %swap3A_3451 = tpu.vector_load %arg10[%swap3A_3450] {strides = array<i32>} : memref<800xi32, #tpu.memory_space<vmem>>, vector<16xi32>,
      %swap3A_3452 = vector.shape_cast %swap3A_3451 : vector<16xi32> to vector<16xi32>
      %swap3A_3453 = vector.shape_cast %select_n3A_3449 : vector<16xi32> to vector<16xi32>
      tpu.vector_store %arg10[%swap3A_3450], %swap3A_3453 {strides = array<i32>} : memref<800xi32, #tpu.memory_space<vmem>>, vector<16xi32>,
      %get3A_3454 = arith.constant 256 : index
      %get3A_3455 = tpu.vector_load %arg10[%get3A_3454] {strides = array<i32>} : memref<800xi32, #tpu.memory_space<vmem>>, vector<16xi32>,
      %get3A_3456 = vector.shape_cast %get3A_3455 : vector<16xi32> to vector<16xi32>
      %get3A_3457 = arith.constant 256 : index
      %get3A_3458 = tpu.vector_load %arg8[%get3A_3457] {strides = array<i32>} : memref<800xi32, #tpu.memory_space<vmem>>, vector<16xi32>,
      %get3A_3459 = vector.shape_cast %get3A_3458 : vector<16xi32> to vector<16xi32>
      %eq3A_3460 = arith.constant 0 : i32
      %eq3A_3461 = vector.broadcast %eq3A_3460 : i32 to vector<16xi32>
      %eq3A_3462 = arith.cmpi eq, %get3A_3459, %eq3A_3461 : vector<16xi32>
      %add3A_3463 = arith.constant 512 : i32
      %add3A_3464 = vector.broadcast %add3A_3463 : i32 to vector<16xi32>
      %add3A_3465 = arith.addi %get3A_3456, %add3A_3464 : vector<16xi32>
      %select_n3A_3466 = arith.select %eq3A_3462, %add3A_3465, %get3A_3456 : vector<16xi1>, vector<16xi32>
      %swap3A_3467 = arith.constant 256 : index
      %swap3A_3468 = tpu.vector_load %arg10[%swap3A_3467] {strides = array<i32>} : memref<800xi32, #tpu.memory_space<vmem>>, vector<16xi32>,
      %swap3A_3469 = vector.shape_cast %swap3A_3468 : vector<16xi32> to vector<16xi32>
      %swap3A_3470 = vector.shape_cast %select_n3A_3466 : vector<16xi32> to vector<16xi32>
      tpu.vector_store %arg10[%swap3A_3467], %swap3A_3470 {strides = array<i32>} : memref<800xi32, #tpu.memory_space<vmem>>, vector<16xi32>,
      %get3A_3471 = arith.constant 272 : index
      %get3A_3472 = tpu.vector_load %arg10[%get3A_3471] {strides = array<i32>} : memref<800xi32, #tpu.memory_space<vmem>>, vector<16xi32>,
      %get3A_3473 = vector.shape_cast %get3A_3472 : vector<16xi32> to vector<16xi32>
      %get3A_3474 = arith.constant 272 : index
      %get3A_3475 = tpu.vector_load %arg8[%get3A_3474] {strides = array<i32>} : memref<800xi32, #tpu.memory_space<vmem>>, vector<16xi32>,
      %get3A_3476 = vector.shape_cast %get3A_3475 : vector<16xi32> to vector<16xi32>
      %eq3A_3477 = arith.constant 0 : i32
      %eq3A_3478 = vector.broadcast %eq3A_3477 : i32 to vector<16xi32>
      %eq3A_3479 = arith.cmpi eq, %get3A_3476, %eq3A_3478 : vector<16xi32>
      %add3A_3480 = arith.constant 512 : i32
      %add3A_3481 = vector.broadcast %add3A_3480 : i32 to vector<16xi32>
      %add3A_3482 = arith.addi %get3A_3473, %add3A_3481 : vector<16xi32>
      %select_n3A_3483 = arith.select %eq3A_3479, %add3A_3482, %get3A_3473 : vector<16xi1>, vector<16xi32>
      %swap3A_3484 = arith.constant 272 : index
      %swap3A_3485 = tpu.vector_load %arg10[%swap3A_3484] {strides = array<i32>} : memref<800xi32, #tpu.memory_space<vmem>>, vector<16xi32>,
      %swap3A_3486 = vector.shape_cast %swap3A_3485 : vector<16xi32> to vector<16xi32>
      %swap3A_3487 = vector.shape_cast %select_n3A_3483 : vector<16xi32> to vector<16xi32>
      tpu.vector_store %arg10[%swap3A_3484], %swap3A_3487 {strides = array<i32>} : memref<800xi32, #tpu.memory_space<vmem>>, vector<16xi32>,
      %get3A_3488 = arith.constant 288 : index
      %get3A_3489 = tpu.vector_load %arg10[%get3A_3488] {strides = array<i32>} : memref<800xi32, #tpu.memory_space<vmem>>, vector<16xi32>,
      %get3A_3490 = vector.shape_cast %get3A_3489 : vector<16xi32> to vector<16xi32>
      %get3A_3491 = arith.constant 288 : index
      %get3A_3492 = tpu.vector_load %arg8[%get3A_3491] {strides = array<i32>} : memref<800xi32, #tpu.memory_space<vmem>>, vector<16xi32>,
      %get3A_3493 = vector.shape_cast %get3A_3492 : vector<16xi32> to vector<16xi32>
      %eq3A_3494 = arith.constant 0 : i32
      %eq3A_3495 = vector.broadcast %eq3A_3494 : i32 to vector<16xi32>
      %eq3A_3496 = arith.cmpi eq, %get3A_3493, %eq3A_3495 : vector<16xi32>
      %add3A_3497 = arith.constant 512 : i32
      %add3A_3498 = vector.broadcast %add3A_3497 : i32 to vector<16xi32>
      %add3A_3499 = arith.addi %get3A_3490, %add3A_3498 : vector<16xi32>
      %select_n3A_3500 = arith.select %eq3A_3496, %add3A_3499, %get3A_3490 : vector<16xi1>, vector<16xi32>
      %swap3A_3501 = arith.constant 288 : index
      %swap3A_3502 = tpu.vector_load %arg10[%swap3A_3501] {strides = array<i32>} : memref<800xi32, #tpu.memory_space<vmem>>, vector<16xi32>,
      %swap3A_3503 = vector.shape_cast %swap3A_3502 : vector<16xi32> to vector<16xi32>
      %swap3A_3504 = vector.shape_cast %select_n3A_3500 : vector<16xi32> to vector<16xi32>
      tpu.vector_store %arg10[%swap3A_3501], %swap3A_3504 {strides = array<i32>} : memref<800xi32, #tpu.memory_space<vmem>>, vector<16xi32>,
      %get3A_3505 = arith.constant 304 : index
      %get3A_3506 = tpu.vector_load %arg10[%get3A_3505] {strides = array<i32>} : memref<800xi32, #tpu.memory_space<vmem>>, vector<16xi32>,
      %get3A_3507 = vector.shape_cast %get3A_3506 : vector<16xi32> to vector<16xi32>
      %get3A_3508 = arith.constant 304 : index
      %get3A_3509 = tpu.vector_load %arg8[%get3A_3508] {strides = array<i32>} : memref<800xi32, #tpu.memory_space<vmem>>, vector<16xi32>,
      %get3A_3510 = vector.shape_cast %get3A_3509 : vector<16xi32> to vector<16xi32>
      %eq3A_3511 = arith.constant 0 : i32
      %eq3A_3512 = vector.broadcast %eq3A_3511 : i32 to vector<16xi32>
      %eq3A_3513 = arith.cmpi eq, %get3A_3510, %eq3A_3512 : vector<16xi32>
      %add3A_3514 = arith.constant 512 : i32
      %add3A_3515 = vector.broadcast %add3A_3514 : i32 to vector<16xi32>
      %add3A_3516 = arith.addi %get3A_3507, %add3A_3515 : vector<16xi32>
      %select_n3A_3517 = arith.select %eq3A_3513, %add3A_3516, %get3A_3507 : vector<16xi1>, vector<16xi32>
      %swap3A_3518 = arith.constant 304 : index
      %swap3A_3519 = tpu.vector_load %arg10[%swap3A_3518] {strides = array<i32>} : memref<800xi32, #tpu.memory_space<vmem>>, vector<16xi32>,
      %swap3A_3520 = vector.shape_cast %swap3A_3519 : vector<16xi32> to vector<16xi32>
      %swap3A_3521 = vector.shape_cast %select_n3A_3517 : vector<16xi32> to vector<16xi32>
      tpu.vector_store %arg10[%swap3A_3518], %swap3A_3521 {strides = array<i32>} : memref<800xi32, #tpu.memory_space<vmem>>, vector<16xi32>,
      %get3A_3522 = arith.constant 320 : index
      %get3A_3523 = tpu.vector_load %arg10[%get3A_3522] {strides = array<i32>} : memref<800xi32, #tpu.memory_space<vmem>>, vector<16xi32>,
      %get3A_3524 = vector.shape_cast %get3A_3523 : vector<16xi32> to vector<16xi32>
      %get3A_3525 = arith.constant 320 : index
      %get3A_3526 = tpu.vector_load %arg8[%get3A_3525] {strides = array<i32>} : memref<800xi32, #tpu.memory_space<vmem>>, vector<16xi32>,
      %get3A_3527 = vector.shape_cast %get3A_3526 : vector<16xi32> to vector<16xi32>
      %eq3A_3528 = arith.constant 0 : i32
      %eq3A_3529 = vector.broadcast %eq3A_3528 : i32 to vector<16xi32>
      %eq3A_3530 = arith.cmpi eq, %get3A_3527, %eq3A_3529 : vector<16xi32>
      %add3A_3531 = arith.constant 512 : i32
      %add3A_3532 = vector.broadcast %add3A_3531 : i32 to vector<16xi32>
      %add3A_3533 = arith.addi %get3A_3524, %add3A_3532 : vector<16xi32>
      %select_n3A_3534 = arith.select %eq3A_3530, %add3A_3533, %get3A_3524 : vector<16xi1>, vector<16xi32>
      %swap3A_3535 = arith.constant 320 : index
      %swap3A_3536 = tpu.vector_load %arg10[%swap3A_3535] {strides = array<i32>} : memref<800xi32, #tpu.memory_space<vmem>>, vector<16xi32>,
      %swap3A_3537 = vector.shape_cast %swap3A_3536 : vector<16xi32> to vector<16xi32>
      %swap3A_3538 = vector.shape_cast %select_n3A_3534 : vector<16xi32> to vector<16xi32>
      tpu.vector_store %arg10[%swap3A_3535], %swap3A_3538 {strides = array<i32>} : memref<800xi32, #tpu.memory_space<vmem>>, vector<16xi32>,
      %get3A_3539 = arith.constant 336 : index
      %get3A_3540 = tpu.vector_load %arg10[%get3A_3539] {strides = array<i32>} : memref<800xi32, #tpu.memory_space<vmem>>, vector<16xi32>,
      %get3A_3541 = vector.shape_cast %get3A_3540 : vector<16xi32> to vector<16xi32>
      %get3A_3542 = arith.constant 336 : index
      %get3A_3543 = tpu.vector_load %arg8[%get3A_3542] {strides = array<i32>} : memref<800xi32, #tpu.memory_space<vmem>>, vector<16xi32>,
      %get3A_3544 = vector.shape_cast %get3A_3543 : vector<16xi32> to vector<16xi32>
      %eq3A_3545 = arith.constant 0 : i32
      %eq3A_3546 = vector.broadcast %eq3A_3545 : i32 to vector<16xi32>
      %eq3A_3547 = arith.cmpi eq, %get3A_3544, %eq3A_3546 : vector<16xi32>
      %add3A_3548 = arith.constant 512 : i32
      %add3A_3549 = vector.broadcast %add3A_3548 : i32 to vector<16xi32>
      %add3A_3550 = arith.addi %get3A_3541, %add3A_3549 : vector<16xi32>
      %select_n3A_3551 = arith.select %eq3A_3547, %add3A_3550, %get3A_3541 : vector<16xi1>, vector<16xi32>
      %swap3A_3552 = arith.constant 336 : index
      %swap3A_3553 = tpu.vector_load %arg10[%swap3A_3552] {strides = array<i32>} : memref<800xi32, #tpu.memory_space<vmem>>, vector<16xi32>,
      %swap3A_3554 = vector.shape_cast %swap3A_3553 : vector<16xi32> to vector<16xi32>
      %swap3A_3555 = vector.shape_cast %select_n3A_3551 : vector<16xi32> to vector<16xi32>
      tpu.vector_store %arg10[%swap3A_3552], %swap3A_3555 {strides = array<i32>} : memref<800xi32, #tpu.memory_space<vmem>>, vector<16xi32>,
      %get3A_3556 = arith.constant 352 : index
      %get3A_3557 = tpu.vector_load %arg10[%get3A_3556] {strides = array<i32>} : memref<800xi32, #tpu.memory_space<vmem>>, vector<16xi32>,
      %get3A_3558 = vector.shape_cast %get3A_3557 : vector<16xi32> to vector<16xi32>
      %get3A_3559 = arith.constant 352 : index
      %get3A_3560 = tpu.vector_load %arg8[%get3A_3559] {strides = array<i32>} : memref<800xi32, #tpu.memory_space<vmem>>, vector<16xi32>,
      %get3A_3561 = vector.shape_cast %get3A_3560 : vector<16xi32> to vector<16xi32>
      %eq3A_3562 = arith.constant 0 : i32
      %eq3A_3563 = vector.broadcast %eq3A_3562 : i32 to vector<16xi32>
      %eq3A_3564 = arith.cmpi eq, %get3A_3561, %eq3A_3563 : vector<16xi32>
      %add3A_3565 = arith.constant 512 : i32
      %add3A_3566 = vector.broadcast %add3A_3565 : i32 to vector<16xi32>
      %add3A_3567 = arith.addi %get3A_3558, %add3A_3566 : vector<16xi32>
      %select_n3A_3568 = arith.select %eq3A_3564, %add3A_3567, %get3A_3558 : vector<16xi1>, vector<16xi32>
      %swap3A_3569 = arith.constant 352 : index
      %swap3A_3570 = tpu.vector_load %arg10[%swap3A_3569] {strides = array<i32>} : memref<800xi32, #tpu.memory_space<vmem>>, vector<16xi32>,
      %swap3A_3571 = vector.shape_cast %swap3A_3570 : vector<16xi32> to vector<16xi32>
      %swap3A_3572 = vector.shape_cast %select_n3A_3568 : vector<16xi32> to vector<16xi32>
      tpu.vector_store %arg10[%swap3A_3569], %swap3A_3572 {strides = array<i32>} : memref<800xi32, #tpu.memory_space<vmem>>, vector<16xi32>,
      %get3A_3573 = arith.constant 368 : index
      %get3A_3574 = tpu.vector_load %arg10[%get3A_3573] {strides = array<i32>} : memref<800xi32, #tpu.memory_space<vmem>>, vector<16xi32>,
      %get3A_3575 = vector.shape_cast %get3A_3574 : vector<16xi32> to vector<16xi32>
      %get3A_3576 = arith.constant 368 : index
      %get3A_3577 = tpu.vector_load %arg8[%get3A_3576] {strides = array<i32>} : memref<800xi32, #tpu.memory_space<vmem>>, vector<16xi32>,
      %get3A_3578 = vector.shape_cast %get3A_3577 : vector<16xi32> to vector<16xi32>
      %eq3A_3579 = arith.constant 0 : i32
      %eq3A_3580 = vector.broadcast %eq3A_3579 : i32 to vector<16xi32>
      %eq3A_3581 = arith.cmpi eq, %get3A_3578, %eq3A_3580 : vector<16xi32>
      %add3A_3582 = arith.constant 512 : i32
      %add3A_3583 = vector.broadcast %add3A_3582 : i32 to vector<16xi32>
      %add3A_3584 = arith.addi %get3A_3575, %add3A_3583 : vector<16xi32>
      %select_n3A_3585 = arith.select %eq3A_3581, %add3A_3584, %get3A_3575 : vector<16xi1>, vector<16xi32>
      %swap3A_3586 = arith.constant 368 : index
      %swap3A_3587 = tpu.vector_load %arg10[%swap3A_3586] {strides = array<i32>} : memref<800xi32, #tpu.memory_space<vmem>>, vector<16xi32>,
      %swap3A_3588 = vector.shape_cast %swap3A_3587 : vector<16xi32> to vector<16xi32>
      %swap3A_3589 = vector.shape_cast %select_n3A_3585 : vector<16xi32> to vector<16xi32>
      tpu.vector_store %arg10[%swap3A_3586], %swap3A_3589 {strides = array<i32>} : memref<800xi32, #tpu.memory_space<vmem>>, vector<16xi32>,
      %get3A_3590 = arith.constant 384 : index
      %get3A_3591 = tpu.vector_load %arg10[%get3A_3590] {strides = array<i32>} : memref<800xi32, #tpu.memory_space<vmem>>, vector<16xi32>,
      %get3A_3592 = vector.shape_cast %get3A_3591 : vector<16xi32> to vector<16xi32>
      %get3A_3593 = arith.constant 384 : index
      %get3A_3594 = tpu.vector_load %arg8[%get3A_3593] {strides = array<i32>} : memref<800xi32, #tpu.memory_space<vmem>>, vector<16xi32>,
      %get3A_3595 = vector.shape_cast %get3A_3594 : vector<16xi32> to vector<16xi32>
      %eq3A_3596 = arith.constant 0 : i32
      %eq3A_3597 = vector.broadcast %eq3A_3596 : i32 to vector<16xi32>
      %eq3A_3598 = arith.cmpi eq, %get3A_3595, %eq3A_3597 : vector<16xi32>
      %add3A_3599 = arith.constant 512 : i32
      %add3A_3600 = vector.broadcast %add3A_3599 : i32 to vector<16xi32>
      %add3A_3601 = arith.addi %get3A_3592, %add3A_3600 : vector<16xi32>
      %select_n3A_3602 = arith.select %eq3A_3598, %add3A_3601, %get3A_3592 : vector<16xi1>, vector<16xi32>
      %swap3A_3603 = arith.constant 384 : index
      %swap3A_3604 = tpu.vector_load %arg10[%swap3A_3603] {strides = array<i32>} : memref<800xi32, #tpu.memory_space<vmem>>, vector<16xi32>,
      %swap3A_3605 = vector.shape_cast %swap3A_3604 : vector<16xi32> to vector<16xi32>
      %swap3A_3606 = vector.shape_cast %select_n3A_3602 : vector<16xi32> to vector<16xi32>
      tpu.vector_store %arg10[%swap3A_3603], %swap3A_3606 {strides = array<i32>} : memref<800xi32, #tpu.memory_space<vmem>>, vector<16xi32>,
      %get3A_3607 = arith.constant 400 : index
      %get3A_3608 = tpu.vector_load %arg10[%get3A_3607] {strides = array<i32>} : memref<800xi32, #tpu.memory_space<vmem>>, vector<16xi32>,
      %get3A_3609 = vector.shape_cast %get3A_3608 : vector<16xi32> to vector<16xi32>
      %get3A_3610 = arith.constant 400 : index
      %get3A_3611 = tpu.vector_load %arg8[%get3A_3610] {strides = array<i32>} : memref<800xi32, #tpu.memory_space<vmem>>, vector<16xi32>,
      %get3A_3612 = vector.shape_cast %get3A_3611 : vector<16xi32> to vector<16xi32>
      %eq3A_3613 = arith.constant 0 : i32
      %eq3A_3614 = vector.broadcast %eq3A_3613 : i32 to vector<16xi32>
      %eq3A_3615 = arith.cmpi eq, %get3A_3612, %eq3A_3614 : vector<16xi32>
      %add3A_3616 = arith.constant 512 : i32
      %add3A_3617 = vector.broadcast %add3A_3616 : i32 to vector<16xi32>
      %add3A_3618 = arith.addi %get3A_3609, %add3A_3617 : vector<16xi32>
      %select_n3A_3619 = arith.select %eq3A_3615, %add3A_3618, %get3A_3609 : vector<16xi1>, vector<16xi32>
      %swap3A_3620 = arith.constant 400 : index
      %swap3A_3621 = tpu.vector_load %arg10[%swap3A_3620] {strides = array<i32>} : memref<800xi32, #tpu.memory_space<vmem>>, vector<16xi32>,
      %swap3A_3622 = vector.shape_cast %swap3A_3621 : vector<16xi32> to vector<16xi32>
      %swap3A_3623 = vector.shape_cast %select_n3A_3619 : vector<16xi32> to vector<16xi32>
      tpu.vector_store %arg10[%swap3A_3620], %swap3A_3623 {strides = array<i32>} : memref<800xi32, #tpu.memory_space<vmem>>, vector<16xi32>,
      %get3A_3624 = arith.constant 416 : index
      %get3A_3625 = tpu.vector_load %arg10[%get3A_3624] {strides = array<i32>} : memref<800xi32, #tpu.memory_space<vmem>>, vector<16xi32>,
      %get3A_3626 = vector.shape_cast %get3A_3625 : vector<16xi32> to vector<16xi32>
      %get3A_3627 = arith.constant 416 : index
      %get3A_3628 = tpu.vector_load %arg8[%get3A_3627] {strides = array<i32>} : memref<800xi32, #tpu.memory_space<vmem>>, vector<16xi32>,
      %get3A_3629 = vector.shape_cast %get3A_3628 : vector<16xi32> to vector<16xi32>
      %eq3A_3630 = arith.constant 0 : i32
      %eq3A_3631 = vector.broadcast %eq3A_3630 : i32 to vector<16xi32>
      %eq3A_3632 = arith.cmpi eq, %get3A_3629, %eq3A_3631 : vector<16xi32>
      %add3A_3633 = arith.constant 512 : i32
      %add3A_3634 = vector.broadcast %add3A_3633 : i32 to vector<16xi32>
      %add3A_3635 = arith.addi %get3A_3626, %add3A_3634 : vector<16xi32>
      %select_n3A_3636 = arith.select %eq3A_3632, %add3A_3635, %get3A_3626 : vector<16xi1>, vector<16xi32>
      %swap3A_3637 = arith.constant 416 : index
      %swap3A_3638 = tpu.vector_load %arg10[%swap3A_3637] {strides = array<i32>} : memref<800xi32, #tpu.memory_space<vmem>>, vector<16xi32>,
      %swap3A_3639 = vector.shape_cast %swap3A_3638 : vector<16xi32> to vector<16xi32>
      %swap3A_3640 = vector.shape_cast %select_n3A_3636 : vector<16xi32> to vector<16xi32>
      tpu.vector_store %arg10[%swap3A_3637], %swap3A_3640 {strides = array<i32>} : memref<800xi32, #tpu.memory_space<vmem>>, vector<16xi32>,
      %get3A_3641 = arith.constant 432 : index
      %get3A_3642 = tpu.vector_load %arg10[%get3A_3641] {strides = array<i32>} : memref<800xi32, #tpu.memory_space<vmem>>, vector<16xi32>,
      %get3A_3643 = vector.shape_cast %get3A_3642 : vector<16xi32> to vector<16xi32>
      %get3A_3644 = arith.constant 432 : index
      %get3A_3645 = tpu.vector_load %arg8[%get3A_3644] {strides = array<i32>} : memref<800xi32, #tpu.memory_space<vmem>>, vector<16xi32>,
      %get3A_3646 = vector.shape_cast %get3A_3645 : vector<16xi32> to vector<16xi32>
      %eq3A_3647 = arith.constant 0 : i32
      %eq3A_3648 = vector.broadcast %eq3A_3647 : i32 to vector<16xi32>
      %eq3A_3649 = arith.cmpi eq, %get3A_3646, %eq3A_3648 : vector<16xi32>
      %add3A_3650 = arith.constant 512 : i32
      %add3A_3651 = vector.broadcast %add3A_3650 : i32 to vector<16xi32>
      %add3A_3652 = arith.addi %get3A_3643, %add3A_3651 : vector<16xi32>
      %select_n3A_3653 = arith.select %eq3A_3649, %add3A_3652, %get3A_3643 : vector<16xi1>, vector<16xi32>
      %swap3A_3654 = arith.constant 432 : index
      %swap3A_3655 = tpu.vector_load %arg10[%swap3A_3654] {strides = array<i32>} : memref<800xi32, #tpu.memory_space<vmem>>, vector<16xi32>,
      %swap3A_3656 = vector.shape_cast %swap3A_3655 : vector<16xi32> to vector<16xi32>
      %swap3A_3657 = vector.shape_cast %select_n3A_3653 : vector<16xi32> to vector<16xi32>
      tpu.vector_store %arg10[%swap3A_3654], %swap3A_3657 {strides = array<i32>} : memref<800xi32, #tpu.memory_space<vmem>>, vector<16xi32>,
      %get3A_3658 = arith.constant 448 : index
      %get3A_3659 = tpu.vector_load %arg10[%get3A_3658] {strides = array<i32>} : memref<800xi32, #tpu.memory_space<vmem>>, vector<16xi32>,
      %get3A_3660 = vector.shape_cast %get3A_3659 : vector<16xi32> to vector<16xi32>
      %get3A_3661 = arith.constant 448 : index
      %get3A_3662 = tpu.vector_load %arg8[%get3A_3661] {strides = array<i32>} : memref<800xi32, #tpu.memory_space<vmem>>, vector<16xi32>,
      %get3A_3663 = vector.shape_cast %get3A_3662 : vector<16xi32> to vector<16xi32>
      %eq3A_3664 = arith.constant 0 : i32
      %eq3A_3665 = vector.broadcast %eq3A_3664 : i32 to vector<16xi32>
      %eq3A_3666 = arith.cmpi eq, %get3A_3663, %eq3A_3665 : vector<16xi32>
      %add3A_3667 = arith.constant 512 : i32
      %add3A_3668 = vector.broadcast %add3A_3667 : i32 to vector<16xi32>
      %add3A_3669 = arith.addi %get3A_3660, %add3A_3668 : vector<16xi32>
      %select_n3A_3670 = arith.select %eq3A_3666, %add3A_3669, %get3A_3660 : vector<16xi1>, vector<16xi32>
      %swap3A_3671 = arith.constant 448 : index
      %swap3A_3672 = tpu.vector_load %arg10[%swap3A_3671] {strides = array<i32>} : memref<800xi32, #tpu.memory_space<vmem>>, vector<16xi32>,
      %swap3A_3673 = vector.shape_cast %swap3A_3672 : vector<16xi32> to vector<16xi32>
      %swap3A_3674 = vector.shape_cast %select_n3A_3670 : vector<16xi32> to vector<16xi32>
      tpu.vector_store %arg10[%swap3A_3671], %swap3A_3674 {strides = array<i32>} : memref<800xi32, #tpu.memory_space<vmem>>, vector<16xi32>,
      %get3A_3675 = arith.constant 464 : index
      %get3A_3676 = tpu.vector_load %arg10[%get3A_3675] {strides = array<i32>} : memref<800xi32, #tpu.memory_space<vmem>>, vector<16xi32>,
      %get3A_3677 = vector.shape_cast %get3A_3676 : vector<16xi32> to vector<16xi32>
      %get3A_3678 = arith.constant 464 : index
      %get3A_3679 = tpu.vector_load %arg8[%get3A_3678] {strides = array<i32>} : memref<800xi32, #tpu.memory_space<vmem>>, vector<16xi32>,
      %get3A_3680 = vector.shape_cast %get3A_3679 : vector<16xi32> to vector<16xi32>
      %eq3A_3681 = arith.constant 0 : i32
      %eq3A_3682 = vector.broadcast %eq3A_3681 : i32 to vector<16xi32>
      %eq3A_3683 = arith.cmpi eq, %get3A_3680, %eq3A_3682 : vector<16xi32>
      %add3A_3684 = arith.constant 512 : i32
      %add3A_3685 = vector.broadcast %add3A_3684 : i32 to vector<16xi32>
      %add3A_3686 = arith.addi %get3A_3677, %add3A_3685 : vector<16xi32>
      %select_n3A_3687 = arith.select %eq3A_3683, %add3A_3686, %get3A_3677 : vector<16xi1>, vector<16xi32>
      %swap3A_3688 = arith.constant 464 : index
      %swap3A_3689 = tpu.vector_load %arg10[%swap3A_3688] {strides = array<i32>} : memref<800xi32, #tpu.memory_space<vmem>>, vector<16xi32>,
      %swap3A_3690 = vector.shape_cast %swap3A_3689 : vector<16xi32> to vector<16xi32>
      %swap3A_3691 = vector.shape_cast %select_n3A_3687 : vector<16xi32> to vector<16xi32>
      tpu.vector_store %arg10[%swap3A_3688], %swap3A_3691 {strides = array<i32>} : memref<800xi32, #tpu.memory_space<vmem>>, vector<16xi32>,
      %get3A_3692 = arith.constant 480 : index
      %get3A_3693 = tpu.vector_load %arg10[%get3A_3692] {strides = array<i32>} : memref<800xi32, #tpu.memory_space<vmem>>, vector<16xi32>,
      %get3A_3694 = vector.shape_cast %get3A_3693 : vector<16xi32> to vector<16xi32>
      %get3A_3695 = arith.constant 480 : index
      %get3A_3696 = tpu.vector_load %arg8[%get3A_3695] {strides = array<i32>} : memref<800xi32, #tpu.memory_space<vmem>>, vector<16xi32>,
      %get3A_3697 = vector.shape_cast %get3A_3696 : vector<16xi32> to vector<16xi32>
      %eq3A_3698 = arith.constant 0 : i32
      %eq3A_3699 = vector.broadcast %eq3A_3698 : i32 to vector<16xi32>
      %eq3A_3700 = arith.cmpi eq, %get3A_3697, %eq3A_3699 : vector<16xi32>
      %add3A_3701 = arith.constant 512 : i32
      %add3A_3702 = vector.broadcast %add3A_3701 : i32 to vector<16xi32>
      %add3A_3703 = arith.addi %get3A_3694, %add3A_3702 : vector<16xi32>
      %select_n3A_3704 = arith.select %eq3A_3700, %add3A_3703, %get3A_3694 : vector<16xi1>, vector<16xi32>
      %swap3A_3705 = arith.constant 480 : index
      %swap3A_3706 = tpu.vector_load %arg10[%swap3A_3705] {strides = array<i32>} : memref<800xi32, #tpu.memory_space<vmem>>, vector<16xi32>,
      %swap3A_3707 = vector.shape_cast %swap3A_3706 : vector<16xi32> to vector<16xi32>
      %swap3A_3708 = vector.shape_cast %select_n3A_3704 : vector<16xi32> to vector<16xi32>
      tpu.vector_store %arg10[%swap3A_3705], %swap3A_3708 {strides = array<i32>} : memref<800xi32, #tpu.memory_space<vmem>>, vector<16xi32>,
      %get3A_3709 = arith.constant 496 : index
      %get3A_3710 = tpu.vector_load %arg10[%get3A_3709] {strides = array<i32>} : memref<800xi32, #tpu.memory_space<vmem>>, vector<16xi32>,
      %get3A_3711 = vector.shape_cast %get3A_3710 : vector<16xi32> to vector<16xi32>
      %get3A_3712 = arith.constant 496 : index
      %get3A_3713 = tpu.vector_load %arg8[%get3A_3712] {strides = array<i32>} : memref<800xi32, #tpu.memory_space<vmem>>, vector<16xi32>,
      %get3A_3714 = vector.shape_cast %get3A_3713 : vector<16xi32> to vector<16xi32>
      %eq3A_3715 = arith.constant 0 : i32
      %eq3A_3716 = vector.broadcast %eq3A_3715 : i32 to vector<16xi32>
      %eq3A_3717 = arith.cmpi eq, %get3A_3714, %eq3A_3716 : vector<16xi32>
      %add3A_3718 = arith.constant 512 : i32
      %add3A_3719 = vector.broadcast %add3A_3718 : i32 to vector<16xi32>
      %add3A_3720 = arith.addi %get3A_3711, %add3A_3719 : vector<16xi32>
      %select_n3A_3721 = arith.select %eq3A_3717, %add3A_3720, %get3A_3711 : vector<16xi1>, vector<16xi32>
      %swap3A_3722 = arith.constant 496 : index
      %swap3A_3723 = tpu.vector_load %arg10[%swap3A_3722] {strides = array<i32>} : memref<800xi32, #tpu.memory_space<vmem>>, vector<16xi32>,
      %swap3A_3724 = vector.shape_cast %swap3A_3723 : vector<16xi32> to vector<16xi32>
      %swap3A_3725 = vector.shape_cast %select_n3A_3721 : vector<16xi32> to vector<16xi32>
      tpu.vector_store %arg10[%swap3A_3722], %swap3A_3725 {strides = array<i32>} : memref<800xi32, #tpu.memory_space<vmem>>, vector<16xi32>,
      %get3A_3726 = arith.constant 512 : index
      %get3A_3727 = tpu.vector_load %arg10[%get3A_3726] {strides = array<i32>} : memref<800xi32, #tpu.memory_space<vmem>>, vector<16xi32>,
      %get3A_3728 = vector.shape_cast %get3A_3727 : vector<16xi32> to vector<16xi32>
      %get3A_3729 = arith.constant 512 : index
      %get3A_3730 = tpu.vector_load %arg8[%get3A_3729] {strides = array<i32>} : memref<800xi32, #tpu.memory_space<vmem>>, vector<16xi32>,
      %get3A_3731 = vector.shape_cast %get3A_3730 : vector<16xi32> to vector<16xi32>
      %eq3A_3732 = arith.constant 0 : i32
      %eq3A_3733 = vector.broadcast %eq3A_3732 : i32 to vector<16xi32>
      %eq3A_3734 = arith.cmpi eq, %get3A_3731, %eq3A_3733 : vector<16xi32>
      %add3A_3735 = arith.constant 512 : i32
      %add3A_3736 = vector.broadcast %add3A_3735 : i32 to vector<16xi32>
      %add3A_3737 = arith.addi %get3A_3728, %add3A_3736 : vector<16xi32>
      %select_n3A_3738 = arith.select %eq3A_3734, %add3A_3737, %get3A_3728 : vector<16xi1>, vector<16xi32>
      %swap3A_3739 = arith.constant 512 : index
      %swap3A_3740 = tpu.vector_load %arg10[%swap3A_3739] {strides = array<i32>} : memref<800xi32, #tpu.memory_space<vmem>>, vector<16xi32>,
      %swap3A_3741 = vector.shape_cast %swap3A_3740 : vector<16xi32> to vector<16xi32>
      %swap3A_3742 = vector.shape_cast %select_n3A_3738 : vector<16xi32> to vector<16xi32>
      tpu.vector_store %arg10[%swap3A_3739], %swap3A_3742 {strides = array<i32>} : memref<800xi32, #tpu.memory_space<vmem>>, vector<16xi32>,
      %get3A_3743 = arith.constant 528 : index
      %get3A_3744 = tpu.vector_load %arg10[%get3A_3743] {strides = array<i32>} : memref<800xi32, #tpu.memory_space<vmem>>, vector<16xi32>,
      %get3A_3745 = vector.shape_cast %get3A_3744 : vector<16xi32> to vector<16xi32>
      %get3A_3746 = arith.constant 528 : index
      %get3A_3747 = tpu.vector_load %arg8[%get3A_3746] {strides = array<i32>} : memref<800xi32, #tpu.memory_space<vmem>>, vector<16xi32>,
      %get3A_3748 = vector.shape_cast %get3A_3747 : vector<16xi32> to vector<16xi32>
      %eq3A_3749 = arith.constant 0 : i32
      %eq3A_3750 = vector.broadcast %eq3A_3749 : i32 to vector<16xi32>
      %eq3A_3751 = arith.cmpi eq, %get3A_3748, %eq3A_3750 : vector<16xi32>
      %add3A_3752 = arith.constant 512 : i32
      %add3A_3753 = vector.broadcast %add3A_3752 : i32 to vector<16xi32>
      %add3A_3754 = arith.addi %get3A_3745, %add3A_3753 : vector<16xi32>
      %select_n3A_3755 = arith.select %eq3A_3751, %add3A_3754, %get3A_3745 : vector<16xi1>, vector<16xi32>
      %swap3A_3756 = arith.constant 528 : index
      %swap3A_3757 = tpu.vector_load %arg10[%swap3A_3756] {strides = array<i32>} : memref<800xi32, #tpu.memory_space<vmem>>, vector<16xi32>,
      %swap3A_3758 = vector.shape_cast %swap3A_3757 : vector<16xi32> to vector<16xi32>
      %swap3A_3759 = vector.shape_cast %select_n3A_3755 : vector<16xi32> to vector<16xi32>
      tpu.vector_store %arg10[%swap3A_3756], %swap3A_3759 {strides = array<i32>} : memref<800xi32, #tpu.memory_space<vmem>>, vector<16xi32>,
      %get3A_3760 = arith.constant 544 : index
      %get3A_3761 = tpu.vector_load %arg10[%get3A_3760] {strides = array<i32>} : memref<800xi32, #tpu.memory_space<vmem>>, vector<16xi32>,
      %get3A_3762 = vector.shape_cast %get3A_3761 : vector<16xi32> to vector<16xi32>
      %get3A_3763 = arith.constant 544 : index
      %get3A_3764 = tpu.vector_load %arg8[%get3A_3763] {strides = array<i32>} : memref<800xi32, #tpu.memory_space<vmem>>, vector<16xi32>,
      %get3A_3765 = vector.shape_cast %get3A_3764 : vector<16xi32> to vector<16xi32>
      %eq3A_3766 = arith.constant 0 : i32
      %eq3A_3767 = vector.broadcast %eq3A_3766 : i32 to vector<16xi32>
      %eq3A_3768 = arith.cmpi eq, %get3A_3765, %eq3A_3767 : vector<16xi32>
      %add3A_3769 = arith.constant 512 : i32
      %add3A_3770 = vector.broadcast %add3A_3769 : i32 to vector<16xi32>
      %add3A_3771 = arith.addi %get3A_3762, %add3A_3770 : vector<16xi32>
      %select_n3A_3772 = arith.select %eq3A_3768, %add3A_3771, %get3A_3762 : vector<16xi1>, vector<16xi32>
      %swap3A_3773 = arith.constant 544 : index
      %swap3A_3774 = tpu.vector_load %arg10[%swap3A_3773] {strides = array<i32>} : memref<800xi32, #tpu.memory_space<vmem>>, vector<16xi32>,
      %swap3A_3775 = vector.shape_cast %swap3A_3774 : vector<16xi32> to vector<16xi32>
      %swap3A_3776 = vector.shape_cast %select_n3A_3772 : vector<16xi32> to vector<16xi32>
      tpu.vector_store %arg10[%swap3A_3773], %swap3A_3776 {strides = array<i32>} : memref<800xi32, #tpu.memory_space<vmem>>, vector<16xi32>,
      %get3A_3777 = arith.constant 560 : index
      %get3A_3778 = tpu.vector_load %arg10[%get3A_3777] {strides = array<i32>} : memref<800xi32, #tpu.memory_space<vmem>>, vector<16xi32>,
      %get3A_3779 = vector.shape_cast %get3A_3778 : vector<16xi32> to vector<16xi32>
      %get3A_3780 = arith.constant 560 : index
      %get3A_3781 = tpu.vector_load %arg8[%get3A_3780] {strides = array<i32>} : memref<800xi32, #tpu.memory_space<vmem>>, vector<16xi32>,
      %get3A_3782 = vector.shape_cast %get3A_3781 : vector<16xi32> to vector<16xi32>
      %eq3A_3783 = arith.constant 0 : i32
      %eq3A_3784 = vector.broadcast %eq3A_3783 : i32 to vector<16xi32>
      %eq3A_3785 = arith.cmpi eq, %get3A_3782, %eq3A_3784 : vector<16xi32>
      %add3A_3786 = arith.constant 512 : i32
      %add3A_3787 = vector.broadcast %add3A_3786 : i32 to vector<16xi32>
      %add3A_3788 = arith.addi %get3A_3779, %add3A_3787 : vector<16xi32>
      %select_n3A_3789 = arith.select %eq3A_3785, %add3A_3788, %get3A_3779 : vector<16xi1>, vector<16xi32>
      %swap3A_3790 = arith.constant 560 : index
      %swap3A_3791 = tpu.vector_load %arg10[%swap3A_3790] {strides = array<i32>} : memref<800xi32, #tpu.memory_space<vmem>>, vector<16xi32>,
      %swap3A_3792 = vector.shape_cast %swap3A_3791 : vector<16xi32> to vector<16xi32>
      %swap3A_3793 = vector.shape_cast %select_n3A_3789 : vector<16xi32> to vector<16xi32>
      tpu.vector_store %arg10[%swap3A_3790], %swap3A_3793 {strides = array<i32>} : memref<800xi32, #tpu.memory_space<vmem>>, vector<16xi32>,
      %get3A_3794 = arith.constant 576 : index
      %get3A_3795 = tpu.vector_load %arg10[%get3A_3794] {strides = array<i32>} : memref<800xi32, #tpu.memory_space<vmem>>, vector<16xi32>,
      %get3A_3796 = vector.shape_cast %get3A_3795 : vector<16xi32> to vector<16xi32>
      %get3A_3797 = arith.constant 576 : index
      %get3A_3798 = tpu.vector_load %arg8[%get3A_3797] {strides = array<i32>} : memref<800xi32, #tpu.memory_space<vmem>>, vector<16xi32>,
      %get3A_3799 = vector.shape_cast %get3A_3798 : vector<16xi32> to vector<16xi32>
      %eq3A_3800 = arith.constant 0 : i32
      %eq3A_3801 = vector.broadcast %eq3A_3800 : i32 to vector<16xi32>
      %eq3A_3802 = arith.cmpi eq, %get3A_3799, %eq3A_3801 : vector<16xi32>
      %add3A_3803 = arith.constant 512 : i32
      %add3A_3804 = vector.broadcast %add3A_3803 : i32 to vector<16xi32>
      %add3A_3805 = arith.addi %get3A_3796, %add3A_3804 : vector<16xi32>
      %select_n3A_3806 = arith.select %eq3A_3802, %add3A_3805, %get3A_3796 : vector<16xi1>, vector<16xi32>
      %swap3A_3807 = arith.constant 576 : index
      %swap3A_3808 = tpu.vector_load %arg10[%swap3A_3807] {strides = array<i32>} : memref<800xi32, #tpu.memory_space<vmem>>, vector<16xi32>,
      %swap3A_3809 = vector.shape_cast %swap3A_3808 : vector<16xi32> to vector<16xi32>
      %swap3A_3810 = vector.shape_cast %select_n3A_3806 : vector<16xi32> to vector<16xi32>
      tpu.vector_store %arg10[%swap3A_3807], %swap3A_3810 {strides = array<i32>} : memref<800xi32, #tpu.memory_space<vmem>>, vector<16xi32>,
      %get3A_3811 = arith.constant 592 : index
      %get3A_3812 = tpu.vector_load %arg10[%get3A_3811] {strides = array<i32>} : memref<800xi32, #tpu.memory_space<vmem>>, vector<16xi32>,
      %get3A_3813 = vector.shape_cast %get3A_3812 : vector<16xi32> to vector<16xi32>
      %get3A_3814 = arith.constant 592 : index
      %get3A_3815 = tpu.vector_load %arg8[%get3A_3814] {strides = array<i32>} : memref<800xi32, #tpu.memory_space<vmem>>, vector<16xi32>,
      %get3A_3816 = vector.shape_cast %get3A_3815 : vector<16xi32> to vector<16xi32>
      %eq3A_3817 = arith.constant 0 : i32
      %eq3A_3818 = vector.broadcast %eq3A_3817 : i32 to vector<16xi32>
      %eq3A_3819 = arith.cmpi eq, %get3A_3816, %eq3A_3818 : vector<16xi32>
      %add3A_3820 = arith.constant 512 : i32
      %add3A_3821 = vector.broadcast %add3A_3820 : i32 to vector<16xi32>
      %add3A_3822 = arith.addi %get3A_3813, %add3A_3821 : vector<16xi32>
      %select_n3A_3823 = arith.select %eq3A_3819, %add3A_3822, %get3A_3813 : vector<16xi1>, vector<16xi32>
      %swap3A_3824 = arith.constant 592 : index
      %swap3A_3825 = tpu.vector_load %arg10[%swap3A_3824] {strides = array<i32>} : memref<800xi32, #tpu.memory_space<vmem>>, vector<16xi32>,
      %swap3A_3826 = vector.shape_cast %swap3A_3825 : vector<16xi32> to vector<16xi32>
      %swap3A_3827 = vector.shape_cast %select_n3A_3823 : vector<16xi32> to vector<16xi32>
      tpu.vector_store %arg10[%swap3A_3824], %swap3A_3827 {strides = array<i32>} : memref<800xi32, #tpu.memory_space<vmem>>, vector<16xi32>,
      %get3A_3828 = arith.constant 608 : index
      %get3A_3829 = tpu.vector_load %arg10[%get3A_3828] {strides = array<i32>} : memref<800xi32, #tpu.memory_space<vmem>>, vector<16xi32>,
      %get3A_3830 = vector.shape_cast %get3A_3829 : vector<16xi32> to vector<16xi32>
      %get3A_3831 = arith.constant 608 : index
      %get3A_3832 = tpu.vector_load %arg8[%get3A_3831] {strides = array<i32>} : memref<800xi32, #tpu.memory_space<vmem>>, vector<16xi32>,
      %get3A_3833 = vector.shape_cast %get3A_3832 : vector<16xi32> to vector<16xi32>
      %eq3A_3834 = arith.constant 0 : i32
      %eq3A_3835 = vector.broadcast %eq3A_3834 : i32 to vector<16xi32>
      %eq3A_3836 = arith.cmpi eq, %get3A_3833, %eq3A_3835 : vector<16xi32>
      %add3A_3837 = arith.constant 512 : i32
      %add3A_3838 = vector.broadcast %add3A_3837 : i32 to vector<16xi32>
      %add3A_3839 = arith.addi %get3A_3830, %add3A_3838 : vector<16xi32>
      %select_n3A_3840 = arith.select %eq3A_3836, %add3A_3839, %get3A_3830 : vector<16xi1>, vector<16xi32>
      %swap3A_3841 = arith.constant 608 : index
      %swap3A_3842 = tpu.vector_load %arg10[%swap3A_3841] {strides = array<i32>} : memref<800xi32, #tpu.memory_space<vmem>>, vector<16xi32>,
      %swap3A_3843 = vector.shape_cast %swap3A_3842 : vector<16xi32> to vector<16xi32>
      %swap3A_3844 = vector.shape_cast %select_n3A_3840 : vector<16xi32> to vector<16xi32>
      tpu.vector_store %arg10[%swap3A_3841], %swap3A_3844 {strides = array<i32>} : memref<800xi32, #tpu.memory_space<vmem>>, vector<16xi32>,
      %get3A_3845 = arith.constant 624 : index
      %get3A_3846 = tpu.vector_load %arg10[%get3A_3845] {strides = array<i32>} : memref<800xi32, #tpu.memory_space<vmem>>, vector<16xi32>,
      %get3A_3847 = vector.shape_cast %get3A_3846 : vector<16xi32> to vector<16xi32>
      %get3A_3848 = arith.constant 624 : index
      %get3A_3849 = tpu.vector_load %arg8[%get3A_3848] {strides = array<i32>} : memref<800xi32, #tpu.memory_space<vmem>>, vector<16xi32>,
      %get3A_3850 = vector.shape_cast %get3A_3849 : vector<16xi32> to vector<16xi32>
      %eq3A_3851 = arith.constant 0 : i32
      %eq3A_3852 = vector.broadcast %eq3A_3851 : i32 to vector<16xi32>
      %eq3A_3853 = arith.cmpi eq, %get3A_3850, %eq3A_3852 : vector<16xi32>
      %add3A_3854 = arith.constant 512 : i32
      %add3A_3855 = vector.broadcast %add3A_3854 : i32 to vector<16xi32>
      %add3A_3856 = arith.addi %get3A_3847, %add3A_3855 : vector<16xi32>
      %select_n3A_3857 = arith.select %eq3A_3853, %add3A_3856, %get3A_3847 : vector<16xi1>, vector<16xi32>
      %swap3A_3858 = arith.constant 624 : index
      %swap3A_3859 = tpu.vector_load %arg10[%swap3A_3858] {strides = array<i32>} : memref<800xi32, #tpu.memory_space<vmem>>, vector<16xi32>,
      %swap3A_3860 = vector.shape_cast %swap3A_3859 : vector<16xi32> to vector<16xi32>
      %swap3A_3861 = vector.shape_cast %select_n3A_3857 : vector<16xi32> to vector<16xi32>
      tpu.vector_store %arg10[%swap3A_3858], %swap3A_3861 {strides = array<i32>} : memref<800xi32, #tpu.memory_space<vmem>>, vector<16xi32>,
      %get3A_3862 = arith.constant 640 : index
      %get3A_3863 = tpu.vector_load %arg10[%get3A_3862] {strides = array<i32>} : memref<800xi32, #tpu.memory_space<vmem>>, vector<16xi32>,
      %get3A_3864 = vector.shape_cast %get3A_3863 : vector<16xi32> to vector<16xi32>
      %get3A_3865 = arith.constant 640 : index
      %get3A_3866 = tpu.vector_load %arg8[%get3A_3865] {strides = array<i32>} : memref<800xi32, #tpu.memory_space<vmem>>, vector<16xi32>,
      %get3A_3867 = vector.shape_cast %get3A_3866 : vector<16xi32> to vector<16xi32>
      %eq3A_3868 = arith.constant 0 : i32
      %eq3A_3869 = vector.broadcast %eq3A_3868 : i32 to vector<16xi32>
      %eq3A_3870 = arith.cmpi eq, %get3A_3867, %eq3A_3869 : vector<16xi32>
      %add3A_3871 = arith.constant 512 : i32
      %add3A_3872 = vector.broadcast %add3A_3871 : i32 to vector<16xi32>
      %add3A_3873 = arith.addi %get3A_3864, %add3A_3872 : vector<16xi32>
      %select_n3A_3874 = arith.select %eq3A_3870, %add3A_3873, %get3A_3864 : vector<16xi1>, vector<16xi32>
      %swap3A_3875 = arith.constant 640 : index
      %swap3A_3876 = tpu.vector_load %arg10[%swap3A_3875] {strides = array<i32>} : memref<800xi32, #tpu.memory_space<vmem>>, vector<16xi32>,
      %swap3A_3877 = vector.shape_cast %swap3A_3876 : vector<16xi32> to vector<16xi32>
      %swap3A_3878 = vector.shape_cast %select_n3A_3874 : vector<16xi32> to vector<16xi32>
      tpu.vector_store %arg10[%swap3A_3875], %swap3A_3878 {strides = array<i32>} : memref<800xi32, #tpu.memory_space<vmem>>, vector<16xi32>,
      %get3A_3879 = arith.constant 656 : index
      %get3A_3880 = tpu.vector_load %arg10[%get3A_3879] {strides = array<i32>} : memref<800xi32, #tpu.memory_space<vmem>>, vector<16xi32>,
      %get3A_3881 = vector.shape_cast %get3A_3880 : vector<16xi32> to vector<16xi32>
      %get3A_3882 = arith.constant 656 : index
      %get3A_3883 = tpu.vector_load %arg8[%get3A_3882] {strides = array<i32>} : memref<800xi32, #tpu.memory_space<vmem>>, vector<16xi32>,
      %get3A_3884 = vector.shape_cast %get3A_3883 : vector<16xi32> to vector<16xi32>
      %eq3A_3885 = arith.constant 0 : i32
      %eq3A_3886 = vector.broadcast %eq3A_3885 : i32 to vector<16xi32>
      %eq3A_3887 = arith.cmpi eq, %get3A_3884, %eq3A_3886 : vector<16xi32>
      %add3A_3888 = arith.constant 512 : i32
      %add3A_3889 = vector.broadcast %add3A_3888 : i32 to vector<16xi32>
      %add3A_3890 = arith.addi %get3A_3881, %add3A_3889 : vector<16xi32>
      %select_n3A_3891 = arith.select %eq3A_3887, %add3A_3890, %get3A_3881 : vector<16xi1>, vector<16xi32>
      %swap3A_3892 = arith.constant 656 : index
      %swap3A_3893 = tpu.vector_load %arg10[%swap3A_3892] {strides = array<i32>} : memref<800xi32, #tpu.memory_space<vmem>>, vector<16xi32>,
      %swap3A_3894 = vector.shape_cast %swap3A_3893 : vector<16xi32> to vector<16xi32>
      %swap3A_3895 = vector.shape_cast %select_n3A_3891 : vector<16xi32> to vector<16xi32>
      tpu.vector_store %arg10[%swap3A_3892], %swap3A_3895 {strides = array<i32>} : memref<800xi32, #tpu.memory_space<vmem>>, vector<16xi32>,
      %get3A_3896 = arith.constant 672 : index
      %get3A_3897 = tpu.vector_load %arg10[%get3A_3896] {strides = array<i32>} : memref<800xi32, #tpu.memory_space<vmem>>, vector<16xi32>,
      %get3A_3898 = vector.shape_cast %get3A_3897 : vector<16xi32> to vector<16xi32>
      %get3A_3899 = arith.constant 672 : index
      %get3A_3900 = tpu.vector_load %arg8[%get3A_3899] {strides = array<i32>} : memref<800xi32, #tpu.memory_space<vmem>>, vector<16xi32>,
      %get3A_3901 = vector.shape_cast %get3A_3900 : vector<16xi32> to vector<16xi32>
      %eq3A_3902 = arith.constant 0 : i32
      %eq3A_3903 = vector.broadcast %eq3A_3902 : i32 to vector<16xi32>
      %eq3A_3904 = arith.cmpi eq, %get3A_3901, %eq3A_3903 : vector<16xi32>
      %add3A_3905 = arith.constant 512 : i32
      %add3A_3906 = vector.broadcast %add3A_3905 : i32 to vector<16xi32>
      %add3A_3907 = arith.addi %get3A_3898, %add3A_3906 : vector<16xi32>
      %select_n3A_3908 = arith.select %eq3A_3904, %add3A_3907, %get3A_3898 : vector<16xi1>, vector<16xi32>
      %swap3A_3909 = arith.constant 672 : index
      %swap3A_3910 = tpu.vector_load %arg10[%swap3A_3909] {strides = array<i32>} : memref<800xi32, #tpu.memory_space<vmem>>, vector<16xi32>,
      %swap3A_3911 = vector.shape_cast %swap3A_3910 : vector<16xi32> to vector<16xi32>
      %swap3A_3912 = vector.shape_cast %select_n3A_3908 : vector<16xi32> to vector<16xi32>
      tpu.vector_store %arg10[%swap3A_3909], %swap3A_3912 {strides = array<i32>} : memref<800xi32, #tpu.memory_space<vmem>>, vector<16xi32>,
      %get3A_3913 = arith.constant 688 : index
      %get3A_3914 = tpu.vector_load %arg10[%get3A_3913] {strides = array<i32>} : memref<800xi32, #tpu.memory_space<vmem>>, vector<16xi32>,
      %get3A_3915 = vector.shape_cast %get3A_3914 : vector<16xi32> to vector<16xi32>
      %get3A_3916 = arith.constant 688 : index
      %get3A_3917 = tpu.vector_load %arg8[%get3A_3916] {strides = array<i32>} : memref<800xi32, #tpu.memory_space<vmem>>, vector<16xi32>,
      %get3A_3918 = vector.shape_cast %get3A_3917 : vector<16xi32> to vector<16xi32>
      %eq3A_3919 = arith.constant 0 : i32
      %eq3A_3920 = vector.broadcast %eq3A_3919 : i32 to vector<16xi32>
      %eq3A_3921 = arith.cmpi eq, %get3A_3918, %eq3A_3920 : vector<16xi32>
      %add3A_3922 = arith.constant 512 : i32
      %add3A_3923 = vector.broadcast %add3A_3922 : i32 to vector<16xi32>
      %add3A_3924 = arith.addi %get3A_3915, %add3A_3923 : vector<16xi32>
      %select_n3A_3925 = arith.select %eq3A_3921, %add3A_3924, %get3A_3915 : vector<16xi1>, vector<16xi32>
      %swap3A_3926 = arith.constant 688 : index
      %swap3A_3927 = tpu.vector_load %arg10[%swap3A_3926] {strides = array<i32>} : memref<800xi32, #tpu.memory_space<vmem>>, vector<16xi32>,
      %swap3A_3928 = vector.shape_cast %swap3A_3927 : vector<16xi32> to vector<16xi32>
      %swap3A_3929 = vector.shape_cast %select_n3A_3925 : vector<16xi32> to vector<16xi32>
      tpu.vector_store %arg10[%swap3A_3926], %swap3A_3929 {strides = array<i32>} : memref<800xi32, #tpu.memory_space<vmem>>, vector<16xi32>,
      %get3A_3930 = arith.constant 704 : index
      %get3A_3931 = tpu.vector_load %arg10[%get3A_3930] {strides = array<i32>} : memref<800xi32, #tpu.memory_space<vmem>>, vector<16xi32>,
      %get3A_3932 = vector.shape_cast %get3A_3931 : vector<16xi32> to vector<16xi32>
      %get3A_3933 = arith.constant 704 : index
      %get3A_3934 = tpu.vector_load %arg8[%get3A_3933] {strides = array<i32>} : memref<800xi32, #tpu.memory_space<vmem>>, vector<16xi32>,
      %get3A_3935 = vector.shape_cast %get3A_3934 : vector<16xi32> to vector<16xi32>
      %eq3A_3936 = arith.constant 0 : i32
      %eq3A_3937 = vector.broadcast %eq3A_3936 : i32 to vector<16xi32>
      %eq3A_3938 = arith.cmpi eq, %get3A_3935, %eq3A_3937 : vector<16xi32>
      %add3A_3939 = arith.constant 512 : i32
      %add3A_3940 = vector.broadcast %add3A_3939 : i32 to vector<16xi32>
      %add3A_3941 = arith.addi %get3A_3932, %add3A_3940 : vector<16xi32>
      %select_n3A_3942 = arith.select %eq3A_3938, %add3A_3941, %get3A_3932 : vector<16xi1>, vector<16xi32>
      %swap3A_3943 = arith.constant 704 : index
      %swap3A_3944 = tpu.vector_load %arg10[%swap3A_3943] {strides = array<i32>} : memref<800xi32, #tpu.memory_space<vmem>>, vector<16xi32>,
      %swap3A_3945 = vector.shape_cast %swap3A_3944 : vector<16xi32> to vector<16xi32>
      %swap3A_3946 = vector.shape_cast %select_n3A_3942 : vector<16xi32> to vector<16xi32>
      tpu.vector_store %arg10[%swap3A_3943], %swap3A_3946 {strides = array<i32>} : memref<800xi32, #tpu.memory_space<vmem>>, vector<16xi32>,
      %get3A_3947 = arith.constant 720 : index
      %get3A_3948 = tpu.vector_load %arg10[%get3A_3947] {strides = array<i32>} : memref<800xi32, #tpu.memory_space<vmem>>, vector<16xi32>,
      %get3A_3949 = vector.shape_cast %get3A_3948 : vector<16xi32> to vector<16xi32>
      %get3A_3950 = arith.constant 720 : index
      %get3A_3951 = tpu.vector_load %arg8[%get3A_3950] {strides = array<i32>} : memref<800xi32, #tpu.memory_space<vmem>>, vector<16xi32>,
      %get3A_3952 = vector.shape_cast %get3A_3951 : vector<16xi32> to vector<16xi32>
      %eq3A_3953 = arith.constant 0 : i32
      %eq3A_3954 = vector.broadcast %eq3A_3953 : i32 to vector<16xi32>
      %eq3A_3955 = arith.cmpi eq, %get3A_3952, %eq3A_3954 : vector<16xi32>
      %add3A_3956 = arith.constant 512 : i32
      %add3A_3957 = vector.broadcast %add3A_3956 : i32 to vector<16xi32>
      %add3A_3958 = arith.addi %get3A_3949, %add3A_3957 : vector<16xi32>
      %select_n3A_3959 = arith.select %eq3A_3955, %add3A_3958, %get3A_3949 : vector<16xi1>, vector<16xi32>
      %swap3A_3960 = arith.constant 720 : index
      %swap3A_3961 = tpu.vector_load %arg10[%swap3A_3960] {strides = array<i32>} : memref<800xi32, #tpu.memory_space<vmem>>, vector<16xi32>,
      %swap3A_3962 = vector.shape_cast %swap3A_3961 : vector<16xi32> to vector<16xi32>
      %swap3A_3963 = vector.shape_cast %select_n3A_3959 : vector<16xi32> to vector<16xi32>
      tpu.vector_store %arg10[%swap3A_3960], %swap3A_3963 {strides = array<i32>} : memref<800xi32, #tpu.memory_space<vmem>>, vector<16xi32>,
      %get3A_3964 = arith.constant 736 : index
      %get3A_3965 = tpu.vector_load %arg10[%get3A_3964] {strides = array<i32>} : memref<800xi32, #tpu.memory_space<vmem>>, vector<16xi32>,
      %get3A_3966 = vector.shape_cast %get3A_3965 : vector<16xi32> to vector<16xi32>
      %get3A_3967 = arith.constant 736 : index
      %get3A_3968 = tpu.vector_load %arg8[%get3A_3967] {strides = array<i32>} : memref<800xi32, #tpu.memory_space<vmem>>, vector<16xi32>,
      %get3A_3969 = vector.shape_cast %get3A_3968 : vector<16xi32> to vector<16xi32>
      %eq3A_3970 = arith.constant 0 : i32
      %eq3A_3971 = vector.broadcast %eq3A_3970 : i32 to vector<16xi32>
      %eq3A_3972 = arith.cmpi eq, %get3A_3969, %eq3A_3971 : vector<16xi32>
      %add3A_3973 = arith.constant 512 : i32
      %add3A_3974 = vector.broadcast %add3A_3973 : i32 to vector<16xi32>
      %add3A_3975 = arith.addi %get3A_3966, %add3A_3974 : vector<16xi32>
      %select_n3A_3976 = arith.select %eq3A_3972, %add3A_3975, %get3A_3966 : vector<16xi1>, vector<16xi32>
      %swap3A_3977 = arith.constant 736 : index
      %swap3A_3978 = tpu.vector_load %arg10[%swap3A_3977] {strides = array<i32>} : memref<800xi32, #tpu.memory_space<vmem>>, vector<16xi32>,
      %swap3A_3979 = vector.shape_cast %swap3A_3978 : vector<16xi32> to vector<16xi32>
      %swap3A_3980 = vector.shape_cast %select_n3A_3976 : vector<16xi32> to vector<16xi32>
      tpu.vector_store %arg10[%swap3A_3977], %swap3A_3980 {strides = array<i32>} : memref<800xi32, #tpu.memory_space<vmem>>, vector<16xi32>,
      %get3A_3981 = arith.constant 752 : index
      %get3A_3982 = tpu.vector_load %arg10[%get3A_3981] {strides = array<i32>} : memref<800xi32, #tpu.memory_space<vmem>>, vector<16xi32>,
      %get3A_3983 = vector.shape_cast %get3A_3982 : vector<16xi32> to vector<16xi32>
      %get3A_3984 = arith.constant 752 : index
      %get3A_3985 = tpu.vector_load %arg8[%get3A_3984] {strides = array<i32>} : memref<800xi32, #tpu.memory_space<vmem>>, vector<16xi32>,
      %get3A_3986 = vector.shape_cast %get3A_3985 : vector<16xi32> to vector<16xi32>
      %eq3A_3987 = arith.constant 0 : i32
      %eq3A_3988 = vector.broadcast %eq3A_3987 : i32 to vector<16xi32>
      %eq3A_3989 = arith.cmpi eq, %get3A_3986, %eq3A_3988 : vector<16xi32>
      %add3A_3990 = arith.constant 512 : i32
      %add3A_3991 = vector.broadcast %add3A_3990 : i32 to vector<16xi32>
      %add3A_3992 = arith.addi %get3A_3983, %add3A_3991 : vector<16xi32>
      %select_n3A_3993 = arith.select %eq3A_3989, %add3A_3992, %get3A_3983 : vector<16xi1>, vector<16xi32>
      %swap3A_3994 = arith.constant 752 : index
      %swap3A_3995 = tpu.vector_load %arg10[%swap3A_3994] {strides = array<i32>} : memref<800xi32, #tpu.memory_space<vmem>>, vector<16xi32>,
      %swap3A_3996 = vector.shape_cast %swap3A_3995 : vector<16xi32> to vector<16xi32>
      %swap3A_3997 = vector.shape_cast %select_n3A_3993 : vector<16xi32> to vector<16xi32>
      tpu.vector_store %arg10[%swap3A_3994], %swap3A_3997 {strides = array<i32>} : memref<800xi32, #tpu.memory_space<vmem>>, vector<16xi32>,
      %get3A_3998 = arith.constant 768 : index
      %get3A_3999 = tpu.vector_load %arg10[%get3A_3998] {strides = array<i32>} : memref<800xi32, #tpu.memory_space<vmem>>, vector<16xi32>,
      %get3A_4000 = vector.shape_cast %get3A_3999 : vector<16xi32> to vector<16xi32>
      %get3A_4001 = arith.constant 768 : index
      %get3A_4002 = tpu.vector_load %arg8[%get3A_4001] {strides = array<i32>} : memref<800xi32, #tpu.memory_space<vmem>>, vector<16xi32>,
      %get3A_4003 = vector.shape_cast %get3A_4002 : vector<16xi32> to vector<16xi32>
      %eq3A_4004 = arith.constant 0 : i32
      %eq3A_4005 = vector.broadcast %eq3A_4004 : i32 to vector<16xi32>
      %eq3A_4006 = arith.cmpi eq, %get3A_4003, %eq3A_4005 : vector<16xi32>
      %add3A_4007 = arith.constant 512 : i32
      %add3A_4008 = vector.broadcast %add3A_4007 : i32 to vector<16xi32>
      %add3A_4009 = arith.addi %get3A_4000, %add3A_4008 : vector<16xi32>
      %select_n3A_4010 = arith.select %eq3A_4006, %add3A_4009, %get3A_4000 : vector<16xi1>, vector<16xi32>
      %swap3A_4011 = arith.constant 768 : index
      %swap3A_4012 = tpu.vector_load %arg10[%swap3A_4011] {strides = array<i32>} : memref<800xi32, #tpu.memory_space<vmem>>, vector<16xi32>,
      %swap3A_4013 = vector.shape_cast %swap3A_4012 : vector<16xi32> to vector<16xi32>
      %swap3A_4014 = vector.shape_cast %select_n3A_4010 : vector<16xi32> to vector<16xi32>
      tpu.vector_store %arg10[%swap3A_4011], %swap3A_4014 {strides = array<i32>} : memref<800xi32, #tpu.memory_space<vmem>>, vector<16xi32>,
      %get3A_4015 = arith.constant 784 : index
      %get3A_4016 = tpu.vector_load %arg10[%get3A_4015] {strides = array<i32>} : memref<800xi32, #tpu.memory_space<vmem>>, vector<16xi32>,
      %get3A_4017 = vector.shape_cast %get3A_4016 : vector<16xi32> to vector<16xi32>
      %get3A_4018 = arith.constant 784 : index
      %get3A_4019 = tpu.vector_load %arg8[%get3A_4018] {strides = array<i32>} : memref<800xi32, #tpu.memory_space<vmem>>, vector<16xi32>,
      %get3A_4020 = vector.shape_cast %get3A_4019 : vector<16xi32> to vector<16xi32>
      %eq3A_4021 = arith.constant 0 : i32
      %eq3A_4022 = vector.broadcast %eq3A_4021 : i32 to vector<16xi32>
      %eq3A_4023 = arith.cmpi eq, %get3A_4020, %eq3A_4022 : vector<16xi32>
      %add3A_4024 = arith.constant 512 : i32
      %add3A_4025 = vector.broadcast %add3A_4024 : i32 to vector<16xi32>
      %add3A_4026 = arith.addi %get3A_4017, %add3A_4025 : vector<16xi32>
      %select_n3A_4027 = arith.select %eq3A_4023, %add3A_4026, %get3A_4017 : vector<16xi1>, vector<16xi32>
      %swap3A_4028 = arith.constant 784 : index
      %swap3A_4029 = tpu.vector_load %arg10[%swap3A_4028] {strides = array<i32>} : memref<800xi32, #tpu.memory_space<vmem>>, vector<16xi32>,
      %swap3A_4030 = vector.shape_cast %swap3A_4029 : vector<16xi32> to vector<16xi32>
      %swap3A_4031 = vector.shape_cast %select_n3A_4027 : vector<16xi32> to vector<16xi32>
      tpu.vector_store %arg10[%swap3A_4028], %swap3A_4031 {strides = array<i32>} : memref<800xi32, #tpu.memory_space<vmem>>, vector<16xi32>,
      %dma_wait3A_4032 = arith.constant 0 : i32
      %dma_wait3A_4033 = arith.constant 0 : i32
      %dma_wait3A_4034 = tpu.memref_slice %arg14[%dma_wait3A_4032, %dma_wait3A_4033] : memref<1024x64xf32, #tpu.memory_space<vmem_shared>> -> memref<1024x64xf32, #tpu.memory_space<vmem_shared>>
      tpu.wait_indirect_dma semaphore(%arg19 : memref<!tpu.dma_semaphore, #tpu.memory_space<semaphore_mem>>) src(%dma_wait3A_4034 : memref<1024x64xf32, #tpu.memory_space<vmem_shared>>) dst(%arg11 : memref<800x64xf32, #tpu.memory_space<vmem>>)
      %sub3A_4035 = arith.constant 1 : i32
      %sub3A_4036 = arith.subi %add3A_3090, %sub3A_4035 : i32
      %mul3A_4037 = arith.constant 4 : i32
      %mul3A_4038 = arith.muli %sub3A_4036, %mul3A_4037 : i32
      %add3A_4039 = arith.addi %mul3A_4, %mul3A_4038 : i32
      %add3A_4040 = arith.constant 0 : i32
      %add3A_4041 = arith.addi %add3A_4039, %add3A_4040 : i32
      %dma_start3A_4042 = arith.constant 0 : i32
      %dma_start3A_4043 = arith.constant 0 : i32
      %dma_start3A_4044 = tpu.memref_slice %arg11[%dma_start3A_4042, %dma_start3A_4043] : memref<800x64xf32, #tpu.memory_space<vmem>> -> memref<200x64xf32, #tpu.memory_space<vmem>>
      %dma_start3A_4045 = arith.constant 0 : i32
      %dma_start3A_4046 = arith.constant 0 : i32
      %dma_start3A_4047 = tpu.memref_slice %arg6[%add3A_4041, %dma_start3A_4045, %dma_start3A_4046] : memref<16384x200x128xf32, #tpu.memory_space<hbm>> -> memref<1x200x64xf32, #tpu.memory_space<hbm>>
      %dma_start3A_4048 = tpu.memref_squeeze %dma_start3A_4047 : memref<1x200x64xf32, #tpu.memory_space<hbm>> -> memref<200x64xf32, #tpu.memory_space<hbm>>
      %dma_start3A_4049 = arith.constant 0 : i32
      %dma_start3A_4050 = arith.constant 0 : i32
      %dma_start3A_4051 = tpu.memref_slice %arg6[%add3A_4041, %dma_start3A_4049, %dma_start3A_4050] : memref<16384x200x128xf32, #tpu.memory_space<hbm>> -> memref<1x200x64xf32, #tpu.memory_space<hbm>>
      %dma_start3A_4052 = tpu.memref_squeeze %dma_start3A_4051 : memref<1x200x64xf32, #tpu.memory_space<hbm>> -> memref<200x64xf32, #tpu.memory_space<hbm>>
      %dma_start3A_4053 = arith.constant 0 : i32
      %dma_start3A_4054 = arith.constant 0 : i32
      %dma_start3A_4055 = tpu.memref_slice %arg11[%dma_start3A_4053, %dma_start3A_4054] : memref<800x64xf32, #tpu.memory_space<vmem>> -> memref<200x64xf32, #tpu.memory_space<vmem>>
      tpu.enqueue_dma source(%dma_start3A_4055 : memref<200x64xf32, #tpu.memory_space<vmem>>) target(%dma_start3A_4052 : memref<200x64xf32, #tpu.memory_space<hbm>>) target_semaphore(%arg20 : memref<!tpu.dma_semaphore, #tpu.memory_space<semaphore_mem>>)
      %mul3A_4056 = arith.constant 4 : i32
      %mul3A_4057 = arith.muli %sub3A_4036, %mul3A_4056 : i32
      %add3A_4058 = arith.addi %mul3A_4, %mul3A_4057 : i32
      %add3A_4059 = arith.constant 1 : i32
      %add3A_4060 = arith.addi %add3A_4058, %add3A_4059 : i32
      %dma_start3A_4061 = arith.constant 200 : i32
      %dma_start3A_4062 = arith.constant 0 : i32
      %dma_start3A_4063 = tpu.memref_slice %arg11[%dma_start3A_4061, %dma_start3A_4062] : memref<800x64xf32, #tpu.memory_space<vmem>> -> memref<200x64xf32, #tpu.memory_space<vmem>>
      %dma_start3A_4064 = arith.constant 0 : i32
      %dma_start3A_4065 = arith.constant 0 : i32
      %dma_start3A_4066 = tpu.memref_slice %arg6[%add3A_4060, %dma_start3A_4064, %dma_start3A_4065] : memref<16384x200x128xf32, #tpu.memory_space<hbm>> -> memref<1x200x64xf32, #tpu.memory_space<hbm>>
      %dma_start3A_4067 = tpu.memref_squeeze %dma_start3A_4066 : memref<1x200x64xf32, #tpu.memory_space<hbm>> -> memref<200x64xf32, #tpu.memory_space<hbm>>
      %dma_start3A_4068 = arith.constant 0 : i32
      %dma_start3A_4069 = arith.constant 0 : i32
      %dma_start3A_4070 = tpu.memref_slice %arg6[%add3A_4060, %dma_start3A_4068, %dma_start3A_4069] : memref<16384x200x128xf32, #tpu.memory_space<hbm>> -> memref<1x200x64xf32, #tpu.memory_space<hbm>>
      %dma_start3A_4071 = tpu.memref_squeeze %dma_start3A_4070 : memref<1x200x64xf32, #tpu.memory_space<hbm>> -> memref<200x64xf32, #tpu.memory_space<hbm>>
      %dma_start3A_4072 = arith.constant 200 : i32
      %dma_start3A_4073 = arith.constant 0 : i32
      %dma_start3A_4074 = tpu.memref_slice %arg11[%dma_start3A_4072, %dma_start3A_4073] : memref<800x64xf32, #tpu.memory_space<vmem>> -> memref<200x64xf32, #tpu.memory_space<vmem>>
      tpu.enqueue_dma source(%dma_start3A_4074 : memref<200x64xf32, #tpu.memory_space<vmem>>) target(%dma_start3A_4071 : memref<200x64xf32, #tpu.memory_space<hbm>>) target_semaphore(%arg20 : memref<!tpu.dma_semaphore, #tpu.memory_space<semaphore_mem>>)
      %mul3A_4075 = arith.constant 4 : i32
      %mul3A_4076 = arith.muli %sub3A_4036, %mul3A_4075 : i32
      %add3A_4077 = arith.addi %mul3A_4, %mul3A_4076 : i32
      %add3A_4078 = arith.constant 2 : i32
      %add3A_4079 = arith.addi %add3A_4077, %add3A_4078 : i32
      %dma_start3A_4080 = arith.constant 400 : i32
      %dma_start3A_4081 = arith.constant 0 : i32
      %dma_start3A_4082 = tpu.memref_slice %arg11[%dma_start3A_4080, %dma_start3A_4081] : memref<800x64xf32, #tpu.memory_space<vmem>> -> memref<200x64xf32, #tpu.memory_space<vmem>>
      %dma_start3A_4083 = arith.constant 0 : i32
      %dma_start3A_4084 = arith.constant 0 : i32
      %dma_start3A_4085 = tpu.memref_slice %arg6[%add3A_4079, %dma_start3A_4083, %dma_start3A_4084] : memref<16384x200x128xf32, #tpu.memory_space<hbm>> -> memref<1x200x64xf32, #tpu.memory_space<hbm>>
      %dma_start3A_4086 = tpu.memref_squeeze %dma_start3A_4085 : memref<1x200x64xf32, #tpu.memory_space<hbm>> -> memref<200x64xf32, #tpu.memory_space<hbm>>
      %dma_start3A_4087 = arith.constant 0 : i32
      %dma_start3A_4088 = arith.constant 0 : i32
      %dma_start3A_4089 = tpu.memref_slice %arg6[%add3A_4079, %dma_start3A_4087, %dma_start3A_4088] : memref<16384x200x128xf32, #tpu.memory_space<hbm>> -> memref<1x200x64xf32, #tpu.memory_space<hbm>>
      %dma_start3A_4090 = tpu.memref_squeeze %dma_start3A_4089 : memref<1x200x64xf32, #tpu.memory_space<hbm>> -> memref<200x64xf32, #tpu.memory_space<hbm>>
      %dma_start3A_4091 = arith.constant 400 : i32
      %dma_start3A_4092 = arith.constant 0 : i32
      %dma_start3A_4093 = tpu.memref_slice %arg11[%dma_start3A_4091, %dma_start3A_4092] : memref<800x64xf32, #tpu.memory_space<vmem>> -> memref<200x64xf32, #tpu.memory_space<vmem>>
      tpu.enqueue_dma source(%dma_start3A_4093 : memref<200x64xf32, #tpu.memory_space<vmem>>) target(%dma_start3A_4090 : memref<200x64xf32, #tpu.memory_space<hbm>>) target_semaphore(%arg20 : memref<!tpu.dma_semaphore, #tpu.memory_space<semaphore_mem>>)
      %mul3A_4094 = arith.constant 4 : i32
      %mul3A_4095 = arith.muli %sub3A_4036, %mul3A_4094 : i32
      %add3A_4096 = arith.addi %mul3A_4, %mul3A_4095 : i32
      %add3A_4097 = arith.constant 3 : i32
      %add3A_4098 = arith.addi %add3A_4096, %add3A_4097 : i32
      %dma_start3A_4099 = arith.constant 600 : i32
      %dma_start3A_4100 = arith.constant 0 : i32
      %dma_start3A_4101 = tpu.memref_slice %arg11[%dma_start3A_4099, %dma_start3A_4100] : memref<800x64xf32, #tpu.memory_space<vmem>> -> memref<200x64xf32, #tpu.memory_space<vmem>>
      %dma_start3A_4102 = arith.constant 0 : i32
      %dma_start3A_4103 = arith.constant 0 : i32
      %dma_start3A_4104 = tpu.memref_slice %arg6[%add3A_4098, %dma_start3A_4102, %dma_start3A_4103] : memref<16384x200x128xf32, #tpu.memory_space<hbm>> -> memref<1x200x64xf32, #tpu.memory_space<hbm>>
      %dma_start3A_4105 = tpu.memref_squeeze %dma_start3A_4104 : memref<1x200x64xf32, #tpu.memory_space<hbm>> -> memref<200x64xf32, #tpu.memory_space<hbm>>
      %dma_start3A_4106 = arith.constant 0 : i32
      %dma_start3A_4107 = arith.constant 0 : i32
      %dma_start3A_4108 = tpu.memref_slice %arg6[%add3A_4098, %dma_start3A_4106, %dma_start3A_4107] : memref<16384x200x128xf32, #tpu.memory_space<hbm>> -> memref<1x200x64xf32, #tpu.memory_space<hbm>>
      %dma_start3A_4109 = tpu.memref_squeeze %dma_start3A_4108 : memref<1x200x64xf32, #tpu.memory_space<hbm>> -> memref<200x64xf32, #tpu.memory_space<hbm>>
      %dma_start3A_4110 = arith.constant 600 : i32
      %dma_start3A_4111 = arith.constant 0 : i32
      %dma_start3A_4112 = tpu.memref_slice %arg11[%dma_start3A_4110, %dma_start3A_4111] : memref<800x64xf32, #tpu.memory_space<vmem>> -> memref<200x64xf32, #tpu.memory_space<vmem>>
      tpu.enqueue_dma source(%dma_start3A_4112 : memref<200x64xf32, #tpu.memory_space<vmem>>) target(%dma_start3A_4109 : memref<200x64xf32, #tpu.memory_space<hbm>>) target_semaphore(%arg20 : memref<!tpu.dma_semaphore, #tpu.memory_space<semaphore_mem>>)
      %add3A_4113 = arith.constant 1 : i32
      %add3A_4114 = arith.addi %add3A_3090, %add3A_4113 : i32
      %lt3A = arith.constant 128 : i32
      %lt3A_4115 = arith.cmpi slt, %add3A_4114, %lt3A : i32
      %convert_element_type3A_4116 = arith.extui %lt3A_4115 : i1 to i32
      %cond3A_4117 = arith.constant 0 : i32
      %cond3A_4118 = arith.cmpi ne, %convert_element_type3A_4116, %cond3A_4117 : i32
      scf.if %cond3A_4118 {
        %add3A_4122 = arith.constant 1 : i32
        %add3A_4123 = arith.addi %add3A_3090, %add3A_4122 : i32
        %mul3A_4124 = arith.constant 800 : i32
        %mul3A_4125 = arith.muli %add3A_4123, %mul3A_4124 : i32
        %add3A_4126 = arith.addi %mul3A_2, %mul3A_4125 : i32
        %dma_start3A_4127 = tpu.memref_slice %arg2[%add3A_4126] : memref<3276800xi32, #tpu.memory_space<hbm>> -> memref<800xi32, #tpu.memory_space<hbm>>
        %dma_start3A_4128 = tpu.memref_slice %arg2[%add3A_4126] : memref<3276800xi32, #tpu.memory_space<hbm>> -> memref<800xi32, #tpu.memory_space<hbm>>
        tpu.enqueue_dma source(%dma_start3A_4128 : memref<800xi32, #tpu.memory_space<hbm>>) target(%arg7 : memref<800xi32, #tpu.memory_space<vmem>>) target_semaphore(%arg15 : memref<!tpu.dma_semaphore, #tpu.memory_space<semaphore_mem>>)
        %dma_start3A_4129 = tpu.memref_slice %arg3[%add3A_4126] : memref<3276800xi32, #tpu.memory_space<hbm>> -> memref<800xi32, #tpu.memory_space<hbm>>
        %dma_start3A_4130 = tpu.memref_slice %arg3[%add3A_4126] : memref<3276800xi32, #tpu.memory_space<hbm>> -> memref<800xi32, #tpu.memory_space<hbm>>
        tpu.enqueue_dma source(%dma_start3A_4130 : memref<800xi32, #tpu.memory_space<hbm>>) target(%arg9 : memref<800xi32, #tpu.memory_space<vmem>>) target_semaphore(%arg15 : memref<!tpu.dma_semaphore, #tpu.memory_space<semaphore_mem>>)
      } else {
      }
      %dma_wait3A_4119 = arith.constant 0 : i32
      %dma_wait3A_4120 = arith.constant 0 : i32
      %dma_wait3A_4121 = tpu.memref_slice %arg4[%dma_wait3A_4119, %dma_wait3A_4120] : memref<1000000x64xf32, #tpu.memory_space<hbm>> -> memref<1000000x64xf32, #tpu.memory_space<hbm>>
      tpu.wait_indirect_dma semaphore(%arg18 : memref<!tpu.dma_semaphore, #tpu.memory_space<semaphore_mem>>) src(%dma_wait3A_4121 : memref<1000000x64xf32, #tpu.memory_space<hbm>>) dst(%arg12 : memref<800x64xf32, #tpu.memory_space<vmem>>)
    }
    %scan3A_1826 = arith.constant 63 : i32
    %dma_start3A_1827 = arith.constant 0 : i32
    %dma_start3A_1828 = arith.constant 0 : i32
    %dma_start3A_1829 = tpu.memref_slice %arg14[%dma_start3A_1827, %dma_start3A_1828] : memref<1024x64xf32, #tpu.memory_space<vmem_shared>> -> memref<1024x64xf32, #tpu.memory_space<vmem_shared>>
    tpu.enqueue_indirect_dma source(%dma_start3A_1829 : memref<1024x64xf32, #tpu.memory_space<vmem_shared>>) target(%arg12 : memref<800x64xf32, #tpu.memory_space<vmem>>) offsets(%arg10 : memref<800xi32, #tpu.memory_space<vmem>>) semaphore(%arg19 : memref<!tpu.dma_semaphore, #tpu.memory_space<semaphore_mem>>) {add = true}
    %dma_wait3A_1830 = arith.constant 0 : i32
    %dma_wait3A_1831 = arith.constant 0 : i32
    %dma_wait3A_1832 = tpu.memref_slice %arg14[%dma_wait3A_1830, %dma_wait3A_1831] : memref<1024x64xf32, #tpu.memory_space<vmem_shared>> -> memref<1024x64xf32, #tpu.memory_space<vmem_shared>>
    tpu.wait_indirect_dma semaphore(%arg19 : memref<!tpu.dma_semaphore, #tpu.memory_space<semaphore_mem>>) src(%dma_wait3A_1832 : memref<1024x64xf32, #tpu.memory_space<vmem_shared>>) dst(%arg12 : memref<800x64xf32, #tpu.memory_space<vmem>>)
    %add3A_1833 = arith.constant 508 : i32
    %add3A_1834 = arith.addi %mul3A_4, %add3A_1833 : i32
    %add3A_1835 = arith.constant 0 : i32
    %add3A_1836 = arith.addi %add3A_1834, %add3A_1835 : i32
    %dma_start3A_1837 = arith.constant 0 : i32
    %dma_start3A_1838 = arith.constant 0 : i32
    %dma_start3A_1839 = tpu.memref_slice %arg12[%dma_start3A_1837, %dma_start3A_1838] : memref<800x64xf32, #tpu.memory_space<vmem>> -> memref<200x64xf32, #tpu.memory_space<vmem>>
    %dma_start3A_1840 = arith.constant 0 : i32
    %dma_start3A_1841 = arith.constant 0 : i32
    %dma_start3A_1842 = tpu.memref_slice %arg6[%add3A_1836, %dma_start3A_1840, %dma_start3A_1841] : memref<16384x200x128xf32, #tpu.memory_space<hbm>> -> memref<1x200x64xf32, #tpu.memory_space<hbm>>
    %dma_start3A_1843 = tpu.memref_squeeze %dma_start3A_1842 : memref<1x200x64xf32, #tpu.memory_space<hbm>> -> memref<200x64xf32, #tpu.memory_space<hbm>>
    %dma_start3A_1844 = arith.constant 0 : i32
    %dma_start3A_1845 = arith.constant 0 : i32
    %dma_start3A_1846 = tpu.memref_slice %arg6[%add3A_1836, %dma_start3A_1844, %dma_start3A_1845] : memref<16384x200x128xf32, #tpu.memory_space<hbm>> -> memref<1x200x64xf32, #tpu.memory_space<hbm>>
    %dma_start3A_1847 = tpu.memref_squeeze %dma_start3A_1846 : memref<1x200x64xf32, #tpu.memory_space<hbm>> -> memref<200x64xf32, #tpu.memory_space<hbm>>
    %dma_start3A_1848 = arith.constant 0 : i32
    %dma_start3A_1849 = arith.constant 0 : i32
    %dma_start3A_1850 = tpu.memref_slice %arg12[%dma_start3A_1848, %dma_start3A_1849] : memref<800x64xf32, #tpu.memory_space<vmem>> -> memref<200x64xf32, #tpu.memory_space<vmem>>
    tpu.enqueue_dma source(%dma_start3A_1850 : memref<200x64xf32, #tpu.memory_space<vmem>>) target(%dma_start3A_1847 : memref<200x64xf32, #tpu.memory_space<hbm>>) target_semaphore(%arg21 : memref<!tpu.dma_semaphore, #tpu.memory_space<semaphore_mem>>)
    %add3A_1851 = arith.constant 508 : i32
    %add3A_1852 = arith.addi %mul3A_4, %add3A_1851 : i32
    %add3A_1853 = arith.constant 1 : i32
    %add3A_1854 = arith.addi %add3A_1852, %add3A_1853 : i32
    %dma_start3A_1855 = arith.constant 200 : i32
    %dma_start3A_1856 = arith.constant 0 : i32
    %dma_start3A_1857 = tpu.memref_slice %arg12[%dma_start3A_1855, %dma_start3A_1856] : memref<800x64xf32, #tpu.memory_space<vmem>> -> memref<200x64xf32, #tpu.memory_space<vmem>>
    %dma_start3A_1858 = arith.constant 0 : i32
    %dma_start3A_1859 = arith.constant 0 : i32
    %dma_start3A_1860 = tpu.memref_slice %arg6[%add3A_1854, %dma_start3A_1858, %dma_start3A_1859] : memref<16384x200x128xf32, #tpu.memory_space<hbm>> -> memref<1x200x64xf32, #tpu.memory_space<hbm>>
    %dma_start3A_1861 = tpu.memref_squeeze %dma_start3A_1860 : memref<1x200x64xf32, #tpu.memory_space<hbm>> -> memref<200x64xf32, #tpu.memory_space<hbm>>
    %dma_start3A_1862 = arith.constant 0 : i32
    %dma_start3A_1863 = arith.constant 0 : i32
    %dma_start3A_1864 = tpu.memref_slice %arg6[%add3A_1854, %dma_start3A_1862, %dma_start3A_1863] : memref<16384x200x128xf32, #tpu.memory_space<hbm>> -> memref<1x200x64xf32, #tpu.memory_space<hbm>>
    %dma_start3A_1865 = tpu.memref_squeeze %dma_start3A_1864 : memref<1x200x64xf32, #tpu.memory_space<hbm>> -> memref<200x64xf32, #tpu.memory_space<hbm>>
    %dma_start3A_1866 = arith.constant 200 : i32
    %dma_start3A_1867 = arith.constant 0 : i32
    %dma_start3A_1868 = tpu.memref_slice %arg12[%dma_start3A_1866, %dma_start3A_1867] : memref<800x64xf32, #tpu.memory_space<vmem>> -> memref<200x64xf32, #tpu.memory_space<vmem>>
    tpu.enqueue_dma source(%dma_start3A_1868 : memref<200x64xf32, #tpu.memory_space<vmem>>) target(%dma_start3A_1865 : memref<200x64xf32, #tpu.memory_space<hbm>>) target_semaphore(%arg21 : memref<!tpu.dma_semaphore, #tpu.memory_space<semaphore_mem>>)
    %add3A_1869 = arith.constant 508 : i32
    %add3A_1870 = arith.addi %mul3A_4, %add3A_1869 : i32
    %add3A_1871 = arith.constant 2 : i32
    %add3A_1872 = arith.addi %add3A_1870, %add3A_1871 : i32
    %dma_start3A_1873 = arith.constant 400 : i32
    %dma_start3A_1874 = arith.constant 0 : i32
    %dma_start3A_1875 = tpu.memref_slice %arg12[%dma_start3A_1873, %dma_start3A_1874] : memref<800x64xf32, #tpu.memory_space<vmem>> -> memref<200x64xf32, #tpu.memory_space<vmem>>
    %dma_start3A_1876 = arith.constant 0 : i32
    %dma_start3A_1877 = arith.constant 0 : i32
    %dma_start3A_1878 = tpu.memref_slice %arg6[%add3A_1872, %dma_start3A_1876, %dma_start3A_1877] : memref<16384x200x128xf32, #tpu.memory_space<hbm>> -> memref<1x200x64xf32, #tpu.memory_space<hbm>>
    %dma_start3A_1879 = tpu.memref_squeeze %dma_start3A_1878 : memref<1x200x64xf32, #tpu.memory_space<hbm>> -> memref<200x64xf32, #tpu.memory_space<hbm>>
    %dma_start3A_1880 = arith.constant 0 : i32
    %dma_start3A_1881 = arith.constant 0 : i32
    %dma_start3A_1882 = tpu.memref_slice %arg6[%add3A_1872, %dma_start3A_1880, %dma_start3A_1881] : memref<16384x200x128xf32, #tpu.memory_space<hbm>> -> memref<1x200x64xf32, #tpu.memory_space<hbm>>
    %dma_start3A_1883 = tpu.memref_squeeze %dma_start3A_1882 : memref<1x200x64xf32, #tpu.memory_space<hbm>> -> memref<200x64xf32, #tpu.memory_space<hbm>>
    %dma_start3A_1884 = arith.constant 400 : i32
    %dma_start3A_1885 = arith.constant 0 : i32
    %dma_start3A_1886 = tpu.memref_slice %arg12[%dma_start3A_1884, %dma_start3A_1885] : memref<800x64xf32, #tpu.memory_space<vmem>> -> memref<200x64xf32, #tpu.memory_space<vmem>>
    tpu.enqueue_dma source(%dma_start3A_1886 : memref<200x64xf32, #tpu.memory_space<vmem>>) target(%dma_start3A_1883 : memref<200x64xf32, #tpu.memory_space<hbm>>) target_semaphore(%arg21 : memref<!tpu.dma_semaphore, #tpu.memory_space<semaphore_mem>>)
    %add3A_1887 = arith.constant 508 : i32
    %add3A_1888 = arith.addi %mul3A_4, %add3A_1887 : i32
    %add3A_1889 = arith.constant 3 : i32
    %add3A_1890 = arith.addi %add3A_1888, %add3A_1889 : i32
    %dma_start3A_1891 = arith.constant 600 : i32
    %dma_start3A_1892 = arith.constant 0 : i32
    %dma_start3A_1893 = tpu.memref_slice %arg12[%dma_start3A_1891, %dma_start3A_1892] : memref<800x64xf32, #tpu.memory_space<vmem>> -> memref<200x64xf32, #tpu.memory_space<vmem>>
    %dma_start3A_1894 = arith.constant 0 : i32
    %dma_start3A_1895 = arith.constant 0 : i32
    %dma_start3A_1896 = tpu.memref_slice %arg6[%add3A_1890, %dma_start3A_1894, %dma_start3A_1895] : memref<16384x200x128xf32, #tpu.memory_space<hbm>> -> memref<1x200x64xf32, #tpu.memory_space<hbm>>
    %dma_start3A_1897 = tpu.memref_squeeze %dma_start3A_1896 : memref<1x200x64xf32, #tpu.memory_space<hbm>> -> memref<200x64xf32, #tpu.memory_space<hbm>>
    %dma_start3A_1898 = arith.constant 0 : i32
    %dma_start3A_1899 = arith.constant 0 : i32
    %dma_start3A_1900 = tpu.memref_slice %arg6[%add3A_1890, %dma_start3A_1898, %dma_start3A_1899] : memref<16384x200x128xf32, #tpu.memory_space<hbm>> -> memref<1x200x64xf32, #tpu.memory_space<hbm>>
    %dma_start3A_1901 = tpu.memref_squeeze %dma_start3A_1900 : memref<1x200x64xf32, #tpu.memory_space<hbm>> -> memref<200x64xf32, #tpu.memory_space<hbm>>
    %dma_start3A_1902 = arith.constant 600 : i32
    %dma_start3A_1903 = arith.constant 0 : i32
    %dma_start3A_1904 = tpu.memref_slice %arg12[%dma_start3A_1902, %dma_start3A_1903] : memref<800x64xf32, #tpu.memory_space<vmem>> -> memref<200x64xf32, #tpu.memory_space<vmem>>
    tpu.enqueue_dma source(%dma_start3A_1904 : memref<200x64xf32, #tpu.memory_space<vmem>>) target(%dma_start3A_1901 : memref<200x64xf32, #tpu.memory_space<hbm>>) target_semaphore(%arg21 : memref<!tpu.dma_semaphore, #tpu.memory_space<semaphore_mem>>)
    %add3A_1905 = arith.constant 504 : i32
    %add3A_1906 = arith.addi %mul3A_4, %add3A_1905 : i32
    %add3A_1907 = arith.constant 0 : i32
    %add3A_1908 = arith.addi %add3A_1906, %add3A_1907 : i32
    %dma_wait3A_1909 = arith.constant 0 : i32
    %dma_wait3A_1910 = arith.constant 0 : i32
    %dma_wait3A_1911 = tpu.memref_slice %arg11[%dma_wait3A_1909, %dma_wait3A_1910] : memref<800x64xf32, #tpu.memory_space<vmem>> -> memref<200x64xf32, #tpu.memory_space<vmem>>
    %dma_wait3A_1912 = arith.constant 0 : i32
    %dma_wait3A_1913 = arith.constant 0 : i32
    %dma_wait3A_1914 = tpu.memref_slice %arg6[%add3A_1908, %dma_wait3A_1912, %dma_wait3A_1913] : memref<16384x200x128xf32, #tpu.memory_space<hbm>> -> memref<1x200x64xf32, #tpu.memory_space<hbm>>
    %dma_wait3A_1915 = tpu.memref_squeeze %dma_wait3A_1914 : memref<1x200x64xf32, #tpu.memory_space<hbm>> -> memref<200x64xf32, #tpu.memory_space<hbm>>
    %dma_wait3A_1916 = arith.constant 0 : i32
    %dma_wait3A_1917 = arith.constant 0 : i32
    %dma_wait3A_1918 = tpu.memref_slice %arg6[%add3A_1908, %dma_wait3A_1916, %dma_wait3A_1917] : memref<16384x200x128xf32, #tpu.memory_space<hbm>> -> memref<1x200x64xf32, #tpu.memory_space<hbm>>
    %dma_wait3A_1919 = tpu.memref_squeeze %dma_wait3A_1918 : memref<1x200x64xf32, #tpu.memory_space<hbm>> -> memref<200x64xf32, #tpu.memory_space<hbm>>
    %dma_wait3A_1920 = arith.constant 0 : i32
    %dma_wait3A_1921 = arith.constant 0 : i32
    %dma_wait3A_1922 = tpu.memref_slice %arg11[%dma_wait3A_1920, %dma_wait3A_1921] : memref<800x64xf32, #tpu.memory_space<vmem>> -> memref<200x64xf32, #tpu.memory_space<vmem>>
    tpu.wait_dma2 semaphore(%arg20 : memref<!tpu.dma_semaphore, #tpu.memory_space<semaphore_mem>>) src(%dma_wait3A_1922 : memref<200x64xf32, #tpu.memory_space<vmem>>) dst(%dma_wait3A_1919 : memref<200x64xf32, #tpu.memory_space<hbm>>)
    %add3A_1923 = arith.constant 504 : i32
    %add3A_1924 = arith.addi %mul3A_4, %add3A_1923 : i32
    %add3A_1925 = arith.constant 1 : i32
    %add3A_1926 = arith.addi %add3A_1924, %add3A_1925 : i32
    %dma_wait3A_1927 = arith.constant 200 : i32
    %dma_wait3A_1928 = arith.constant 0 : i32
    %dma_wait3A_1929 = tpu.memref_slice %arg11[%dma_wait3A_1927, %dma_wait3A_1928] : memref<800x64xf32, #tpu.memory_space<vmem>> -> memref<200x64xf32, #tpu.memory_space<vmem>>
    %dma_wait3A_1930 = arith.constant 0 : i32
    %dma_wait3A_1931 = arith.constant 0 : i32
    %dma_wait3A_1932 = tpu.memref_slice %arg6[%add3A_1926, %dma_wait3A_1930, %dma_wait3A_1931] : memref<16384x200x128xf32, #tpu.memory_space<hbm>> -> memref<1x200x64xf32, #tpu.memory_space<hbm>>
    %dma_wait3A_1933 = tpu.memref_squeeze %dma_wait3A_1932 : memref<1x200x64xf32, #tpu.memory_space<hbm>> -> memref<200x64xf32, #tpu.memory_space<hbm>>
    %dma_wait3A_1934 = arith.constant 0 : i32
    %dma_wait3A_1935 = arith.constant 0 : i32
    %dma_wait3A_1936 = tpu.memref_slice %arg6[%add3A_1926, %dma_wait3A_1934, %dma_wait3A_1935] : memref<16384x200x128xf32, #tpu.memory_space<hbm>> -> memref<1x200x64xf32, #tpu.memory_space<hbm>>
    %dma_wait3A_1937 = tpu.memref_squeeze %dma_wait3A_1936 : memref<1x200x64xf32, #tpu.memory_space<hbm>> -> memref<200x64xf32, #tpu.memory_space<hbm>>
    %dma_wait3A_1938 = arith.constant 200 : i32
    %dma_wait3A_1939 = arith.constant 0 : i32
    %dma_wait3A_1940 = tpu.memref_slice %arg11[%dma_wait3A_1938, %dma_wait3A_1939] : memref<800x64xf32, #tpu.memory_space<vmem>> -> memref<200x64xf32, #tpu.memory_space<vmem>>
    tpu.wait_dma2 semaphore(%arg20 : memref<!tpu.dma_semaphore, #tpu.memory_space<semaphore_mem>>) src(%dma_wait3A_1940 : memref<200x64xf32, #tpu.memory_space<vmem>>) dst(%dma_wait3A_1937 : memref<200x64xf32, #tpu.memory_space<hbm>>)
    %add3A_1941 = arith.constant 504 : i32
    %add3A_1942 = arith.addi %mul3A_4, %add3A_1941 : i32
    %add3A_1943 = arith.constant 2 : i32
    %add3A_1944 = arith.addi %add3A_1942, %add3A_1943 : i32
    %dma_wait3A_1945 = arith.constant 400 : i32
    %dma_wait3A_1946 = arith.constant 0 : i32
    %dma_wait3A_1947 = tpu.memref_slice %arg11[%dma_wait3A_1945, %dma_wait3A_1946] : memref<800x64xf32, #tpu.memory_space<vmem>> -> memref<200x64xf32, #tpu.memory_space<vmem>>
    %dma_wait3A_1948 = arith.constant 0 : i32
    %dma_wait3A_1949 = arith.constant 0 : i32
    %dma_wait3A_1950 = tpu.memref_slice %arg6[%add3A_1944, %dma_wait3A_1948, %dma_wait3A_1949] : memref<16384x200x128xf32, #tpu.memory_space<hbm>> -> memref<1x200x64xf32, #tpu.memory_space<hbm>>
    %dma_wait3A_1951 = tpu.memref_squeeze %dma_wait3A_1950 : memref<1x200x64xf32, #tpu.memory_space<hbm>> -> memref<200x64xf32, #tpu.memory_space<hbm>>
    %dma_wait3A_1952 = arith.constant 0 : i32
    %dma_wait3A_1953 = arith.constant 0 : i32
    %dma_wait3A_1954 = tpu.memref_slice %arg6[%add3A_1944, %dma_wait3A_1952, %dma_wait3A_1953] : memref<16384x200x128xf32, #tpu.memory_space<hbm>> -> memref<1x200x64xf32, #tpu.memory_space<hbm>>
    %dma_wait3A_1955 = tpu.memref_squeeze %dma_wait3A_1954 : memref<1x200x64xf32, #tpu.memory_space<hbm>> -> memref<200x64xf32, #tpu.memory_space<hbm>>
    %dma_wait3A_1956 = arith.constant 400 : i32
    %dma_wait3A_1957 = arith.constant 0 : i32
    %dma_wait3A_1958 = tpu.memref_slice %arg11[%dma_wait3A_1956, %dma_wait3A_1957] : memref<800x64xf32, #tpu.memory_space<vmem>> -> memref<200x64xf32, #tpu.memory_space<vmem>>
    tpu.wait_dma2 semaphore(%arg20 : memref<!tpu.dma_semaphore, #tpu.memory_space<semaphore_mem>>) src(%dma_wait3A_1958 : memref<200x64xf32, #tpu.memory_space<vmem>>) dst(%dma_wait3A_1955 : memref<200x64xf32, #tpu.memory_space<hbm>>)
    %add3A_1959 = arith.constant 504 : i32
    %add3A_1960 = arith.addi %mul3A_4, %add3A_1959 : i32
    %add3A_1961 = arith.constant 3 : i32
    %add3A_1962 = arith.addi %add3A_1960, %add3A_1961 : i32
    %dma_wait3A_1963 = arith.constant 600 : i32
    %dma_wait3A_1964 = arith.constant 0 : i32
    %dma_wait3A_1965 = tpu.memref_slice %arg11[%dma_wait3A_1963, %dma_wait3A_1964] : memref<800x64xf32, #tpu.memory_space<vmem>> -> memref<200x64xf32, #tpu.memory_space<vmem>>
    %dma_wait3A_1966 = arith.constant 0 : i32
    %dma_wait3A_1967 = arith.constant 0 : i32
    %dma_wait3A_1968 = tpu.memref_slice %arg6[%add3A_1962, %dma_wait3A_1966, %dma_wait3A_1967] : memref<16384x200x128xf32, #tpu.memory_space<hbm>> -> memref<1x200x64xf32, #tpu.memory_space<hbm>>
    %dma_wait3A_1969 = tpu.memref_squeeze %dma_wait3A_1968 : memref<1x200x64xf32, #tpu.memory_space<hbm>> -> memref<200x64xf32, #tpu.memory_space<hbm>>
    %dma_wait3A_1970 = arith.constant 0 : i32
    %dma_wait3A_1971 = arith.constant 0 : i32
    %dma_wait3A_1972 = tpu.memref_slice %arg6[%add3A_1962, %dma_wait3A_1970, %dma_wait3A_1971] : memref<16384x200x128xf32, #tpu.memory_space<hbm>> -> memref<1x200x64xf32, #tpu.memory_space<hbm>>
    %dma_wait3A_1973 = tpu.memref_squeeze %dma_wait3A_1972 : memref<1x200x64xf32, #tpu.memory_space<hbm>> -> memref<200x64xf32, #tpu.memory_space<hbm>>
    %dma_wait3A_1974 = arith.constant 600 : i32
    %dma_wait3A_1975 = arith.constant 0 : i32
    %dma_wait3A_1976 = tpu.memref_slice %arg11[%dma_wait3A_1974, %dma_wait3A_1975] : memref<800x64xf32, #tpu.memory_space<vmem>> -> memref<200x64xf32, #tpu.memory_space<vmem>>
    tpu.wait_dma2 semaphore(%arg20 : memref<!tpu.dma_semaphore, #tpu.memory_space<semaphore_mem>>) src(%dma_wait3A_1976 : memref<200x64xf32, #tpu.memory_space<vmem>>) dst(%dma_wait3A_1973 : memref<200x64xf32, #tpu.memory_space<hbm>>)
    %add3A_1977 = arith.constant 508 : i32
    %add3A_1978 = arith.addi %mul3A_4, %add3A_1977 : i32
    %add3A_1979 = arith.constant 0 : i32
    %add3A_1980 = arith.addi %add3A_1978, %add3A_1979 : i32
    %dma_wait3A_1981 = arith.constant 0 : i32
    %dma_wait3A_1982 = arith.constant 0 : i32
    %dma_wait3A_1983 = tpu.memref_slice %arg12[%dma_wait3A_1981, %dma_wait3A_1982] : memref<800x64xf32, #tpu.memory_space<vmem>> -> memref<200x64xf32, #tpu.memory_space<vmem>>
    %dma_wait3A_1984 = arith.constant 0 : i32
    %dma_wait3A_1985 = arith.constant 0 : i32
    %dma_wait3A_1986 = tpu.memref_slice %arg6[%add3A_1980, %dma_wait3A_1984, %dma_wait3A_1985] : memref<16384x200x128xf32, #tpu.memory_space<hbm>> -> memref<1x200x64xf32, #tpu.memory_space<hbm>>
    %dma_wait3A_1987 = tpu.memref_squeeze %dma_wait3A_1986 : memref<1x200x64xf32, #tpu.memory_space<hbm>> -> memref<200x64xf32, #tpu.memory_space<hbm>>
    %dma_wait3A_1988 = arith.constant 0 : i32
    %dma_wait3A_1989 = arith.constant 0 : i32
    %dma_wait3A_1990 = tpu.memref_slice %arg6[%add3A_1980, %dma_wait3A_1988, %dma_wait3A_1989] : memref<16384x200x128xf32, #tpu.memory_space<hbm>> -> memref<1x200x64xf32, #tpu.memory_space<hbm>>
    %dma_wait3A_1991 = tpu.memref_squeeze %dma_wait3A_1990 : memref<1x200x64xf32, #tpu.memory_space<hbm>> -> memref<200x64xf32, #tpu.memory_space<hbm>>
    %dma_wait3A_1992 = arith.constant 0 : i32
    %dma_wait3A_1993 = arith.constant 0 : i32
    %dma_wait3A_1994 = tpu.memref_slice %arg12[%dma_wait3A_1992, %dma_wait3A_1993] : memref<800x64xf32, #tpu.memory_space<vmem>> -> memref<200x64xf32, #tpu.memory_space<vmem>>
    tpu.wait_dma2 semaphore(%arg21 : memref<!tpu.dma_semaphore, #tpu.memory_space<semaphore_mem>>) src(%dma_wait3A_1994 : memref<200x64xf32, #tpu.memory_space<vmem>>) dst(%dma_wait3A_1991 : memref<200x64xf32, #tpu.memory_space<hbm>>)
    %add3A_1995 = arith.constant 508 : i32
    %add3A_1996 = arith.addi %mul3A_4, %add3A_1995 : i32
    %add3A_1997 = arith.constant 1 : i32
    %add3A_1998 = arith.addi %add3A_1996, %add3A_1997 : i32
    %dma_wait3A_1999 = arith.constant 200 : i32
    %dma_wait3A_2000 = arith.constant 0 : i32
    %dma_wait3A_2001 = tpu.memref_slice %arg12[%dma_wait3A_1999, %dma_wait3A_2000] : memref<800x64xf32, #tpu.memory_space<vmem>> -> memref<200x64xf32, #tpu.memory_space<vmem>>
    %dma_wait3A_2002 = arith.constant 0 : i32
    %dma_wait3A_2003 = arith.constant 0 : i32
    %dma_wait3A_2004 = tpu.memref_slice %arg6[%add3A_1998, %dma_wait3A_2002, %dma_wait3A_2003] : memref<16384x200x128xf32, #tpu.memory_space<hbm>> -> memref<1x200x64xf32, #tpu.memory_space<hbm>>
    %dma_wait3A_2005 = tpu.memref_squeeze %dma_wait3A_2004 : memref<1x200x64xf32, #tpu.memory_space<hbm>> -> memref<200x64xf32, #tpu.memory_space<hbm>>
    %dma_wait3A_2006 = arith.constant 0 : i32
    %dma_wait3A_2007 = arith.constant 0 : i32
    %dma_wait3A_2008 = tpu.memref_slice %arg6[%add3A_1998, %dma_wait3A_2006, %dma_wait3A_2007] : memref<16384x200x128xf32, #tpu.memory_space<hbm>> -> memref<1x200x64xf32, #tpu.memory_space<hbm>>
    %dma_wait3A_2009 = tpu.memref_squeeze %dma_wait3A_2008 : memref<1x200x64xf32, #tpu.memory_space<hbm>> -> memref<200x64xf32, #tpu.memory_space<hbm>>
    %dma_wait3A_2010 = arith.constant 200 : i32
    %dma_wait3A_2011 = arith.constant 0 : i32
    %dma_wait3A_2012 = tpu.memref_slice %arg12[%dma_wait3A_2010, %dma_wait3A_2011] : memref<800x64xf32, #tpu.memory_space<vmem>> -> memref<200x64xf32, #tpu.memory_space<vmem>>
    tpu.wait_dma2 semaphore(%arg21 : memref<!tpu.dma_semaphore, #tpu.memory_space<semaphore_mem>>) src(%dma_wait3A_2012 : memref<200x64xf32, #tpu.memory_space<vmem>>) dst(%dma_wait3A_2009 : memref<200x64xf32, #tpu.memory_space<hbm>>)
    %add3A_2013 = arith.constant 508 : i32
    %add3A_2014 = arith.addi %mul3A_4, %add3A_2013 : i32
    %add3A_2015 = arith.constant 2 : i32
    %add3A_2016 = arith.addi %add3A_2014, %add3A_2015 : i32
    %dma_wait3A_2017 = arith.constant 400 : i32
    %dma_wait3A_2018 = arith.constant 0 : i32
    %dma_wait3A_2019 = tpu.memref_slice %arg12[%dma_wait3A_2017, %dma_wait3A_2018] : memref<800x64xf32, #tpu.memory_space<vmem>> -> memref<200x64xf32, #tpu.memory_space<vmem>>
    %dma_wait3A_2020 = arith.constant 0 : i32
    %dma_wait3A_2021 = arith.constant 0 : i32
    %dma_wait3A_2022 = tpu.memref_slice %arg6[%add3A_2016, %dma_wait3A_2020, %dma_wait3A_2021] : memref<16384x200x128xf32, #tpu.memory_space<hbm>> -> memref<1x200x64xf32, #tpu.memory_space<hbm>>
    %dma_wait3A_2023 = tpu.memref_squeeze %dma_wait3A_2022 : memref<1x200x64xf32, #tpu.memory_space<hbm>> -> memref<200x64xf32, #tpu.memory_space<hbm>>
    %dma_wait3A_2024 = arith.constant 0 : i32
    %dma_wait3A_2025 = arith.constant 0 : i32
    %dma_wait3A_2026 = tpu.memref_slice %arg6[%add3A_2016, %dma_wait3A_2024, %dma_wait3A_2025] : memref<16384x200x128xf32, #tpu.memory_space<hbm>> -> memref<1x200x64xf32, #tpu.memory_space<hbm>>
    %dma_wait3A_2027 = tpu.memref_squeeze %dma_wait3A_2026 : memref<1x200x64xf32, #tpu.memory_space<hbm>> -> memref<200x64xf32, #tpu.memory_space<hbm>>
    %dma_wait3A_2028 = arith.constant 400 : i32
    %dma_wait3A_2029 = arith.constant 0 : i32
    %dma_wait3A_2030 = tpu.memref_slice %arg12[%dma_wait3A_2028, %dma_wait3A_2029] : memref<800x64xf32, #tpu.memory_space<vmem>> -> memref<200x64xf32, #tpu.memory_space<vmem>>
    tpu.wait_dma2 semaphore(%arg21 : memref<!tpu.dma_semaphore, #tpu.memory_space<semaphore_mem>>) src(%dma_wait3A_2030 : memref<200x64xf32, #tpu.memory_space<vmem>>) dst(%dma_wait3A_2027 : memref<200x64xf32, #tpu.memory_space<hbm>>)
    %add3A_2031 = arith.constant 508 : i32
    %add3A_2032 = arith.addi %mul3A_4, %add3A_2031 : i32
    %add3A_2033 = arith.constant 3 : i32
    %add3A_2034 = arith.addi %add3A_2032, %add3A_2033 : i32
    %dma_wait3A_2035 = arith.constant 600 : i32
    %dma_wait3A_2036 = arith.constant 0 : i32
    %dma_wait3A_2037 = tpu.memref_slice %arg12[%dma_wait3A_2035, %dma_wait3A_2036] : memref<800x64xf32, #tpu.memory_space<vmem>> -> memref<200x64xf32, #tpu.memory_space<vmem>>
    %dma_wait3A_2038 = arith.constant 0 : i32
    %dma_wait3A_2039 = arith.constant 0 : i32
    %dma_wait3A_2040 = tpu.memref_slice %arg6[%add3A_2034, %dma_wait3A_2038, %dma_wait3A_2039] : memref<16384x200x128xf32, #tpu.memory_space<hbm>> -> memref<1x200x64xf32, #tpu.memory_space<hbm>>
    %dma_wait3A_2041 = tpu.memref_squeeze %dma_wait3A_2040 : memref<1x200x64xf32, #tpu.memory_space<hbm>> -> memref<200x64xf32, #tpu.memory_space<hbm>>
    %dma_wait3A_2042 = arith.constant 0 : i32
    %dma_wait3A_2043 = arith.constant 0 : i32
    %dma_wait3A_2044 = tpu.memref_slice %arg6[%add3A_2034, %dma_wait3A_2042, %dma_wait3A_2043] : memref<16384x200x128xf32, #tpu.memory_space<hbm>> -> memref<1x200x64xf32, #tpu.memory_space<hbm>>
    %dma_wait3A_2045 = tpu.memref_squeeze %dma_wait3A_2044 : memref<1x200x64xf32, #tpu.memory_space<hbm>> -> memref<200x64xf32, #tpu.memory_space<hbm>>
    %dma_wait3A_2046 = arith.constant 600 : i32
    %dma_wait3A_2047 = arith.constant 0 : i32
    %dma_wait3A_2048 = tpu.memref_slice %arg12[%dma_wait3A_2046, %dma_wait3A_2047] : memref<800x64xf32, #tpu.memory_space<vmem>> -> memref<200x64xf32, #tpu.memory_space<vmem>>
    tpu.wait_dma2 semaphore(%arg21 : memref<!tpu.dma_semaphore, #tpu.memory_space<semaphore_mem>>) src(%dma_wait3A_2048 : memref<200x64xf32, #tpu.memory_space<vmem>>) dst(%dma_wait3A_2045 : memref<200x64xf32, #tpu.memory_space<hbm>>)
    return
  }
}

</mosaic_0001>

<sc_bundles>
// kernel: kernel.3.cloned.1.call-start
scs
__scs_entry_jumppad:
0x0: {  	(pc) =	sbr.rel $0x88, $3  }
0x1: {  	(tag) =	ssettag $0x0;
	lr =	simm.s32 $0x1  }
0x2: {  	[smem:$0x3F9D] =	sst lr;
	_ =	strace $0xD0000000  }
0x3: {  	_ = 	snop  }
0x4: {  	_ = 	snop  }
0x5: {  	_ = 	snop  }
0x6: {  	_ = 	snop  }
0x7: {  	_ = 	snop  }
__scs_overlays_trampoline_lowered:
0x8: {  	[smem:$0x3FAC] =	sst s0  }
0x9: {  	[smem:$0x3FAD] =	sst s1  }
0xa: {  	[smem:$0x3FAE] =	sst s2  }
0xb: {  	[smem:$0x3FAF] =	sst s3  }
0xc: {  	[smem:$0x3FB0] =	sst s4  }
0xd: {  	[smem:$0x3FB1] =	sst s5  }
0xe: {  	[smem:$0x3FB2] =	sst s6  }
0xf: {  	[smem:$0x3FB3] =	sst s7  }
0x10: {  	[smem:$0x3FB4] =	sst s8  }
0x11: {  	[smem:$0x3FB5] =	sst s9;
	s0 =	simm.s32 @!p0 $0x0  }
0x12: {  	s1 =	sld [smem:$0x3F9B];
	s0 =	simm.s32 @p0 $0x1  }
0x13: {  	[smem:$0x3FB6] =	sst s0;
	s0 =	simm.s32 @!p1 $0x0  }
0x14: {  	s2 =	sld [smem:$0x3F9A];
	s0 =	simm.s32 @p1 $0x1  }
0x15: {  	[smem:$0x3FB7] =	sst s0;
	s0 =	simm.s32 @!p2 $0x0  }
0x16: {  	s3 =	sld [smem:$0x3FDB];
	s0 =	simm.s32 @p2 $0x1  }
0x17: {  	s4 =	simm.s32 $0x1BF5;
	[smem:$0x3FB9] =	sst s0  }
0x18: {  	s0 =	sld [smem:$0x3F9C];
	_ =	swait.ge [sflag:s4], $0x0  }
0x19: {  	s7 =	sld [smem:$0x3F9D]  }
0x1a: {  	s8 =	sadd.s32 $0xFFFFE003, lr  }
0x1b: {  	s9 =	sadd.s32 $0xFFFFFEF7, lr;
	s5 =	simm.s32 $0xFFFFFFFF;
	p2 =	slt.u32 s8, $0xFFFFF086  }
0x1c: {  	p1 =	slt.u32 s9, $0xF7A;
	s5 =	simm.s32 @!p2 $0x0  }
0x1d: {  	s5 =	simm.s32 @p1 $0x1;
	p0 =	seq.s32 s7, s2  }
0x1e: {  	s7 =	smul.u32 @!p0 $0xF7A, s2;
	p2 =	seq.s32 @!p0 s5, $0x0  }
0x1f: {  	s9 =	smul.u32 $0xF7A, s1;
	s8 =	simm.s32 @!p0 $0x1BF5;
	p2 =	por !p2, p0  }
0x20: {  	[sflag:s8] =	ssyncset.s32 @!p0 $0xFFFFF086;
	s6 =	sadd.s32 @!p0 s3, s7;
	s7 =	simm.s32 @!p0 $0x108  }
0x21: {  	s3 =	sadd.s32 s3, s9;
	s6 =	sadd.s32 @!p0 $0x88, s6;
	s7 =	simm.s32 @p2 $0x1082  }
0x22: {  	[simem:s7], [sflag:s8] =	dma.local @!p0 [hbm:s6], $0xF7A  }
0x23: {  	s9 =	sor.u32 $0xD0000000, s2;
	s6 =	simm.s32 $0x108;
	_ =	swait.ge @!p0 [sflag:s8], $0x0  }
0x24: {  	s3 =	sadd.s32 $0x88, s3;
	s6 =	simm.s32 @!p1 $0x1082;
	[sflag:s4] =	ssyncset.s32 $0xFFFFF086  }
0x25: {  	[simem:s6], [sflag:s4] =	dma.local [hbm:s3], $0xF7A  }
0x26: {  	[smem:$0x3F9D] =	sst s1;
	(tag) =	ssettag s2;
	_ =	strace s9  }
0x27: {  	s1 =	sld [smem:$0x3FAD]  }
0x28: {  	s2 =	sld [smem:$0x3FAE]  }
0x29: {  	s4 =	sld [smem:$0x3FB0]  }
0x2a: {  	p0 =	seq.s32 s5, $0x0;
	s5 =	sld [smem:$0x3FB1]  }
0x2b: {  	s6 =	sld [smem:$0x3FB2]  }
0x2c: {  	s7 =	sld [smem:$0x3FB3]  }
0x2d: {  	s3 =	simm.s32 $0x108;
	s8 =	sld [smem:$0x3FB4]  }
0x2e: {  	s3 =	simm.s32 @!p0 $0x1082;
	s9 =	sld [smem:$0x3FB5]  }
0x2f: {  	lr =	sadd.s32 s0, s3;
	s0 =	sld [smem:$0x3FAC]  }
0x30: {  	s3 =	sld [smem:$0x3FAF]  }
0x31: {  	[smem:$0x3FB8] =	sst s10  }
0x32: {  	s10 =	sld [smem:$0x3FB6];
	_ =	sdelay $0x3  }
0x33: {  	p0 =	seq.s32 s10, $0x1;
	s10 =	sld [smem:$0x3FB8];
	_ =	sdelay $0x3  }
0x34: {  	[smem:$0x3FB8] =	sst s10  }
0x35: {  	s10 =	sld [smem:$0x3FB7];
	_ =	sdelay $0x3  }
0x36: {  	p1 =	seq.s32 s10, $0x1;
	s10 =	sld [smem:$0x3FB8];
	_ =	sdelay $0x3  }
0x37: {  	[smem:$0x3FB8] =	sst s10  }
0x38: {  	s10 =	sld [smem:$0x3FB9]  }
0x39: {  	_ = 	snop;
	(pc) =	sbr.ind lr, $3  }
0x3a: {  	_ = 	snop  }
0x3b: {  	_ = 	snop  }
0x3c: {  	p2 =	seq.s32 s10, $0x1;
	s10 =	sld [smem:$0x3FB8]  }
0x3d: {  	_ =	shalt  }
0x3e: {  	_ =	shalt  }
0x3f: {  	_ =	shalt  }
0x40: {  	_ =	shalt  }
0x41: {  	_ =	shalt  }
0x42: {  	_ =	shalt  }
0x43: {  	_ =	shalt  }
0x44: {  	_ =	shalt  }
0x45: {  	_ =	shalt  }
0x46: {  	_ =	shalt  }
0x47: {  	_ =	shalt  }
0x48: {  	_ =	shalt  }
0x49: {  	_ =	shalt  }
0x4a: {  	_ =	shalt  }
0x4b: {  	_ =	shalt  }
0x4c: {  	_ =	shalt  }
0x4d: {  	_ =	shalt  }
0x4e: {  	_ =	shalt  }
0x4f: {  	_ =	shalt  }
0x50: {  	_ =	shalt  }
0x51: {  	_ =	shalt  }
0x52: {  	_ =	shalt  }
0x53: {  	_ =	shalt  }
0x54: {  	_ =	shalt  }
0x55: {  	_ =	shalt  }
0x56: {  	_ =	shalt  }
0x57: {  	_ =	shalt  }
0x58: {  	_ =	shalt  }
0x59: {  	_ =	shalt  }
0x5a: {  	_ =	shalt  }
0x5b: {  	_ =	shalt  }
0x5c: {  	_ =	shalt  }
0x5d: {  	_ =	shalt  }
0x5e: {  	_ =	shalt  }
0x5f: {  	_ =	shalt  }
0x60: {  	_ =	shalt  }
0x61: {  	_ =	shalt  }
0x62: {  	_ =	shalt  }
0x63: {  	_ =	shalt  }
0x64: {  	_ =	shalt  }
0x65: {  	_ =	shalt  }
0x66: {  	_ =	shalt  }
0x67: {  	_ =	shalt  }
0x68: {  	_ =	shalt  }
0x69: {  	_ =	shalt  }
0x6a: {  	_ =	shalt  }
0x6b: {  	_ =	shalt  }
0x6c: {  	_ =	shalt  }
0x6d: {  	_ =	shalt  }
0x6e: {  	_ =	shalt  }
0x6f: {  	_ =	shalt  }
0x70: {  	_ =	shalt  }
0x71: {  	_ =	shalt  }
0x72: {  	_ =	shalt  }
0x73: {  	_ =	shalt  }
0x74: {  	_ =	shalt  }
0x75: {  	_ =	shalt  }
0x76: {  	_ =	shalt  }
0x77: {  	_ =	shalt  }
0x78: {  	_ =	shalt  }
0x79: {  	_ =	shalt  }
0x7a: {  	_ =	shalt  }
0x7b: {  	_ =	shalt  }
0x7c: {  	_ =	shalt  }
0x7d: {  	_ =	shalt  }
0x7e: {  	_ =	shalt  }
0x7f: {  	_ =	shalt  }
0x80: {  	_ =	shalt  }
0x81: {  	_ =	shalt  }
0x82: {  	_ =	shalt  }
0x83: {  	_ =	shalt  }
0x84: {  	_ =	shalt  }
0x85: {  	_ =	shalt  }
0x86: {  	_ =	shalt  }
0x87: {  	_ =	shalt  }
.Lfunc_end0:
.L_simem_size_0:
called_computation.1_lowered:
.L_overlay_start_0:
0x88: {  	s2 =	sld [smem:$0x3FD9]  }
0x89: {  	s3 =	sld [smem:$0x3FFE];
	_ =	sdelay $0x1  }
0x8a: {  	s1 =	srdreg.scid  }
0x8b: {  	s0 =	sand.u32 $0x1, s1  }
0x8c: {  	s16 =	sshll.u32 s0, $0xA;
	s2 =	sadd.s32 s3, s2  }
0x8d: {  	s2 =	sadd.s32 s2, s16  }
0x8e: {  	[smem:$0x3FC4] =	sst s2  }
0x8f: {  	_ = 	snop  }
0x90: {  	(tm) =	ssettm $0x1  }
0x91: {  	s17 =	sld [smem:$0x3FFB];
	_ =	sdelay $0x3  }
0x92: {  	_ =	strace s17  }
0x93: {  	s2 =	sld [smem:$0x3FFC];
	_ =	sdelay $0x3  }
0x94: {  	_ =	strace s2  }
0x95: {  	s2 =	sld [smem:$0x3FFD];
	_ =	sdelay $0x3  }
0x96: {  	_ =	strace s2  }
0x97: {  	_ =	strace $0x8FFFFFFF  }
0x98: {  	s18 =	sld [smem:$0x3FDB];
	_ =	sdelay $0x1  }
0x99: {  	s19 =	simm.s32 $_scs_section_size  }
0x9a: {  	s4 =	simm.s32 $_size__tile_overlayer_lowered;
	s5 =	simm.s32 $_tile_overlayer_lowered  }
0x9b: {  	s22 =	simm.s32 $0x1BFF;
	s21 =	sshll.u32 s5, $0x1;
	s2 =	sadd.s32 s19, s18  }
0x9c: {  	s6 =	simm.s32 $0x0;
	s20 =	sshll.u32 s4, $0x1;
	s4 =	sadd.s32 s21, s2  }
0x9d: {  	[timem:s6], [sflag:s22] =	dma.local [hbm:s4], s20  }
0x9e: {  	_ =	swait.ge [sflag:s22], s20  }
0x9f: {  	s3 =	ssub.s32 $0x0, s20;
	[sflag:s22] =	ssyncset.done $0x0  }
0xa0: {  	[sflag:s22] =	ssyncadd.s32 s3;
	_ =	sdelay $0x1  }
0xa1: {  	s23 =	simm.s32 $0x1B8B  }
0xa2: {  	_ =	swait.ge [sflag:s23], $0x1  }
0xa3: {  	[sflag:s23] =	ssyncset.done $0x0  }
0xa4: {  	s25 =	simm.s32 $0x1B8E;
	s24 =	sld [smem:$0x3FFE];
	[sflag:s23] =	ssyncadd.s32 $0xFFFFFFFF  }
0xa5: {  	s26 =	simm.s32 $execute0_lowered;
	[smem:$0x3FD2] =	sst s25  }
0xa6: {  	s4 =	sshll.u32 s26, $0x1;
	_ =	strace $0x80000046;
	[dreg:$0x1] =	wrdreg $0xFFFFFFFF  }
0xa7: {  	s28 =	simm.s32 $_size_execute0_lowered;
	s2 =	sadd.s32 s2, s4;
	[dreg:$0x0] =	wrdreg $0x0  }
0xa8: {  	s4 =	sshll.u32 s28, $0x1;
	[dreg:$0x2] =	wrdreg s2  }
0xa9: {  	[dreg:$0x3] =	wrdreg s4  }
0xaa: {  	[dreg:$0x4] =	wrdreg $0xC0  }
0xab: {  	_ =	task [dreg:s6], $0x5FFFF  }
0xac: {  	[dreg:$0x1] =	wrdreg $0xFFFFFFFF  }
0xad: {  	[dreg:$0x0] =	wrdreg $0x60  }
0xae: {  	[dreg:$0x2] =	wrdreg s24  }
0xaf: {  	[dreg:$0x3] =	wrdreg $0x19CC00  }
0xb0: {  	[dreg:$0x4] =	wrdreg $0x9  }
0xb1: {  	_ =	task.clear_ibuf [dreg:s6], $0x5FFFF;
	_ =	strace $0x90000046  }
0xb2: {  	s29 =	simm.s32 $0x9;
	_ =	strace $0x80000048  }
0xb3: {  	_ =	swait.ge [sflag:s29], $0x1  }
0xb4: {  	[sflag:s29] =	ssyncadd.s32 $0xFFFFFFFF  }
0xb5: {  	_ =	strace $0x90000048  }
0xb6: {  	_ =	sfence  }
0xb7: {  	s30 =	sld [smem:$0x0];
	_ =	sdelay $0x2  }
0xb8: {  	s31 =	sshll.u32 s1, $0xD;
	s1 =	sshrl.u32 s1, $0x2  }
0xb9: {  	s3 =	sand.u32 $0x4000, s31;
	s1 =	sadd.s32 s1, s30  }
0xba: {  	s0 =	sor.u32 s3, s0;
	s1 =	sshll.u32 s1, $0x11  }
0xbb: {  	s0 =	sor.u32 s1, s0  }
0xbc: {  	s0 =	sadd.s32 $0x8F2B, s0  }
0xbd: {  	[sflag:s0] =	ssyncadd.remote.s32 $0x1  }
0xbe: {  	_ =	sfence.sel $0xFFFF  }
0xbf: {  	[dreg:$0x0] =	wrdreg $0xFFFFFFFF;
	(pc) =	sbr.abs _section_cstart, $3  }
0xc0: {  	[dreg:$0x1] =	wrdreg $0xFFFFFFFF  }
0xc1: {  	_ =	task.clear_ibuf [dreg:s6], $0x2FFFF;
	_ =	strace $0x9FFFFFFF  }
0xc2: {  	(tm) =	ssettm $0x7FFFFFFF  }
0xc3: {  	_ =	shalt  }
tec
execute0_lowered:
.L_overlay_start_1:
0x0: {  	(tag) =	ssettag $0x1  }
0x1: {  	s3 =	rddreg [dreg:$0x0]  }
0x2: {  	s1 =	rddreg [dreg:$0x1]  }
0x3: {  	s2 =	simm.s32 $0x0;
	s4 =	srdreg.scid;
	s0 =	stileid.u32  }
0x4: {  	s29 =	simm.s32 $0x640;
	s30 =	simm.s32 $0x320;
	s31 =	simm.s32 $0x960  }
0x5: {  	s28 =	simm.s32 $0x3;
	[smem:$0x7FF] =	sst s2;
	s4 =	sand.u32 $0x1, s4  }
0x6: {  	s5 =	sshll.u32 s0, $0x1;
	s13 =	sadd.s32 $0x2800, s3;
	s26 =	smul.u32 $0x32000, s0  }
0x7: {  	s14 =	sadd.s32 $0x66800, s3;
	s9 =	sadd.s32 $0x1800, s3;
	s19 =	smul.u32 $0x320000, s0  }
0x8: {  	s10 =	sadd.s32 $0x8000, s1;
	s21 =	smul.u32 $0x1900000, s0;
	p0 =	sne.s32 s0, $0x0  }
0x9: {  	s0 =	simm.s32 $0x1;
	_ =	strace $0x80000047;
	s12 =	smul.u32 $0x19000, s4  }
0xa: {  	s6 =	sor.u32 s4, s5;
	s5 =	sadd.s32 $0xCA800, s3;
	s22 =	smul.u32 $0xC80000, s4  }
0xb: {  	s7 =	ssub.s32 $0x2, s4;
	[dreg:$0xc] =	wrdreg s9;
	s4 =	smul.u32 $0x190000, s4  }
0xc: {  	s3 =	sadd.s32 $0x86BA00, s3;
	[dreg:$0xd] =	wrdreg s10;
	s8 =	smul.u32 $0x19000, s6  }
0xd: {  	[dreg:$0xa] =	wrdreg s13;
	s24 =	smul.u32 $0x190000, s6;
	s9 =	sadd.s32 s19, s3  }
0xe: {  	[dreg:$0xb] =	wrdreg s14;
	s23 =	sshrl.u32 s7, $0x1;
	s4 =	sadd.s32 s4, s9  }
0xf: {  	s8 =	sshrl.u32 s8, $0x3;
	s18 =	sadd.s32 s3, s24;
	[dreg:$0x3] =	wrdreg s4  }
0x10: {  	s6 =	smul.u32 $0xC80000, s6;
	s25 =	sadd.s32 s13, s8;
	[dreg:$0x11] =	wrdreg s18  }
0x11: {  	s7 =	ssub.s32 s7, s23;
	s11 =	sadd.s32 s14, s8;
	[dreg:$0xe] =	wrdreg s25  }
0x12: {  	s10 =	sadd.s32 s12, s26;
	s20 =	sadd.s32 $0xC80, s18;
	[dreg:$0xf] =	wrdreg s11  }
0x13: {  	s17 =	sor.u32 $0x64, s8;
	s16 =	sadd.s32 $0x1900, s18;
	[dreg:$0x13] =	wrdreg s20  }
0x14: {  	s6 =	sshrl.u32 s6, $0x3;
	s15 =	sadd.s32 s13, s17;
	[dreg:$0x14] =	wrdreg s16  }
0x15: {  	s8 =	sor.u32 $0xC8, s8;
	s11 =	sadd.s32 s14, s17;
	[dreg:$0x10] =	wrdreg s15  }
0x16: {  	s6 =	sadd.s32 s3, s6;
	s23 =	sadd.s32 s13, s8;
	[dreg:$0x12] =	wrdreg s11  }
0x17: {  	s8 =	sadd.s32 s14, s8;
	s20 =	sadd.s32 $0x18DA80, s6;
	[dreg:$0x16] =	wrdreg s23  }
0x18: {  	s15 =	sadd.s32 $0x2580, s18;
	s11 =	sadd.s32 s22, s21;
	[dreg:$0x17] =	wrdreg s8  }
0x19: {  	s18 =	sadd.s32 $0x18CE00, s6;
	[dreg:$0x19] =	wrdreg s20;
	s22 =	sadd.s32 $0x18E700, s6  }
0x1a: {  	s23 =	sadd.s32 $0x18F380, s6;
	s6 =	simm.s32 $0x2;
	s20 =	simm.s32 $0x7  }
0x1b: {  	[dreg:$0x15] =	wrdreg s15;
	s24 =	sor.u32 $0x2BC00, s11;
	s26 =	sor.u32 $0x25800, s11  }
0x1c: {  	s12 =	sor.u32 $0x1F400, s11;
	s14 =	sor.u32 $0x44C00, s11;
	[dreg:$0x18] =	wrdreg s18  }
0x1d: {  	s16 =	sor.u32 $0x3E800, s11;
	s19 =	sor.u32 $0x38400, s11;
	[dreg:$0x1a] =	wrdreg s22  }
0x1e: {  	[dreg:$0x1b] =	wrdreg s23;
	s18 =	simm.s32 $0x13880;
	s25 =	sshrl.u32 s24, $0x3  }
0x1f: {  	s8 =	sshrl.u32 s26, $0x3;
	s13 =	sshrl.u32 s12, $0x3;
	s17 =	sshrl.u32 s16, $0x3  }
0x20: {  	s21 =	sshrl.u32 s19, $0x3;
	s24 =	sor.u32 $0xC80, s10;
	s26 =	smax.u32 s7, $0x1  }
0x21: {  	s7 =	simm.s32 $0xD480;
	s12 =	simm.s32 $0x3E80;
	s16 =	simm.s32 $0x6  }
0x22: {  	s19 =	simm.s32 $0x16A80;
	s4 =	sadd.s32 s25, s3;
	s9 =	sadd.s32 s8, s3  }
0x23: {  	s8 =	sshrl.u32 s14, $0x3;
	s25 =	sor.u32 $0x960, s10;
	[dreg:$0x1c] =	wrdreg s26  }
0x24: {  	s23 =	sshrl.u32 s24, $0x3;
	s10 =	simm.s32 $0x80;
	[dreg:$0x4] =	wrdreg s4  }
0x25: {  	s14 =	simm.s32 $0xA280;
	[dreg:$0x5] =	wrdreg s9;
	s4 =	sadd.s32 s13, s3  }
0x26: {  	s15 =	sadd.s32 s8, s3;
	s24 =	sshrl.u32 s25, $0x3;
	s25 =	simm.s32 $0xC80  }
0x27: {  	s8 =	simm.s32 $0x5;
	s9 =	simm.s32 $0x40;
	[dreg:$0x6] =	wrdreg s4  }
0x28: {  	s13 =	simm.s32 $0x7080;
	[dreg:$0x7] =	wrdreg s15;
	s4 =	sadd.s32 s17, s3  }
0x29: {  	s3 =	sadd.s32 s21, s3;
	s15 =	simm.s32 $0x4;
	[dreg:$0x8] =	wrdreg s4  }
0x2a: {  	v0 =	vimm.f32 $0.0e+00;
	s17 =	simm.s32 $0x10680;
	[dreg:$0x9] =	wrdreg s3;
	s4 =	simm.s32 $0x0  }
.LBB2_1:
.Ltmp0:
0x2b: {  	(pc) =	sbr.rel @p0 .LBB2_5-.Ltmp0, $2  }
0x2c: {  	_ =	sdelay $0x2  }
0x2d: {  	[dreg:$0x1d] =	wrdreg s4  }
0x2e: {  	s3 =	simm.s32 $0x0;
	s4 =	rddreg [dreg:$0xc];
	s26 =	simm.s32 $0x8  }
0x2f: {  	[tilespmem:s25], [sflag:$0x8] =	stream.linear.gather [hbm4b:s4+s3], $0x8000, $0x38;
	[tilespmem:$0x1ACC0] =	vst v63  }
0x30: {  	_ =	swait.ge [sflag:s26], $0x8000  }
0x31: {  	[sflag:s26] =	ssyncset.done $0x0  }
0x32: {  	s11 =	simm.s32 $0x19C80;
	[sflag:s26] =	ssyncadd.s32 $0xFFFF8000  }
0x33: {  	[tilespmem:s11], [sflag:$0x8] =	stream.linear.gather [hbm4b:s5+s3], $0x40, $0x38;
	[tilespmem:$0x1ACC0] =	vst v63  }
0x34: {  	_ =	swait.ge [sflag:s26], $0x40  }
0x35: {  	[sflag:s26] =	ssyncset.done $0x0  }
0x36: {  	[sflag:s26] =	ssyncadd.s32 $0xFFFFFFC0  }
0x37: {  	[tilespmem:$0xC80] =	vst v0  }
0x38: {  	[tilespmem:$0xC90] =	vst v0  }
0x39: {  	[tilespmem:$0xCA0] =	vst v0  }
0x3a: {  	[tilespmem:$0xCB0] =	vst v0  }
0x3b: {  	[spmem:s1] =	stream.linear.scatter [tilespmem:s25], [sflag:$0x8], $0x8000, $0x38;
	[tilespmem:$0x1ACC0] =	vst v63  }
0x3c: {  	_ =	swait.ge [sflag:s26], $0x8000  }
0x3d: {  	[sflag:s26] =	ssyncset.done $0x0  }
0x3e: {  	s3 =	simm.s32 $0x0;
	[sflag:s26] =	ssyncadd.s32 $0xFFFF8000  }
0x3f: {  	s4 =	simm.s32 $0x100;
	v1 =	vld [tilespmem:s3+$0xC80]  }
.LBB2_3:
0x40: {  	p1 =	sne.s32 s4, $0x1FF00;
	v2 =	vld [tilespmem:$0x19C80];
	_ =	sdelay $0x4  }
0x41: {  	v1 =	vsub.f32 v1, v2;
	_ =	sdelay $0x1  }
0x42: {  	[tilespmem:s3+$0xC80] =	vst v1;
	v1 =	vld [tilespmem:s3+$0xC90]  }
0x43: {  	v2 =	vld [tilespmem:$0x19C90];
	_ =	sdelay $0x4  }
0x44: {  	v1 =	vsub.f32 v1, v2;
	_ =	sdelay $0x1  }
0x45: {  	[tilespmem:s3+$0xC90] =	vst v1;
	v1 =	vld [tilespmem:s3+$0xCA0]  }
0x46: {  	v2 =	vld [tilespmem:$0x19CA0];
	_ =	sdelay $0x4  }
0x47: {  	v1 =	vsub.f32 v1, v2;
	_ =	sdelay $0x1  }
0x48: {  	[tilespmem:s3+$0xCA0] =	vst v1;
	v1 =	vld [tilespmem:s3+$0xCB0]  }
0x49: {  	v2 =	vld [tilespmem:$0x19CB0];
	_ =	sdelay $0x2  }
.Ltmp1:
0x4a: {  	(pc) =	sbr.rel @p1 .LBB2_3-.Ltmp1, $4  }
0x4b: {  	_ = 	snop  }
0x4c: {  	v2 =	vsub.f32 v1, v2  }
0x4d: {  	s11 =	sshra.s32 s4, $0x2  }
0x4e: {  	s4 =	sadd.s32 $0x100, s4;
	v1 =	vld [tilespmem:s11+$0xC80];
	[tilespmem:s3+$0xCB0] =	vst v2;
	s3 =	smov.u32 s11  }
0x4f: {  	v2 =	vld [tilespmem:$0x19C80];
	_ =	sdelay $0x4  }
0x50: {  	v1 =	vsub.f32 v1, v2;
	_ =	sdelay $0x1  }
0x51: {  	[tilespmem:s3+$0xC80] =	vst v1;
	v1 =	vld [tilespmem:s3+$0xC90]  }
0x52: {  	v2 =	vld [tilespmem:$0x19C90];
	_ =	sdelay $0x4  }
0x53: {  	v1 =	vsub.f32 v1, v2;
	_ =	sdelay $0x1  }
0x54: {  	[tilespmem:s3+$0xC90] =	vst v1;
	v1 =	vld [tilespmem:s3+$0xCA0]  }
0x55: {  	v2 =	vld [tilespmem:$0x19CA0];
	_ =	sdelay $0x4  }
0x56: {  	v1 =	vsub.f32 v1, v2;
	_ =	sdelay $0x1  }
0x57: {  	[tilespmem:s3+$0xCA0] =	vst v1;
	v1 =	vld [tilespmem:s3+$0xCB0]  }
0x58: {  	v2 =	vld [tilespmem:$0x19CB0];
	_ =	sdelay $0x4  }
0x59: {  	v1 =	vsub.f32 v1, v2;
	_ =	sdelay $0x1  }
0x5a: {  	s22 =	rddreg [dreg:$0xd];
	s26 =	simm.s32 $0x8;
	[tilespmem:s3+$0xCB0] =	vst v1  }
0x5b: {  	[spmem:s22] =	stream.linear.scatter [tilespmem:s25], [sflag:$0x8], $0x8000, $0x38;
	[tilespmem:$0x1ACC0] =	vst v63  }
0x5c: {  	_ =	swait.ge [sflag:s26], $0x8000  }
0x5d: {  	[sflag:s26] =	ssyncset.done $0x0  }
0x5e: {  	[sflag:s26] =	ssyncadd.s32 $0xFFFF8000  }
.LBB2_5:
0x5f: {  	[bflag:$0x0] =	sbarrier.arrive $0xFFFF  }
0x60: {  	s22 =	simm.s32 $0x0;
	s3 =	rddreg [dreg:$0xe]  }
0x61: {  	[tilespmem:s22], [sflag:$0x1] =	stream.linear.gather [hbm4b:s3+s22], $0x320, $0x38;
	[tilespmem:$0x1ACC0] =	vst v63  }
0x62: {  	s26 =	rddreg [dreg:$0xf]  }
0x63: {  	[tilespmem:s29], [sflag:$0x1] =	stream.linear.gather [hbm4b:s26+s22], $0x320, $0x38;
	[tilespmem:$0x1ACC0] =	vst v63  }
0x64: {  	s4 =	rddreg [dreg:$0x10]  }
0x65: {  	[tilespmem:s30], [sflag:$0x2] =	stream.linear.gather [hbm4b:s4+s22], $0x320, $0x38;
	[tilespmem:$0x1ACC0] =	vst v63  }
0x66: {  	s11 =	rddreg [dreg:$0x12]  }
0x67: {  	[tilespmem:s31], [sflag:$0x2] =	stream.linear.gather [hbm4b:s11+s22], $0x320, $0x38;
	[tilespmem:$0x1ACC0] =	vst v63  }
0x68: {  	_ =	swait.ge [sflag:s0], $0x320  }
0x69: {  	[sflag:s0] =	ssyncset.done $0x0  }
0x6a: {  	[sflag:s0] =	ssyncadd.s32 $0xFFFFFCE0  }
0x6b: {  	_ =	swait.ge [sflag:s0], $0x320  }
0x6c: {  	[sflag:s0] =	ssyncset.done $0x0  }
0x6d: {  	[sflag:s0] =	ssyncadd.s32 $0xFFFFFCE0  }
0x6e: {  	v2 =	vld [tilespmem:$0x640]  }
0x6f: {  	v5 =	vld [tilespmem:$0x0]  }
0x70: {  	v6 =	vld [tilespmem:$0x650]  }
0x71: {  	v9 =	vld [tilespmem:$0x10]  }
0x72: {  	v10 =	vld [tilespmem:$0x660]  }
0x73: {  	v11 =	vld [tilespmem:$0x20]  }
0x74: {  	v12 =	vld [tilespmem:$0x670]  }
0x75: {  	v13 =	vld [tilespmem:$0x30]  }
0x76: {  	v14 =	vld [tilespmem:$0x680]  }
0x77: {  	v15 =	vld [tilespmem:$0x40]  }
0x78: {  	v16 =	vld [tilespmem:$0x690]  }
0x79: {  	v17 =	vld [tilespmem:$0x50]  }
0x7a: {  	v18 =	vld [tilespmem:$0x6A0]  }
0x7b: {  	v19 =	vld [tilespmem:$0x60]  }
0x7c: {  	v20 =	vld [tilespmem:$0x6B0]  }
0x7d: {  	v21 =	vld [tilespmem:$0x70]  }
0x7e: {  	v22 =	vld [tilespmem:$0x6C0]  }
0x7f: {  	v23 =	vld [tilespmem:$0x80]  }
0x80: {  	v24 =	vld [tilespmem:$0x6D0]  }
0x81: {  	v25 =	vld [tilespmem:$0x90]  }
0x82: {  	v26 =	vld [tilespmem:$0x6E0]  }
0x83: {  	v27 =	vld [tilespmem:$0xA0]  }
0x84: {  	v28 =	vld [tilespmem:$0x6F0]  }
0x85: {  	v29 =	vld [tilespmem:$0xB0]  }
0x86: {  	v30 =	vld [tilespmem:$0x700]  }
0x87: {  	v31 =	vld [tilespmem:$0xC0]  }
0x88: {  	v32 =	vld [tilespmem:$0x710]  }
0x89: {  	v33 =	vld [tilespmem:$0xD0]  }
0x8a: {  	v34 =	vld [tilespmem:$0x720]  }
0x8b: {  	v35 =	vld [tilespmem:$0xE0]  }
0x8c: {  	v36 =	vld [tilespmem:$0x730]  }
0x8d: {  	v37 =	vld [tilespmem:$0xF0]  }
0x8e: {  	v38 =	vld [tilespmem:$0x740]  }
0x8f: {  	v39 =	vld [tilespmem:$0x100]  }
0x90: {  	v40 =	vld [tilespmem:$0x750]  }
0x91: {  	v41 =	vld [tilespmem:$0x110]  }
0x92: {  	v42 =	vld [tilespmem:$0x760]  }
0x93: {  	v43 =	vld [tilespmem:$0x120]  }
0x94: {  	v44 =	vld [tilespmem:$0x770]  }
0x95: {  	v45 =	vld [tilespmem:$0x130]  }
0x96: {  	v46 =	vld [tilespmem:$0x780]  }
0x97: {  	v47 =	vld [tilespmem:$0x140]  }
0x98: {  	v48 =	vld [tilespmem:$0x790]  }
0x99: {  	v49 =	vld [tilespmem:$0x150]  }
0x9a: {  	v50 =	vld [tilespmem:$0x7A0]  }
0x9b: {  	v51 =	vld [tilespmem:$0x160]  }
0x9c: {  	v52 =	vld [tilespmem:$0x7B0]  }
0x9d: {  	v53 =	vld [tilespmem:$0x170]  }
0x9e: {  	v8 =	vld [tilespmem:$0x7C0]  }
0x9f: {  	v54 =	vld [tilespmem:$0x180]  }
0xa0: {  	v4 =	vld [tilespmem:$0x7D0]  }
0xa1: {  	v55 =	vld [tilespmem:$0x190]  }
0xa2: {  	v3 =	vld [tilespmem:$0x7E0]  }
0xa3: {  	v7 =	vld [tilespmem:$0x1A0]  }
0xa4: {  	v1 =	vld [tilespmem:$0x7F0];
	vm0 =	veq.s32 v5, $0x0;
	v56 =	vadd.s32 $0x200, v2  }
0xa5: {  	v5 =	vld [tilespmem:$0x1B0];
	vm13 =	veq.s32 v9, $0x0;
	v57 =	vadd.s32 $0x200, v6;
	vm14 =	veq.s32 v11, $0x0  }
0xa6: {  	v58 =	vadd.s32 $0x200, v10;
	v11 =	vld [tilespmem:$0x1C0];
	vm15 =	veq.s32 v13, $0x0;
	v56 =	vsel vm0, v56, v2  }
0xa7: {  	v59 =	vadd.s32 $0x200, v12;
	vm4 =	veq.s32 v15, $0x0;
	v13 =	vld [tilespmem:$0x820];
	v6 =	vsel vm13, v57, v6;
	[tilespmem:$0x640] =	vst v56  }
0xa8: {  	v61 =	vadd.s32 $0x200, v14;
	vm5 =	veq.s32 v17, $0x0;
	v15 =	vld [tilespmem:$0x830];
	v9 =	vsel vm14, v58, v10;
	[tilespmem:$0x650] =	vst v6  }
0xa9: {  	v63 =	vadd.s32 $0x200, v16;
	vm6 =	veq.s32 v19, $0x0;
	v2 =	vld [tilespmem:$0x800];
	v60 =	vsel vm15, v59, v12;
	[tilespmem:$0x660] =	vst v9  }
0xaa: {  	v17 =	vadd.s32 $0x200, v18;
	vm7 =	veq.s32 v21, $0x0;
	v12 =	vld [tilespmem:$0x1D0];
	v62 =	vsel vm4, v61, v14;
	[tilespmem:$0x670] =	vst v60  }
0xab: {  	v19 =	vadd.s32 $0x200, v20;
	vm8 =	veq.s32 v23, $0x0;
	v16 =	vsel vm5, v63, v16;
	v14 =	vld [tilespmem:$0x1E0];
	[tilespmem:$0x680] =	vst v62  }
0xac: {  	v21 =	vadd.s32 $0x200, v22;
	vm9 =	veq.s32 v25, $0x0;
	v18 =	vsel vm6, v17, v18;
	v17 =	vld [tilespmem:$0x840];
	[tilespmem:$0x690] =	vst v16  }
0xad: {  	v23 =	vadd.s32 $0x200, v24;
	vm10 =	veq.s32 v27, $0x0;
	v20 =	vsel vm7, v19, v20;
	v19 =	vld [tilespmem:$0x850];
	[tilespmem:$0x6A0] =	vst v18  }
0xae: {  	v25 =	vadd.s32 $0x200, v26;
	vm11 =	veq.s32 v29, $0x0;
	v22 =	vsel vm8, v21, v22;
	v21 =	vld [tilespmem:$0x860];
	[tilespmem:$0x6B0] =	vst v20  }
0xaf: {  	v27 =	vadd.s32 $0x200, v28;
	vm12 =	veq.s32 v31, $0x0;
	v24 =	vsel vm9, v23, v24;
	v23 =	vld [tilespmem:$0x870];
	[tilespmem:$0x6C0] =	vst v22  }
0xb0: {  	v29 =	vadd.s32 $0x200, v30;
	v31 =	vadd.s32 $0x200, v32;
	v26 =	vsel vm10, v25, v26;
	v25 =	vld [tilespmem:$0x880];
	[tilespmem:$0x6D0] =	vst v24  }
0xb1: {  	v28 =	vsel vm11, v27, v28;
	v30 =	vsel vm12, v29, v30;
	vm13 =	veq.s32 v33, $0x0;
	v27 =	vld [tilespmem:$0x890];
	[tilespmem:$0x6E0] =	vst v26  }
0xb2: {  	vm14 =	veq.s32 v35, $0x0;
	v33 =	vadd.s32 $0x200, v34;
	vm15 =	veq.s32 v37, $0x0;
	v59 =	vld [tilespmem:$0x260];
	[tilespmem:$0x6F0] =	vst v28  }
0xb3: {  	v35 =	vadd.s32 $0x200, v36;
	vm10 =	veq.s32 v51, $0x0;
	v51 =	vld [tilespmem:$0x2D0];
	[tilespmem:$0x700] =	vst v30;
	v32 =	vsel vm13, v31, v32  }
0xb4: {  	vm4 =	veq.s32 v39, $0x0;
	vm11 =	veq.s32 v53, $0x0;
	v53 =	vld [tilespmem:$0x2E0];
	v34 =	vsel vm14, v33, v34;
	[tilespmem:$0x710] =	vst v32  }
0xb5: {  	v37 =	vadd.s32 $0x200, v38;
	vm12 =	veq.s32 v54, $0x0;
	v54 =	vld [tilespmem:$0x930];
	v36 =	vsel vm15, v35, v36;
	[tilespmem:$0x720] =	vst v34  }
0xb6: {  	vm5 =	veq.s32 v41, $0x0;
	v39 =	vadd.s32 $0x200, v40;
	v6 =	vld [tilespmem:$0x810];
	v38 =	vsel vm4, v37, v38;
	[tilespmem:$0x730] =	vst v36  }
0xb7: {  	vm6 =	veq.s32 v43, $0x0;
	v41 =	vadd.s32 $0x200, v42;
	v16 =	vld [tilespmem:$0x1F0];
	v40 =	vsel vm5, v39, v40;
	[tilespmem:$0x740] =	vst v38  }
0xb8: {  	vm7 =	veq.s32 v45, $0x0;
	v43 =	vadd.s32 $0x200, v44;
	v18 =	vld [tilespmem:$0x200];
	v42 =	vsel vm6, v41, v42;
	[tilespmem:$0x750] =	vst v40  }
0xb9: {  	vm8 =	veq.s32 v47, $0x0;
	v45 =	vadd.s32 $0x200, v46;
	v20 =	vld [tilespmem:$0x210];
	v44 =	vsel vm7, v43, v44;
	[tilespmem:$0x760] =	vst v42  }
0xba: {  	vm9 =	veq.s32 v49, $0x0;
	v49 =	vadd.s32 $0x200, v48;
	v22 =	vld [tilespmem:$0x220];
	v47 =	vsel vm8, v45, v46;
	[tilespmem:$0x770] =	vst v44  }
0xbb: {  	v58 =	vadd.s32 $0x200, v50;
	v24 =	vld [tilespmem:$0x230];
	v57 =	vsel vm9, v49, v48;
	[tilespmem:$0x780] =	vst v47  }
0xbc: {  	v61 =	vadd.s32 $0x200, v52;
	v26 =	vld [tilespmem:$0x240];
	v60 =	vsel vm10, v58, v50;
	[tilespmem:$0x790] =	vst v57  }
0xbd: {  	v28 =	vld [tilespmem:$0x250];
	v63 =	vsel vm11, v61, v52;
	[tilespmem:$0x7A0] =	vst v60;
	v36 =	vadd.s32 $0x200, v8  }
0xbe: {  	v56 =	vld [tilespmem:$0x8A0];
	vm13 =	veq.s32 v55, $0x0;
	[tilespmem:$0x7B0] =	vst v63;
	v38 =	vadd.s32 $0x200, v4;
	v8 =	vsel vm12, v36, v8  }
0xbf: {  	v62 =	vld [tilespmem:$0x8B0];
	vm14 =	veq.s32 v7, $0x0;
	v40 =	vadd.s32 $0x200, v3;
	v4 =	vsel vm13, v38, v4;
	[tilespmem:$0x7C0] =	vst v8  }
0xc0: {  	v37 =	vld [tilespmem:$0x270];
	v42 =	vadd.s32 $0x200, v1;
	v3 =	vsel vm14, v40, v3;
	[tilespmem:$0x7D0] =	vst v4;
	vm15 =	veq.s32 v5, $0x0  }
0xc1: {  	v39 =	vld [tilespmem:$0x8C0];
	[tilespmem:$0x7E0] =	vst v3;
	vm4 =	veq.s32 v11, $0x0;
	v1 =	vsel vm15, v42, v1;
	v3 =	vadd.s32 $0x200, v2  }
0xc2: {  	v41 =	vld [tilespmem:$0x280];
	vm5 =	veq.s32 v12, $0x0;
	[tilespmem:$0x7F0] =	vst v1;
	v1 =	vsel vm4, v3, v2;
	v2 =	vadd.s32 $0x200, v6  }
0xc3: {  	v43 =	vld [tilespmem:$0x8D0];
	vm6 =	veq.s32 v14, $0x0;
	[tilespmem:$0x800] =	vst v1;
	v1 =	vsel vm5, v2, v6;
	v2 =	vadd.s32 $0x200, v13  }
0xc4: {  	v45 =	vld [tilespmem:$0x2A0];
	vm7 =	veq.s32 v16, $0x0;
	[tilespmem:$0x810] =	vst v1;
	v1 =	vsel vm6, v2, v13;
	v2 =	vadd.s32 $0x200, v15  }
0xc5: {  	v46 =	vld [tilespmem:$0x8F0];
	vm8 =	veq.s32 v18, $0x0;
	[tilespmem:$0x820] =	vst v1;
	v1 =	vsel vm7, v2, v15;
	v2 =	vadd.s32 $0x200, v17  }
0xc6: {  	v48 =	vld [tilespmem:$0x900];
	vm9 =	veq.s32 v20, $0x0;
	[tilespmem:$0x830] =	vst v1;
	v1 =	vsel vm8, v2, v17;
	v2 =	vadd.s32 $0x200, v19  }
0xc7: {  	v49 =	vld [tilespmem:$0x2C0];
	vm10 =	veq.s32 v22, $0x0;
	[tilespmem:$0x840] =	vst v1;
	v1 =	vsel vm9, v2, v19;
	v2 =	vadd.s32 $0x200, v21  }
0xc8: {  	v50 =	vld [tilespmem:$0x910];
	vm11 =	veq.s32 v24, $0x0;
	[tilespmem:$0x850] =	vst v1;
	v1 =	vsel vm10, v2, v21;
	v2 =	vadd.s32 $0x200, v23  }
0xc9: {  	v44 =	vld [tilespmem:$0x290];
	vm12 =	veq.s32 v26, $0x0;
	[tilespmem:$0x860] =	vst v1;
	v1 =	vsel vm11, v2, v23;
	v2 =	vadd.s32 $0x200, v25  }
0xca: {  	v3 =	vld [tilespmem:$0x8E0];
	vm13 =	veq.s32 v28, $0x0;
	[tilespmem:$0x870] =	vst v1;
	v1 =	vsel vm12, v2, v25;
	v2 =	vadd.s32 $0x200, v27  }
0xcb: {  	v47 =	vld [tilespmem:$0x2B0];
	vm14 =	veq.s32 v59, $0x0;
	[tilespmem:$0x880] =	vst v1;
	v1 =	vsel vm13, v2, v27;
	v2 =	vadd.s32 $0x200, v56  }
0xcc: {  	v52 =	vld [tilespmem:$0x920];
	vm15 =	veq.s32 v37, $0x0;
	[tilespmem:$0x890] =	vst v1;
	v1 =	vsel vm14, v2, v56;
	v2 =	vadd.s32 $0x200, v62  }
0xcd: {  	v55 =	vld [tilespmem:$0x2F0];
	vm4 =	veq.s32 v41, $0x0;
	[tilespmem:$0x8A0] =	vst v1;
	v1 =	vsel vm15, v2, v62;
	v2 =	vadd.s32 $0x200, v39  }
0xce: {  	v58 =	vld [tilespmem:$0x310];
	vm5 =	veq.s32 v44, $0x0;
	[tilespmem:$0x8B0] =	vst v1;
	v1 =	vsel vm4, v2, v39;
	v2 =	vadd.s32 $0x200, v43  }
0xcf: {  	v57 =	vld [tilespmem:$0x300];
	vm6 =	veq.s32 v45, $0x0;
	[tilespmem:$0x8C0] =	vst v1;
	v1 =	vsel vm5, v2, v43;
	v2 =	vadd.s32 $0x200, v3  }
0xd0: {  	vm7 =	veq.s32 v47, $0x0;
	v56 =	vld [tilespmem:$0x940];
	[tilespmem:$0x8D0] =	vst v1;
	v1 =	vsel vm6, v2, v3;
	v2 =	vadd.s32 $0x200, v46  }
0xd1: {  	vm8 =	veq.s32 v49, $0x0;
	v3 =	vld [tilespmem:$0x950];
	[tilespmem:$0x8E0] =	vst v1;
	v1 =	vsel vm7, v2, v46;
	v2 =	vadd.s32 $0x200, v48  }
0xd2: {  	vm9 =	veq.s32 v51, $0x0;
	[tilespmem:$0x8F0] =	vst v1;
	v1 =	vsel vm8, v2, v48;
	v2 =	vadd.s32 $0x200, v50  }
0xd3: {  	vm10 =	veq.s32 v53, $0x0;
	[tilespmem:$0x900] =	vst v1;
	v1 =	vsel vm9, v2, v50;
	v2 =	vadd.s32 $0x200, v52  }
0xd4: {  	vm11 =	veq.s32 v55, $0x0;
	[tilespmem:$0x910] =	vst v1;
	v1 =	vsel vm10, v2, v52;
	v2 =	vadd.s32 $0x200, v54  }
0xd5: {  	vm12 =	veq.s32 v57, $0x0;
	[tilespmem:$0x920] =	vst v1;
	v1 =	vsel vm11, v2, v54;
	v2 =	vadd.s32 $0x200, v56  }
0xd6: {  	vm13 =	veq.s32 v58, $0x0;
	[tilespmem:$0x930] =	vst v1;
	v1 =	vsel vm12, v2, v56;
	v2 =	vadd.s32 $0x200, v3  }
0xd7: {  	[tilespmem:$0x940] =	vst v1;
	v1 =	vsel vm13, v2, v3  }
0xd8: {  	[tilespmem:$0x950] =	vst v1  }
0xd9: {  	[tilespmem:s25], [sflag:$0x3] =	stream.indirect.gather [hbm4b:s5+s30], $0x40, s22, s30, $0xb8;
	[tilespmem:$0x1ACC0] =	vst v63  }
0xda: {  	_ =	swait.ge [sflag:s28], $0xC800  }
0xdb: {  	[sflag:s28] =	ssyncset.done $0x0  }
0xdc: {  	[sflag:s28] =	ssyncadd.s32 $0xFFFF3800  }
0xdd: {  	[tilespmem:s25], [sflag:$0x5] =	stream.indirect.gather.add.f32 [spmem:s1], $0x40, s29, s30, $0xb8;
	[tilespmem:$0x1ACC0] =	vst v63  }
0xde: {  	_ =	swait.ge [sflag:s6], $0x320  }
0xdf: {  	[sflag:s6] =	ssyncset.done $0x0  }
0xe0: {  	[sflag:s6] =	ssyncadd.s32 $0xFFFFFCE0  }
0xe1: {  	_ =	swait.ge [sflag:s6], $0x320  }
0xe2: {  	[sflag:s6] =	ssyncset.done $0x0  }
0xe3: {  	[sflag:s6] =	ssyncadd.s32 $0xFFFFFCE0  }
0xe4: {  	[tilespmem:s7], [sflag:$0x4] =	stream.indirect.gather [hbm4b:s5+s30], $0x40, s30, s30, $0xb8;
	[tilespmem:$0x1ACC0] =	vst v63  }
0xe5: {  	v2 =	vld [tilespmem:$0x960]  }
0xe6: {  	v59 =	vld [tilespmem:$0x320]  }
0xe7: {  	v6 =	vld [tilespmem:$0x970]  }
0xe8: {  	v9 =	vld [tilespmem:$0x330]  }
0xe9: {  	v10 =	vld [tilespmem:$0x980]  }
0xea: {  	v11 =	vld [tilespmem:$0x340]  }
0xeb: {  	v60 =	vld [tilespmem:$0x990]  }
0xec: {  	v61 =	vld [tilespmem:$0x350]  }
0xed: {  	v14 =	vld [tilespmem:$0x9A0]  }
0xee: {  	v62 =	vld [tilespmem:$0x360]  }
0xef: {  	v16 =	vld [tilespmem:$0x9B0]  }
0xf0: {  	v17 =	vld [tilespmem:$0x370]  }
0xf1: {  	v18 =	vld [tilespmem:$0x9C0]  }
0xf2: {  	v19 =	vld [tilespmem:$0x380]  }
0xf3: {  	v20 =	vld [tilespmem:$0x9D0]  }
0xf4: {  	v21 =	vld [tilespmem:$0x390]  }
0xf5: {  	v22 =	vld [tilespmem:$0x9E0]  }
0xf6: {  	v23 =	vld [tilespmem:$0x3A0]  }
0xf7: {  	v24 =	vld [tilespmem:$0x9F0]  }
0xf8: {  	v25 =	vld [tilespmem:$0x3B0]  }
0xf9: {  	v26 =	vld [tilespmem:$0xA00]  }
0xfa: {  	v27 =	vld [tilespmem:$0x3C0]  }
0xfb: {  	v28 =	vld [tilespmem:$0xA10]  }
0xfc: {  	v29 =	vld [tilespmem:$0x3D0]  }
0xfd: {  	v30 =	vld [tilespmem:$0xA20]  }
0xfe: {  	v31 =	vld [tilespmem:$0x3E0]  }
0xff: {  	v32 =	vld [tilespmem:$0xA30]  }
0x100: {  	v33 =	vld [tilespmem:$0x3F0]  }
0x101: {  	v34 =	vld [tilespmem:$0xA40]  }
0x102: {  	v35 =	vld [tilespmem:$0x400]  }
0x103: {  	v36 =	vld [tilespmem:$0xA50]  }
0x104: {  	v37 =	vld [tilespmem:$0x410]  }
0x105: {  	v38 =	vld [tilespmem:$0xA60]  }
0x106: {  	v39 =	vld [tilespmem:$0x420]  }
0x107: {  	v40 =	vld [tilespmem:$0xA70]  }
0x108: {  	v41 =	vld [tilespmem:$0x430]  }
0x109: {  	v42 =	vld [tilespmem:$0xA80]  }
0x10a: {  	v43 =	vld [tilespmem:$0x440]  }
0x10b: {  	v44 =	vld [tilespmem:$0xA90]  }
0x10c: {  	v45 =	vld [tilespmem:$0x450]  }
0x10d: {  	v46 =	vld [tilespmem:$0xAA0]  }
0x10e: {  	v47 =	vld [tilespmem:$0x460]  }
0x10f: {  	v48 =	vld [tilespmem:$0xAB0]  }
0x110: {  	v49 =	vld [tilespmem:$0x470]  }
0x111: {  	v50 =	vld [tilespmem:$0xAC0]  }
0x112: {  	v51 =	vld [tilespmem:$0x480]  }
0x113: {  	v52 =	vld [tilespmem:$0xAD0]  }
0x114: {  	v53 =	vld [tilespmem:$0x490]  }
0x115: {  	v8 =	vld [tilespmem:$0xAE0]  }
0x116: {  	v54 =	vld [tilespmem:$0x4A0]  }
0x117: {  	v4 =	vld [tilespmem:$0xAF0]  }
0x118: {  	v55 =	vld [tilespmem:$0x4B0]  }
0x119: {  	v3 =	vld [tilespmem:$0xB00]  }
0x11a: {  	v7 =	vld [tilespmem:$0x4C0]  }
0x11b: {  	v1 =	vld [tilespmem:$0xB10];
	vm14 =	veq.s32 v59, $0x0;
	v63 =	vadd.s32 $0x200, v2  }
0x11c: {  	v5 =	vld [tilespmem:$0x4D0];
	vm15 =	veq.s32 v9, $0x0;
	v57 =	vadd.s32 $0x200, v6;
	vm4 =	veq.s32 v11, $0x0  }
0x11d: {  	v12 =	vld [tilespmem:$0x4F0];
	v58 =	vadd.s32 $0x200, v10;
	vm5 =	veq.s32 v61, $0x0;
	v56 =	vsel vm14, v63, v2  }
0x11e: {  	v13 =	vld [tilespmem:$0xB40];
	v59 =	vadd.s32 $0x200, v60;
	vm6 =	veq.s32 v62, $0x0;
	v6 =	vsel vm15, v57, v6;
	[tilespmem:$0x960] =	vst v56  }
0x11f: {  	v15 =	vld [tilespmem:$0xB50];
	v61 =	vadd.s32 $0x200, v14;
	vm7 =	veq.s32 v17, $0x0;
	v9 =	vsel vm4, v58, v10;
	[tilespmem:$0x970] =	vst v6  }
0x120: {  	v11 =	vld [tilespmem:$0x4E0];
	vm8 =	veq.s32 v19, $0x0;
	v17 =	vadd.s32 $0x200, v18;
	v60 =	vsel vm5, v59, v60;
	[tilespmem:$0x980] =	vst v9  }
0x121: {  	vm9 =	veq.s32 v21, $0x0;
	v19 =	vadd.s32 $0x200, v20;
	v2 =	vld [tilespmem:$0xB20];
	v62 =	vsel vm6, v61, v14;
	[tilespmem:$0x990] =	vst v60  }
0x122: {  	vm10 =	veq.s32 v23, $0x0;
	v21 =	vadd.s32 $0x200, v22;
	v14 =	vld [tilespmem:$0x500];
	v18 =	vsel vm8, v17, v18;
	[tilespmem:$0x9A0] =	vst v62  }
0x123: {  	vm11 =	veq.s32 v25, $0x0;
	v23 =	vadd.s32 $0x200, v24;
	v20 =	vsel vm9, v19, v20;
	v17 =	vld [tilespmem:$0xB60];
	[tilespmem:$0x9C0] =	vst v18  }
0x124: {  	vm12 =	veq.s32 v27, $0x0;
	v25 =	vadd.s32 $0x200, v26;
	v22 =	vsel vm10, v21, v22;
	v19 =	vld [tilespmem:$0xB70];
	[tilespmem:$0x9D0] =	vst v20  }
0x125: {  	vm13 =	veq.s32 v29, $0x0;
	v27 =	vadd.s32 $0x200, v28;
	v24 =	vsel vm11, v23, v24;
	v21 =	vld [tilespmem:$0xB80];
	[tilespmem:$0x9E0] =	vst v22  }
0x126: {  	v29 =	vadd.s32 $0x200, v30;
	v63 =	vadd.s32 $0x200, v16;
	v26 =	vsel vm12, v25, v26;
	v23 =	vld [tilespmem:$0xB90];
	[tilespmem:$0x9F0] =	vst v24  }
0x127: {  	v28 =	vsel vm13, v27, v28;
	vm14 =	veq.s32 v31, $0x0;
	vm15 =	veq.s32 v33, $0x0;
	v25 =	vld [tilespmem:$0xBA0];
	[tilespmem:$0xA00] =	vst v26  }
0x128: {  	v31 =	vadd.s32 $0x200, v32;
	vm4 =	veq.s32 v35, $0x0;
	v27 =	vld [tilespmem:$0xBB0];
	v16 =	vsel vm7, v63, v16;
	[tilespmem:$0xA10] =	vst v28  }
0x129: {  	v33 =	vadd.s32 $0x200, v34;
	vm11 =	veq.s32 v49, $0x0;
	v49 =	vld [tilespmem:$0x5B0];
	v30 =	vsel vm14, v29, v30;
	[tilespmem:$0x9B0] =	vst v16  }
0x12a: {  	vm5 =	veq.s32 v37, $0x0;
	vm12 =	veq.s32 v51, $0x0;
	v51 =	vld [tilespmem:$0xC10];
	v32 =	vsel vm15, v31, v32;
	[tilespmem:$0xA20] =	vst v30  }
0x12b: {  	v35 =	vadd.s32 $0x200, v36;
	vm13 =	veq.s32 v53, $0x0;
	v53 =	vld [tilespmem:$0xC20];
	v34 =	vsel vm4, v33, v34;
	[tilespmem:$0xA30] =	vst v32  }
0x12c: {  	vm6 =	veq.s32 v39, $0x0;
	v37 =	vadd.s32 $0x200, v38;
	v6 =	vld [tilespmem:$0xB30];
	v36 =	vsel vm5, v35, v36;
	[tilespmem:$0xA40] =	vst v34  }
0x12d: {  	vm8 =	veq.s32 v43, $0x0;
	v43 =	vadd.s32 $0x200, v42;
	v18 =	vld [tilespmem:$0x520];
	v38 =	vsel vm6, v37, v38;
	[tilespmem:$0xA50] =	vst v36  }
0x12e: {  	vm9 =	veq.s32 v45, $0x0;
	v57 =	vadd.s32 $0x200, v44;
	v20 =	vld [tilespmem:$0x530];
	v56 =	vsel vm8, v43, v42;
	[tilespmem:$0xA60] =	vst v38  }
0x12f: {  	vm10 =	veq.s32 v47, $0x0;
	v59 =	vadd.s32 $0x200, v46;
	v22 =	vld [tilespmem:$0x540];
	v58 =	vsel vm9, v57, v44;
	[tilespmem:$0xA80] =	vst v56  }
0x130: {  	v39 =	vadd.s32 $0x200, v40;
	v24 =	vld [tilespmem:$0x550];
	vm7 =	veq.s32 v41, $0x0;
	v61 =	vsel vm10, v59, v46;
	[tilespmem:$0xA90] =	vst v58  }
0x131: {  	v26 =	vld [tilespmem:$0x560];
	v62 =	vadd.s32 $0x200, v48;
	v41 =	vsel vm7, v39, v40;
	[tilespmem:$0xAA0] =	vst v61  }
0x132: {  	v60 =	vld [tilespmem:$0x570];
	v35 =	vadd.s32 $0x200, v50;
	v34 =	vsel vm11, v62, v48;
	[tilespmem:$0xA70] =	vst v41  }
0x133: {  	v63 =	vld [tilespmem:$0xBC0];
	vm15 =	veq.s32 v55, $0x0;
	v43 =	vadd.s32 $0x200, v4;
	v37 =	vsel vm12, v35, v50;
	[tilespmem:$0xAB0] =	vst v34  }
0x134: {  	v45 =	vadd.s32 $0x200, v3;
	v42 =	vld [tilespmem:$0x590];
	vm4 =	veq.s32 v7, $0x0;
	v4 =	vsel vm15, v43, v4;
	[tilespmem:$0xAC0] =	vst v37  }
0x135: {  	v47 =	vadd.s32 $0x200, v1;
	v44 =	vld [tilespmem:$0xBE0];
	vm5 =	veq.s32 v5, $0x0;
	v3 =	vsel vm4, v45, v3;
	[tilespmem:$0xAF0] =	vst v4  }
0x136: {  	v16 =	vld [tilespmem:$0x510];
	v38 =	vadd.s32 $0x200, v52;
	v1 =	vsel vm5, v47, v1;
	[tilespmem:$0xB00] =	vst v3  }
0x137: {  	vm14 =	veq.s32 v54, $0x0;
	v46 =	vld [tilespmem:$0x5A0];
	v40 =	vsel vm13, v38, v52;
	v41 =	vadd.s32 $0x200, v8;
	[tilespmem:$0xB10] =	vst v1  }
0x138: {  	v54 =	vld [tilespmem:$0x5E0];
	[tilespmem:$0xAD0] =	vst v40;
	v8 =	vsel vm14, v41, v8;
	vm6 =	veq.s32 v11, $0x0;
	v3 =	vadd.s32 $0x200, v2  }
0x139: {  	v55 =	vld [tilespmem:$0xC30];
	vm7 =	veq.s32 v12, $0x0;
	[tilespmem:$0xAE0] =	vst v8;
	v1 =	vsel vm6, v3, v2;
	v2 =	vadd.s32 $0x200, v6  }
0x13a: {  	v57 =	vld [tilespmem:$0xC40];
	vm8 =	veq.s32 v14, $0x0;
	[tilespmem:$0xB20] =	vst v1;
	v1 =	vsel vm7, v2, v6;
	v2 =	vadd.s32 $0x200, v13  }
0x13b: {  	v59 =	vld [tilespmem:$0xC50];
	vm9 =	veq.s32 v16, $0x0;
	[tilespmem:$0xB30] =	vst v1;
	v1 =	vsel vm8, v2, v13;
	v2 =	vadd.s32 $0x200, v15  }
0x13c: {  	v36 =	vld [tilespmem:$0x580];
	vm10 =	veq.s32 v18, $0x0;
	[tilespmem:$0xB40] =	vst v1;
	v1 =	vsel vm9, v2, v15;
	v2 =	vadd.s32 $0x200, v17  }
0x13d: {  	v39 =	vld [tilespmem:$0xBD0];
	vm11 =	veq.s32 v20, $0x0;
	[tilespmem:$0xB50] =	vst v1;
	v1 =	vsel vm10, v2, v17;
	v2 =	vadd.s32 $0x200, v19  }
0x13e: {  	v48 =	vld [tilespmem:$0xBF0];
	vm12 =	veq.s32 v22, $0x0;
	[tilespmem:$0xB60] =	vst v1;
	v1 =	vsel vm11, v2, v19;
	v2 =	vadd.s32 $0x200, v21  }
0x13f: {  	v50 =	vld [tilespmem:$0x5C0];
	vm13 =	veq.s32 v24, $0x0;
	[tilespmem:$0xB70] =	vst v1;
	v1 =	vsel vm12, v2, v21;
	v2 =	vadd.s32 $0x200, v23  }
0x140: {  	v56 =	vld [tilespmem:$0x5F0];
	vm14 =	veq.s32 v26, $0x0;
	[tilespmem:$0xB80] =	vst v1;
	v1 =	vsel vm13, v2, v23;
	v2 =	vadd.s32 $0x200, v25  }
0x141: {  	v3 =	vld [tilespmem:$0xC00];
	vm15 =	veq.s32 v60, $0x0;
	[tilespmem:$0xB90] =	vst v1;
	v1 =	vsel vm14, v2, v25;
	v2 =	vadd.s32 $0x200, v27  }
0x142: {  	v52 =	vld [tilespmem:$0x5D0];
	vm4 =	veq.s32 v36, $0x0;
	[tilespmem:$0xBA0] =	vst v1;
	v1 =	vsel vm15, v2, v27;
	v2 =	vadd.s32 $0x200, v63  }
0x143: {  	v58 =	vld [tilespmem:$0x600];
	vm5 =	veq.s32 v42, $0x0;
	[tilespmem:$0xBB0] =	vst v1;
	v1 =	vsel vm4, v2, v63;
	v2 =	vadd.s32 $0x200, v39  }
0x144: {  	v61 =	vld [tilespmem:$0xC60];
	vm6 =	veq.s32 v46, $0x0;
	[tilespmem:$0xBC0] =	vst v1;
	v1 =	vsel vm5, v2, v39;
	v2 =	vadd.s32 $0x200, v44  }
0x145: {  	v62 =	vld [tilespmem:$0x620];
	vm7 =	veq.s32 v49, $0x0;
	[tilespmem:$0xBD0] =	vst v1;
	v1 =	vsel vm6, v2, v44;
	v2 =	vadd.s32 $0x200, v48  }
0x146: {  	v60 =	vld [tilespmem:$0x610];
	vm8 =	veq.s32 v50, $0x0;
	[tilespmem:$0xBE0] =	vst v1;
	v1 =	vsel vm7, v2, v48;
	v2 =	vadd.s32 $0x200, v3  }
0x147: {  	vm9 =	veq.s32 v52, $0x0;
	v63 =	vld [tilespmem:$0x630];
	[tilespmem:$0xBF0] =	vst v1;
	v1 =	vsel vm8, v2, v3;
	v2 =	vadd.s32 $0x200, v51  }
0x148: {  	vm10 =	veq.s32 v54, $0x0;
	v3 =	vld [tilespmem:$0xC70];
	[tilespmem:$0xC00] =	vst v1;
	v1 =	vsel vm9, v2, v51;
	v2 =	vadd.s32 $0x200, v53  }
0x149: {  	vm11 =	veq.s32 v56, $0x0;
	[tilespmem:$0xC10] =	vst v1;
	v1 =	vsel vm10, v2, v53;
	v2 =	vadd.s32 $0x200, v55  }
0x14a: {  	vm12 =	veq.s32 v58, $0x0;
	[tilespmem:$0xC20] =	vst v1;
	v1 =	vsel vm11, v2, v55;
	v2 =	vadd.s32 $0x200, v57  }
0x14b: {  	vm13 =	veq.s32 v60, $0x0;
	[tilespmem:$0xC30] =	vst v1;
	v1 =	vsel vm12, v2, v57;
	v2 =	vadd.s32 $0x200, v59  }
0x14c: {  	vm14 =	veq.s32 v62, $0x0;
	[tilespmem:$0xC40] =	vst v1;
	v1 =	vsel vm13, v2, v59;
	v2 =	vadd.s32 $0x200, v61  }
0x14d: {  	vm15 =	veq.s32 v63, $0x0;
	[tilespmem:$0xC50] =	vst v1;
	v1 =	vsel vm14, v2, v61;
	v2 =	vadd.s32 $0x200, v3  }
0x14e: {  	[tilespmem:$0xC60] =	vst v1;
	v1 =	vsel vm15, v2, v3  }
0x14f: {  	[tilespmem:$0xC70] =	vst v1  }
0x150: {  	_ =	swait.ge [sflag:s8], $0xC800  }
0x151: {  	[sflag:s8] =	ssyncset.done $0x0  }
0x152: {  	s21 =	rddreg [dreg:$0x11];
	[sflag:s8] =	ssyncadd.s32 $0xFFFF3800  }
0x153: {  	[hbm4b:s21+s9] =	stream.strided.scatter [tilespmem:s25], [sflag:$0x6], $0x3200, s10, s9, $0x38;
	[tilespmem:$0x1ACC0] =	vst v63  }
0x154: {  	s26 =	rddreg [dreg:$0x13]  }
0x155: {  	[hbm4b:s26+s9] =	stream.strided.scatter [tilespmem:s12], [sflag:$0x6], $0x3200, s10, s9, $0x38;
	[tilespmem:$0x1ACC0] =	vst v63  }
0x156: {  	s4 =	rddreg [dreg:$0x14]  }
0x157: {  	[hbm4b:s4+s9] =	stream.strided.scatter [tilespmem:s13], [sflag:$0x6], $0x3200, s10, s9, $0x38;
	[tilespmem:$0x1ACC0] =	vst v63  }
0x158: {  	s11 =	rddreg [dreg:$0x15]  }
0x159: {  	[hbm4b:s11+s9] =	stream.strided.scatter [tilespmem:s14], [sflag:$0x6], $0x3200, s10, s9, $0x38;
	[tilespmem:$0x1ACC0] =	vst v63  }
0x15a: {  	s21 =	rddreg [dreg:$0x16]  }
0x15b: {  	[tilespmem:s22], [sflag:$0x1] =	stream.linear.gather [hbm4b:s21+s22], $0x320, $0x38;
	[tilespmem:$0x1ACC0] =	vst v63  }
0x15c: {  	s26 =	rddreg [dreg:$0x17]  }
0x15d: {  	[tilespmem:s29], [sflag:$0x1] =	stream.linear.gather [hbm4b:s26+s22], $0x320, $0x38;
	[tilespmem:$0x1ACC0] =	vst v63  }
0x15e: {  	_ =	swait.ge [sflag:s15], $0xC800  }
0x15f: {  	[sflag:s15] =	ssyncset.done $0x0;
	s3 =	rddreg [dreg:$0xa]  }
0x160: {  	s4 =	rddreg [dreg:$0xb];
	[sflag:s15] =	ssyncadd.s32 $0xFFFF3800  }
.LBB2_6:
0x161: {  	[tilespmem:s7], [sflag:$0x5] =	stream.indirect.gather.add.f32 [spmem:s1], $0x40, s31, s30, $0xb8;
	[tilespmem:$0x1ACC0] =	vst v63  }
0x162: {  	_ =	swait.ge [sflag:s0], $0x320  }
0x163: {  	[sflag:s0] =	ssyncset.done $0x0  }
0x164: {  	[sflag:s0] =	ssyncadd.s32 $0xFFFFFCE0  }
0x165: {  	_ =	swait.ge [sflag:s0], $0x320  }
0x166: {  	[sflag:s0] =	ssyncset.done $0x0  }
0x167: {  	[sflag:s0] =	ssyncadd.s32 $0xFFFFFCE0  }
0x168: {  	_ =	swait.ge [sflag:s16], $0x3200  }
0x169: {  	[sflag:s16] =	ssyncset.done $0x0  }
0x16a: {  	[sflag:s16] =	ssyncadd.s32 $0xFFFFCE00  }
0x16b: {  	_ =	swait.ge [sflag:s16], $0x3200  }
0x16c: {  	[sflag:s16] =	ssyncset.done $0x0  }
0x16d: {  	[sflag:s16] =	ssyncadd.s32 $0xFFFFCE00  }
0x16e: {  	_ =	swait.ge [sflag:s16], $0x3200  }
0x16f: {  	[sflag:s16] =	ssyncset.done $0x0  }
0x170: {  	[sflag:s16] =	ssyncadd.s32 $0xFFFFCE00  }
0x171: {  	_ =	swait.ge [sflag:s16], $0x3200  }
0x172: {  	[sflag:s16] =	ssyncset.done $0x0  }
0x173: {  	[sflag:s16] =	ssyncadd.s32 $0xFFFFCE00  }
0x174: {  	[tilespmem:s25], [sflag:$0x3] =	stream.indirect.gather [hbm4b:s5+s30], $0x40, s2, s30, $0xb8;
	[tilespmem:$0x1ACC0] =	vst v63  }
0x175: {  	v2 =	vld [tilespmem:$0x640]  }
0x176: {  	v5 =	vld [tilespmem:$0x0]  }
0x177: {  	v6 =	vld [tilespmem:$0x650]  }
0x178: {  	v9 =	vld [tilespmem:$0x10]  }
0x179: {  	v10 =	vld [tilespmem:$0x660]  }
0x17a: {  	v11 =	vld [tilespmem:$0x20]  }
0x17b: {  	v12 =	vld [tilespmem:$0x670]  }
0x17c: {  	v13 =	vld [tilespmem:$0x30]  }
0x17d: {  	v14 =	vld [tilespmem:$0x680]  }
0x17e: {  	v15 =	vld [tilespmem:$0x40]  }
0x17f: {  	v16 =	vld [tilespmem:$0x690]  }
0x180: {  	v17 =	vld [tilespmem:$0x50]  }
0x181: {  	v18 =	vld [tilespmem:$0x6A0]  }
0x182: {  	v19 =	vld [tilespmem:$0x60]  }
0x183: {  	v20 =	vld [tilespmem:$0x6B0]  }
0x184: {  	v21 =	vld [tilespmem:$0x70]  }
0x185: {  	v22 =	vld [tilespmem:$0x6C0]  }
0x186: {  	v23 =	vld [tilespmem:$0x80]  }
0x187: {  	v24 =	vld [tilespmem:$0x6D0]  }
0x188: {  	v25 =	vld [tilespmem:$0x90]  }
0x189: {  	v26 =	vld [tilespmem:$0x6E0]  }
0x18a: {  	v27 =	vld [tilespmem:$0xA0]  }
0x18b: {  	v28 =	vld [tilespmem:$0x6F0]  }
0x18c: {  	v29 =	vld [tilespmem:$0xB0]  }
0x18d: {  	v30 =	vld [tilespmem:$0x700]  }
0x18e: {  	v31 =	vld [tilespmem:$0xC0]  }
0x18f: {  	v32 =	vld [tilespmem:$0x710]  }
0x190: {  	v33 =	vld [tilespmem:$0xD0]  }
0x191: {  	v34 =	vld [tilespmem:$0x720]  }
0x192: {  	v35 =	vld [tilespmem:$0xE0]  }
0x193: {  	v36 =	vld [tilespmem:$0x730]  }
0x194: {  	v37 =	vld [tilespmem:$0xF0]  }
0x195: {  	v38 =	vld [tilespmem:$0x740]  }
0x196: {  	v39 =	vld [tilespmem:$0x100]  }
0x197: {  	v40 =	vld [tilespmem:$0x750]  }
0x198: {  	v41 =	vld [tilespmem:$0x110]  }
0x199: {  	v42 =	vld [tilespmem:$0x760]  }
0x19a: {  	v43 =	vld [tilespmem:$0x120]  }
0x19b: {  	v44 =	vld [tilespmem:$0x770]  }
0x19c: {  	v45 =	vld [tilespmem:$0x130]  }
0x19d: {  	v46 =	vld [tilespmem:$0x780]  }
0x19e: {  	v47 =	vld [tilespmem:$0x140]  }
0x19f: {  	v48 =	vld [tilespmem:$0x790]  }
0x1a0: {  	v49 =	vld [tilespmem:$0x150]  }
0x1a1: {  	v50 =	vld [tilespmem:$0x7A0]  }
0x1a2: {  	v51 =	vld [tilespmem:$0x160]  }
0x1a3: {  	v52 =	vld [tilespmem:$0x7B0]  }
0x1a4: {  	v53 =	vld [tilespmem:$0x170]  }
0x1a5: {  	v8 =	vld [tilespmem:$0x7C0]  }
0x1a6: {  	v54 =	vld [tilespmem:$0x180]  }
0x1a7: {  	v4 =	vld [tilespmem:$0x7D0]  }
0x1a8: {  	v55 =	vld [tilespmem:$0x190]  }
0x1a9: {  	v3 =	vld [tilespmem:$0x7E0]  }
0x1aa: {  	v7 =	vld [tilespmem:$0x1A0]  }
0x1ab: {  	v1 =	vld [tilespmem:$0x7F0];
	vm0 =	veq.s32 v5, $0x0;
	v56 =	vadd.s32 $0x200, v2  }
0x1ac: {  	v5 =	vld [tilespmem:$0x1B0];
	vm13 =	veq.s32 v9, $0x0;
	v57 =	vadd.s32 $0x200, v6;
	vm14 =	veq.s32 v11, $0x0  }
0x1ad: {  	v58 =	vadd.s32 $0x200, v10;
	v11 =	vld [tilespmem:$0x1C0];
	vm15 =	veq.s32 v13, $0x0;
	v56 =	vsel vm0, v56, v2  }
0x1ae: {  	v59 =	vadd.s32 $0x200, v12;
	vm4 =	veq.s32 v15, $0x0;
	v13 =	vld [tilespmem:$0x820];
	v6 =	vsel vm13, v57, v6;
	[tilespmem:$0x640] =	vst v56  }
0x1af: {  	v61 =	vadd.s32 $0x200, v14;
	vm5 =	veq.s32 v17, $0x0;
	v15 =	vld [tilespmem:$0x830];
	v9 =	vsel vm14, v58, v10;
	[tilespmem:$0x650] =	vst v6  }
0x1b0: {  	v63 =	vadd.s32 $0x200, v16;
	vm6 =	veq.s32 v19, $0x0;
	v2 =	vld [tilespmem:$0x800];
	v60 =	vsel vm15, v59, v12;
	[tilespmem:$0x660] =	vst v9  }
0x1b1: {  	v17 =	vadd.s32 $0x200, v18;
	vm7 =	veq.s32 v21, $0x0;
	v12 =	vld [tilespmem:$0x1D0];
	v62 =	vsel vm4, v61, v14;
	[tilespmem:$0x670] =	vst v60  }
0x1b2: {  	v19 =	vadd.s32 $0x200, v20;
	vm8 =	veq.s32 v23, $0x0;
	v16 =	vsel vm5, v63, v16;
	v14 =	vld [tilespmem:$0x1E0];
	[tilespmem:$0x680] =	vst v62  }
0x1b3: {  	v21 =	vadd.s32 $0x200, v22;
	vm9 =	veq.s32 v25, $0x0;
	v18 =	vsel vm6, v17, v18;
	v17 =	vld [tilespmem:$0x840];
	[tilespmem:$0x690] =	vst v16  }
0x1b4: {  	v23 =	vadd.s32 $0x200, v24;
	vm10 =	veq.s32 v27, $0x0;
	v20 =	vsel vm7, v19, v20;
	v19 =	vld [tilespmem:$0x850];
	[tilespmem:$0x6A0] =	vst v18  }
0x1b5: {  	v25 =	vadd.s32 $0x200, v26;
	vm11 =	veq.s32 v29, $0x0;
	v22 =	vsel vm8, v21, v22;
	v21 =	vld [tilespmem:$0x860];
	[tilespmem:$0x6B0] =	vst v20  }
0x1b6: {  	v27 =	vadd.s32 $0x200, v28;
	vm12 =	veq.s32 v31, $0x0;
	v24 =	vsel vm9, v23, v24;
	v23 =	vld [tilespmem:$0x870];
	[tilespmem:$0x6C0] =	vst v22  }
0x1b7: {  	v29 =	vadd.s32 $0x200, v30;
	v31 =	vadd.s32 $0x200, v32;
	v26 =	vsel vm10, v25, v26;
	v25 =	vld [tilespmem:$0x880];
	[tilespmem:$0x6D0] =	vst v24  }
0x1b8: {  	v28 =	vsel vm11, v27, v28;
	v30 =	vsel vm12, v29, v30;
	vm13 =	veq.s32 v33, $0x0;
	v27 =	vld [tilespmem:$0x890];
	[tilespmem:$0x6E0] =	vst v26  }
0x1b9: {  	vm14 =	veq.s32 v35, $0x0;
	v33 =	vadd.s32 $0x200, v34;
	vm15 =	veq.s32 v37, $0x0;
	v59 =	vld [tilespmem:$0x260];
	[tilespmem:$0x6F0] =	vst v28  }
0x1ba: {  	v35 =	vadd.s32 $0x200, v36;
	vm10 =	veq.s32 v51, $0x0;
	v51 =	vld [tilespmem:$0x2D0];
	[tilespmem:$0x700] =	vst v30;
	v32 =	vsel vm13, v31, v32  }
0x1bb: {  	vm4 =	veq.s32 v39, $0x0;
	vm11 =	veq.s32 v53, $0x0;
	v53 =	vld [tilespmem:$0x2E0];
	v34 =	vsel vm14, v33, v34;
	[tilespmem:$0x710] =	vst v32  }
0x1bc: {  	v37 =	vadd.s32 $0x200, v38;
	vm12 =	veq.s32 v54, $0x0;
	v54 =	vld [tilespmem:$0x930];
	v36 =	vsel vm15, v35, v36;
	[tilespmem:$0x720] =	vst v34  }
0x1bd: {  	vm5 =	veq.s32 v41, $0x0;
	v39 =	vadd.s32 $0x200, v40;
	v6 =	vld [tilespmem:$0x810];
	v38 =	vsel vm4, v37, v38;
	[tilespmem:$0x730] =	vst v36  }
0x1be: {  	vm6 =	veq.s32 v43, $0x0;
	v41 =	vadd.s32 $0x200, v42;
	v16 =	vld [tilespmem:$0x1F0];
	v40 =	vsel vm5, v39, v40;
	[tilespmem:$0x740] =	vst v38  }
0x1bf: {  	vm7 =	veq.s32 v45, $0x0;
	v43 =	vadd.s32 $0x200, v44;
	v18 =	vld [tilespmem:$0x200];
	v42 =	vsel vm6, v41, v42;
	[tilespmem:$0x750] =	vst v40  }
0x1c0: {  	vm8 =	veq.s32 v47, $0x0;
	v45 =	vadd.s32 $0x200, v46;
	v20 =	vld [tilespmem:$0x210];
	v44 =	vsel vm7, v43, v44;
	[tilespmem:$0x760] =	vst v42  }
0x1c1: {  	vm9 =	veq.s32 v49, $0x0;
	v49 =	vadd.s32 $0x200, v48;
	v22 =	vld [tilespmem:$0x220];
	v47 =	vsel vm8, v45, v46;
	[tilespmem:$0x770] =	vst v44  }
0x1c2: {  	v58 =	vadd.s32 $0x200, v50;
	v24 =	vld [tilespmem:$0x230];
	v57 =	vsel vm9, v49, v48;
	[tilespmem:$0x780] =	vst v47  }
0x1c3: {  	v61 =	vadd.s32 $0x200, v52;
	v26 =	vld [tilespmem:$0x240];
	v60 =	vsel vm10, v58, v50;
	[tilespmem:$0x790] =	vst v57  }
0x1c4: {  	v28 =	vld [tilespmem:$0x250];
	v63 =	vsel vm11, v61, v52;
	[tilespmem:$0x7A0] =	vst v60;
	v36 =	vadd.s32 $0x200, v8  }
0x1c5: {  	v56 =	vld [tilespmem:$0x8A0];
	vm13 =	veq.s32 v55, $0x0;
	[tilespmem:$0x7B0] =	vst v63;
	v38 =	vadd.s32 $0x200, v4;
	v8 =	vsel vm12, v36, v8  }
0x1c6: {  	v62 =	vld [tilespmem:$0x8B0];
	vm14 =	veq.s32 v7, $0x0;
	v40 =	vadd.s32 $0x200, v3;
	v4 =	vsel vm13, v38, v4;
	[tilespmem:$0x7C0] =	vst v8  }
0x1c7: {  	v37 =	vld [tilespmem:$0x270];
	v42 =	vadd.s32 $0x200, v1;
	v3 =	vsel vm14, v40, v3;
	[tilespmem:$0x7D0] =	vst v4;
	vm15 =	veq.s32 v5, $0x0  }
0x1c8: {  	v39 =	vld [tilespmem:$0x8C0];
	[tilespmem:$0x7E0] =	vst v3;
	vm4 =	veq.s32 v11, $0x0;
	v1 =	vsel vm15, v42, v1;
	v3 =	vadd.s32 $0x200, v2  }
0x1c9: {  	v41 =	vld [tilespmem:$0x280];
	vm5 =	veq.s32 v12, $0x0;
	[tilespmem:$0x7F0] =	vst v1;
	v1 =	vsel vm4, v3, v2;
	v2 =	vadd.s32 $0x200, v6  }
0x1ca: {  	v43 =	vld [tilespmem:$0x8D0];
	vm6 =	veq.s32 v14, $0x0;
	[tilespmem:$0x800] =	vst v1;
	v1 =	vsel vm5, v2, v6;
	v2 =	vadd.s32 $0x200, v13  }
0x1cb: {  	v45 =	vld [tilespmem:$0x2A0];
	vm7 =	veq.s32 v16, $0x0;
	[tilespmem:$0x810] =	vst v1;
	v1 =	vsel vm6, v2, v13;
	v2 =	vadd.s32 $0x200, v15  }
0x1cc: {  	v46 =	vld [tilespmem:$0x8F0];
	vm8 =	veq.s32 v18, $0x0;
	[tilespmem:$0x820] =	vst v1;
	v1 =	vsel vm7, v2, v15;
	v2 =	vadd.s32 $0x200, v17  }
0x1cd: {  	v48 =	vld [tilespmem:$0x900];
	vm9 =	veq.s32 v20, $0x0;
	[tilespmem:$0x830] =	vst v1;
	v1 =	vsel vm8, v2, v17;
	v2 =	vadd.s32 $0x200, v19  }
0x1ce: {  	v49 =	vld [tilespmem:$0x2C0];
	vm10 =	veq.s32 v22, $0x0;
	[tilespmem:$0x840] =	vst v1;
	v1 =	vsel vm9, v2, v19;
	v2 =	vadd.s32 $0x200, v21  }
0x1cf: {  	v50 =	vld [tilespmem:$0x910];
	vm11 =	veq.s32 v24, $0x0;
	[tilespmem:$0x850] =	vst v1;
	v1 =	vsel vm10, v2, v21;
	v2 =	vadd.s32 $0x200, v23  }
0x1d0: {  	v44 =	vld [tilespmem:$0x290];
	vm12 =	veq.s32 v26, $0x0;
	[tilespmem:$0x860] =	vst v1;
	v1 =	vsel vm11, v2, v23;
	v2 =	vadd.s32 $0x200, v25  }
0x1d1: {  	v3 =	vld [tilespmem:$0x8E0];
	vm13 =	veq.s32 v28, $0x0;
	[tilespmem:$0x870] =	vst v1;
	v1 =	vsel vm12, v2, v25;
	v2 =	vadd.s32 $0x200, v27  }
0x1d2: {  	v47 =	vld [tilespmem:$0x2B0];
	vm14 =	veq.s32 v59, $0x0;
	[tilespmem:$0x880] =	vst v1;
	v1 =	vsel vm13, v2, v27;
	v2 =	vadd.s32 $0x200, v56  }
0x1d3: {  	v52 =	vld [tilespmem:$0x920];
	vm15 =	veq.s32 v37, $0x0;
	[tilespmem:$0x890] =	vst v1;
	v1 =	vsel vm14, v2, v56;
	v2 =	vadd.s32 $0x200, v62  }
0x1d4: {  	v55 =	vld [tilespmem:$0x2F0];
	vm4 =	veq.s32 v41, $0x0;
	[tilespmem:$0x8A0] =	vst v1;
	v1 =	vsel vm15, v2, v62;
	v2 =	vadd.s32 $0x200, v39  }
0x1d5: {  	v58 =	vld [tilespmem:$0x310];
	vm5 =	veq.s32 v44, $0x0;
	[tilespmem:$0x8B0] =	vst v1;
	v1 =	vsel vm4, v2, v39;
	v2 =	vadd.s32 $0x200, v43  }
0x1d6: {  	v57 =	vld [tilespmem:$0x300];
	vm6 =	veq.s32 v45, $0x0;
	[tilespmem:$0x8C0] =	vst v1;
	v1 =	vsel vm5, v2, v43;
	v2 =	vadd.s32 $0x200, v3  }
0x1d7: {  	vm7 =	veq.s32 v47, $0x0;
	v56 =	vld [tilespmem:$0x940];
	[tilespmem:$0x8D0] =	vst v1;
	v1 =	vsel vm6, v2, v3;
	v2 =	vadd.s32 $0x200, v46  }
0x1d8: {  	vm8 =	veq.s32 v49, $0x0;
	v3 =	vld [tilespmem:$0x950];
	[tilespmem:$0x8E0] =	vst v1;
	v1 =	vsel vm7, v2, v46;
	v2 =	vadd.s32 $0x200, v48  }
0x1d9: {  	vm9 =	veq.s32 v51, $0x0;
	[tilespmem:$0x8F0] =	vst v1;
	v1 =	vsel vm8, v2, v48;
	v2 =	vadd.s32 $0x200, v50  }
0x1da: {  	vm10 =	veq.s32 v53, $0x0;
	[tilespmem:$0x900] =	vst v1;
	v1 =	vsel vm9, v2, v50;
	v2 =	vadd.s32 $0x200, v52  }
0x1db: {  	vm11 =	veq.s32 v55, $0x0;
	[tilespmem:$0x910] =	vst v1;
	v1 =	vsel vm10, v2, v52;
	v2 =	vadd.s32 $0x200, v54  }
0x1dc: {  	vm12 =	veq.s32 v57, $0x0;
	[tilespmem:$0x920] =	vst v1;
	v1 =	vsel vm11, v2, v54;
	v2 =	vadd.s32 $0x200, v56  }
0x1dd: {  	vm13 =	veq.s32 v58, $0x0;
	[tilespmem:$0x930] =	vst v1;
	v1 =	vsel vm12, v2, v56;
	v2 =	vadd.s32 $0x200, v3  }
0x1de: {  	[tilespmem:$0x940] =	vst v1;
	v1 =	vsel vm13, v2, v3  }
0x1df: {  	[tilespmem:$0x950] =	vst v1  }
0x1e0: {  	_ =	swait.ge [sflag:s8], $0xC800  }
0x1e1: {  	s11 =	rddreg [dreg:$0x3]  }
0x1e2: {  	[sflag:s8] =	ssyncset.done $0x0;
	s11 =	sadd.s32 s22, s11  }
0x1e3: {  	s26 =	rddreg [dreg:$0x6];
	[sflag:s8] =	ssyncadd.s32 $0xFFFF3800;
	s21 =	sadd.s32 $0x3200, s11  }
0x1e4: {  	[hbm4b:s21+s9] =	stream.strided.scatter [tilespmem:s7], [sflag:$0x7], $0x3200, s10, s9, $0x38;
	[tilespmem:$0x1ACC0] =	vst v63  }
0x1e5: {  	s21 =	sadd.s32 s22, s26;
	s26 =	rddreg [dreg:$0x5]  }
0x1e6: {  	[hbm4b:s21+s9] =	stream.strided.scatter [tilespmem:s17], [sflag:$0x7], $0x3200, s10, s9, $0x38;
	[tilespmem:$0x1ACC0] =	vst v63  }
0x1e7: {  	s26 =	sadd.s32 s22, s26;
	s21 =	rddreg [dreg:$0x4]  }
0x1e8: {  	[hbm4b:s26+s9] =	stream.strided.scatter [tilespmem:s18], [sflag:$0x7], $0x3200, s10, s9, $0x38;
	[tilespmem:$0x1ACC0] =	vst v63  }
0x1e9: {  	s21 =	sadd.s32 s22, s21  }
0x1ea: {  	[hbm4b:s21+s9] =	stream.strided.scatter [tilespmem:s19], [sflag:$0x7], $0x3200, s10, s9, $0x38;
	[tilespmem:$0x1ACC0] =	vst v63  }
0x1eb: {  	s26 =	sadd.s32 s3, s24  }
0x1ec: {  	[tilespmem:s30], [sflag:$0x2] =	stream.linear.gather [hbm4b:s26+s2], $0x320, $0x38;
	[tilespmem:$0x1ACC0] =	vst v63  }
0x1ed: {  	s26 =	sadd.s32 s4, s24  }
0x1ee: {  	[tilespmem:s31], [sflag:$0x2] =	stream.linear.gather [hbm4b:s26+s2], $0x320, $0x38;
	[tilespmem:$0x1ACC0] =	vst v63  }
0x1ef: {  	_ =	swait.ge [sflag:s28], $0xC800  }
0x1f0: {  	[sflag:s28] =	ssyncset.done $0x0  }
0x1f1: {  	[sflag:s28] =	ssyncadd.s32 $0xFFFF3800  }
0x1f2: {  	[tilespmem:s25], [sflag:$0x5] =	stream.indirect.gather.add.f32 [spmem:s1], $0x40, s29, s30, $0xb8;
	[tilespmem:$0x1ACC0] =	vst v63  }
0x1f3: {  	_ =	swait.ge [sflag:s6], $0x320  }
0x1f4: {  	[sflag:s6] =	ssyncset.done $0x0  }
0x1f5: {  	[sflag:s6] =	ssyncadd.s32 $0xFFFFFCE0  }
0x1f6: {  	_ =	swait.ge [sflag:s6], $0x320  }
0x1f7: {  	[sflag:s6] =	ssyncset.done $0x0  }
0x1f8: {  	[sflag:s6] =	ssyncadd.s32 $0xFFFFFCE0  }
0x1f9: {  	_ =	swait.ge [sflag:s20], $0x3200  }
0x1fa: {  	[sflag:s20] =	ssyncset.done $0x0  }
0x1fb: {  	[sflag:s20] =	ssyncadd.s32 $0xFFFFCE00  }
0x1fc: {  	_ =	swait.ge [sflag:s20], $0x3200  }
0x1fd: {  	[sflag:s20] =	ssyncset.done $0x0  }
0x1fe: {  	[sflag:s20] =	ssyncadd.s32 $0xFFFFCE00  }
0x1ff: {  	_ =	swait.ge [sflag:s20], $0x3200  }
0x200: {  	[sflag:s20] =	ssyncset.done $0x0  }
0x201: {  	[sflag:s20] =	ssyncadd.s32 $0xFFFFCE00  }
0x202: {  	_ =	swait.ge [sflag:s20], $0x3200  }
0x203: {  	[sflag:s20] =	ssyncset.done $0x0  }
0x204: {  	[sflag:s20] =	ssyncadd.s32 $0xFFFFCE00  }
0x205: {  	[tilespmem:s7], [sflag:$0x4] =	stream.indirect.gather [hbm4b:s5+s30], $0x40, s30, s30, $0xb8;
	[tilespmem:$0x1ACC0] =	vst v63  }
0x206: {  	v2 =	vld [tilespmem:$0x960]  }
0x207: {  	v59 =	vld [tilespmem:$0x320]  }
0x208: {  	v6 =	vld [tilespmem:$0x970]  }
0x209: {  	v9 =	vld [tilespmem:$0x330]  }
0x20a: {  	v10 =	vld [tilespmem:$0x980]  }
0x20b: {  	v11 =	vld [tilespmem:$0x340]  }
0x20c: {  	v60 =	vld [tilespmem:$0x990]  }
0x20d: {  	v61 =	vld [tilespmem:$0x350]  }
0x20e: {  	v14 =	vld [tilespmem:$0x9A0]  }
0x20f: {  	v62 =	vld [tilespmem:$0x360]  }
0x210: {  	v16 =	vld [tilespmem:$0x9B0]  }
0x211: {  	v17 =	vld [tilespmem:$0x370]  }
0x212: {  	v18 =	vld [tilespmem:$0x9C0]  }
0x213: {  	v19 =	vld [tilespmem:$0x380]  }
0x214: {  	v20 =	vld [tilespmem:$0x9D0]  }
0x215: {  	v21 =	vld [tilespmem:$0x390]  }
0x216: {  	v22 =	vld [tilespmem:$0x9E0]  }
0x217: {  	v23 =	vld [tilespmem:$0x3A0]  }
0x218: {  	v24 =	vld [tilespmem:$0x9F0]  }
0x219: {  	v25 =	vld [tilespmem:$0x3B0]  }
0x21a: {  	v26 =	vld [tilespmem:$0xA00]  }
0x21b: {  	v27 =	vld [tilespmem:$0x3C0]  }
0x21c: {  	v28 =	vld [tilespmem:$0xA10]  }
0x21d: {  	v29 =	vld [tilespmem:$0x3D0]  }
0x21e: {  	v30 =	vld [tilespmem:$0xA20]  }
0x21f: {  	v31 =	vld [tilespmem:$0x3E0]  }
0x220: {  	v32 =	vld [tilespmem:$0xA30]  }
0x221: {  	v33 =	vld [tilespmem:$0x3F0]  }
0x222: {  	v34 =	vld [tilespmem:$0xA40]  }
0x223: {  	v35 =	vld [tilespmem:$0x400]  }
0x224: {  	v36 =	vld [tilespmem:$0xA50]  }
0x225: {  	v37 =	vld [tilespmem:$0x410]  }
0x226: {  	v38 =	vld [tilespmem:$0xA60]  }
0x227: {  	v39 =	vld [tilespmem:$0x420]  }
0x228: {  	v40 =	vld [tilespmem:$0xA70]  }
0x229: {  	v41 =	vld [tilespmem:$0x430]  }
0x22a: {  	v42 =	vld [tilespmem:$0xA80]  }
0x22b: {  	v43 =	vld [tilespmem:$0x440]  }
0x22c: {  	v44 =	vld [tilespmem:$0xA90]  }
0x22d: {  	v45 =	vld [tilespmem:$0x450]  }
0x22e: {  	v46 =	vld [tilespmem:$0xAA0]  }
0x22f: {  	v47 =	vld [tilespmem:$0x460]  }
0x230: {  	v48 =	vld [tilespmem:$0xAB0]  }
0x231: {  	v49 =	vld [tilespmem:$0x470]  }
0x232: {  	v50 =	vld [tilespmem:$0xAC0]  }
0x233: {  	v51 =	vld [tilespmem:$0x480]  }
0x234: {  	v52 =	vld [tilespmem:$0xAD0]  }
0x235: {  	v53 =	vld [tilespmem:$0x490]  }
0x236: {  	v8 =	vld [tilespmem:$0xAE0]  }
0x237: {  	v54 =	vld [tilespmem:$0x4A0]  }
0x238: {  	v4 =	vld [tilespmem:$0xAF0]  }
0x239: {  	v55 =	vld [tilespmem:$0x4B0]  }
0x23a: {  	v3 =	vld [tilespmem:$0xB00]  }
0x23b: {  	v7 =	vld [tilespmem:$0x4C0]  }
0x23c: {  	v1 =	vld [tilespmem:$0xB10];
	vm14 =	veq.s32 v59, $0x0;
	v63 =	vadd.s32 $0x200, v2  }
0x23d: {  	v5 =	vld [tilespmem:$0x4D0];
	vm15 =	veq.s32 v9, $0x0;
	v57 =	vadd.s32 $0x200, v6;
	vm4 =	veq.s32 v11, $0x0  }
0x23e: {  	v12 =	vld [tilespmem:$0x4F0];
	v58 =	vadd.s32 $0x200, v10;
	vm5 =	veq.s32 v61, $0x0;
	v56 =	vsel vm14, v63, v2  }
0x23f: {  	v13 =	vld [tilespmem:$0xB40];
	v59 =	vadd.s32 $0x200, v60;
	vm6 =	veq.s32 v62, $0x0;
	v6 =	vsel vm15, v57, v6;
	[tilespmem:$0x960] =	vst v56  }
0x240: {  	v15 =	vld [tilespmem:$0xB50];
	v61 =	vadd.s32 $0x200, v14;
	vm7 =	veq.s32 v17, $0x0;
	v9 =	vsel vm4, v58, v10;
	[tilespmem:$0x970] =	vst v6  }
0x241: {  	v11 =	vld [tilespmem:$0x4E0];
	vm8 =	veq.s32 v19, $0x0;
	v17 =	vadd.s32 $0x200, v18;
	v60 =	vsel vm5, v59, v60;
	[tilespmem:$0x980] =	vst v9  }
0x242: {  	vm9 =	veq.s32 v21, $0x0;
	v19 =	vadd.s32 $0x200, v20;
	v2 =	vld [tilespmem:$0xB20];
	v62 =	vsel vm6, v61, v14;
	[tilespmem:$0x990] =	vst v60  }
0x243: {  	vm10 =	veq.s32 v23, $0x0;
	v21 =	vadd.s32 $0x200, v22;
	v14 =	vld [tilespmem:$0x500];
	v18 =	vsel vm8, v17, v18;
	[tilespmem:$0x9A0] =	vst v62  }
0x244: {  	vm11 =	veq.s32 v25, $0x0;
	v23 =	vadd.s32 $0x200, v24;
	v20 =	vsel vm9, v19, v20;
	v17 =	vld [tilespmem:$0xB60];
	[tilespmem:$0x9C0] =	vst v18  }
0x245: {  	vm12 =	veq.s32 v27, $0x0;
	v25 =	vadd.s32 $0x200, v26;
	v22 =	vsel vm10, v21, v22;
	v19 =	vld [tilespmem:$0xB70];
	[tilespmem:$0x9D0] =	vst v20  }
0x246: {  	vm13 =	veq.s32 v29, $0x0;
	v27 =	vadd.s32 $0x200, v28;
	v24 =	vsel vm11, v23, v24;
	v21 =	vld [tilespmem:$0xB80];
	[tilespmem:$0x9E0] =	vst v22  }
0x247: {  	v29 =	vadd.s32 $0x200, v30;
	v63 =	vadd.s32 $0x200, v16;
	v26 =	vsel vm12, v25, v26;
	v23 =	vld [tilespmem:$0xB90];
	[tilespmem:$0x9F0] =	vst v24  }
0x248: {  	v28 =	vsel vm13, v27, v28;
	vm14 =	veq.s32 v31, $0x0;
	vm15 =	veq.s32 v33, $0x0;
	v25 =	vld [tilespmem:$0xBA0];
	[tilespmem:$0xA00] =	vst v26  }
0x249: {  	v31 =	vadd.s32 $0x200, v32;
	vm4 =	veq.s32 v35, $0x0;
	v27 =	vld [tilespmem:$0xBB0];
	v16 =	vsel vm7, v63, v16;
	[tilespmem:$0xA10] =	vst v28  }
0x24a: {  	v33 =	vadd.s32 $0x200, v34;
	vm11 =	veq.s32 v49, $0x0;
	v49 =	vld [tilespmem:$0x5B0];
	v30 =	vsel vm14, v29, v30;
	[tilespmem:$0x9B0] =	vst v16  }
0x24b: {  	vm5 =	veq.s32 v37, $0x0;
	vm12 =	veq.s32 v51, $0x0;
	v51 =	vld [tilespmem:$0xC10];
	v32 =	vsel vm15, v31, v32;
	[tilespmem:$0xA20] =	vst v30  }
0x24c: {  	v35 =	vadd.s32 $0x200, v36;
	vm13 =	veq.s32 v53, $0x0;
	v53 =	vld [tilespmem:$0xC20];
	v34 =	vsel vm4, v33, v34;
	[tilespmem:$0xA30] =	vst v32  }
0x24d: {  	vm6 =	veq.s32 v39, $0x0;
	v37 =	vadd.s32 $0x200, v38;
	v6 =	vld [tilespmem:$0xB30];
	v36 =	vsel vm5, v35, v36;
	[tilespmem:$0xA40] =	vst v34  }
0x24e: {  	vm8 =	veq.s32 v43, $0x0;
	v43 =	vadd.s32 $0x200, v42;
	v18 =	vld [tilespmem:$0x520];
	v38 =	vsel vm6, v37, v38;
	[tilespmem:$0xA50] =	vst v36  }
0x24f: {  	vm9 =	veq.s32 v45, $0x0;
	v57 =	vadd.s32 $0x200, v44;
	v20 =	vld [tilespmem:$0x530];
	v56 =	vsel vm8, v43, v42;
	[tilespmem:$0xA60] =	vst v38  }
0x250: {  	vm10 =	veq.s32 v47, $0x0;
	v59 =	vadd.s32 $0x200, v46;
	v22 =	vld [tilespmem:$0x540];
	v58 =	vsel vm9, v57, v44;
	[tilespmem:$0xA80] =	vst v56  }
0x251: {  	v39 =	vadd.s32 $0x200, v40;
	v24 =	vld [tilespmem:$0x550];
	vm7 =	veq.s32 v41, $0x0;
	v61 =	vsel vm10, v59, v46;
	[tilespmem:$0xA90] =	vst v58  }
0x252: {  	v26 =	vld [tilespmem:$0x560];
	v62 =	vadd.s32 $0x200, v48;
	v41 =	vsel vm7, v39, v40;
	[tilespmem:$0xAA0] =	vst v61  }
0x253: {  	v60 =	vld [tilespmem:$0x570];
	v35 =	vadd.s32 $0x200, v50;
	v34 =	vsel vm11, v62, v48;
	[tilespmem:$0xA70] =	vst v41  }
0x254: {  	v63 =	vld [tilespmem:$0xBC0];
	vm15 =	veq.s32 v55, $0x0;
	v43 =	vadd.s32 $0x200, v4;
	v37 =	vsel vm12, v35, v50;
	[tilespmem:$0xAB0] =	vst v34  }
0x255: {  	v45 =	vadd.s32 $0x200, v3;
	v42 =	vld [tilespmem:$0x590];
	vm4 =	veq.s32 v7, $0x0;
	v4 =	vsel vm15, v43, v4;
	[tilespmem:$0xAC0] =	vst v37  }
0x256: {  	v47 =	vadd.s32 $0x200, v1;
	v44 =	vld [tilespmem:$0xBE0];
	vm5 =	veq.s32 v5, $0x0;
	v3 =	vsel vm4, v45, v3;
	[tilespmem:$0xAF0] =	vst v4  }
0x257: {  	v16 =	vld [tilespmem:$0x510];
	v38 =	vadd.s32 $0x200, v52;
	v1 =	vsel vm5, v47, v1;
	[tilespmem:$0xB00] =	vst v3  }
0x258: {  	vm14 =	veq.s32 v54, $0x0;
	v46 =	vld [tilespmem:$0x5A0];
	v40 =	vsel vm13, v38, v52;
	v41 =	vadd.s32 $0x200, v8;
	[tilespmem:$0xB10] =	vst v1  }
0x259: {  	v54 =	vld [tilespmem:$0x5E0];
	[tilespmem:$0xAD0] =	vst v40;
	v8 =	vsel vm14, v41, v8;
	vm6 =	veq.s32 v11, $0x0;
	v3 =	vadd.s32 $0x200, v2  }
0x25a: {  	v55 =	vld [tilespmem:$0xC30];
	vm7 =	veq.s32 v12, $0x0;
	[tilespmem:$0xAE0] =	vst v8;
	v1 =	vsel vm6, v3, v2;
	v2 =	vadd.s32 $0x200, v6  }
0x25b: {  	v57 =	vld [tilespmem:$0xC40];
	vm8 =	veq.s32 v14, $0x0;
	[tilespmem:$0xB20] =	vst v1;
	v1 =	vsel vm7, v2, v6;
	v2 =	vadd.s32 $0x200, v13  }
0x25c: {  	v59 =	vld [tilespmem:$0xC50];
	vm9 =	veq.s32 v16, $0x0;
	[tilespmem:$0xB30] =	vst v1;
	v1 =	vsel vm8, v2, v13;
	v2 =	vadd.s32 $0x200, v15  }
0x25d: {  	v36 =	vld [tilespmem:$0x580];
	vm10 =	veq.s32 v18, $0x0;
	[tilespmem:$0xB40] =	vst v1;
	v1 =	vsel vm9, v2, v15;
	v2 =	vadd.s32 $0x200, v17  }
0x25e: {  	v39 =	vld [tilespmem:$0xBD0];
	vm11 =	veq.s32 v20, $0x0;
	[tilespmem:$0xB50] =	vst v1;
	v1 =	vsel vm10, v2, v17;
	v2 =	vadd.s32 $0x200, v19  }
0x25f: {  	v48 =	vld [tilespmem:$0xBF0];
	vm12 =	veq.s32 v22, $0x0;
	[tilespmem:$0xB60] =	vst v1;
	v1 =	vsel vm11, v2, v19;
	v2 =	vadd.s32 $0x200, v21  }
0x260: {  	v50 =	vld [tilespmem:$0x5C0];
	vm13 =	veq.s32 v24, $0x0;
	[tilespmem:$0xB70] =	vst v1;
	v1 =	vsel vm12, v2, v21;
	v2 =	vadd.s32 $0x200, v23  }
0x261: {  	v56 =	vld [tilespmem:$0x5F0];
	vm14 =	veq.s32 v26, $0x0;
	[tilespmem:$0xB80] =	vst v1;
	v1 =	vsel vm13, v2, v23;
	v2 =	vadd.s32 $0x200, v25  }
0x262: {  	v3 =	vld [tilespmem:$0xC00];
	vm15 =	veq.s32 v60, $0x0;
	[tilespmem:$0xB90] =	vst v1;
	v1 =	vsel vm14, v2, v25;
	v2 =	vadd.s32 $0x200, v27  }
0x263: {  	v52 =	vld [tilespmem:$0x5D0];
	vm4 =	veq.s32 v36, $0x0;
	[tilespmem:$0xBA0] =	vst v1;
	v1 =	vsel vm15, v2, v27;
	v2 =	vadd.s32 $0x200, v63  }
0x264: {  	v58 =	vld [tilespmem:$0x600];
	vm5 =	veq.s32 v42, $0x0;
	[tilespmem:$0xBB0] =	vst v1;
	v1 =	vsel vm4, v2, v63;
	v2 =	vadd.s32 $0x200, v39  }
0x265: {  	v61 =	vld [tilespmem:$0xC60];
	vm6 =	veq.s32 v46, $0x0;
	[tilespmem:$0xBC0] =	vst v1;
	v1 =	vsel vm5, v2, v39;
	v2 =	vadd.s32 $0x200, v44  }
0x266: {  	v62 =	vld [tilespmem:$0x620];
	vm7 =	veq.s32 v49, $0x0;
	[tilespmem:$0xBD0] =	vst v1;
	v1 =	vsel vm6, v2, v44;
	v2 =	vadd.s32 $0x200, v48  }
0x267: {  	v60 =	vld [tilespmem:$0x610];
	vm8 =	veq.s32 v50, $0x0;
	[tilespmem:$0xBE0] =	vst v1;
	v1 =	vsel vm7, v2, v48;
	v2 =	vadd.s32 $0x200, v3  }
0x268: {  	vm9 =	veq.s32 v52, $0x0;
	v63 =	vld [tilespmem:$0x630];
	[tilespmem:$0xBF0] =	vst v1;
	v1 =	vsel vm8, v2, v3;
	v2 =	vadd.s32 $0x200, v51  }
0x269: {  	vm10 =	veq.s32 v54, $0x0;
	v3 =	vld [tilespmem:$0xC70];
	[tilespmem:$0xC00] =	vst v1;
	v1 =	vsel vm9, v2, v51;
	v2 =	vadd.s32 $0x200, v53  }
0x26a: {  	vm11 =	veq.s32 v56, $0x0;
	[tilespmem:$0xC10] =	vst v1;
	v1 =	vsel vm10, v2, v53;
	v2 =	vadd.s32 $0x200, v55  }
0x26b: {  	vm12 =	veq.s32 v58, $0x0;
	[tilespmem:$0xC20] =	vst v1;
	v1 =	vsel vm11, v2, v55;
	v2 =	vadd.s32 $0x200, v57  }
0x26c: {  	vm13 =	veq.s32 v60, $0x0;
	[tilespmem:$0xC30] =	vst v1;
	v1 =	vsel vm12, v2, v57;
	v2 =	vadd.s32 $0x200, v59  }
0x26d: {  	vm14 =	veq.s32 v62, $0x0;
	[tilespmem:$0xC40] =	vst v1;
	v1 =	vsel vm13, v2, v59;
	v2 =	vadd.s32 $0x200, v61  }
0x26e: {  	vm15 =	veq.s32 v63, $0x0;
	[tilespmem:$0xC50] =	vst v1;
	v1 =	vsel vm14, v2, v61;
	v2 =	vadd.s32 $0x200, v3  }
0x26f: {  	[tilespmem:$0xC60] =	vst v1;
	v1 =	vsel vm15, v2, v3  }
0x270: {  	[tilespmem:$0xC70] =	vst v1  }
0x271: {  	_ =	swait.ge [sflag:s8], $0xC800  }
0x272: {  	[sflag:s8] =	ssyncset.done $0x0  }
0x273: {  	s11 =	sadd.s32 $0x6400, s11;
	s26 =	rddreg [dreg:$0x9];
	[sflag:s8] =	ssyncadd.s32 $0xFFFF3800  }
0x274: {  	[hbm4b:s11+s9] =	stream.strided.scatter [tilespmem:s25], [sflag:$0x6], $0x3200, s10, s9, $0x38;
	[tilespmem:$0x1ACC0] =	vst v63  }
0x275: {  	s21 =	rddreg [dreg:$0x8];
	s26 =	sadd.s32 s22, s26  }
0x276: {  	[hbm4b:s26+s9] =	stream.strided.scatter [tilespmem:s12], [sflag:$0x6], $0x3200, s10, s9, $0x38;
	[tilespmem:$0x1ACC0] =	vst v63  }
0x277: {  	s21 =	sadd.s32 s22, s21;
	s26 =	rddreg [dreg:$0x7]  }
0x278: {  	[hbm4b:s21+s9] =	stream.strided.scatter [tilespmem:s13], [sflag:$0x6], $0x3200, s10, s9, $0x38;
	[tilespmem:$0x1ACC0] =	vst v63  }
0x279: {  	p1 =	seq.s32 s22, $0x183800;
	s11 =	sadd.s32 s22, s26  }
0x27a: {  	[hbm4b:s11+s9] =	stream.strided.scatter [tilespmem:s14], [sflag:$0x6], $0x3200, s10, s9, $0x38;
	[tilespmem:$0x1ACC0] =	vst v63  }
0x27b: {  	s21 =	simm.s32 @!p1 $0x0;
	s11 =	sadd.s32 @!p1 s3, s23  }
0x27c: {  	[tilespmem:s21], [sflag:$0x1] =	stream.linear.gather @!p1 [hbm4b:s11+s21], $0x320, $0x38;
	[tilespmem:$0x1ACC0] =	vst v63  }
0x27d: {  	s26 =	simm.s32 @!p1 $0x640;
	s22 =	sadd.s32 $0x6400, s22;
	s11 =	sadd.s32 @!p1 s4, s23  }
0x27e: {  	[tilespmem:s26], [sflag:$0x1] =	stream.linear.gather @!p1 [hbm4b:s11+s21], $0x320, $0x38;
	[tilespmem:$0x1ACC0] =	vst v63  }
0x27f: {  	p1 =	sne.s32 s22, $0x189C00  }
.Ltmp2:
0x280: {  	_ = 	snop;
	(pc) =	sbr.rel @p1 .LBB2_6-.Ltmp2, $4  }
0x281: {  	_ = 	snop  }
0x282: {  	_ =	swait.ge [sflag:s15], $0xC800  }
0x283: {  	[sflag:s15] =	ssyncset.done $0x0  }
0x284: {  	s3 =	sadd.s32 $0xC8, s3;
	s4 =	sadd.s32 $0xC8, s4;
	[sflag:s15] =	ssyncadd.s32 $0xFFFF3800  }
0x285: {  	[tilespmem:s7], [sflag:$0x5] =	stream.indirect.gather.add.f32 [spmem:s1], $0x40, s31, s30, $0xb8;
	[tilespmem:$0x1ACC0] =	vst v63  }
0x286: {  	_ =	swait.ge [sflag:s8], $0xC800  }
0x287: {  	[sflag:s8] =	ssyncset.done $0x0  }
0x288: {  	s3 =	rddreg [dreg:$0x18];
	[sflag:s8] =	ssyncadd.s32 $0xFFFF3800  }
0x289: {  	[hbm4b:s3+s9] =	stream.strided.scatter [tilespmem:s7], [sflag:$0x7], $0x3200, s10, s9, $0x38;
	[tilespmem:$0x1ACC0] =	vst v63  }
0x28a: {  	s11 =	rddreg [dreg:$0x19]  }
0x28b: {  	[hbm4b:s11+s9] =	stream.strided.scatter [tilespmem:s17], [sflag:$0x7], $0x3200, s10, s9, $0x38;
	[tilespmem:$0x1ACC0] =	vst v63  }
0x28c: {  	s21 =	rddreg [dreg:$0x1a]  }
0x28d: {  	[hbm4b:s21+s9] =	stream.strided.scatter [tilespmem:s18], [sflag:$0x7], $0x3200, s10, s9, $0x38;
	[tilespmem:$0x1ACC0] =	vst v63  }
0x28e: {  	s22 =	rddreg [dreg:$0x1b]  }
0x28f: {  	[hbm4b:s22+s9] =	stream.strided.scatter [tilespmem:s19], [sflag:$0x7], $0x3200, s10, s9, $0x38;
	[tilespmem:$0x1ACC0] =	vst v63  }
0x290: {  	_ =	swait.ge [sflag:s16], $0x3200  }
0x291: {  	[sflag:s16] =	ssyncset.done $0x0  }
0x292: {  	[sflag:s16] =	ssyncadd.s32 $0xFFFFCE00  }
0x293: {  	_ =	swait.ge [sflag:s16], $0x3200  }
0x294: {  	[sflag:s16] =	ssyncset.done $0x0  }
0x295: {  	[sflag:s16] =	ssyncadd.s32 $0xFFFFCE00  }
0x296: {  	_ =	swait.ge [sflag:s16], $0x3200  }
0x297: {  	[sflag:s16] =	ssyncset.done $0x0  }
0x298: {  	[sflag:s16] =	ssyncadd.s32 $0xFFFFCE00  }
0x299: {  	_ =	swait.ge [sflag:s16], $0x3200  }
0x29a: {  	[sflag:s16] =	ssyncset.done $0x0  }
0x29b: {  	[sflag:s16] =	ssyncadd.s32 $0xFFFFCE00  }
0x29c: {  	_ =	swait.ge [sflag:s20], $0x3200  }
0x29d: {  	[sflag:s20] =	ssyncset.done $0x0  }
0x29e: {  	[sflag:s20] =	ssyncadd.s32 $0xFFFFCE00  }
0x29f: {  	_ =	swait.ge [sflag:s20], $0x3200  }
0x2a0: {  	[sflag:s20] =	ssyncset.done $0x0  }
0x2a1: {  	[sflag:s20] =	ssyncadd.s32 $0xFFFFCE00  }
0x2a2: {  	_ =	swait.ge [sflag:s20], $0x3200  }
0x2a3: {  	[sflag:s20] =	ssyncset.done $0x0  }
0x2a4: {  	[sflag:s20] =	ssyncadd.s32 $0xFFFFCE00  }
0x2a5: {  	_ =	swait.ge [sflag:s20], $0x3200  }
0x2a6: {  	s4 =	rddreg [dreg:$0x1d]  }
0x2a7: {  	s26 =	rddreg [dreg:$0x1c];
	s4 =	sadd.s32 $0x1, s4  }
0x2a8: {  	p1 =	sne.s32 s4, s26  }
.Ltmp3:
0x2a9: {  	_ = 	snop;
	(pc) =	sbr.rel @p1 .LBB2_1-.Ltmp3, $3  }
0x2aa: {  	_ =	sdelay $0x1  }
0x2ab: {  	[sflag:s20] =	ssyncset.done $0x0  }
0x2ac: {  	[sflag:s20] =	ssyncadd.s32 $0xFFFFCE00  }
0x2ad: {  	_ =	sfence.sel $0x180000  }
0x2ae: {  	[bflag:$0x0] =	sbarrier.arrive $0xFFFF  }
0x2af: {  	_ =	strace $0x90000047  }
0x2b0: {  	[bflag:$0x2] =	sbarrier.arrive $0xFFFF  }
0x2b1: {  	s0 =	rddreg [dreg:$0x2]  }
0x2b2: {  	s0 =	sadd.s32 @!p0 $0x100000, s0  }
0x2b3: {  	[sflag:s0] =	ssyncadd.tile.s32 @!p0 $0x1;
	_ =	shalt  }
.Lfunc_end2:
_tile_overlayer_lowered:
.L_overlay_start_2:
0x2b4: {  	(tag) =	ssettag $0x2  }
0x2b5: {  	s0 =	rddreg [dreg:$0x0];
	s2 =	stileid.u32  }
0x2b6: {  	s1 =	rddreg [dreg:$0x1];
	p0 =	sne.s32 s2, $0x0  }
0x2b7: {  	s3 =	rddreg [dreg:$0x2];
	[bflag:$0x3] =	sbarrier.arrive $0xFFFF;
	s2 =	simm.s32 @!p0 $0x1C08  }
0x2b8: {  	[timem:s3], [sflag:s2] =	dma.local @!p0 [hbm:s0], s1  }
0x2b9: {  	s0 =	simm.s32 @!p0 $0x8  }
0x2ba: {  	_ =	swait.ge @!p0 [sflag:s0], s1  }
0x2bb: {  	s1 =	ssub.s32 @!p0 $0x0, s1;
	[sflag:s0] =	ssyncset.done @!p0 $0x0  }
0x2bc: {  	[sflag:s0] =	ssyncadd.s32 @!p0 s1  }
0x2bd: {  	[bflag:$0x3] =	sbarrier.arrive $0xFFFF  }
0x2be: {  	_ =	shalt  }

// kernel: sparse-core-data-format-call.cloned.1.call-start
scs
called_computation_lowered:
.L_overlay_start_0:
0x0: {  	s2 =	sld [smem:$0x3FD9]  }
0x1: {  	s3 =	sld [smem:$0x3FFE];
	_ =	sdelay $0x1  }
0x2: {  	s1 =	srdreg.scid  }
0x3: {  	s0 =	sand.u32 $0x1, s1  }
0x4: {  	s18 =	sshll.u32 s0, $0xA;
	s2 =	sadd.s32 s3, s2  }
0x5: {  	s2 =	sadd.s32 s2, s18  }
0x6: {  	[smem:$0x3FC4] =	sst s2  }
0x7: {  	_ = 	snop  }
0x8: {  	s2 =	sld [smem:$0x3FD0];
	(tm) =	ssettm $0x1  }
0x9: {  	s19 =	sld [smem:$0x3FFB];
	_ =	sdelay $0x3  }
0xa: {  	_ =	strace s19  }
0xb: {  	s3 =	sld [smem:$0x3FFC];
	_ =	sdelay $0x3  }
0xc: {  	_ =	strace s3  }
0xd: {  	s3 =	sld [smem:$0x3FFD];
	_ =	sdelay $0x3  }
0xe: {  	_ =	strace s3  }
0xf: {  	_ =	strace $0x8FFFFFFF  }
0x10: {  	s20 =	sld [smem:$0x3FDB];
	_ =	sdelay $0x1  }
0x11: {  	s4 =	simm.s32 $_scs_section_size  }
0x12: {  	s5 =	simm.s32 $_size__tile_overlayer_lowered;
	s6 =	simm.s32 $_tile_overlayer_lowered  }
0x13: {  	s23 =	simm.s32 $0x1BFF;
	s22 =	sshll.u32 s6, $0x1;
	s3 =	sadd.s32 s4, s20  }
0x14: {  	s7 =	simm.s32 $0x0;
	s21 =	sshll.u32 s5, $0x1;
	s5 =	sadd.s32 s22, s3  }
0x15: {  	[timem:s7], [sflag:s23] =	dma.local [hbm:s5], s21  }
0x16: {  	_ =	swait.ge [sflag:s23], s21  }
0x17: {  	s4 =	ssub.s32 $0x0, s21;
	[sflag:s23] =	ssyncset.done $0x0  }
0x18: {  	[sflag:s23] =	ssyncadd.s32 s4;
	_ =	sdelay $0x1  }
0x19: {  	s24 =	simm.s32 $0x1B8B  }
0x1a: {  	_ =	swait.ge [sflag:s24], $0x1  }
0x1b: {  	[sflag:s24] =	ssyncset.done $0x0  }
0x1c: {  	s26 =	simm.s32 $0x1B8E;
	s25 =	sld [smem:$0x3FFE];
	[sflag:s24] =	ssyncadd.s32 $0xFFFFFFFF  }
0x1d: {  	s27 =	simm.s32 $execute0_lowered;
	[smem:$0x3FD2] =	sst s26  }
0x1e: {  	s5 =	sshll.u32 s27, $0x1;
	_ =	strace $0x80000049;
	[dreg:$0x1] =	wrdreg $0xFFFFFFFF  }
0x1f: {  	s28 =	simm.s32 $_size_execute0_lowered;
	s3 =	sadd.s32 s3, s5;
	[dreg:$0x0] =	wrdreg $0x0  }
0x20: {  	s5 =	sshll.u32 s28, $0x1;
	[dreg:$0x2] =	wrdreg s3  }
0x21: {  	[dreg:$0x3] =	wrdreg s5  }
0x22: {  	[dreg:$0x4] =	wrdreg $0xC0  }
0x23: {  	_ =	task [dreg:s7], $0x5FFFF  }
0x24: {  	[dreg:$0x1] =	wrdreg $0xFFFFFFFF  }
0x25: {  	[dreg:$0x0] =	wrdreg $0x60  }
0x26: {  	[dreg:$0x2] =	wrdreg s25  }
0x27: {  	[dreg:$0x3] =	wrdreg s2  }
0x28: {  	[dreg:$0x4] =	wrdreg $0x9  }
0x29: {  	_ =	task.clear_ibuf [dreg:s7], $0x5FFFF;
	_ =	strace $0x90000049  }
0x2a: {  	s29 =	simm.s32 $0x9;
	_ =	strace $0x8000004B  }
0x2b: {  	_ =	swait.ge [sflag:s29], $0x1  }
0x2c: {  	[sflag:s29] =	ssyncadd.s32 $0xFFFFFFFF  }
0x2d: {  	_ =	strace $0x9000004B  }
0x2e: {  	_ =	sfence  }
0x2f: {  	s30 =	sld [smem:$0x0];
	_ =	sdelay $0x2  }
0x30: {  	s31 =	sshll.u32 s1, $0xD;
	s1 =	sshrl.u32 s1, $0x2  }
0x31: {  	s3 =	sand.u32 $0x4000, s31;
	s1 =	sadd.s32 s1, s30  }
0x32: {  	s0 =	sor.u32 s3, s0;
	s1 =	sshll.u32 s1, $0x11  }
0x33: {  	s0 =	sor.u32 s1, s0  }
0x34: {  	s0 =	sadd.s32 $0x8F2B, s0  }
0x35: {  	[sflag:s0] =	ssyncadd.remote.s32 $0x1  }
0x36: {  	_ =	sfence.sel $0xFFFF  }
0x37: {  	[dreg:$0x0] =	wrdreg $0xFFFFFFFF;
	(pc) =	sbr.abs _section_cstart, $3  }
0x38: {  	[dreg:$0x1] =	wrdreg $0xFFFFFFFF  }
0x39: {  	_ =	task.clear_ibuf [dreg:s7], $0x2FFFF;
	_ =	strace $0x9FFFFFFF  }
0x3a: {  	(tm) =	ssettm $0x7FFFFFFF  }
0x3b: {  	_ =	shalt  }
tec
execute0_lowered:
.L_overlay_start_1:
0x0: {  	(tag) =	ssettag $0x1  }
0x1: {  	s0 =	srdreg.scid  }
0x2: {  	s1 =	sshll.u32 s0, $0x4  }
0x3: {  	s0 =	stileid.u32;
	s1 =	sand.u32 $0x10, s1  }
0x4: {  	s1 =	sor.u32 s0, s1  }
0x5: {  	s6 =	rddreg [dreg:$0x0];
	s4 =	simm.s32 $0x1;
	s2 =	sshll.u32 s1, $0x7  }
0x6: {  	s7 =	simm.s32 $0x2;
	s12 =	simm.s32 $0x0;
	s1 =	ssub.s32 $0x4000, s2  }
0x7: {  	s8 =	simm.s32 $0x20000;
	s13 =	simm.s32 $0x0;
	s3 =	sand.u32 $0xF80, s1  }
0x8: {  	s9 =	simm.s32 $0x0;
	s5 =	sshrl.u32 s1, $0xC;
	p0 =	sne.s32 s3, $0x0  }
.Ltmp0:
0x9: {  	s1 =	rddreg [dreg:$0x2];
	s4 =	simm.s32 @!p0 $0x0;
	(pc) =	sbr.rel .LBB1_1-.Ltmp0, $4  }
0xa: {  	s11 =	simm.s32 $0x0;
	s3 =	rddreg [dreg:$0x1];
	s5 =	sadd.s32 s4, s5  }
0xb: {  	_ =	strace $0x8000004A;
	s4 =	simm.s32 $0x1;
	s5 =	smul.u32 $0xC8, s5  }
0xc: {  	s6 =	sadd.s32 $0x86BA00, s6;
	s10 =	smov.u32 s2;
	[sflag:s4] =	ssyncpa.u1 $0x0  }
0xd: {  	p0 =	por $0x0, $0x0;
	[sflag:s7] =	ssyncpa.u1 $0x0;
	s7 =	sor.u32 $0x1, s5  }
.LBB1_4:
0xe: {  	s16 =	sshll.u32 s13, $0x3;
	s17 =	sand.u32 $0x78, s13  }
0xf: {  	s30 =	sand.u32 $0x1F800, s13;
	s12 =	sshll.u32 s12, $0x11;
	s16 =	sand.u32 $0x3C00, s16  }
0x10: {  	[tilespmem:s15+$0x810 ss:$0x81] =	vst.msk $0xffff, v2;
	s31 =	sand.u32 $0x7, s13;
	s16 =	sor.u32 s17, s16;
	s17 =	sadd.s32 s3, s30  }
0x11: {  	[tilespmem:s15+$0x1020 ss:$0x81] =	vst.msk $0xffff, v0;
	s13 =	sshll.u32 s31, $0x12;
	s12 =	sadd.s32 s12, s17;
	s16 =	sshrl.u32 s16, $0x3  }
0x12: {  	[tilespmem:s15+$0x0 ss:$0x81] =	vst.msk $0xffff, v1;
	s13 =	sor.u32 $0x400, s13;
	s12 =	sadd.s32 s16, s12  }
0x13: {  	[hbm4b:s12+s13] =	stream.strided.scatter [tilespmem:s14], [sflag:$0x2], $0x2000, s8, s13, $0x20;
	[tilespmem:$0x8080] =	vst v63  }
.LBB1_5:
0x14: {  	s14 =	sadd.s32 $0x1, s9  }
0x15: {  	s12 =	sadd.s32 $0x1000, s10;
	s16 =	smov.u32 s10;
	p2 =	sgt.s32 s14, $0xC7  }
0x16: {  	s16 =	smov.u32 @p2 s12  }
0x17: {  	s14 =	simm.s32 @p2 $0x0;
	p2 =	sgt.s32 s16, $0x3FFF  }
0x18: {  	s16 =	smov.u32 @p2 s2;
	p2 =	sne.s32 s11, s7  }
.Ltmp1:
0x19: {  	p1 =	slt.u32 s11, $0x2;
	(pc) =	sbr.rel @!p2 .LBB1_6-.Ltmp1, $4  }
0x1a: {  	s15 =	simm.s32 @!p1 $0x2  }
0x1b: {  	s13 =	smov.u32 s10;
	p0 =	por !p0, !p0;
	_ =	swait.ge @!p1 [sflag:s15], $0x2000  }
0x1c: {  	s12 =	smov.u32 s9;
	[sflag:s15] =	ssyncset.done @!p1 $0x0;
	s9 =	smov.u32 s14  }
0x1d: {  	s11 =	sadd.s32 $0x1, s11;
	[sflag:s15] =	ssyncadd.s32 @!p1 $0xFFFFE000;
	s10 =	smov.u32 s16  }
.LBB1_1:
0x1e: {  	p1 =	sge.u32 s11, s5  }
0x1f: {  	s14 =	sand.u32 @!p1 $0x1FFFFFF, s9  }
0x20: {  	s15 =	smulhi.u32 @!p1 $0x147AE15, s14;
	_ =	sdelay $0x1  }
0x21: {  	s15 =	smul.u32 @!p1 $0xC8, s15  }
0x22: {  	s16 =	sxor.u32 @!p1 $0xFFFFFFFF, s11;
	s17 =	smul.u32 @!p1 $0xC80, s10  }
0x23: {  	s31 =	sadd.s32 $0xFFFFFFFF, s11;
	s16 =	sshll.u32 @!p1 s16, $0xD;
	s14 =	ssub.s32 @!p1 s14, s15  }
0x24: {  	s15 =	sand.u32 @!p1 $0x2000, s16;
	s16 =	sadd.s32 @!p1 s6, s17;
	s14 =	sshll.u32 @!p1 s14, $0x4  }
0x25: {  	s17 =	simm.s32 @!p1 $0x6400;
	s14 =	sadd.s32 @!p1 s14, s16;
	s16 =	simm.s32 @!p1 $0x40  }
0x26: {  	[tilespmem:s15], [sflag:$0x1] =	stream.strided.gather @!p1 [hbm4b:s14+s16], $0x2000, s17, s16, $0x38;
	[tilespmem:$0x8080] =	vst v63  }
0x27: {  	p1 =	sge.u32 s31, s5  }
.Ltmp2:
0x28: {  	_ = 	snop;
	(pc) =	sbr.rel @p1 .LBB1_5-.Ltmp2, $1  }
0x29: {  	_ =	sdelay $0x3  }
0x2a: {  	s14 =	simm.s32 $0x1  }
0x2b: {  	_ =	swait.ge [sflag:s4], $0x2000;
	s14 =	simm.s32 @!p0 $0x0  }
0x2c: {  	[sflag:s4] =	ssyncset.done $0x0;
	s15 =	sshll.u32 s14, $0xD  }
0x2d: {  	[sflag:s4] =	ssyncadd.s32 $0xFFFFE000;
	s18 =	sor.u32 $0x20, s15  }
0x2e: {  	s14 =	smul.u32 $0x8100, s14;
	v3 =	vld [tilespmem:s18+$0x10]  }
0x2f: {  	s30 =	sand.u32 $0x1, s11;
	v2 =	vld [tilespmem:s18+$0xFFFFFFF0]  }
0x30: {  	s15 =	smul.u32 $0x8100, s30;
	s14 =	sshrl.u32 s14, $0x2;
	v0 =	vld [tilespmem:s18+$0x0]  }
0x31: {  	v1 =	vld [tilespmem:s18+$0xFFFFFFE0];
	s16 =	sor.u32 $0x4000, s14  }
0x32: {  	s31 =	sshrl.u32 s15, $0x2;
	s15 =	sadd.s32 $0x0, s16  }
0x33: {  	s17 =	simm.s32 $0x4;
	s18 =	sadd.s32 $0x40, s18;
	s14 =	sor.u32 $0x4000, s31;
	[tilespmem:s15+$0x1830 ss:$0x81] =	vst.msk $0xffff, v3  }
.LBB1_3:
0x34: {  	v3 =	vld [tilespmem:s18+$0x10];
	p1 =	sne.s32 s17, $0x1FC;
	[tilespmem:s15+$0x810 ss:$0x81] =	vst.msk $0xffff, v2;
	s19 =	smov.u32 s17;
	s17 =	sadd.s32 $0x4, s17  }
.Ltmp3:
0x35: {  	v2 =	vld [tilespmem:s18+$0xFFFFFFF0];
	[tilespmem:s15+$0x1020 ss:$0x81] =	vst.msk $0xffff, v0;
	(pc) =	sbr.rel @p1 .LBB1_3-.Ltmp3, $4  }
0x36: {  	v0 =	vld [tilespmem:s18+$0x0];
	[tilespmem:s15+$0x0 ss:$0x81] =	vst.msk $0xffff, v1  }
0x37: {  	s15 =	sshra.s32 s19, $0x2;
	v1 =	vld [tilespmem:s18+$0xFFFFFFE0]  }
0x38: {  	s15 =	sadd.s32 s15, s16  }
0x39: {  	s18 =	sadd.s32 $0x40, s18;
	[tilespmem:s15+$0x1830 ss:$0x81] =	vst.msk $0xffff, v3  }
.Ltmp4:
0x3a: {  	_ = 	snop;
	(pc) =	sbr.rel .LBB1_4-.Ltmp4, $1  }
0x3b: {  	_ =	sdelay $0x3  }
.LBB1_6:
0x3c: {  	_ =	sfence.sel $0x180000  }
0x3d: {  	s2 =	simm.s32 $0x1;
	[bflag:$0x0] =	sbarrier.arrive $0xFFFF  }
0x3e: {  	s31 =	simm.s32 $0x2;
	[sflag:s2] =	ssyncpa.u1 $0x1  }
0x3f: {  	[sflag:s31] =	ssyncpa.u1 $0x1  }
0x40: {  	p0 =	sne.s32 s0, $0x0;
	_ =	strace $0x9000004A  }
0x41: {  	s0 =	sadd.s32 @!p0 $0x100000, s1;
	[bflag:$0x2] =	sbarrier.arrive $0xFFFF  }
0x42: {  	[sflag:s0] =	ssyncadd.tile.s32 @!p0 $0x1;
	_ =	shalt  }
.Lfunc_end1:
_tile_overlayer_lowered:
.L_overlay_start_2:
0x43: {  	(tag) =	ssettag $0x2  }
0x44: {  	s0 =	rddreg [dreg:$0x0];
	s2 =	stileid.u32  }
0x45: {  	s1 =	rddreg [dreg:$0x1];
	p0 =	sne.s32 s2, $0x0  }
0x46: {  	s3 =	rddreg [dreg:$0x2];
	[bflag:$0x3] =	sbarrier.arrive $0xFFFF;
	s2 =	simm.s32 @!p0 $0x1C01  }
0x47: {  	[timem:s3], [sflag:s2] =	dma.local @!p0 [hbm:s0], s1  }
0x48: {  	s0 =	simm.s32 @!p0 $0x1  }
0x49: {  	_ =	swait.ge @!p0 [sflag:s0], s1  }
0x4a: {  	s1 =	ssub.s32 @!p0 $0x0, s1;
	[sflag:s0] =	ssyncset.done @!p0 $0x0  }
0x4b: {  	[sflag:s0] =	ssyncadd.s32 @!p0 s1  }
0x4c: {  	[bflag:$0x3] =	sbarrier.arrive $0xFFFF  }
0x4d: {  	_ =	shalt  }

</sc_bundles>
